<compile_context>
chip_gen: v7x
topology: tpu7x:2x2x1
jax: 0.10.2.dev20260603
libtpu: 0.0.44.dev20260713+nightly
codegen_flags: <defaults>
</compile_context>

<pallas_src>
import jax
import jax.numpy as jnp
import numpy as np
from jax import lax
from jax.experimental import pallas as pl
from jax.experimental.pallas import tpu as pltpu
from jax.experimental.pallas import tpu_sc as plsc

_HID = 128
_GRID = 64
_MAX_DIM = 0.55
_PLANES = np.array([[1.0, 1.0, 1.0], [1.0, 0.0, 0.0],
                    [0.0, 1.0, 0.0], [0.0, 0.0, 1.0]], dtype=np.float32)


def _basis_single(normal_np):
    n = normal_np / np.linalg.norm(normal_np)
    if np.allclose(n, np.array([0.0, 0.0, 1.0], dtype=np.float32)):
        C_inv = jnp.eye(3, dtype=jnp.float32).reshape(-1)
        norm_c = jnp.ones((3,), dtype=jnp.float32)
    else:
        normal = jnp.asarray(n, dtype=jnp.float32)
        bx = jnp.array([1.0, 0.0, 0.0], dtype=jnp.float32)
        by = jnp.array([0.0, 1.0, 0.0], dtype=jnp.float32)
        bz = jnp.array([0.0, 0.0, 1.0], dtype=jnp.float32)
        v = jnp.cross(bz, normal)
        zero = jnp.zeros((), dtype=jnp.float32)
        ssc = jnp.stack([jnp.stack([zero, -v[2], v[1]]),
                         jnp.stack([v[2], zero, -v[0]]),
                         jnp.stack([-v[1], v[0], zero])])
        R = (jnp.eye(3, dtype=jnp.float32) + ssc
             + ssc @ ssc * (1.0 - jnp.dot(normal, bz)) / (jnp.linalg.norm(v) ** 2))
        nbx = R @ bx
        nby = R @ by
        nbz = R @ bz
        b_x = jnp.abs(nbx)
        b_y = jnp.abs(nby)
        pd = jnp.ones((3,), dtype=jnp.float32)
        p_x = jnp.dot(pd, b_x) / jnp.dot(b_x, b_x) * b_x
        p_y = jnp.dot(pd, b_y) / jnp.dot(b_y, b_y) * b_y
        c_x = jnp.linalg.norm(p_x)
        c_y = jnp.linalg.norm(p_y)
        cm = jnp.maximum(c_x, c_y)
        norm_c = jnp.stack([cm, cm, cm])
        nbm = jnp.stack([nbx, nby, nbz], axis=0).T
        C_inv = jnp.linalg.inv(nbm).reshape(-1)
    return jnp.concatenate([C_inv, norm_c]).reshape(4, 3)


def _basis_all():
    return jnp.stack([_basis_single(_PLANES[i]) for i in range(4)], axis=0)


def _dotf(a, b):
    return lax.dot_general(a, b, (((a.ndim - 1,), (0,)), ((), ())),
                           preferred_element_type=jnp.float32)



def _mlp_body(p_ref, fw_ref, fb_ref, *rest):
    bw = rest[:25]
    idx_in_ref = rest[25]
    net_ref = rest[26]
    idx_out_ref = rest[27]

    def rb0(x, i):
        w0, b0, w1, b1, ws = (r[...] for r in bw[5 * i:5 * i + 5])
        net = _dotf(jnp.maximum(x, 0.0), w0) + b0
        dx = _dotf(jnp.maximum(net, 0.0), w1) + b1
        return _dotf(x, ws) + dx

    def rb_split(x, m, i):
        w0, b0, w1, b1, ws = (r[...] for r in bw[5 * i:5 * i + 5])
        xr = jnp.maximum(x, 0.0)
        mr = jnp.maximum(m, 0.0)
        net = (_dotf(xr, w0[:_HID]) + _dotf(mr, w0[_HID:])) + b0
        dx = _dotf(jnp.maximum(net, 0.0), w1) + b1
        return (_dotf(x, ws[:_HID]) + _dotf(m, ws[_HID:])) + dx

    x = _dotf(p_ref[0], fw_ref[...]) + fb_ref[...]
    x = rb0(x, 0)
    for i in range(1, 5):
        m = jnp.max(x, axis=0, keepdims=True)
        x = rb_split(x, m, i)
    net_ref[0] = x
    xi = idx_in_ref[0].reshape(4, 64, 128)
    idx_out_ref[0] = jnp.concatenate(
        [xi, jnp.zeros((4, 64, 128), jnp.int32)], axis=1)


def _run_mlp(p_pad, fw, fb, bflat, idx_in):
    B, T, K = p_pad.shape
    specs = [pl.BlockSpec((1, T, K), lambda b: (b, 0, 0)),
             pl.BlockSpec(fw.shape, lambda b: (0, 0)),
             pl.BlockSpec(fb.shape, lambda b: (0,))]
    for a in bflat:
        nd = a.ndim
        specs.append(pl.BlockSpec(a.shape, (lambda n: (lambda b: (0,) * n))(nd)))
    specs.append(pl.BlockSpec((1, 4, T), lambda b: (b, 0, 0)))
    return pl.pallas_call(
        _mlp_body,
        grid=(B,),
        compiler_params=pltpu.CompilerParams(
            dimension_semantics=("parallel",)),
        in_specs=specs,
        out_specs=[pl.BlockSpec((1, T, _HID), lambda b: (b, 0, 0)),
                   pl.BlockSpec((1, 4, 128, 128), lambda b: (b, 0, 0, 0))],
        out_shape=[jax.ShapeDtypeStruct((B, T, _HID), jnp.float32),
                   jax.ShapeDtypeStruct((B, 4, 128, 128), jnp.int32)],
    )(p_pad, fw, fb, *bflat, idx_in)



def _scatter_pairs(net2, idx2, z):
    npairs = idx2.shape[0]
    ppc = npairs // 2

    def _sc_body(net_h, idx_h, z_h, c_out, n_out,
                 idx_v, rows_v, rows_w, hist_v, c_grid, nsem):
        ci = lax.axis_index("c")
        si = lax.axis_index("s")
        row0 = si * 256
        one16 = jnp.ones((16,), jnp.float32)
        for q in range(2):
            pltpu.sync_copy(z_h, c_grid.at[pl.ds(row0 + q * 128, 128)])
        plsc.subcore_barrier()

        def pair_step(k, carry):
            r = ci * ppc + k
            b = r // 4
            dma = pltpu.async_copy(net_h.at[b, si * 4], rows_v, nsem)
            pltpu.sync_copy(idx_h.at[r, 0], idx_v)
            pltpu.sync_copy(z_h.at[pl.ds(0, 32)], hist_v)
            bufs = (rows_v, rows_w)
            for h in range(4):
                chunk = si * 4 + h
                dma.wait()
                if h < 3:
                    dma = pltpu.async_copy(net_h.at[b, chunk + 1],
                                           bufs[(h + 1) % 2], nsem)
                pltpu.sync_copy(bufs[h % 2], c_grid.at[idx_v.at[chunk]],
                                add=True)
                for c8 in range(8):
                    iv = idx_v[chunk, pl.ds(c8 * 16, 16)]
                    hrow = lax.shift_right_logical(iv, 7)
                    hcol = lax.bitwise_and(iv, 127)
                    plsc.addupdate_scatter(hist_v, [hrow, hcol], one16)
            pltpu.sync_copy(hist_v, n_out.at[r, si])
            plsc.subcore_barrier()
            for q in range(2):
                pltpu.sync_copy(c_grid.at[pl.ds(row0 + q * 128, 128)],
                                c_out.at[r, pl.ds(row0 + q * 128, 128)])
                pltpu.sync_copy(z_h, c_grid.at[pl.ds(row0 + q * 128, 128)])
            plsc.subcore_barrier()
            return carry

        lax.fori_loop(0, ppc, pair_step, 0)

    mesh = plsc.VectorSubcoreMesh(core_axis_name="c", subcore_axis_name="s")
    f = pl.kernel(
        _sc_body,
        out_type=(jax.ShapeDtypeStruct((npairs, 4096, 128), jnp.float32),
                  jax.ShapeDtypeStruct((npairs, 16, 32, 128), jnp.float32)),
        mesh=mesh,
        compiler_params=pltpu.CompilerParams(needs_layout_passes=False),
        scratch_types=[
            pltpu.VMEM((128, 128), jnp.int32),
            pltpu.VMEM((128, 128), jnp.float32),
            pltpu.VMEM((128, 128), jnp.float32),
            pltpu.VMEM((32, 128), jnp.float32),
            pltpu.VMEM_SHARED((4096, 128), jnp.float32),
            pltpu.SemaphoreType.DMA,
        ],
    )
    return f(net2, idx2, z)



def _conv3(x3, w_ref, cin, cout):
    H, W, _ = x3.shape
    zr = jnp.zeros((1, W, cin), jnp.float32)
    xp = jnp.concatenate([zr, x3, zr], axis=0)
    zc = jnp.zeros((H + 2, 1, cin), jnp.float32)
    xp = jnp.concatenate([zc, xp, zc], axis=1)
    acc = jnp.zeros((H * W, cout), jnp.float32)
    for di in range(3):
        for dj in range(3):
            xs = lax.slice(xp, (di, dj, 0), (di + H, dj + W, cin))
            acc = acc + _dotf(xs.reshape(H * W, cin), w_ref[di, dj])
    return acc


def _unet_body(cs_ref, ct_ref, w1, b1, w2, b2, w3a, w3b, b3, w4, b4, out_ref):
    cnt = jnp.sum(ct_ref[0], axis=0)
    cnt = jnp.maximum(cnt, 1.0)[:, :, None]
    x = (cs_ref[0].reshape(32, 128, _HID) / cnt).reshape(4096, _HID)
    x3 = x.reshape(_GRID, _GRID, _HID)
    e1 = jnp.maximum(_conv3(x3, w1, 128, 128) + b1[...], 0.0)
    e1 = e1.reshape(_GRID, _GRID, 128)
    a = jnp.max(e1.reshape(32, 2, 64, 128), axis=1)
    p1 = jnp.max(a.reshape(32, 32, 2, 128), axis=2)
    e2 = jnp.maximum(_conv3(p1, w2, 128, 256) + b2[...], 0.0)
    e2 = e2.reshape(32, 32, 256)
    u = jnp.broadcast_to(e2[:, None], (32, 2, 32, 256)).reshape(64, 32, 256)
    u = jnp.broadcast_to(u[:, :, None, :], (64, 32, 2, 256)).reshape(64, 64, 256)
    d = jnp.maximum(_conv3(u, w3a, 256, 128) + _conv3(e1, w3b, 128, 128)
                    + b3[...], 0.0)
    out_ref[0] = _dotf(d, w4[0, 0]) + b4[...]


def _run_unet(cs, ct, w1, b1, w2, b2, w3a, w3b, b3, w4, b4):
    ws = [w1, b1, w2, b2, w3a, w3b, b3, w4, b4]
    specs = [pl.BlockSpec((1, 4096, 128), lambda i: (i, 0, 0)),
             pl.BlockSpec((1, 16, 32, 128), lambda i: (i, 0, 0, 0))]
    for a in ws:
        nd = a.ndim
        specs.append(pl.BlockSpec(a.shape, (lambda n: (lambda i: (0,) * n))(nd)))
    n_img = cs.shape[0]
    return pl.pallas_call(
        _unet_body,
        grid=(n_img,),
        compiler_params=pltpu.CompilerParams(
            dimension_semantics=("parallel",)),
        in_specs=specs,
        out_specs=pl.BlockSpec((1, 4096, 128), lambda i: (i, 0, 0)),
        out_shape=jax.ShapeDtypeStruct((n_img, 4096, 128), jnp.float32),
    )(cs, ct, *ws)



def kernel(p, fc_pos_w, fc_pos_b, block_params, unet_params):
    B, T, _ = p.shape
    C_mat = _basis_all()
    interval = 2.0 / (_GRID - 1)
    idx_list = []
    for l in range(4):
        proj = C_mat[l][:3].T
        pp = (p / _MAX_DIM) @ proj
        norm_c = C_mat[l][3, 0]
        pp2 = pp[:, :, 0:2] / (norm_c + 0.01)
        xy = jnp.clip(jnp.round((pp2 + 1.0) / interval).astype(jnp.int32),
                      0, _GRID - 1)
        idx_list.append(xy[:, :, 0] * _GRID + xy[:, :, 1])
    idx_all = jnp.stack(idx_list, axis=1)

    p_pad = jnp.concatenate([p, jnp.zeros((B, T, 5), jnp.float32)], axis=2)
    fw = jnp.concatenate([fc_pos_w, jnp.zeros((5, 2 * _HID), jnp.float32)],
                         axis=0)
    bflat = [a for blk in block_params for a in blk]
    z = jnp.zeros((128, 128), jnp.float32)
    up = unet_params

    w1p = up[0]
    w2p = up[2]
    w3ap = up[4][:, :, :2 * _HID, :]
    w3bp = up[4][:, :, 2 * _HID:, :]

    halves = []
    for hs in range(B):
        net, idx_pad = _run_mlp(p_pad[hs:hs + 1], fw, fc_pos_b,
                                bflat, idx_all[hs:hs + 1])
        net2 = net.reshape(1, T // 128, 128, _HID)
        idx2 = idx_pad.reshape(4, 1, 128, 128)
        c_sum, cnt = _scatter_pairs(net2, idx2, z)
        halves.append(_run_unet(c_sum, cnt, w1p, up[1], w2p, up[3],
                                w3ap, w3bp, up[5], up[6], up[7]))
    c = jnp.concatenate(halves, axis=0).reshape(B, 4, _GRID, _GRID, _HID)
    return c, C_mat

# --- scband reference (transcript-rebuilt; emitter-appended) ---
"""Pipeline reference for scband-resnet-pointnet-63788854280434 (READ-ONLY COPY).

The authoritative reference and input builder live on the scoring server;
editing this copy changes nothing except your own understanding.
"""

import jax, jax.numpy as jnp
import numpy as np

HID = 128
C_DIM = 128
GRID = 64
MAX_DIM = 0.55
PLANES = np.array([[1.0, 1.0, 1.0], [1.0, 0.0, 0.0], [0.0, 1.0, 0.0], [0.0, 0.0, 1.0]], dtype=np.float32)

def _single_change_basis(normal_np):
    n = normal_np / np.linalg.norm(normal_np)
    if np.allclose(n, np.array([0.0, 0.0, 1.0], dtype=np.float32)):
        C_inv = jnp.eye(3, dtype=jnp.float32).reshape(-1)
        norm_c = jnp.ones((3,), dtype=jnp.float32)
    else:
        normal = jnp.asarray(n, dtype=jnp.float32)
        bx = jnp.array([1.0, 0.0, 0.0], dtype=jnp.float32)
        by = jnp.array([0.0, 1.0, 0.0], dtype=jnp.float32)
        bz = jnp.array([0.0, 0.0, 1.0], dtype=jnp.float32)
        v = jnp.cross(bz, normal)
        zero = jnp.zeros((), dtype=jnp.float32)
        ssc = jnp.stack([jnp.stack([zero, -v[2], v[1]]), jnp.stack([v[2], zero, -v[0]]), jnp.stack([-v[1], v[0], zero])])
        R = jnp.eye(3, dtype=jnp.float32) + ssc + ssc @ ssc * (1.0 - jnp.dot(normal, bz)) / (jnp.linalg.norm(v) ** 2)
        nbx = R @ bx
        nby = R @ by
        nbz = R @ bz
        b_x = jnp.abs(nbx)
        b_y = jnp.abs(nby)
        pd = jnp.ones((3,), dtype=jnp.float32)
        p_x = jnp.dot(pd, b_x) / jnp.dot(b_x, b_x) * b_x
        p_y = jnp.dot(pd, b_y) / jnp.dot(b_y, b_y) * b_y
        c_x = jnp.linalg.norm(p_x)
        c_y = jnp.linalg.norm(p_y)
        cm = jnp.maximum(c_x, c_y)
        norm_c = jnp.stack([cm, cm, cm])
        nbm = jnp.stack([nbx, nby, nbz], axis=0).T
        C_inv = jnp.linalg.inv(nbm).reshape(-1)
    return jnp.concatenate([C_inv, norm_c]).reshape(4, 3)

def _change_basis():
    return jnp.stack([_single_change_basis(PLANES[i]) for i in range(PLANES.shape[0])], axis=0)

def _resblock(x, prm):
    w0, b0, w1, b1, ws = prm
    net = jax.nn.relu(x) @ w0 + b0
    dx = jax.nn.relu(net) @ w1 + b1
    return x @ ws + dx

def _conv(x, w, b):
    y = jax.lax.conv_general_dilated(x, w, (1, 1), 'SAME', dimension_numbers=('NHWC', 'HWIO', 'NHWC'))
    return y + b

def _unet(x, prm):
    w1, b1, w2, b2, w3, b3, w4, b4 = prm
    e1 = jax.nn.relu(_conv(x, w1, b1))
    p1 = jax.lax.reduce_window(e1, -jnp.inf, jax.lax.max, (1, 2, 2, 1), (1, 2, 2, 1), 'VALID')
    e2 = jax.nn.relu(_conv(p1, w2, b2))
    u1 = jnp.repeat(jnp.repeat(e2, 2, axis=1), 2, axis=2)
    d1 = jax.nn.relu(_conv(jnp.concatenate([u1, e1], axis=-1), w3, b3))
    return _conv(d1, w4, b4)

def _forward(p, fc_pos_w, fc_pos_b, block_params, unet_params):
    B, T, D = p.shape
    net = p @ fc_pos_w + fc_pos_b
    net = _resblock(net, block_params[0])
    for i in range(1, 5):
        pooled = jnp.broadcast_to(jnp.max(net, axis=1, keepdims=True), net.shape)
        net = jnp.concatenate([net, pooled], axis=2)
        net = _resblock(net, block_params[i])
    C_mat = _change_basis()
    interval = 2.0 / (GRID - 1)
    d_dim = net.shape[2]
    b_idx = jnp.repeat(jnp.arange(B), T)
    net_flat = net.reshape(B * T, d_dim)
    c_list = []
    cnt_list = []
    for l in range(C_mat.shape[0]):
        proj = C_mat[l][:3].T
        pp = (p / MAX_DIM) @ proj
        norm_c = C_mat[l][3, 0]
        pp = pp[:, :, 0:2] / (norm_c + 0.01)
        xy = jnp.clip(jnp.round((pp + 1.0) / interval).astype(jnp.int32), 0, GRID - 1)
        x_idx = xy[:, :, 0].reshape(-1)
        y_idx = xy[:, :, 1].reshape(-1)
        c_l = jnp.zeros((B, GRID, GRID, d_dim), dtype=jnp.float32).at[b_idx, x_idx, y_idx].add(net_flat)
        cnt_l = jnp.zeros((B, GRID, GRID, d_dim), dtype=jnp.float32).at[b_idx, x_idx, y_idx].add(1.0)
        c_list.append(c_l)
        cnt_list.append(cnt_l)
    c = jnp.stack(c_list, axis=1)
    counter = jnp.stack(cnt_list, axis=1)
    counter = jnp.where(counter == 0, 1.0, counter)
    c = c / counter
    L = C_mat.shape[0]
    c = c.reshape(B * L, GRID, GRID, d_dim)
    c = _unet(c, unet_params)
    c = c.reshape(B, L, GRID, GRID, C_DIM)
    return c, C_mat

def setup_inputs(seed: int = 0):
    key = jax.random.key(seed)
    B, T = 4, 8192
    keys = list(jax.random.split(key, 32))
    ki = iter(keys)
    def nrm(shape, scale):
        return jax.random.normal(next(ki), shape, dtype=jnp.float32) * scale
    p = jax.random.uniform(next(ki), (B, T, 3), dtype=jnp.float32, minval=-0.5, maxval=0.5)
    fc_pos_w = nrm((3, 2 * HID), 0.5)
    fc_pos_b = jnp.zeros((2 * HID,), dtype=jnp.float32)
    block_params = []
    for _ in range(5):
        block_params.append((nrm((2 * HID, HID), (1.0 / (2 * HID)) ** 0.5), jnp.zeros((HID,), dtype=jnp.float32), nrm((HID, HID), (1.0 / HID) ** 0.5), jnp.zeros((HID,), dtype=jnp.float32), nrm((2 * HID, HID), (1.0 / (2 * HID)) ** 0.5)))
    unet_params = (nrm((3, 3, HID, HID), 0.03), jnp.zeros((HID,), dtype=jnp.float32), nrm((3, 3, HID, 2 * HID), 0.03), jnp.zeros((2 * HID,), dtype=jnp.float32), nrm((3, 3, 3 * HID, HID), 0.02), jnp.zeros((HID,), dtype=jnp.float32), nrm((1, 1, HID, C_DIM), 0.08), jnp.zeros((C_DIM,), dtype=jnp.float32))
    return {'p': p, 'fc_pos_w': fc_pos_w, 'fc_pos_b': fc_pos_b, 'block_params': block_params, 'unet_params': unet_params}

def reference(p, fc_pos_w, fc_pos_b, block_params, unet_params):
    return _forward(p, fc_pos_w, fc_pos_b, block_params, unet_params)

if __name__ == "__main__":
    import jax
    _d = setup_inputs()
    print(jax.jit(kernel)(*tuple(_d.values())))

</pallas_src>

<mosaic_0001>
#map = affine_map<(d0, d1) -> (0, 0, 0, 0)>
#map1 = affine_map<(d0, d1) -> (0, 0)>
#map2 = affine_map<(d0, d1) -> (0, 0, 0)>
module attributes {stable_mosaic.version = 14 : i64} {
  func.func @_sc_body(%arg0: i32, %arg1: i32, %arg2: memref<1x64x128x128xf32, #tpu.memory_space<hbm>>, %arg3: memref<4x1x128x128xi32, #tpu.memory_space<hbm>>, %arg4: memref<128x128xf32, #tpu.memory_space<hbm>>, %arg5: memref<4x4096x128xf32, #tpu.memory_space<hbm>>, %arg6: memref<4x16x32x128xf32, #tpu.memory_space<hbm>>, %arg7: memref<128x128xi32, #tpu.memory_space<vmem>>, %arg8: memref<128x128xf32, #tpu.memory_space<vmem>>, %arg9: memref<128x128xf32, #tpu.memory_space<vmem>>, %arg10: memref<32x128xf32, #tpu.memory_space<vmem>>, %arg11: memref<4096x128xf32, #tpu.memory_space<vmem_shared>>, %arg12: memref<!tpu.dma_semaphore, #tpu.memory_space<semaphore_mem>>) attributes {dimension_semantics = [#tpu.dimension_semantics<core_parallel>, #tpu.dimension_semantics<subcore_parallel>], iteration_bounds = array<i64: 2, 16>, scalar_prefetch = 0 : i64, scratch_operands = 6 : i64, tpu.core_type = #tpu.core_type<sc_vector_subcore>, window_params = [{transform_indices = #map}, {transform_indices = #map}, {transform_indices = #map1}, {transform_indices = #map2}, {transform_indices = #map}]} {
    %mul3A = arith.constant 256 : i32
    %mul3A_0 = arith.muli %arg1, %mul3A : i32
    %broadcast_in_dim3A = arith.constant 1.000000e+00 : f32
    %broadcast_in_dim3A_1 = vector.broadcast %broadcast_in_dim3A : f32 to vector<16xf32>
    %add3A = arith.constant 0 : i32
    %add3A_2 = arith.addi %mul3A_0, %add3A : i32
    "tpu.region"() ({
      %run_scoped3A = tpu.sem_alloc : memref<!tpu.dma_semaphore, #tpu.memory_space<semaphore_mem>>
      %dma_start3A = arith.constant 0 : i32
      %dma_start3A_10 = tpu.memref_slice %arg11[%add3A_2, %dma_start3A] : memref<4096x128xf32, #tpu.memory_space<vmem_shared>> -> memref<128x128xf32, #tpu.memory_space<vmem_shared>>
      tpu.enqueue_dma source(%arg4 : memref<128x128xf32, #tpu.memory_space<hbm>>) target(%dma_start3A_10 : memref<128x128xf32, #tpu.memory_space<vmem_shared>>) target_semaphore(%run_scoped3A : memref<!tpu.dma_semaphore, #tpu.memory_space<semaphore_mem>>)
      %dma_wait3A = arith.constant 0 : i32
      %dma_wait3A_11 = tpu.memref_slice %arg11[%add3A_2, %dma_wait3A] : memref<4096x128xf32, #tpu.memory_space<vmem_shared>> -> memref<128x128xf32, #tpu.memory_space<vmem_shared>>
      tpu.wait_dma2 semaphore(%run_scoped3A : memref<!tpu.dma_semaphore, #tpu.memory_space<semaphore_mem>>) src(%arg4 : memref<128x128xf32, #tpu.memory_space<hbm>>) dst(%dma_wait3A_11 : memref<128x128xf32, #tpu.memory_space<vmem_shared>>)
      tpu.yield
    }) : () -> ()
    %add3A_3 = arith.constant 128 : i32
    %add3A_4 = arith.addi %mul3A_0, %add3A_3 : i32
    "tpu.region"() ({
      %run_scoped3A = tpu.sem_alloc : memref<!tpu.dma_semaphore, #tpu.memory_space<semaphore_mem>>
      %dma_start3A = arith.constant 0 : i32
      %dma_start3A_10 = tpu.memref_slice %arg11[%add3A_4, %dma_start3A] : memref<4096x128xf32, #tpu.memory_space<vmem_shared>> -> memref<128x128xf32, #tpu.memory_space<vmem_shared>>
      tpu.enqueue_dma source(%arg4 : memref<128x128xf32, #tpu.memory_space<hbm>>) target(%dma_start3A_10 : memref<128x128xf32, #tpu.memory_space<vmem_shared>>) target_semaphore(%run_scoped3A : memref<!tpu.dma_semaphore, #tpu.memory_space<semaphore_mem>>)
      %dma_wait3A = arith.constant 0 : i32
      %dma_wait3A_11 = tpu.memref_slice %arg11[%add3A_4, %dma_wait3A] : memref<4096x128xf32, #tpu.memory_space<vmem_shared>> -> memref<128x128xf32, #tpu.memory_space<vmem_shared>>
      tpu.wait_dma2 semaphore(%run_scoped3A : memref<!tpu.dma_semaphore, #tpu.memory_space<semaphore_mem>>) src(%arg4 : memref<128x128xf32, #tpu.memory_space<hbm>>) dst(%dma_wait3A_11 : memref<128x128xf32, #tpu.memory_space<vmem_shared>>)
      tpu.yield
    }) : () -> ()
    %barrier3A = arith.constant 0 : index
    tpu.barrier barrier_id(%barrier3A)
    %scan3A = arith.constant 0 : i32
    %scan3A_5 = arith.constant 0 : i32
    %scan3A_6 = arith.constant 2 : i32
    %scan3A_7 = arith.addi %scan3A_5, %scan3A_6 : i32
    %scan3A_8 = arith.constant 1 : i32
    scf.for %scan3A_10 = %scan3A_5 to %scan3A_7 step %scan3A_8  : i32 {
      %mul3A_11 = arith.constant 2 : i32
      %mul3A_12 = arith.muli %arg0, %mul3A_11 : i32
      %add3A_13 = arith.addi %mul3A_12, %scan3A_10 : i32
      %jit3A = arith.constant 4 : i32
      %div3A = arith.divsi %add3A_13, %jit3A : i32
      %sign3A = arith.constant 0 : i32
      %sign3A_14 = arith.cmpi sgt, %add3A_13, %sign3A : i32
      %sign3A_15 = arith.extui %sign3A_14 : i1 to i32
      %sign3A_16 = arith.constant 0 : i32
      %sign3A_17 = arith.cmpi slt, %add3A_13, %sign3A_16 : i32
      %sign3A_18 = arith.extui %sign3A_17 : i1 to i32
      %sign3A_19 = arith.subi %sign3A_15, %sign3A_18 : i32
      %sign3A_20 = arith.constant 0 : i32
      %sign3A_21 = arith.cmpi sgt, %jit3A, %sign3A_20 : i32
      %sign3A_22 = arith.extui %sign3A_21 : i1 to i32
      %sign3A_23 = arith.constant 0 : i32
      %sign3A_24 = arith.cmpi slt, %jit3A, %sign3A_23 : i32
      %sign3A_25 = arith.extui %sign3A_24 : i1 to i32
      %sign3A_26 = arith.subi %sign3A_22, %sign3A_25 : i32
      %ne3A = arith.cmpi ne, %sign3A_19, %sign3A_26 : i32
      %rem3A = arith.remsi %add3A_13, %jit3A : i32
      %ne3A_27 = arith.constant 0 : i32
      %ne3A_28 = arith.cmpi ne, %rem3A, %ne3A_27 : i32
      %and3A = arith.andi %ne3A, %ne3A_28 : i1
      %sub3A = arith.constant 1 : i32
      %sub3A_29 = arith.subi %div3A, %sub3A : i32
      %select_n3A = arith.select %and3A, %sub3A_29, %div3A : i32
      %mul3A_30 = arith.constant 4 : i32
      %mul3A_31 = arith.muli %arg1, %mul3A_30 : i32
      %dma_start3A = arith.constant 0 : i32
      %dma_start3A_32 = arith.constant 0 : i32
      %dma_start3A_33 = tpu.memref_slice %arg2[%select_n3A, %mul3A_31, %dma_start3A, %dma_start3A_32] : memref<1x64x128x128xf32, #tpu.memory_space<hbm>> -> memref<1x1x128x128xf32, #tpu.memory_space<hbm>>
      %dma_start3A_34 = tpu.memref_squeeze %dma_start3A_33 : memref<1x1x128x128xf32, #tpu.memory_space<hbm>> -> memref<128x128xf32, #tpu.memory_space<hbm>>
      %dma_start3A_35 = arith.constant 0 : i32
      %dma_start3A_36 = arith.constant 0 : i32
      %dma_start3A_37 = tpu.memref_slice %arg2[%select_n3A, %mul3A_31, %dma_start3A_35, %dma_start3A_36] : memref<1x64x128x128xf32, #tpu.memory_space<hbm>> -> memref<1x1x128x128xf32, #tpu.memory_space<hbm>>
      %dma_start3A_38 = tpu.memref_squeeze %dma_start3A_37 : memref<1x1x128x128xf32, #tpu.memory_space<hbm>> -> memref<128x128xf32, #tpu.memory_space<hbm>>
      tpu.enqueue_dma source(%dma_start3A_38 : memref<128x128xf32, #tpu.memory_space<hbm>>) target(%arg8 : memref<128x128xf32, #tpu.memory_space<vmem>>) target_semaphore(%arg12 : memref<!tpu.dma_semaphore, #tpu.memory_space<semaphore_mem>>)
      %run_scoped3A = arith.constant 0 : i32
      "tpu.region"() ({
        %run_scoped3A_416 = tpu.sem_alloc : memref<!tpu.dma_semaphore, #tpu.memory_space<semaphore_mem>>
        %dma_start3A_417 = arith.constant 0 : i32
        %dma_start3A_418 = arith.constant 0 : i32
        %dma_start3A_419 = tpu.memref_slice %arg3[%add3A_13, %run_scoped3A, %dma_start3A_417, %dma_start3A_418] : memref<4x1x128x128xi32, #tpu.memory_space<hbm>> -> memref<1x1x128x128xi32, #tpu.memory_space<hbm>>
        %dma_start3A_420 = tpu.memref_squeeze %dma_start3A_419 : memref<1x1x128x128xi32, #tpu.memory_space<hbm>> -> memref<128x128xi32, #tpu.memory_space<hbm>>
        %dma_start3A_421 = arith.constant 0 : i32
        %dma_start3A_422 = arith.constant 0 : i32
        %dma_start3A_423 = tpu.memref_slice %arg3[%add3A_13, %run_scoped3A, %dma_start3A_421, %dma_start3A_422] : memref<4x1x128x128xi32, #tpu.memory_space<hbm>> -> memref<1x1x128x128xi32, #tpu.memory_space<hbm>>
        %dma_start3A_424 = tpu.memref_squeeze %dma_start3A_423 : memref<1x1x128x128xi32, #tpu.memory_space<hbm>> -> memref<128x128xi32, #tpu.memory_space<hbm>>
        tpu.enqueue_dma source(%dma_start3A_424 : memref<128x128xi32, #tpu.memory_space<hbm>>) target(%arg7 : memref<128x128xi32, #tpu.memory_space<vmem>>) target_semaphore(%run_scoped3A_416 : memref<!tpu.dma_semaphore, #tpu.memory_space<semaphore_mem>>)
        %dma_wait3A_425 = arith.constant 0 : i32
        %dma_wait3A_426 = arith.constant 0 : i32
        %dma_wait3A_427 = tpu.memref_slice %arg3[%add3A_13, %run_scoped3A, %dma_wait3A_425, %dma_wait3A_426] : memref<4x1x128x128xi32, #tpu.memory_space<hbm>> -> memref<1x1x128x128xi32, #tpu.memory_space<hbm>>
        %dma_wait3A_428 = tpu.memref_squeeze %dma_wait3A_427 : memref<1x1x128x128xi32, #tpu.memory_space<hbm>> -> memref<128x128xi32, #tpu.memory_space<hbm>>
        %dma_wait3A_429 = arith.constant 0 : i32
        %dma_wait3A_430 = arith.constant 0 : i32
        %dma_wait3A_431 = tpu.memref_slice %arg3[%add3A_13, %run_scoped3A, %dma_wait3A_429, %dma_wait3A_430] : memref<4x1x128x128xi32, #tpu.memory_space<hbm>> -> memref<1x1x128x128xi32, #tpu.memory_space<hbm>>
        %dma_wait3A_432 = tpu.memref_squeeze %dma_wait3A_431 : memref<1x1x128x128xi32, #tpu.memory_space<hbm>> -> memref<128x128xi32, #tpu.memory_space<hbm>>
        tpu.wait_dma2 semaphore(%run_scoped3A_416 : memref<!tpu.dma_semaphore, #tpu.memory_space<semaphore_mem>>) src(%dma_wait3A_432 : memref<128x128xi32, #tpu.memory_space<hbm>>) dst(%arg7 : memref<128x128xi32, #tpu.memory_space<vmem>>)
        tpu.yield
      }) : () -> ()
      "tpu.region"() ({
        %run_scoped3A_416 = tpu.sem_alloc : memref<!tpu.dma_semaphore, #tpu.memory_space<semaphore_mem>>
        %dma_start3A_417 = arith.constant 0 : i32
        %dma_start3A_418 = arith.constant 0 : i32
        %dma_start3A_419 = tpu.memref_slice %arg4[%dma_start3A_417, %dma_start3A_418] : memref<128x128xf32, #tpu.memory_space<hbm>> -> memref<32x128xf32, #tpu.memory_space<hbm>>
        %dma_start3A_420 = arith.constant 0 : i32
        %dma_start3A_421 = arith.constant 0 : i32
        %dma_start3A_422 = tpu.memref_slice %arg4[%dma_start3A_420, %dma_start3A_421] : memref<128x128xf32, #tpu.memory_space<hbm>> -> memref<32x128xf32, #tpu.memory_space<hbm>>
        tpu.enqueue_dma source(%dma_start3A_422 : memref<32x128xf32, #tpu.memory_space<hbm>>) target(%arg10 : memref<32x128xf32, #tpu.memory_space<vmem>>) target_semaphore(%run_scoped3A_416 : memref<!tpu.dma_semaphore, #tpu.memory_space<semaphore_mem>>)
        %dma_wait3A_423 = arith.constant 0 : i32
        %dma_wait3A_424 = arith.constant 0 : i32
        %dma_wait3A_425 = tpu.memref_slice %arg4[%dma_wait3A_423, %dma_wait3A_424] : memref<128x128xf32, #tpu.memory_space<hbm>> -> memref<32x128xf32, #tpu.memory_space<hbm>>
        %dma_wait3A_426 = arith.constant 0 : i32
        %dma_wait3A_427 = arith.constant 0 : i32
        %dma_wait3A_428 = tpu.memref_slice %arg4[%dma_wait3A_426, %dma_wait3A_427] : memref<128x128xf32, #tpu.memory_space<hbm>> -> memref<32x128xf32, #tpu.memory_space<hbm>>
        tpu.wait_dma2 semaphore(%run_scoped3A_416 : memref<!tpu.dma_semaphore, #tpu.memory_space<semaphore_mem>>) src(%dma_wait3A_428 : memref<32x128xf32, #tpu.memory_space<hbm>>) dst(%arg10 : memref<32x128xf32, #tpu.memory_space<vmem>>)
        tpu.yield
      }) : () -> ()
      %mul3A_39 = arith.constant 4 : i32
      %mul3A_40 = arith.muli %arg1, %mul3A_39 : i32
      %add3A_41 = arith.constant 0 : i32
      %add3A_42 = arith.addi %mul3A_40, %add3A_41 : i32
      %dma_wait3A = arith.constant 0 : i32
      %dma_wait3A_43 = arith.constant 0 : i32
      %dma_wait3A_44 = tpu.memref_slice %arg2[%select_n3A, %mul3A_31, %dma_wait3A, %dma_wait3A_43] : memref<1x64x128x128xf32, #tpu.memory_space<hbm>> -> memref<1x1x128x128xf32, #tpu.memory_space<hbm>>
      %dma_wait3A_45 = tpu.memref_squeeze %dma_wait3A_44 : memref<1x1x128x128xf32, #tpu.memory_space<hbm>> -> memref<128x128xf32, #tpu.memory_space<hbm>>
      %dma_wait3A_46 = arith.constant 0 : i32
      %dma_wait3A_47 = arith.constant 0 : i32
      %dma_wait3A_48 = tpu.memref_slice %arg2[%select_n3A, %mul3A_31, %dma_wait3A_46, %dma_wait3A_47] : memref<1x64x128x128xf32, #tpu.memory_space<hbm>> -> memref<1x1x128x128xf32, #tpu.memory_space<hbm>>
      %dma_wait3A_49 = tpu.memref_squeeze %dma_wait3A_48 : memref<1x1x128x128xf32, #tpu.memory_space<hbm>> -> memref<128x128xf32, #tpu.memory_space<hbm>>
      tpu.wait_dma2 semaphore(%arg12 : memref<!tpu.dma_semaphore, #tpu.memory_space<semaphore_mem>>) src(%dma_wait3A_49 : memref<128x128xf32, #tpu.memory_space<hbm>>) dst(%arg8 : memref<128x128xf32, #tpu.memory_space<vmem>>)
      %add3A_50 = arith.constant 1 : i32
      %add3A_51 = arith.addi %add3A_42, %add3A_50 : i32
      %dma_start3A_52 = arith.constant 0 : i32
      %dma_start3A_53 = arith.constant 0 : i32
      %dma_start3A_54 = tpu.memref_slice %arg2[%select_n3A, %add3A_51, %dma_start3A_52, %dma_start3A_53] : memref<1x64x128x128xf32, #tpu.memory_space<hbm>> -> memref<1x1x128x128xf32, #tpu.memory_space<hbm>>
      %dma_start3A_55 = tpu.memref_squeeze %dma_start3A_54 : memref<1x1x128x128xf32, #tpu.memory_space<hbm>> -> memref<128x128xf32, #tpu.memory_space<hbm>>
      %dma_start3A_56 = arith.constant 0 : i32
      %dma_start3A_57 = arith.constant 0 : i32
      %dma_start3A_58 = tpu.memref_slice %arg2[%select_n3A, %add3A_51, %dma_start3A_56, %dma_start3A_57] : memref<1x64x128x128xf32, #tpu.memory_space<hbm>> -> memref<1x1x128x128xf32, #tpu.memory_space<hbm>>
      %dma_start3A_59 = tpu.memref_squeeze %dma_start3A_58 : memref<1x1x128x128xf32, #tpu.memory_space<hbm>> -> memref<128x128xf32, #tpu.memory_space<hbm>>
      tpu.enqueue_dma source(%dma_start3A_59 : memref<128x128xf32, #tpu.memory_space<hbm>>) target(%arg9 : memref<128x128xf32, #tpu.memory_space<vmem>>) target_semaphore(%arg12 : memref<!tpu.dma_semaphore, #tpu.memory_space<semaphore_mem>>)
      "tpu.region"() ({
        %run_scoped3A_416 = tpu.sem_alloc : memref<!tpu.dma_semaphore, #tpu.memory_space<semaphore_mem>>
        %dma_start3A_417 = arith.constant 0 : i32
        %dma_start3A_418 = tpu.memref_slice %arg7[%add3A_42, %dma_start3A_417] : memref<128x128xi32, #tpu.memory_space<vmem>> -> memref<1x128xi32, #tpu.memory_space<vmem>>
        %dma_start3A_419 = tpu.memref_squeeze %dma_start3A_418 : memref<1x128xi32, #tpu.memory_space<vmem>> -> memref<128xi32, #tpu.memory_space<vmem>>
        %dma_start3A_420 = arith.constant 0 : i32
        %dma_start3A_421 = arith.constant 0 : i32
        %dma_start3A_422 = tpu.memref_slice %arg11[%dma_start3A_420, %dma_start3A_421] : memref<4096x128xf32, #tpu.memory_space<vmem_shared>> -> memref<4096x128xf32, #tpu.memory_space<vmem_shared>>
        tpu.enqueue_indirect_dma source(%arg8 : memref<128x128xf32, #tpu.memory_space<vmem>>) target(%dma_start3A_422 : memref<4096x128xf32, #tpu.memory_space<vmem_shared>>) offsets(%dma_start3A_419 : memref<128xi32, #tpu.memory_space<vmem>>) semaphore(%run_scoped3A_416 : memref<!tpu.dma_semaphore, #tpu.memory_space<semaphore_mem>>) {add = true}
        %dma_wait3A_423 = arith.constant 0 : i32
        %dma_wait3A_424 = tpu.memref_slice %arg7[%add3A_42, %dma_wait3A_423] : memref<128x128xi32, #tpu.memory_space<vmem>> -> memref<1x128xi32, #tpu.memory_space<vmem>>
        %dma_wait3A_425 = tpu.memref_squeeze %dma_wait3A_424 : memref<1x128xi32, #tpu.memory_space<vmem>> -> memref<128xi32, #tpu.memory_space<vmem>>
        %dma_wait3A_426 = arith.constant 0 : i32
        %dma_wait3A_427 = arith.constant 0 : i32
        %dma_wait3A_428 = tpu.memref_slice %arg11[%dma_wait3A_426, %dma_wait3A_427] : memref<4096x128xf32, #tpu.memory_space<vmem_shared>> -> memref<4096x128xf32, #tpu.memory_space<vmem_shared>>
        tpu.wait_indirect_dma semaphore(%run_scoped3A_416 : memref<!tpu.dma_semaphore, #tpu.memory_space<semaphore_mem>>) src(%arg8 : memref<128x128xf32, #tpu.memory_space<vmem>>) dst(%dma_wait3A_428 : memref<4096x128xf32, #tpu.memory_space<vmem_shared>>)
        tpu.yield
      }) : () -> ()
      %get3A = arith.index_cast %add3A_42 : i32 to index
      %get3A_60 = arith.constant 0 : index
      %get3A_61 = tpu.vector_load %arg7[%get3A, %get3A_60] {strides = array<i32>} : memref<128x128xi32, #tpu.memory_space<vmem>>, vector<16xi32>,
      %shift_right_logical3A = arith.constant 7 : i32
      %shift_right_logical3A_62 = vector.broadcast %shift_right_logical3A : i32 to vector<16xi32>
      %shift_right_logical3A_63 = arith.shrui %get3A_61, %shift_right_logical3A_62 : vector<16xi32>
      %and3A_64 = arith.constant 127 : i32
      %and3A_65 = vector.broadcast %and3A_64 : i32 to vector<16xi32>
      %and3A_66 = arith.andi %get3A_61, %and3A_65 : vector<16xi32>
      tpu.vector_store_idx %arg10[%shift_right_logical3A_63, %and3A_66], %broadcast_in_dim3A_1 {add = true} : memref<32x128xf32, #tpu.memory_space<vmem>>[vector<16xi32>, vector<16xi32>], vector<16xf32>,
      %get3A_67 = arith.index_cast %add3A_42 : i32 to index
      %get3A_68 = arith.constant 16 : index
      %get3A_69 = tpu.vector_load %arg7[%get3A_67, %get3A_68] {strides = array<i32>} : memref<128x128xi32, #tpu.memory_space<vmem>>, vector<16xi32>,
      %shift_right_logical3A_70 = arith.constant 7 : i32
      %shift_right_logical3A_71 = vector.broadcast %shift_right_logical3A_70 : i32 to vector<16xi32>
      %shift_right_logical3A_72 = arith.shrui %get3A_69, %shift_right_logical3A_71 : vector<16xi32>
      %and3A_73 = arith.constant 127 : i32
      %and3A_74 = vector.broadcast %and3A_73 : i32 to vector<16xi32>
      %and3A_75 = arith.andi %get3A_69, %and3A_74 : vector<16xi32>
      tpu.vector_store_idx %arg10[%shift_right_logical3A_72, %and3A_75], %broadcast_in_dim3A_1 {add = true} : memref<32x128xf32, #tpu.memory_space<vmem>>[vector<16xi32>, vector<16xi32>], vector<16xf32>,
      %get3A_76 = arith.index_cast %add3A_42 : i32 to index
      %get3A_77 = arith.constant 32 : index
      %get3A_78 = tpu.vector_load %arg7[%get3A_76, %get3A_77] {strides = array<i32>} : memref<128x128xi32, #tpu.memory_space<vmem>>, vector<16xi32>,
      %shift_right_logical3A_79 = arith.constant 7 : i32
      %shift_right_logical3A_80 = vector.broadcast %shift_right_logical3A_79 : i32 to vector<16xi32>
      %shift_right_logical3A_81 = arith.shrui %get3A_78, %shift_right_logical3A_80 : vector<16xi32>
      %and3A_82 = arith.constant 127 : i32
      %and3A_83 = vector.broadcast %and3A_82 : i32 to vector<16xi32>
      %and3A_84 = arith.andi %get3A_78, %and3A_83 : vector<16xi32>
      tpu.vector_store_idx %arg10[%shift_right_logical3A_81, %and3A_84], %broadcast_in_dim3A_1 {add = true} : memref<32x128xf32, #tpu.memory_space<vmem>>[vector<16xi32>, vector<16xi32>], vector<16xf32>,
      %get3A_85 = arith.index_cast %add3A_42 : i32 to index
      %get3A_86 = arith.constant 48 : index
      %get3A_87 = tpu.vector_load %arg7[%get3A_85, %get3A_86] {strides = array<i32>} : memref<128x128xi32, #tpu.memory_space<vmem>>, vector<16xi32>,
      %shift_right_logical3A_88 = arith.constant 7 : i32
      %shift_right_logical3A_89 = vector.broadcast %shift_right_logical3A_88 : i32 to vector<16xi32>
      %shift_right_logical3A_90 = arith.shrui %get3A_87, %shift_right_logical3A_89 : vector<16xi32>
      %and3A_91 = arith.constant 127 : i32
      %and3A_92 = vector.broadcast %and3A_91 : i32 to vector<16xi32>
      %and3A_93 = arith.andi %get3A_87, %and3A_92 : vector<16xi32>
      tpu.vector_store_idx %arg10[%shift_right_logical3A_90, %and3A_93], %broadcast_in_dim3A_1 {add = true} : memref<32x128xf32, #tpu.memory_space<vmem>>[vector<16xi32>, vector<16xi32>], vector<16xf32>,
      %get3A_94 = arith.index_cast %add3A_42 : i32 to index
      %get3A_95 = arith.constant 64 : index
      %get3A_96 = tpu.vector_load %arg7[%get3A_94, %get3A_95] {strides = array<i32>} : memref<128x128xi32, #tpu.memory_space<vmem>>, vector<16xi32>,
      %shift_right_logical3A_97 = arith.constant 7 : i32
      %shift_right_logical3A_98 = vector.broadcast %shift_right_logical3A_97 : i32 to vector<16xi32>
      %shift_right_logical3A_99 = arith.shrui %get3A_96, %shift_right_logical3A_98 : vector<16xi32>
      %and3A_100 = arith.constant 127 : i32
      %and3A_101 = vector.broadcast %and3A_100 : i32 to vector<16xi32>
      %and3A_102 = arith.andi %get3A_96, %and3A_101 : vector<16xi32>
      tpu.vector_store_idx %arg10[%shift_right_logical3A_99, %and3A_102], %broadcast_in_dim3A_1 {add = true} : memref<32x128xf32, #tpu.memory_space<vmem>>[vector<16xi32>, vector<16xi32>], vector<16xf32>,
      %get3A_103 = arith.index_cast %add3A_42 : i32 to index
      %get3A_104 = arith.constant 80 : index
      %get3A_105 = tpu.vector_load %arg7[%get3A_103, %get3A_104] {strides = array<i32>} : memref<128x128xi32, #tpu.memory_space<vmem>>, vector<16xi32>,
      %shift_right_logical3A_106 = arith.constant 7 : i32
      %shift_right_logical3A_107 = vector.broadcast %shift_right_logical3A_106 : i32 to vector<16xi32>
      %shift_right_logical3A_108 = arith.shrui %get3A_105, %shift_right_logical3A_107 : vector<16xi32>
      %and3A_109 = arith.constant 127 : i32
      %and3A_110 = vector.broadcast %and3A_109 : i32 to vector<16xi32>
      %and3A_111 = arith.andi %get3A_105, %and3A_110 : vector<16xi32>
      tpu.vector_store_idx %arg10[%shift_right_logical3A_108, %and3A_111], %broadcast_in_dim3A_1 {add = true} : memref<32x128xf32, #tpu.memory_space<vmem>>[vector<16xi32>, vector<16xi32>], vector<16xf32>,
      %get3A_112 = arith.index_cast %add3A_42 : i32 to index
      %get3A_113 = arith.constant 96 : index
      %get3A_114 = tpu.vector_load %arg7[%get3A_112, %get3A_113] {strides = array<i32>} : memref<128x128xi32, #tpu.memory_space<vmem>>, vector<16xi32>,
      %shift_right_logical3A_115 = arith.constant 7 : i32
      %shift_right_logical3A_116 = vector.broadcast %shift_right_logical3A_115 : i32 to vector<16xi32>
      %shift_right_logical3A_117 = arith.shrui %get3A_114, %shift_right_logical3A_116 : vector<16xi32>
      %and3A_118 = arith.constant 127 : i32
      %and3A_119 = vector.broadcast %and3A_118 : i32 to vector<16xi32>
      %and3A_120 = arith.andi %get3A_114, %and3A_119 : vector<16xi32>
      tpu.vector_store_idx %arg10[%shift_right_logical3A_117, %and3A_120], %broadcast_in_dim3A_1 {add = true} : memref<32x128xf32, #tpu.memory_space<vmem>>[vector<16xi32>, vector<16xi32>], vector<16xf32>,
      %get3A_121 = arith.index_cast %add3A_42 : i32 to index
      %get3A_122 = arith.constant 112 : index
      %get3A_123 = tpu.vector_load %arg7[%get3A_121, %get3A_122] {strides = array<i32>} : memref<128x128xi32, #tpu.memory_space<vmem>>, vector<16xi32>,
      %shift_right_logical3A_124 = arith.constant 7 : i32
      %shift_right_logical3A_125 = vector.broadcast %shift_right_logical3A_124 : i32 to vector<16xi32>
      %shift_right_logical3A_126 = arith.shrui %get3A_123, %shift_right_logical3A_125 : vector<16xi32>
      %and3A_127 = arith.constant 127 : i32
      %and3A_128 = vector.broadcast %and3A_127 : i32 to vector<16xi32>
      %and3A_129 = arith.andi %get3A_123, %and3A_128 : vector<16xi32>
      tpu.vector_store_idx %arg10[%shift_right_logical3A_126, %and3A_129], %broadcast_in_dim3A_1 {add = true} : memref<32x128xf32, #tpu.memory_space<vmem>>[vector<16xi32>, vector<16xi32>], vector<16xf32>,
      %mul3A_130 = arith.constant 4 : i32
      %mul3A_131 = arith.muli %arg1, %mul3A_130 : i32
      %add3A_132 = arith.constant 1 : i32
      %add3A_133 = arith.addi %mul3A_131, %add3A_132 : i32
      %dma_wait3A_134 = arith.constant 0 : i32
      %dma_wait3A_135 = arith.constant 0 : i32
      %dma_wait3A_136 = tpu.memref_slice %arg2[%select_n3A, %add3A_51, %dma_wait3A_134, %dma_wait3A_135] : memref<1x64x128x128xf32, #tpu.memory_space<hbm>> -> memref<1x1x128x128xf32, #tpu.memory_space<hbm>>
      %dma_wait3A_137 = tpu.memref_squeeze %dma_wait3A_136 : memref<1x1x128x128xf32, #tpu.memory_space<hbm>> -> memref<128x128xf32, #tpu.memory_space<hbm>>
      %dma_wait3A_138 = arith.constant 0 : i32
      %dma_wait3A_139 = arith.constant 0 : i32
      %dma_wait3A_140 = tpu.memref_slice %arg2[%select_n3A, %add3A_51, %dma_wait3A_138, %dma_wait3A_139] : memref<1x64x128x128xf32, #tpu.memory_space<hbm>> -> memref<1x1x128x128xf32, #tpu.memory_space<hbm>>
      %dma_wait3A_141 = tpu.memref_squeeze %dma_wait3A_140 : memref<1x1x128x128xf32, #tpu.memory_space<hbm>> -> memref<128x128xf32, #tpu.memory_space<hbm>>
      tpu.wait_dma2 semaphore(%arg12 : memref<!tpu.dma_semaphore, #tpu.memory_space<semaphore_mem>>) src(%dma_wait3A_141 : memref<128x128xf32, #tpu.memory_space<hbm>>) dst(%arg9 : memref<128x128xf32, #tpu.memory_space<vmem>>)
      %add3A_142 = arith.constant 1 : i32
      %add3A_143 = arith.addi %add3A_133, %add3A_142 : i32
      %dma_start3A_144 = arith.constant 0 : i32
      %dma_start3A_145 = arith.constant 0 : i32
      %dma_start3A_146 = tpu.memref_slice %arg2[%select_n3A, %add3A_143, %dma_start3A_144, %dma_start3A_145] : memref<1x64x128x128xf32, #tpu.memory_space<hbm>> -> memref<1x1x128x128xf32, #tpu.memory_space<hbm>>
      %dma_start3A_147 = tpu.memref_squeeze %dma_start3A_146 : memref<1x1x128x128xf32, #tpu.memory_space<hbm>> -> memref<128x128xf32, #tpu.memory_space<hbm>>
      %dma_start3A_148 = arith.constant 0 : i32
      %dma_start3A_149 = arith.constant 0 : i32
      %dma_start3A_150 = tpu.memref_slice %arg2[%select_n3A, %add3A_143, %dma_start3A_148, %dma_start3A_149] : memref<1x64x128x128xf32, #tpu.memory_space<hbm>> -> memref<1x1x128x128xf32, #tpu.memory_space<hbm>>
      %dma_start3A_151 = tpu.memref_squeeze %dma_start3A_150 : memref<1x1x128x128xf32, #tpu.memory_space<hbm>> -> memref<128x128xf32, #tpu.memory_space<hbm>>
      tpu.enqueue_dma source(%dma_start3A_151 : memref<128x128xf32, #tpu.memory_space<hbm>>) target(%arg8 : memref<128x128xf32, #tpu.memory_space<vmem>>) target_semaphore(%arg12 : memref<!tpu.dma_semaphore, #tpu.memory_space<semaphore_mem>>)
      "tpu.region"() ({
        %run_scoped3A_416 = tpu.sem_alloc : memref<!tpu.dma_semaphore, #tpu.memory_space<semaphore_mem>>
        %dma_start3A_417 = arith.constant 0 : i32
        %dma_start3A_418 = tpu.memref_slice %arg7[%add3A_133, %dma_start3A_417] : memref<128x128xi32, #tpu.memory_space<vmem>> -> memref<1x128xi32, #tpu.memory_space<vmem>>
        %dma_start3A_419 = tpu.memref_squeeze %dma_start3A_418 : memref<1x128xi32, #tpu.memory_space<vmem>> -> memref<128xi32, #tpu.memory_space<vmem>>
        %dma_start3A_420 = arith.constant 0 : i32
        %dma_start3A_421 = arith.constant 0 : i32
        %dma_start3A_422 = tpu.memref_slice %arg11[%dma_start3A_420, %dma_start3A_421] : memref<4096x128xf32, #tpu.memory_space<vmem_shared>> -> memref<4096x128xf32, #tpu.memory_space<vmem_shared>>
        tpu.enqueue_indirect_dma source(%arg9 : memref<128x128xf32, #tpu.memory_space<vmem>>) target(%dma_start3A_422 : memref<4096x128xf32, #tpu.memory_space<vmem_shared>>) offsets(%dma_start3A_419 : memref<128xi32, #tpu.memory_space<vmem>>) semaphore(%run_scoped3A_416 : memref<!tpu.dma_semaphore, #tpu.memory_space<semaphore_mem>>) {add = true}
        %dma_wait3A_423 = arith.constant 0 : i32
        %dma_wait3A_424 = tpu.memref_slice %arg7[%add3A_133, %dma_wait3A_423] : memref<128x128xi32, #tpu.memory_space<vmem>> -> memref<1x128xi32, #tpu.memory_space<vmem>>
        %dma_wait3A_425 = tpu.memref_squeeze %dma_wait3A_424 : memref<1x128xi32, #tpu.memory_space<vmem>> -> memref<128xi32, #tpu.memory_space<vmem>>
        %dma_wait3A_426 = arith.constant 0 : i32
        %dma_wait3A_427 = arith.constant 0 : i32
        %dma_wait3A_428 = tpu.memref_slice %arg11[%dma_wait3A_426, %dma_wait3A_427] : memref<4096x128xf32, #tpu.memory_space<vmem_shared>> -> memref<4096x128xf32, #tpu.memory_space<vmem_shared>>
        tpu.wait_indirect_dma semaphore(%run_scoped3A_416 : memref<!tpu.dma_semaphore, #tpu.memory_space<semaphore_mem>>) src(%arg9 : memref<128x128xf32, #tpu.memory_space<vmem>>) dst(%dma_wait3A_428 : memref<4096x128xf32, #tpu.memory_space<vmem_shared>>)
        tpu.yield
      }) : () -> ()
      %get3A_152 = arith.index_cast %add3A_133 : i32 to index
      %get3A_153 = arith.constant 0 : index
      %get3A_154 = tpu.vector_load %arg7[%get3A_152, %get3A_153] {strides = array<i32>} : memref<128x128xi32, #tpu.memory_space<vmem>>, vector<16xi32>,
      %shift_right_logical3A_155 = arith.constant 7 : i32
      %shift_right_logical3A_156 = vector.broadcast %shift_right_logical3A_155 : i32 to vector<16xi32>
      %shift_right_logical3A_157 = arith.shrui %get3A_154, %shift_right_logical3A_156 : vector<16xi32>
      %and3A_158 = arith.constant 127 : i32
      %and3A_159 = vector.broadcast %and3A_158 : i32 to vector<16xi32>
      %and3A_160 = arith.andi %get3A_154, %and3A_159 : vector<16xi32>
      tpu.vector_store_idx %arg10[%shift_right_logical3A_157, %and3A_160], %broadcast_in_dim3A_1 {add = true} : memref<32x128xf32, #tpu.memory_space<vmem>>[vector<16xi32>, vector<16xi32>], vector<16xf32>,
      %get3A_161 = arith.index_cast %add3A_133 : i32 to index
      %get3A_162 = arith.constant 16 : index
      %get3A_163 = tpu.vector_load %arg7[%get3A_161, %get3A_162] {strides = array<i32>} : memref<128x128xi32, #tpu.memory_space<vmem>>, vector<16xi32>,
      %shift_right_logical3A_164 = arith.constant 7 : i32
      %shift_right_logical3A_165 = vector.broadcast %shift_right_logical3A_164 : i32 to vector<16xi32>
      %shift_right_logical3A_166 = arith.shrui %get3A_163, %shift_right_logical3A_165 : vector<16xi32>
      %and3A_167 = arith.constant 127 : i32
      %and3A_168 = vector.broadcast %and3A_167 : i32 to vector<16xi32>
      %and3A_169 = arith.andi %get3A_163, %and3A_168 : vector<16xi32>
      tpu.vector_store_idx %arg10[%shift_right_logical3A_166, %and3A_169], %broadcast_in_dim3A_1 {add = true} : memref<32x128xf32, #tpu.memory_space<vmem>>[vector<16xi32>, vector<16xi32>], vector<16xf32>,
      %get3A_170 = arith.index_cast %add3A_133 : i32 to index
      %get3A_171 = arith.constant 32 : index
      %get3A_172 = tpu.vector_load %arg7[%get3A_170, %get3A_171] {strides = array<i32>} : memref<128x128xi32, #tpu.memory_space<vmem>>, vector<16xi32>,
      %shift_right_logical3A_173 = arith.constant 7 : i32
      %shift_right_logical3A_174 = vector.broadcast %shift_right_logical3A_173 : i32 to vector<16xi32>
      %shift_right_logical3A_175 = arith.shrui %get3A_172, %shift_right_logical3A_174 : vector<16xi32>
      %and3A_176 = arith.constant 127 : i32
      %and3A_177 = vector.broadcast %and3A_176 : i32 to vector<16xi32>
      %and3A_178 = arith.andi %get3A_172, %and3A_177 : vector<16xi32>
      tpu.vector_store_idx %arg10[%shift_right_logical3A_175, %and3A_178], %broadcast_in_dim3A_1 {add = true} : memref<32x128xf32, #tpu.memory_space<vmem>>[vector<16xi32>, vector<16xi32>], vector<16xf32>,
      %get3A_179 = arith.index_cast %add3A_133 : i32 to index
      %get3A_180 = arith.constant 48 : index
      %get3A_181 = tpu.vector_load %arg7[%get3A_179, %get3A_180] {strides = array<i32>} : memref<128x128xi32, #tpu.memory_space<vmem>>, vector<16xi32>,
      %shift_right_logical3A_182 = arith.constant 7 : i32
      %shift_right_logical3A_183 = vector.broadcast %shift_right_logical3A_182 : i32 to vector<16xi32>
      %shift_right_logical3A_184 = arith.shrui %get3A_181, %shift_right_logical3A_183 : vector<16xi32>
      %and3A_185 = arith.constant 127 : i32
      %and3A_186 = vector.broadcast %and3A_185 : i32 to vector<16xi32>
      %and3A_187 = arith.andi %get3A_181, %and3A_186 : vector<16xi32>
      tpu.vector_store_idx %arg10[%shift_right_logical3A_184, %and3A_187], %broadcast_in_dim3A_1 {add = true} : memref<32x128xf32, #tpu.memory_space<vmem>>[vector<16xi32>, vector<16xi32>], vector<16xf32>,
      %get3A_188 = arith.index_cast %add3A_133 : i32 to index
      %get3A_189 = arith.constant 64 : index
      %get3A_190 = tpu.vector_load %arg7[%get3A_188, %get3A_189] {strides = array<i32>} : memref<128x128xi32, #tpu.memory_space<vmem>>, vector<16xi32>,
      %shift_right_logical3A_191 = arith.constant 7 : i32
      %shift_right_logical3A_192 = vector.broadcast %shift_right_logical3A_191 : i32 to vector<16xi32>
      %shift_right_logical3A_193 = arith.shrui %get3A_190, %shift_right_logical3A_192 : vector<16xi32>
      %and3A_194 = arith.constant 127 : i32
      %and3A_195 = vector.broadcast %and3A_194 : i32 to vector<16xi32>
      %and3A_196 = arith.andi %get3A_190, %and3A_195 : vector<16xi32>
      tpu.vector_store_idx %arg10[%shift_right_logical3A_193, %and3A_196], %broadcast_in_dim3A_1 {add = true} : memref<32x128xf32, #tpu.memory_space<vmem>>[vector<16xi32>, vector<16xi32>], vector<16xf32>,
      %get3A_197 = arith.index_cast %add3A_133 : i32 to index
      %get3A_198 = arith.constant 80 : index
      %get3A_199 = tpu.vector_load %arg7[%get3A_197, %get3A_198] {strides = array<i32>} : memref<128x128xi32, #tpu.memory_space<vmem>>, vector<16xi32>,
      %shift_right_logical3A_200 = arith.constant 7 : i32
      %shift_right_logical3A_201 = vector.broadcast %shift_right_logical3A_200 : i32 to vector<16xi32>
      %shift_right_logical3A_202 = arith.shrui %get3A_199, %shift_right_logical3A_201 : vector<16xi32>
      %and3A_203 = arith.constant 127 : i32
      %and3A_204 = vector.broadcast %and3A_203 : i32 to vector<16xi32>
      %and3A_205 = arith.andi %get3A_199, %and3A_204 : vector<16xi32>
      tpu.vector_store_idx %arg10[%shift_right_logical3A_202, %and3A_205], %broadcast_in_dim3A_1 {add = true} : memref<32x128xf32, #tpu.memory_space<vmem>>[vector<16xi32>, vector<16xi32>], vector<16xf32>,
      %get3A_206 = arith.index_cast %add3A_133 : i32 to index
      %get3A_207 = arith.constant 96 : index
      %get3A_208 = tpu.vector_load %arg7[%get3A_206, %get3A_207] {strides = array<i32>} : memref<128x128xi32, #tpu.memory_space<vmem>>, vector<16xi32>,
      %shift_right_logical3A_209 = arith.constant 7 : i32
      %shift_right_logical3A_210 = vector.broadcast %shift_right_logical3A_209 : i32 to vector<16xi32>
      %shift_right_logical3A_211 = arith.shrui %get3A_208, %shift_right_logical3A_210 : vector<16xi32>
      %and3A_212 = arith.constant 127 : i32
      %and3A_213 = vector.broadcast %and3A_212 : i32 to vector<16xi32>
      %and3A_214 = arith.andi %get3A_208, %and3A_213 : vector<16xi32>
      tpu.vector_store_idx %arg10[%shift_right_logical3A_211, %and3A_214], %broadcast_in_dim3A_1 {add = true} : memref<32x128xf32, #tpu.memory_space<vmem>>[vector<16xi32>, vector<16xi32>], vector<16xf32>,
      %get3A_215 = arith.index_cast %add3A_133 : i32 to index
      %get3A_216 = arith.constant 112 : index
      %get3A_217 = tpu.vector_load %arg7[%get3A_215, %get3A_216] {strides = array<i32>} : memref<128x128xi32, #tpu.memory_space<vmem>>, vector<16xi32>,
      %shift_right_logical3A_218 = arith.constant 7 : i32
      %shift_right_logical3A_219 = vector.broadcast %shift_right_logical3A_218 : i32 to vector<16xi32>
      %shift_right_logical3A_220 = arith.shrui %get3A_217, %shift_right_logical3A_219 : vector<16xi32>
      %and3A_221 = arith.constant 127 : i32
      %and3A_222 = vector.broadcast %and3A_221 : i32 to vector<16xi32>
      %and3A_223 = arith.andi %get3A_217, %and3A_222 : vector<16xi32>
      tpu.vector_store_idx %arg10[%shift_right_logical3A_220, %and3A_223], %broadcast_in_dim3A_1 {add = true} : memref<32x128xf32, #tpu.memory_space<vmem>>[vector<16xi32>, vector<16xi32>], vector<16xf32>,
      %mul3A_224 = arith.constant 4 : i32
      %mul3A_225 = arith.muli %arg1, %mul3A_224 : i32
      %add3A_226 = arith.constant 2 : i32
      %add3A_227 = arith.addi %mul3A_225, %add3A_226 : i32
      %dma_wait3A_228 = arith.constant 0 : i32
      %dma_wait3A_229 = arith.constant 0 : i32
      %dma_wait3A_230 = tpu.memref_slice %arg2[%select_n3A, %add3A_143, %dma_wait3A_228, %dma_wait3A_229] : memref<1x64x128x128xf32, #tpu.memory_space<hbm>> -> memref<1x1x128x128xf32, #tpu.memory_space<hbm>>
      %dma_wait3A_231 = tpu.memref_squeeze %dma_wait3A_230 : memref<1x1x128x128xf32, #tpu.memory_space<hbm>> -> memref<128x128xf32, #tpu.memory_space<hbm>>
      %dma_wait3A_232 = arith.constant 0 : i32
      %dma_wait3A_233 = arith.constant 0 : i32
      %dma_wait3A_234 = tpu.memref_slice %arg2[%select_n3A, %add3A_143, %dma_wait3A_232, %dma_wait3A_233] : memref<1x64x128x128xf32, #tpu.memory_space<hbm>> -> memref<1x1x128x128xf32, #tpu.memory_space<hbm>>
      %dma_wait3A_235 = tpu.memref_squeeze %dma_wait3A_234 : memref<1x1x128x128xf32, #tpu.memory_space<hbm>> -> memref<128x128xf32, #tpu.memory_space<hbm>>
      tpu.wait_dma2 semaphore(%arg12 : memref<!tpu.dma_semaphore, #tpu.memory_space<semaphore_mem>>) src(%dma_wait3A_235 : memref<128x128xf32, #tpu.memory_space<hbm>>) dst(%arg8 : memref<128x128xf32, #tpu.memory_space<vmem>>)
      %add3A_236 = arith.constant 1 : i32
      %add3A_237 = arith.addi %add3A_227, %add3A_236 : i32
      %dma_start3A_238 = arith.constant 0 : i32
      %dma_start3A_239 = arith.constant 0 : i32
      %dma_start3A_240 = tpu.memref_slice %arg2[%select_n3A, %add3A_237, %dma_start3A_238, %dma_start3A_239] : memref<1x64x128x128xf32, #tpu.memory_space<hbm>> -> memref<1x1x128x128xf32, #tpu.memory_space<hbm>>
      %dma_start3A_241 = tpu.memref_squeeze %dma_start3A_240 : memref<1x1x128x128xf32, #tpu.memory_space<hbm>> -> memref<128x128xf32, #tpu.memory_space<hbm>>
      %dma_start3A_242 = arith.constant 0 : i32
      %dma_start3A_243 = arith.constant 0 : i32
      %dma_start3A_244 = tpu.memref_slice %arg2[%select_n3A, %add3A_237, %dma_start3A_242, %dma_start3A_243] : memref<1x64x128x128xf32, #tpu.memory_space<hbm>> -> memref<1x1x128x128xf32, #tpu.memory_space<hbm>>
      %dma_start3A_245 = tpu.memref_squeeze %dma_start3A_244 : memref<1x1x128x128xf32, #tpu.memory_space<hbm>> -> memref<128x128xf32, #tpu.memory_space<hbm>>
      tpu.enqueue_dma source(%dma_start3A_245 : memref<128x128xf32, #tpu.memory_space<hbm>>) target(%arg9 : memref<128x128xf32, #tpu.memory_space<vmem>>) target_semaphore(%arg12 : memref<!tpu.dma_semaphore, #tpu.memory_space<semaphore_mem>>)
      "tpu.region"() ({
        %run_scoped3A_416 = tpu.sem_alloc : memref<!tpu.dma_semaphore, #tpu.memory_space<semaphore_mem>>
        %dma_start3A_417 = arith.constant 0 : i32
        %dma_start3A_418 = tpu.memref_slice %arg7[%add3A_227, %dma_start3A_417] : memref<128x128xi32, #tpu.memory_space<vmem>> -> memref<1x128xi32, #tpu.memory_space<vmem>>
        %dma_start3A_419 = tpu.memref_squeeze %dma_start3A_418 : memref<1x128xi32, #tpu.memory_space<vmem>> -> memref<128xi32, #tpu.memory_space<vmem>>
        %dma_start3A_420 = arith.constant 0 : i32
        %dma_start3A_421 = arith.constant 0 : i32
        %dma_start3A_422 = tpu.memref_slice %arg11[%dma_start3A_420, %dma_start3A_421] : memref<4096x128xf32, #tpu.memory_space<vmem_shared>> -> memref<4096x128xf32, #tpu.memory_space<vmem_shared>>
        tpu.enqueue_indirect_dma source(%arg8 : memref<128x128xf32, #tpu.memory_space<vmem>>) target(%dma_start3A_422 : memref<4096x128xf32, #tpu.memory_space<vmem_shared>>) offsets(%dma_start3A_419 : memref<128xi32, #tpu.memory_space<vmem>>) semaphore(%run_scoped3A_416 : memref<!tpu.dma_semaphore, #tpu.memory_space<semaphore_mem>>) {add = true}
        %dma_wait3A_423 = arith.constant 0 : i32
        %dma_wait3A_424 = tpu.memref_slice %arg7[%add3A_227, %dma_wait3A_423] : memref<128x128xi32, #tpu.memory_space<vmem>> -> memref<1x128xi32, #tpu.memory_space<vmem>>
        %dma_wait3A_425 = tpu.memref_squeeze %dma_wait3A_424 : memref<1x128xi32, #tpu.memory_space<vmem>> -> memref<128xi32, #tpu.memory_space<vmem>>
        %dma_wait3A_426 = arith.constant 0 : i32
        %dma_wait3A_427 = arith.constant 0 : i32
        %dma_wait3A_428 = tpu.memref_slice %arg11[%dma_wait3A_426, %dma_wait3A_427] : memref<4096x128xf32, #tpu.memory_space<vmem_shared>> -> memref<4096x128xf32, #tpu.memory_space<vmem_shared>>
        tpu.wait_indirect_dma semaphore(%run_scoped3A_416 : memref<!tpu.dma_semaphore, #tpu.memory_space<semaphore_mem>>) src(%arg8 : memref<128x128xf32, #tpu.memory_space<vmem>>) dst(%dma_wait3A_428 : memref<4096x128xf32, #tpu.memory_space<vmem_shared>>)
        tpu.yield
      }) : () -> ()
      %get3A_246 = arith.index_cast %add3A_227 : i32 to index
      %get3A_247 = arith.constant 0 : index
      %get3A_248 = tpu.vector_load %arg7[%get3A_246, %get3A_247] {strides = array<i32>} : memref<128x128xi32, #tpu.memory_space<vmem>>, vector<16xi32>,
      %shift_right_logical3A_249 = arith.constant 7 : i32
      %shift_right_logical3A_250 = vector.broadcast %shift_right_logical3A_249 : i32 to vector<16xi32>
      %shift_right_logical3A_251 = arith.shrui %get3A_248, %shift_right_logical3A_250 : vector<16xi32>
      %and3A_252 = arith.constant 127 : i32
      %and3A_253 = vector.broadcast %and3A_252 : i32 to vector<16xi32>
      %and3A_254 = arith.andi %get3A_248, %and3A_253 : vector<16xi32>
      tpu.vector_store_idx %arg10[%shift_right_logical3A_251, %and3A_254], %broadcast_in_dim3A_1 {add = true} : memref<32x128xf32, #tpu.memory_space<vmem>>[vector<16xi32>, vector<16xi32>], vector<16xf32>,
      %get3A_255 = arith.index_cast %add3A_227 : i32 to index
      %get3A_256 = arith.constant 16 : index
      %get3A_257 = tpu.vector_load %arg7[%get3A_255, %get3A_256] {strides = array<i32>} : memref<128x128xi32, #tpu.memory_space<vmem>>, vector<16xi32>,
      %shift_right_logical3A_258 = arith.constant 7 : i32
      %shift_right_logical3A_259 = vector.broadcast %shift_right_logical3A_258 : i32 to vector<16xi32>
      %shift_right_logical3A_260 = arith.shrui %get3A_257, %shift_right_logical3A_259 : vector<16xi32>
      %and3A_261 = arith.constant 127 : i32
      %and3A_262 = vector.broadcast %and3A_261 : i32 to vector<16xi32>
      %and3A_263 = arith.andi %get3A_257, %and3A_262 : vector<16xi32>
      tpu.vector_store_idx %arg10[%shift_right_logical3A_260, %and3A_263], %broadcast_in_dim3A_1 {add = true} : memref<32x128xf32, #tpu.memory_space<vmem>>[vector<16xi32>, vector<16xi32>], vector<16xf32>,
      %get3A_264 = arith.index_cast %add3A_227 : i32 to index
      %get3A_265 = arith.constant 32 : index
      %get3A_266 = tpu.vector_load %arg7[%get3A_264, %get3A_265] {strides = array<i32>} : memref<128x128xi32, #tpu.memory_space<vmem>>, vector<16xi32>,
      %shift_right_logical3A_267 = arith.constant 7 : i32
      %shift_right_logical3A_268 = vector.broadcast %shift_right_logical3A_267 : i32 to vector<16xi32>
      %shift_right_logical3A_269 = arith.shrui %get3A_266, %shift_right_logical3A_268 : vector<16xi32>
      %and3A_270 = arith.constant 127 : i32
      %and3A_271 = vector.broadcast %and3A_270 : i32 to vector<16xi32>
      %and3A_272 = arith.andi %get3A_266, %and3A_271 : vector<16xi32>
      tpu.vector_store_idx %arg10[%shift_right_logical3A_269, %and3A_272], %broadcast_in_dim3A_1 {add = true} : memref<32x128xf32, #tpu.memory_space<vmem>>[vector<16xi32>, vector<16xi32>], vector<16xf32>,
      %get3A_273 = arith.index_cast %add3A_227 : i32 to index
      %get3A_274 = arith.constant 48 : index
      %get3A_275 = tpu.vector_load %arg7[%get3A_273, %get3A_274] {strides = array<i32>} : memref<128x128xi32, #tpu.memory_space<vmem>>, vector<16xi32>,
      %shift_right_logical3A_276 = arith.constant 7 : i32
      %shift_right_logical3A_277 = vector.broadcast %shift_right_logical3A_276 : i32 to vector<16xi32>
      %shift_right_logical3A_278 = arith.shrui %get3A_275, %shift_right_logical3A_277 : vector<16xi32>
      %and3A_279 = arith.constant 127 : i32
      %and3A_280 = vector.broadcast %and3A_279 : i32 to vector<16xi32>
      %and3A_281 = arith.andi %get3A_275, %and3A_280 : vector<16xi32>
      tpu.vector_store_idx %arg10[%shift_right_logical3A_278, %and3A_281], %broadcast_in_dim3A_1 {add = true} : memref<32x128xf32, #tpu.memory_space<vmem>>[vector<16xi32>, vector<16xi32>], vector<16xf32>,
      %get3A_282 = arith.index_cast %add3A_227 : i32 to index
      %get3A_283 = arith.constant 64 : index
      %get3A_284 = tpu.vector_load %arg7[%get3A_282, %get3A_283] {strides = array<i32>} : memref<128x128xi32, #tpu.memory_space<vmem>>, vector<16xi32>,
      %shift_right_logical3A_285 = arith.constant 7 : i32
      %shift_right_logical3A_286 = vector.broadcast %shift_right_logical3A_285 : i32 to vector<16xi32>
      %shift_right_logical3A_287 = arith.shrui %get3A_284, %shift_right_logical3A_286 : vector<16xi32>
      %and3A_288 = arith.constant 127 : i32
      %and3A_289 = vector.broadcast %and3A_288 : i32 to vector<16xi32>
      %and3A_290 = arith.andi %get3A_284, %and3A_289 : vector<16xi32>
      tpu.vector_store_idx %arg10[%shift_right_logical3A_287, %and3A_290], %broadcast_in_dim3A_1 {add = true} : memref<32x128xf32, #tpu.memory_space<vmem>>[vector<16xi32>, vector<16xi32>], vector<16xf32>,
      %get3A_291 = arith.index_cast %add3A_227 : i32 to index
      %get3A_292 = arith.constant 80 : index
      %get3A_293 = tpu.vector_load %arg7[%get3A_291, %get3A_292] {strides = array<i32>} : memref<128x128xi32, #tpu.memory_space<vmem>>, vector<16xi32>,
      %shift_right_logical3A_294 = arith.constant 7 : i32
      %shift_right_logical3A_295 = vector.broadcast %shift_right_logical3A_294 : i32 to vector<16xi32>
      %shift_right_logical3A_296 = arith.shrui %get3A_293, %shift_right_logical3A_295 : vector<16xi32>
      %and3A_297 = arith.constant 127 : i32
      %and3A_298 = vector.broadcast %and3A_297 : i32 to vector<16xi32>
      %and3A_299 = arith.andi %get3A_293, %and3A_298 : vector<16xi32>
      tpu.vector_store_idx %arg10[%shift_right_logical3A_296, %and3A_299], %broadcast_in_dim3A_1 {add = true} : memref<32x128xf32, #tpu.memory_space<vmem>>[vector<16xi32>, vector<16xi32>], vector<16xf32>,
      %get3A_300 = arith.index_cast %add3A_227 : i32 to index
      %get3A_301 = arith.constant 96 : index
      %get3A_302 = tpu.vector_load %arg7[%get3A_300, %get3A_301] {strides = array<i32>} : memref<128x128xi32, #tpu.memory_space<vmem>>, vector<16xi32>,
      %shift_right_logical3A_303 = arith.constant 7 : i32
      %shift_right_logical3A_304 = vector.broadcast %shift_right_logical3A_303 : i32 to vector<16xi32>
      %shift_right_logical3A_305 = arith.shrui %get3A_302, %shift_right_logical3A_304 : vector<16xi32>
      %and3A_306 = arith.constant 127 : i32
      %and3A_307 = vector.broadcast %and3A_306 : i32 to vector<16xi32>
      %and3A_308 = arith.andi %get3A_302, %and3A_307 : vector<16xi32>
      tpu.vector_store_idx %arg10[%shift_right_logical3A_305, %and3A_308], %broadcast_in_dim3A_1 {add = true} : memref<32x128xf32, #tpu.memory_space<vmem>>[vector<16xi32>, vector<16xi32>], vector<16xf32>,
      %get3A_309 = arith.index_cast %add3A_227 : i32 to index
      %get3A_310 = arith.constant 112 : index
      %get3A_311 = tpu.vector_load %arg7[%get3A_309, %get3A_310] {strides = array<i32>} : memref<128x128xi32, #tpu.memory_space<vmem>>, vector<16xi32>,
      %shift_right_logical3A_312 = arith.constant 7 : i32
      %shift_right_logical3A_313 = vector.broadcast %shift_right_logical3A_312 : i32 to vector<16xi32>
      %shift_right_logical3A_314 = arith.shrui %get3A_311, %shift_right_logical3A_313 : vector<16xi32>
      %and3A_315 = arith.constant 127 : i32
      %and3A_316 = vector.broadcast %and3A_315 : i32 to vector<16xi32>
      %and3A_317 = arith.andi %get3A_311, %and3A_316 : vector<16xi32>
      tpu.vector_store_idx %arg10[%shift_right_logical3A_314, %and3A_317], %broadcast_in_dim3A_1 {add = true} : memref<32x128xf32, #tpu.memory_space<vmem>>[vector<16xi32>, vector<16xi32>], vector<16xf32>,
      %mul3A_318 = arith.constant 4 : i32
      %mul3A_319 = arith.muli %arg1, %mul3A_318 : i32
      %add3A_320 = arith.constant 3 : i32
      %add3A_321 = arith.addi %mul3A_319, %add3A_320 : i32
      %dma_wait3A_322 = arith.constant 0 : i32
      %dma_wait3A_323 = arith.constant 0 : i32
      %dma_wait3A_324 = tpu.memref_slice %arg2[%select_n3A, %add3A_237, %dma_wait3A_322, %dma_wait3A_323] : memref<1x64x128x128xf32, #tpu.memory_space<hbm>> -> memref<1x1x128x128xf32, #tpu.memory_space<hbm>>
      %dma_wait3A_325 = tpu.memref_squeeze %dma_wait3A_324 : memref<1x1x128x128xf32, #tpu.memory_space<hbm>> -> memref<128x128xf32, #tpu.memory_space<hbm>>
      %dma_wait3A_326 = arith.constant 0 : i32
      %dma_wait3A_327 = arith.constant 0 : i32
      %dma_wait3A_328 = tpu.memref_slice %arg2[%select_n3A, %add3A_237, %dma_wait3A_326, %dma_wait3A_327] : memref<1x64x128x128xf32, #tpu.memory_space<hbm>> -> memref<1x1x128x128xf32, #tpu.memory_space<hbm>>
      %dma_wait3A_329 = tpu.memref_squeeze %dma_wait3A_328 : memref<1x1x128x128xf32, #tpu.memory_space<hbm>> -> memref<128x128xf32, #tpu.memory_space<hbm>>
      tpu.wait_dma2 semaphore(%arg12 : memref<!tpu.dma_semaphore, #tpu.memory_space<semaphore_mem>>) src(%dma_wait3A_329 : memref<128x128xf32, #tpu.memory_space<hbm>>) dst(%arg9 : memref<128x128xf32, #tpu.memory_space<vmem>>)
      "tpu.region"() ({
        %run_scoped3A_416 = tpu.sem_alloc : memref<!tpu.dma_semaphore, #tpu.memory_space<semaphore_mem>>
        %dma_start3A_417 = arith.constant 0 : i32
        %dma_start3A_418 = tpu.memref_slice %arg7[%add3A_321, %dma_start3A_417] : memref<128x128xi32, #tpu.memory_space<vmem>> -> memref<1x128xi32, #tpu.memory_space<vmem>>
        %dma_start3A_419 = tpu.memref_squeeze %dma_start3A_418 : memref<1x128xi32, #tpu.memory_space<vmem>> -> memref<128xi32, #tpu.memory_space<vmem>>
        %dma_start3A_420 = arith.constant 0 : i32
        %dma_start3A_421 = arith.constant 0 : i32
        %dma_start3A_422 = tpu.memref_slice %arg11[%dma_start3A_420, %dma_start3A_421] : memref<4096x128xf32, #tpu.memory_space<vmem_shared>> -> memref<4096x128xf32, #tpu.memory_space<vmem_shared>>
        tpu.enqueue_indirect_dma source(%arg9 : memref<128x128xf32, #tpu.memory_space<vmem>>) target(%dma_start3A_422 : memref<4096x128xf32, #tpu.memory_space<vmem_shared>>) offsets(%dma_start3A_419 : memref<128xi32, #tpu.memory_space<vmem>>) semaphore(%run_scoped3A_416 : memref<!tpu.dma_semaphore, #tpu.memory_space<semaphore_mem>>) {add = true}
        %dma_wait3A_423 = arith.constant 0 : i32
        %dma_wait3A_424 = tpu.memref_slice %arg7[%add3A_321, %dma_wait3A_423] : memref<128x128xi32, #tpu.memory_space<vmem>> -> memref<1x128xi32, #tpu.memory_space<vmem>>
        %dma_wait3A_425 = tpu.memref_squeeze %dma_wait3A_424 : memref<1x128xi32, #tpu.memory_space<vmem>> -> memref<128xi32, #tpu.memory_space<vmem>>
        %dma_wait3A_426 = arith.constant 0 : i32
        %dma_wait3A_427 = arith.constant 0 : i32
        %dma_wait3A_428 = tpu.memref_slice %arg11[%dma_wait3A_426, %dma_wait3A_427] : memref<4096x128xf32, #tpu.memory_space<vmem_shared>> -> memref<4096x128xf32, #tpu.memory_space<vmem_shared>>
        tpu.wait_indirect_dma semaphore(%run_scoped3A_416 : memref<!tpu.dma_semaphore, #tpu.memory_space<semaphore_mem>>) src(%arg9 : memref<128x128xf32, #tpu.memory_space<vmem>>) dst(%dma_wait3A_428 : memref<4096x128xf32, #tpu.memory_space<vmem_shared>>)
        tpu.yield
      }) : () -> ()
      %get3A_330 = arith.index_cast %add3A_321 : i32 to index
      %get3A_331 = arith.constant 0 : index
      %get3A_332 = tpu.vector_load %arg7[%get3A_330, %get3A_331] {strides = array<i32>} : memref<128x128xi32, #tpu.memory_space<vmem>>, vector<16xi32>,
      %shift_right_logical3A_333 = arith.constant 7 : i32
      %shift_right_logical3A_334 = vector.broadcast %shift_right_logical3A_333 : i32 to vector<16xi32>
      %shift_right_logical3A_335 = arith.shrui %get3A_332, %shift_right_logical3A_334 : vector<16xi32>
      %and3A_336 = arith.constant 127 : i32
      %and3A_337 = vector.broadcast %and3A_336 : i32 to vector<16xi32>
      %and3A_338 = arith.andi %get3A_332, %and3A_337 : vector<16xi32>
      tpu.vector_store_idx %arg10[%shift_right_logical3A_335, %and3A_338], %broadcast_in_dim3A_1 {add = true} : memref<32x128xf32, #tpu.memory_space<vmem>>[vector<16xi32>, vector<16xi32>], vector<16xf32>,
      %get3A_339 = arith.index_cast %add3A_321 : i32 to index
      %get3A_340 = arith.constant 16 : index
      %get3A_341 = tpu.vector_load %arg7[%get3A_339, %get3A_340] {strides = array<i32>} : memref<128x128xi32, #tpu.memory_space<vmem>>, vector<16xi32>,
      %shift_right_logical3A_342 = arith.constant 7 : i32
      %shift_right_logical3A_343 = vector.broadcast %shift_right_logical3A_342 : i32 to vector<16xi32>
      %shift_right_logical3A_344 = arith.shrui %get3A_341, %shift_right_logical3A_343 : vector<16xi32>
      %and3A_345 = arith.constant 127 : i32
      %and3A_346 = vector.broadcast %and3A_345 : i32 to vector<16xi32>
      %and3A_347 = arith.andi %get3A_341, %and3A_346 : vector<16xi32>
      tpu.vector_store_idx %arg10[%shift_right_logical3A_344, %and3A_347], %broadcast_in_dim3A_1 {add = true} : memref<32x128xf32, #tpu.memory_space<vmem>>[vector<16xi32>, vector<16xi32>], vector<16xf32>,
      %get3A_348 = arith.index_cast %add3A_321 : i32 to index
      %get3A_349 = arith.constant 32 : index
      %get3A_350 = tpu.vector_load %arg7[%get3A_348, %get3A_349] {strides = array<i32>} : memref<128x128xi32, #tpu.memory_space<vmem>>, vector<16xi32>,
      %shift_right_logical3A_351 = arith.constant 7 : i32
      %shift_right_logical3A_352 = vector.broadcast %shift_right_logical3A_351 : i32 to vector<16xi32>
      %shift_right_logical3A_353 = arith.shrui %get3A_350, %shift_right_logical3A_352 : vector<16xi32>
      %and3A_354 = arith.constant 127 : i32
      %and3A_355 = vector.broadcast %and3A_354 : i32 to vector<16xi32>
      %and3A_356 = arith.andi %get3A_350, %and3A_355 : vector<16xi32>
      tpu.vector_store_idx %arg10[%shift_right_logical3A_353, %and3A_356], %broadcast_in_dim3A_1 {add = true} : memref<32x128xf32, #tpu.memory_space<vmem>>[vector<16xi32>, vector<16xi32>], vector<16xf32>,
      %get3A_357 = arith.index_cast %add3A_321 : i32 to index
      %get3A_358 = arith.constant 48 : index
      %get3A_359 = tpu.vector_load %arg7[%get3A_357, %get3A_358] {strides = array<i32>} : memref<128x128xi32, #tpu.memory_space<vmem>>, vector<16xi32>,
      %shift_right_logical3A_360 = arith.constant 7 : i32
      %shift_right_logical3A_361 = vector.broadcast %shift_right_logical3A_360 : i32 to vector<16xi32>
      %shift_right_logical3A_362 = arith.shrui %get3A_359, %shift_right_logical3A_361 : vector<16xi32>
      %and3A_363 = arith.constant 127 : i32
      %and3A_364 = vector.broadcast %and3A_363 : i32 to vector<16xi32>
      %and3A_365 = arith.andi %get3A_359, %and3A_364 : vector<16xi32>
      tpu.vector_store_idx %arg10[%shift_right_logical3A_362, %and3A_365], %broadcast_in_dim3A_1 {add = true} : memref<32x128xf32, #tpu.memory_space<vmem>>[vector<16xi32>, vector<16xi32>], vector<16xf32>,
      %get3A_366 = arith.index_cast %add3A_321 : i32 to index
      %get3A_367 = arith.constant 64 : index
      %get3A_368 = tpu.vector_load %arg7[%get3A_366, %get3A_367] {strides = array<i32>} : memref<128x128xi32, #tpu.memory_space<vmem>>, vector<16xi32>,
      %shift_right_logical3A_369 = arith.constant 7 : i32
      %shift_right_logical3A_370 = vector.broadcast %shift_right_logical3A_369 : i32 to vector<16xi32>
      %shift_right_logical3A_371 = arith.shrui %get3A_368, %shift_right_logical3A_370 : vector<16xi32>
      %and3A_372 = arith.constant 127 : i32
      %and3A_373 = vector.broadcast %and3A_372 : i32 to vector<16xi32>
      %and3A_374 = arith.andi %get3A_368, %and3A_373 : vector<16xi32>
      tpu.vector_store_idx %arg10[%shift_right_logical3A_371, %and3A_374], %broadcast_in_dim3A_1 {add = true} : memref<32x128xf32, #tpu.memory_space<vmem>>[vector<16xi32>, vector<16xi32>], vector<16xf32>,
      %get3A_375 = arith.index_cast %add3A_321 : i32 to index
      %get3A_376 = arith.constant 80 : index
      %get3A_377 = tpu.vector_load %arg7[%get3A_375, %get3A_376] {strides = array<i32>} : memref<128x128xi32, #tpu.memory_space<vmem>>, vector<16xi32>,
      %shift_right_logical3A_378 = arith.constant 7 : i32
      %shift_right_logical3A_379 = vector.broadcast %shift_right_logical3A_378 : i32 to vector<16xi32>
      %shift_right_logical3A_380 = arith.shrui %get3A_377, %shift_right_logical3A_379 : vector<16xi32>
      %and3A_381 = arith.constant 127 : i32
      %and3A_382 = vector.broadcast %and3A_381 : i32 to vector<16xi32>
      %and3A_383 = arith.andi %get3A_377, %and3A_382 : vector<16xi32>
      tpu.vector_store_idx %arg10[%shift_right_logical3A_380, %and3A_383], %broadcast_in_dim3A_1 {add = true} : memref<32x128xf32, #tpu.memory_space<vmem>>[vector<16xi32>, vector<16xi32>], vector<16xf32>,
      %get3A_384 = arith.index_cast %add3A_321 : i32 to index
      %get3A_385 = arith.constant 96 : index
      %get3A_386 = tpu.vector_load %arg7[%get3A_384, %get3A_385] {strides = array<i32>} : memref<128x128xi32, #tpu.memory_space<vmem>>, vector<16xi32>,
      %shift_right_logical3A_387 = arith.constant 7 : i32
      %shift_right_logical3A_388 = vector.broadcast %shift_right_logical3A_387 : i32 to vector<16xi32>
      %shift_right_logical3A_389 = arith.shrui %get3A_386, %shift_right_logical3A_388 : vector<16xi32>
      %and3A_390 = arith.constant 127 : i32
      %and3A_391 = vector.broadcast %and3A_390 : i32 to vector<16xi32>
      %and3A_392 = arith.andi %get3A_386, %and3A_391 : vector<16xi32>
      tpu.vector_store_idx %arg10[%shift_right_logical3A_389, %and3A_392], %broadcast_in_dim3A_1 {add = true} : memref<32x128xf32, #tpu.memory_space<vmem>>[vector<16xi32>, vector<16xi32>], vector<16xf32>,
      %get3A_393 = arith.index_cast %add3A_321 : i32 to index
      %get3A_394 = arith.constant 112 : index
      %get3A_395 = tpu.vector_load %arg7[%get3A_393, %get3A_394] {strides = array<i32>} : memref<128x128xi32, #tpu.memory_space<vmem>>, vector<16xi32>,
      %shift_right_logical3A_396 = arith.constant 7 : i32
      %shift_right_logical3A_397 = vector.broadcast %shift_right_logical3A_396 : i32 to vector<16xi32>
      %shift_right_logical3A_398 = arith.shrui %get3A_395, %shift_right_logical3A_397 : vector<16xi32>
      %and3A_399 = arith.constant 127 : i32
      %and3A_400 = vector.broadcast %and3A_399 : i32 to vector<16xi32>
      %and3A_401 = arith.andi %get3A_395, %and3A_400 : vector<16xi32>
      tpu.vector_store_idx %arg10[%shift_right_logical3A_398, %and3A_401], %broadcast_in_dim3A_1 {add = true} : memref<32x128xf32, #tpu.memory_space<vmem>>[vector<16xi32>, vector<16xi32>], vector<16xf32>,
      "tpu.region"() ({
        %run_scoped3A_416 = tpu.sem_alloc : memref<!tpu.dma_semaphore, #tpu.memory_space<semaphore_mem>>
        %dma_start3A_417 = arith.constant 0 : i32
        %dma_start3A_418 = arith.constant 0 : i32
        %dma_start3A_419 = tpu.memref_slice %arg6[%add3A_13, %arg1, %dma_start3A_417, %dma_start3A_418] : memref<4x16x32x128xf32, #tpu.memory_space<hbm>> -> memref<1x1x32x128xf32, #tpu.memory_space<hbm>>
        %dma_start3A_420 = tpu.memref_squeeze %dma_start3A_419 : memref<1x1x32x128xf32, #tpu.memory_space<hbm>> -> memref<32x128xf32, #tpu.memory_space<hbm>>
        %dma_start3A_421 = arith.constant 0 : i32
        %dma_start3A_422 = arith.constant 0 : i32
        %dma_start3A_423 = tpu.memref_slice %arg6[%add3A_13, %arg1, %dma_start3A_421, %dma_start3A_422] : memref<4x16x32x128xf32, #tpu.memory_space<hbm>> -> memref<1x1x32x128xf32, #tpu.memory_space<hbm>>
        %dma_start3A_424 = tpu.memref_squeeze %dma_start3A_423 : memref<1x1x32x128xf32, #tpu.memory_space<hbm>> -> memref<32x128xf32, #tpu.memory_space<hbm>>
        tpu.enqueue_dma source(%arg10 : memref<32x128xf32, #tpu.memory_space<vmem>>) target(%dma_start3A_424 : memref<32x128xf32, #tpu.memory_space<hbm>>) target_semaphore(%run_scoped3A_416 : memref<!tpu.dma_semaphore, #tpu.memory_space<semaphore_mem>>)
        %dma_wait3A_425 = arith.constant 0 : i32
        %dma_wait3A_426 = arith.constant 0 : i32
        %dma_wait3A_427 = tpu.memref_slice %arg6[%add3A_13, %arg1, %dma_wait3A_425, %dma_wait3A_426] : memref<4x16x32x128xf32, #tpu.memory_space<hbm>> -> memref<1x1x32x128xf32, #tpu.memory_space<hbm>>
        %dma_wait3A_428 = tpu.memref_squeeze %dma_wait3A_427 : memref<1x1x32x128xf32, #tpu.memory_space<hbm>> -> memref<32x128xf32, #tpu.memory_space<hbm>>
        %dma_wait3A_429 = arith.constant 0 : i32
        %dma_wait3A_430 = arith.constant 0 : i32
        %dma_wait3A_431 = tpu.memref_slice %arg6[%add3A_13, %arg1, %dma_wait3A_429, %dma_wait3A_430] : memref<4x16x32x128xf32, #tpu.memory_space<hbm>> -> memref<1x1x32x128xf32, #tpu.memory_space<hbm>>
        %dma_wait3A_432 = tpu.memref_squeeze %dma_wait3A_431 : memref<1x1x32x128xf32, #tpu.memory_space<hbm>> -> memref<32x128xf32, #tpu.memory_space<hbm>>
        tpu.wait_dma2 semaphore(%run_scoped3A_416 : memref<!tpu.dma_semaphore, #tpu.memory_space<semaphore_mem>>) src(%arg10 : memref<32x128xf32, #tpu.memory_space<vmem>>) dst(%dma_wait3A_432 : memref<32x128xf32, #tpu.memory_space<hbm>>)
        tpu.yield
      }) : () -> ()
      %barrier3A_402 = arith.constant 0 : index
      tpu.barrier barrier_id(%barrier3A_402)
      %add3A_403 = arith.constant 0 : i32
      %add3A_404 = arith.addi %mul3A_0, %add3A_403 : i32
      %add3A_405 = arith.constant 0 : i32
      %add3A_406 = arith.addi %mul3A_0, %add3A_405 : i32
      "tpu.region"() ({
        %run_scoped3A_416 = tpu.sem_alloc : memref<!tpu.dma_semaphore, #tpu.memory_space<semaphore_mem>>
        %dma_start3A_417 = arith.constant 0 : i32
        %dma_start3A_418 = tpu.memref_slice %arg5[%add3A_13, %add3A_406, %dma_start3A_417] : memref<4x4096x128xf32, #tpu.memory_space<hbm>> -> memref<1x128x128xf32, #tpu.memory_space<hbm>>
        %dma_start3A_419 = tpu.memref_squeeze %dma_start3A_418 : memref<1x128x128xf32, #tpu.memory_space<hbm>> -> memref<128x128xf32, #tpu.memory_space<hbm>>
        %dma_start3A_420 = arith.constant 0 : i32
        %dma_start3A_421 = tpu.memref_slice %arg11[%add3A_404, %dma_start3A_420] : memref<4096x128xf32, #tpu.memory_space<vmem_shared>> -> memref<128x128xf32, #tpu.memory_space<vmem_shared>>
        tpu.enqueue_dma source(%dma_start3A_421 : memref<128x128xf32, #tpu.memory_space<vmem_shared>>) target(%dma_start3A_419 : memref<128x128xf32, #tpu.memory_space<hbm>>) target_semaphore(%run_scoped3A_416 : memref<!tpu.dma_semaphore, #tpu.memory_space<semaphore_mem>>)
        %dma_wait3A_422 = arith.constant 0 : i32
        %dma_wait3A_423 = tpu.memref_slice %arg5[%add3A_13, %add3A_406, %dma_wait3A_422] : memref<4x4096x128xf32, #tpu.memory_space<hbm>> -> memref<1x128x128xf32, #tpu.memory_space<hbm>>
        %dma_wait3A_424 = tpu.memref_squeeze %dma_wait3A_423 : memref<1x128x128xf32, #tpu.memory_space<hbm>> -> memref<128x128xf32, #tpu.memory_space<hbm>>
        %dma_wait3A_425 = arith.constant 0 : i32
        %dma_wait3A_426 = tpu.memref_slice %arg11[%add3A_404, %dma_wait3A_425] : memref<4096x128xf32, #tpu.memory_space<vmem_shared>> -> memref<128x128xf32, #tpu.memory_space<vmem_shared>>
        tpu.wait_dma2 semaphore(%run_scoped3A_416 : memref<!tpu.dma_semaphore, #tpu.memory_space<semaphore_mem>>) src(%dma_wait3A_426 : memref<128x128xf32, #tpu.memory_space<vmem_shared>>) dst(%dma_wait3A_424 : memref<128x128xf32, #tpu.memory_space<hbm>>)
        tpu.yield
      }) : () -> ()
      %add3A_407 = arith.constant 0 : i32
      %add3A_408 = arith.addi %mul3A_0, %add3A_407 : i32
      "tpu.region"() ({
        %run_scoped3A_416 = tpu.sem_alloc : memref<!tpu.dma_semaphore, #tpu.memory_space<semaphore_mem>>
        %dma_start3A_417 = arith.constant 0 : i32
        %dma_start3A_418 = tpu.memref_slice %arg11[%add3A_408, %dma_start3A_417] : memref<4096x128xf32, #tpu.memory_space<vmem_shared>> -> memref<128x128xf32, #tpu.memory_space<vmem_shared>>
        tpu.enqueue_dma source(%arg4 : memref<128x128xf32, #tpu.memory_space<hbm>>) target(%dma_start3A_418 : memref<128x128xf32, #tpu.memory_space<vmem_shared>>) target_semaphore(%run_scoped3A_416 : memref<!tpu.dma_semaphore, #tpu.memory_space<semaphore_mem>>)
        %dma_wait3A_419 = arith.constant 0 : i32
        %dma_wait3A_420 = tpu.memref_slice %arg11[%add3A_408, %dma_wait3A_419] : memref<4096x128xf32, #tpu.memory_space<vmem_shared>> -> memref<128x128xf32, #tpu.memory_space<vmem_shared>>
        tpu.wait_dma2 semaphore(%run_scoped3A_416 : memref<!tpu.dma_semaphore, #tpu.memory_space<semaphore_mem>>) src(%arg4 : memref<128x128xf32, #tpu.memory_space<hbm>>) dst(%dma_wait3A_420 : memref<128x128xf32, #tpu.memory_space<vmem_shared>>)
        tpu.yield
      }) : () -> ()
      %add3A_409 = arith.constant 128 : i32
      %add3A_410 = arith.addi %mul3A_0, %add3A_409 : i32
      %add3A_411 = arith.constant 128 : i32
      %add3A_412 = arith.addi %mul3A_0, %add3A_411 : i32
      "tpu.region"() ({
        %run_scoped3A_416 = tpu.sem_alloc : memref<!tpu.dma_semaphore, #tpu.memory_space<semaphore_mem>>
        %dma_start3A_417 = arith.constant 0 : i32
        %dma_start3A_418 = tpu.memref_slice %arg5[%add3A_13, %add3A_412, %dma_start3A_417] : memref<4x4096x128xf32, #tpu.memory_space<hbm>> -> memref<1x128x128xf32, #tpu.memory_space<hbm>>
        %dma_start3A_419 = tpu.memref_squeeze %dma_start3A_418 : memref<1x128x128xf32, #tpu.memory_space<hbm>> -> memref<128x128xf32, #tpu.memory_space<hbm>>
        %dma_start3A_420 = arith.constant 0 : i32
        %dma_start3A_421 = tpu.memref_slice %arg11[%add3A_410, %dma_start3A_420] : memref<4096x128xf32, #tpu.memory_space<vmem_shared>> -> memref<128x128xf32, #tpu.memory_space<vmem_shared>>
        tpu.enqueue_dma source(%dma_start3A_421 : memref<128x128xf32, #tpu.memory_space<vmem_shared>>) target(%dma_start3A_419 : memref<128x128xf32, #tpu.memory_space<hbm>>) target_semaphore(%run_scoped3A_416 : memref<!tpu.dma_semaphore, #tpu.memory_space<semaphore_mem>>)
        %dma_wait3A_422 = arith.constant 0 : i32
        %dma_wait3A_423 = tpu.memref_slice %arg5[%add3A_13, %add3A_412, %dma_wait3A_422] : memref<4x4096x128xf32, #tpu.memory_space<hbm>> -> memref<1x128x128xf32, #tpu.memory_space<hbm>>
        %dma_wait3A_424 = tpu.memref_squeeze %dma_wait3A_423 : memref<1x128x128xf32, #tpu.memory_space<hbm>> -> memref<128x128xf32, #tpu.memory_space<hbm>>
        %dma_wait3A_425 = arith.constant 0 : i32
        %dma_wait3A_426 = tpu.memref_slice %arg11[%add3A_410, %dma_wait3A_425] : memref<4096x128xf32, #tpu.memory_space<vmem_shared>> -> memref<128x128xf32, #tpu.memory_space<vmem_shared>>
        tpu.wait_dma2 semaphore(%run_scoped3A_416 : memref<!tpu.dma_semaphore, #tpu.memory_space<semaphore_mem>>) src(%dma_wait3A_426 : memref<128x128xf32, #tpu.memory_space<vmem_shared>>) dst(%dma_wait3A_424 : memref<128x128xf32, #tpu.memory_space<hbm>>)
        tpu.yield
      }) : () -> ()
      %add3A_413 = arith.constant 128 : i32
      %add3A_414 = arith.addi %mul3A_0, %add3A_413 : i32
      "tpu.region"() ({
        %run_scoped3A_416 = tpu.sem_alloc : memref<!tpu.dma_semaphore, #tpu.memory_space<semaphore_mem>>
        %dma_start3A_417 = arith.constant 0 : i32
        %dma_start3A_418 = tpu.memref_slice %arg11[%add3A_414, %dma_start3A_417] : memref<4096x128xf32, #tpu.memory_space<vmem_shared>> -> memref<128x128xf32, #tpu.memory_space<vmem_shared>>
        tpu.enqueue_dma source(%arg4 : memref<128x128xf32, #tpu.memory_space<hbm>>) target(%dma_start3A_418 : memref<128x128xf32, #tpu.memory_space<vmem_shared>>) target_semaphore(%run_scoped3A_416 : memref<!tpu.dma_semaphore, #tpu.memory_space<semaphore_mem>>)
        %dma_wait3A_419 = arith.constant 0 : i32
        %dma_wait3A_420 = tpu.memref_slice %arg11[%add3A_414, %dma_wait3A_419] : memref<4096x128xf32, #tpu.memory_space<vmem_shared>> -> memref<128x128xf32, #tpu.memory_space<vmem_shared>>
        tpu.wait_dma2 semaphore(%run_scoped3A_416 : memref<!tpu.dma_semaphore, #tpu.memory_space<semaphore_mem>>) src(%arg4 : memref<128x128xf32, #tpu.memory_space<hbm>>) dst(%dma_wait3A_420 : memref<128x128xf32, #tpu.memory_space<vmem_shared>>)
        tpu.yield
      }) : () -> ()
      %barrier3A_415 = arith.constant 0 : index
      tpu.barrier barrier_id(%barrier3A_415)
    }
    %scan3A_9 = arith.constant 2 : i32
    return
  }
}

#map = affine_map<(d0, d1) -> (0, 0, 0, 0)>
#map1 = affine_map<(d0, d1) -> (0, 0)>
#map2 = affine_map<(d0, d1) -> (0, 0, 0)>
module attributes {stable_mosaic.version = 14 : i64} {
  func.func @_sc_body(%arg0: i32, %arg1: i32, %arg2: memref<1x64x128x128xf32, #tpu.memory_space<hbm>>, %arg3: memref<4x1x128x128xi32, #tpu.memory_space<hbm>>, %arg4: memref<128x128xf32, #tpu.memory_space<hbm>>, %arg5: memref<4x4096x128xf32, #tpu.memory_space<hbm>>, %arg6: memref<4x16x32x128xf32, #tpu.memory_space<hbm>>, %arg7: memref<128x128xi32, #tpu.memory_space<vmem>>, %arg8: memref<128x128xf32, #tpu.memory_space<vmem>>, %arg9: memref<128x128xf32, #tpu.memory_space<vmem>>, %arg10: memref<32x128xf32, #tpu.memory_space<vmem>>, %arg11: memref<4096x128xf32, #tpu.memory_space<vmem_shared>>, %arg12: memref<!tpu.dma_semaphore, #tpu.memory_space<semaphore_mem>>) attributes {dimension_semantics = [#tpu.dimension_semantics<core_parallel>, #tpu.dimension_semantics<subcore_parallel>], iteration_bounds = array<i64: 2, 16>, scalar_prefetch = 0 : i64, scratch_operands = 6 : i64, tpu.core_type = #tpu.core_type<sc_vector_subcore>, window_params = [{transform_indices = #map}, {transform_indices = #map}, {transform_indices = #map1}, {transform_indices = #map2}, {transform_indices = #map}]} {
    %mul3A = arith.constant 256 : i32
    %mul3A_0 = arith.muli %arg1, %mul3A : i32
    %broadcast_in_dim3A = arith.constant 1.000000e+00 : f32
    %broadcast_in_dim3A_1 = vector.broadcast %broadcast_in_dim3A : f32 to vector<16xf32>
    %add3A = arith.constant 0 : i32
    %add3A_2 = arith.addi %mul3A_0, %add3A : i32
    "tpu.region"() ({
      %run_scoped3A = tpu.sem_alloc : memref<!tpu.dma_semaphore, #tpu.memory_space<semaphore_mem>>
      %dma_start3A = arith.constant 0 : i32
      %dma_start3A_10 = tpu.memref_slice %arg11[%add3A_2, %dma_start3A] : memref<4096x128xf32, #tpu.memory_space<vmem_shared>> -> memref<128x128xf32, #tpu.memory_space<vmem_shared>>
      tpu.enqueue_dma source(%arg4 : memref<128x128xf32, #tpu.memory_space<hbm>>) target(%dma_start3A_10 : memref<128x128xf32, #tpu.memory_space<vmem_shared>>) target_semaphore(%run_scoped3A : memref<!tpu.dma_semaphore, #tpu.memory_space<semaphore_mem>>)
      %dma_wait3A = arith.constant 0 : i32
      %dma_wait3A_11 = tpu.memref_slice %arg11[%add3A_2, %dma_wait3A] : memref<4096x128xf32, #tpu.memory_space<vmem_shared>> -> memref<128x128xf32, #tpu.memory_space<vmem_shared>>
      tpu.wait_dma2 semaphore(%run_scoped3A : memref<!tpu.dma_semaphore, #tpu.memory_space<semaphore_mem>>) src(%arg4 : memref<128x128xf32, #tpu.memory_space<hbm>>) dst(%dma_wait3A_11 : memref<128x128xf32, #tpu.memory_space<vmem_shared>>)
      tpu.yield
    }) : () -> ()
    %add3A_3 = arith.constant 128 : i32
    %add3A_4 = arith.addi %mul3A_0, %add3A_3 : i32
    "tpu.region"() ({
      %run_scoped3A = tpu.sem_alloc : memref<!tpu.dma_semaphore, #tpu.memory_space<semaphore_mem>>
      %dma_start3A = arith.constant 0 : i32
      %dma_start3A_10 = tpu.memref_slice %arg11[%add3A_4, %dma_start3A] : memref<4096x128xf32, #tpu.memory_space<vmem_shared>> -> memref<128x128xf32, #tpu.memory_space<vmem_shared>>
      tpu.enqueue_dma source(%arg4 : memref<128x128xf32, #tpu.memory_space<hbm>>) target(%dma_start3A_10 : memref<128x128xf32, #tpu.memory_space<vmem_shared>>) target_semaphore(%run_scoped3A : memref<!tpu.dma_semaphore, #tpu.memory_space<semaphore_mem>>)
      %dma_wait3A = arith.constant 0 : i32
      %dma_wait3A_11 = tpu.memref_slice %arg11[%add3A_4, %dma_wait3A] : memref<4096x128xf32, #tpu.memory_space<vmem_shared>> -> memref<128x128xf32, #tpu.memory_space<vmem_shared>>
      tpu.wait_dma2 semaphore(%run_scoped3A : memref<!tpu.dma_semaphore, #tpu.memory_space<semaphore_mem>>) src(%arg4 : memref<128x128xf32, #tpu.memory_space<hbm>>) dst(%dma_wait3A_11 : memref<128x128xf32, #tpu.memory_space<vmem_shared>>)
      tpu.yield
    }) : () -> ()
    %barrier3A = arith.constant 0 : index
    tpu.barrier barrier_id(%barrier3A)
    %scan3A = arith.constant 0 : i32
    %scan3A_5 = arith.constant 0 : i32
    %scan3A_6 = arith.constant 2 : i32
    %scan3A_7 = arith.addi %scan3A_5, %scan3A_6 : i32
    %scan3A_8 = arith.constant 1 : i32
    scf.for %scan3A_10 = %scan3A_5 to %scan3A_7 step %scan3A_8  : i32 {
      %mul3A_11 = arith.constant 2 : i32
      %mul3A_12 = arith.muli %arg0, %mul3A_11 : i32
      %add3A_13 = arith.addi %mul3A_12, %scan3A_10 : i32
      %jit3A = arith.constant 4 : i32
      %div3A = arith.divsi %add3A_13, %jit3A : i32
      %sign3A = arith.constant 0 : i32
      %sign3A_14 = arith.cmpi sgt, %add3A_13, %sign3A : i32
      %sign3A_15 = arith.extui %sign3A_14 : i1 to i32
      %sign3A_16 = arith.constant 0 : i32
      %sign3A_17 = arith.cmpi slt, %add3A_13, %sign3A_16 : i32
      %sign3A_18 = arith.extui %sign3A_17 : i1 to i32
      %sign3A_19 = arith.subi %sign3A_15, %sign3A_18 : i32
      %sign3A_20 = arith.constant 0 : i32
      %sign3A_21 = arith.cmpi sgt, %jit3A, %sign3A_20 : i32
      %sign3A_22 = arith.extui %sign3A_21 : i1 to i32
      %sign3A_23 = arith.constant 0 : i32
      %sign3A_24 = arith.cmpi slt, %jit3A, %sign3A_23 : i32
      %sign3A_25 = arith.extui %sign3A_24 : i1 to i32
      %sign3A_26 = arith.subi %sign3A_22, %sign3A_25 : i32
      %ne3A = arith.cmpi ne, %sign3A_19, %sign3A_26 : i32
      %rem3A = arith.remsi %add3A_13, %jit3A : i32
      %ne3A_27 = arith.constant 0 : i32
      %ne3A_28 = arith.cmpi ne, %rem3A, %ne3A_27 : i32
      %and3A = arith.andi %ne3A, %ne3A_28 : i1
      %sub3A = arith.constant 1 : i32
      %sub3A_29 = arith.subi %div3A, %sub3A : i32
      %select_n3A = arith.select %and3A, %sub3A_29, %div3A : i32
      %mul3A_30 = arith.constant 4 : i32
      %mul3A_31 = arith.muli %arg1, %mul3A_30 : i32
      %dma_start3A = arith.constant 0 : i32
      %dma_start3A_32 = arith.constant 0 : i32
      %dma_start3A_33 = tpu.memref_slice %arg2[%select_n3A, %mul3A_31, %dma_start3A, %dma_start3A_32] : memref<1x64x128x128xf32, #tpu.memory_space<hbm>> -> memref<1x1x128x128xf32, #tpu.memory_space<hbm>>
      %dma_start3A_34 = tpu.memref_squeeze %dma_start3A_33 : memref<1x1x128x128xf32, #tpu.memory_space<hbm>> -> memref<128x128xf32, #tpu.memory_space<hbm>>
      %dma_start3A_35 = arith.constant 0 : i32
      %dma_start3A_36 = arith.constant 0 : i32
      %dma_start3A_37 = tpu.memref_slice %arg2[%select_n3A, %mul3A_31, %dma_start3A_35, %dma_start3A_36] : memref<1x64x128x128xf32, #tpu.memory_space<hbm>> -> memref<1x1x128x128xf32, #tpu.memory_space<hbm>>
      %dma_start3A_38 = tpu.memref_squeeze %dma_start3A_37 : memref<1x1x128x128xf32, #tpu.memory_space<hbm>> -> memref<128x128xf32, #tpu.memory_space<hbm>>
      tpu.enqueue_dma source(%dma_start3A_38 : memref<128x128xf32, #tpu.memory_space<hbm>>) target(%arg8 : memref<128x128xf32, #tpu.memory_space<vmem>>) target_semaphore(%arg12 : memref<!tpu.dma_semaphore, #tpu.memory_space<semaphore_mem>>)
      %run_scoped3A = arith.constant 0 : i32
      "tpu.region"() ({
        %run_scoped3A_416 = tpu.sem_alloc : memref<!tpu.dma_semaphore, #tpu.memory_space<semaphore_mem>>
        %dma_start3A_417 = arith.constant 0 : i32
        %dma_start3A_418 = arith.constant 0 : i32
        %dma_start3A_419 = tpu.memref_slice %arg3[%add3A_13, %run_scoped3A, %dma_start3A_417, %dma_start3A_418] : memref<4x1x128x128xi32, #tpu.memory_space<hbm>> -> memref<1x1x128x128xi32, #tpu.memory_space<hbm>>
        %dma_start3A_420 = tpu.memref_squeeze %dma_start3A_419 : memref<1x1x128x128xi32, #tpu.memory_space<hbm>> -> memref<128x128xi32, #tpu.memory_space<hbm>>
        %dma_start3A_421 = arith.constant 0 : i32
        %dma_start3A_422 = arith.constant 0 : i32
        %dma_start3A_423 = tpu.memref_slice %arg3[%add3A_13, %run_scoped3A, %dma_start3A_421, %dma_start3A_422] : memref<4x1x128x128xi32, #tpu.memory_space<hbm>> -> memref<1x1x128x128xi32, #tpu.memory_space<hbm>>
        %dma_start3A_424 = tpu.memref_squeeze %dma_start3A_423 : memref<1x1x128x128xi32, #tpu.memory_space<hbm>> -> memref<128x128xi32, #tpu.memory_space<hbm>>
        tpu.enqueue_dma source(%dma_start3A_424 : memref<128x128xi32, #tpu.memory_space<hbm>>) target(%arg7 : memref<128x128xi32, #tpu.memory_space<vmem>>) target_semaphore(%run_scoped3A_416 : memref<!tpu.dma_semaphore, #tpu.memory_space<semaphore_mem>>)
        %dma_wait3A_425 = arith.constant 0 : i32
        %dma_wait3A_426 = arith.constant 0 : i32
        %dma_wait3A_427 = tpu.memref_slice %arg3[%add3A_13, %run_scoped3A, %dma_wait3A_425, %dma_wait3A_426] : memref<4x1x128x128xi32, #tpu.memory_space<hbm>> -> memref<1x1x128x128xi32, #tpu.memory_space<hbm>>
        %dma_wait3A_428 = tpu.memref_squeeze %dma_wait3A_427 : memref<1x1x128x128xi32, #tpu.memory_space<hbm>> -> memref<128x128xi32, #tpu.memory_space<hbm>>
        %dma_wait3A_429 = arith.constant 0 : i32
        %dma_wait3A_430 = arith.constant 0 : i32
        %dma_wait3A_431 = tpu.memref_slice %arg3[%add3A_13, %run_scoped3A, %dma_wait3A_429, %dma_wait3A_430] : memref<4x1x128x128xi32, #tpu.memory_space<hbm>> -> memref<1x1x128x128xi32, #tpu.memory_space<hbm>>
        %dma_wait3A_432 = tpu.memref_squeeze %dma_wait3A_431 : memref<1x1x128x128xi32, #tpu.memory_space<hbm>> -> memref<128x128xi32, #tpu.memory_space<hbm>>
        tpu.wait_dma2 semaphore(%run_scoped3A_416 : memref<!tpu.dma_semaphore, #tpu.memory_space<semaphore_mem>>) src(%dma_wait3A_432 : memref<128x128xi32, #tpu.memory_space<hbm>>) dst(%arg7 : memref<128x128xi32, #tpu.memory_space<vmem>>)
        tpu.yield
      }) : () -> ()
      "tpu.region"() ({
        %run_scoped3A_416 = tpu.sem_alloc : memref<!tpu.dma_semaphore, #tpu.memory_space<semaphore_mem>>
        %dma_start3A_417 = arith.constant 0 : i32
        %dma_start3A_418 = arith.constant 0 : i32
        %dma_start3A_419 = tpu.memref_slice %arg4[%dma_start3A_417, %dma_start3A_418] : memref<128x128xf32, #tpu.memory_space<hbm>> -> memref<32x128xf32, #tpu.memory_space<hbm>>
        %dma_start3A_420 = arith.constant 0 : i32
        %dma_start3A_421 = arith.constant 0 : i32
        %dma_start3A_422 = tpu.memref_slice %arg4[%dma_start3A_420, %dma_start3A_421] : memref<128x128xf32, #tpu.memory_space<hbm>> -> memref<32x128xf32, #tpu.memory_space<hbm>>
        tpu.enqueue_dma source(%dma_start3A_422 : memref<32x128xf32, #tpu.memory_space<hbm>>) target(%arg10 : memref<32x128xf32, #tpu.memory_space<vmem>>) target_semaphore(%run_scoped3A_416 : memref<!tpu.dma_semaphore, #tpu.memory_space<semaphore_mem>>)
        %dma_wait3A_423 = arith.constant 0 : i32
        %dma_wait3A_424 = arith.constant 0 : i32
        %dma_wait3A_425 = tpu.memref_slice %arg4[%dma_wait3A_423, %dma_wait3A_424] : memref<128x128xf32, #tpu.memory_space<hbm>> -> memref<32x128xf32, #tpu.memory_space<hbm>>
        %dma_wait3A_426 = arith.constant 0 : i32
        %dma_wait3A_427 = arith.constant 0 : i32
        %dma_wait3A_428 = tpu.memref_slice %arg4[%dma_wait3A_426, %dma_wait3A_427] : memref<128x128xf32, #tpu.memory_space<hbm>> -> memref<32x128xf32, #tpu.memory_space<hbm>>
        tpu.wait_dma2 semaphore(%run_scoped3A_416 : memref<!tpu.dma_semaphore, #tpu.memory_space<semaphore_mem>>) src(%dma_wait3A_428 : memref<32x128xf32, #tpu.memory_space<hbm>>) dst(%arg10 : memref<32x128xf32, #tpu.memory_space<vmem>>)
        tpu.yield
      }) : () -> ()
      %mul3A_39 = arith.constant 4 : i32
      %mul3A_40 = arith.muli %arg1, %mul3A_39 : i32
      %add3A_41 = arith.constant 0 : i32
      %add3A_42 = arith.addi %mul3A_40, %add3A_41 : i32
      %dma_wait3A = arith.constant 0 : i32
      %dma_wait3A_43 = arith.constant 0 : i32
      %dma_wait3A_44 = tpu.memref_slice %arg2[%select_n3A, %mul3A_31, %dma_wait3A, %dma_wait3A_43] : memref<1x64x128x128xf32, #tpu.memory_space<hbm>> -> memref<1x1x128x128xf32, #tpu.memory_space<hbm>>
      %dma_wait3A_45 = tpu.memref_squeeze %dma_wait3A_44 : memref<1x1x128x128xf32, #tpu.memory_space<hbm>> -> memref<128x128xf32, #tpu.memory_space<hbm>>
      %dma_wait3A_46 = arith.constant 0 : i32
      %dma_wait3A_47 = arith.constant 0 : i32
      %dma_wait3A_48 = tpu.memref_slice %arg2[%select_n3A, %mul3A_31, %dma_wait3A_46, %dma_wait3A_47] : memref<1x64x128x128xf32, #tpu.memory_space<hbm>> -> memref<1x1x128x128xf32, #tpu.memory_space<hbm>>
      %dma_wait3A_49 = tpu.memref_squeeze %dma_wait3A_48 : memref<1x1x128x128xf32, #tpu.memory_space<hbm>> -> memref<128x128xf32, #tpu.memory_space<hbm>>
      tpu.wait_dma2 semaphore(%arg12 : memref<!tpu.dma_semaphore, #tpu.memory_space<semaphore_mem>>) src(%dma_wait3A_49 : memref<128x128xf32, #tpu.memory_space<hbm>>) dst(%arg8 : memref<128x128xf32, #tpu.memory_space<vmem>>)
      %add3A_50 = arith.constant 1 : i32
      %add3A_51 = arith.addi %add3A_42, %add3A_50 : i32
      %dma_start3A_52 = arith.constant 0 : i32
      %dma_start3A_53 = arith.constant 0 : i32
      %dma_start3A_54 = tpu.memref_slice %arg2[%select_n3A, %add3A_51, %dma_start3A_52, %dma_start3A_53] : memref<1x64x128x128xf32, #tpu.memory_space<hbm>> -> memref<1x1x128x128xf32, #tpu.memory_space<hbm>>
      %dma_start3A_55 = tpu.memref_squeeze %dma_start3A_54 : memref<1x1x128x128xf32, #tpu.memory_space<hbm>> -> memref<128x128xf32, #tpu.memory_space<hbm>>
      %dma_start3A_56 = arith.constant 0 : i32
      %dma_start3A_57 = arith.constant 0 : i32
      %dma_start3A_58 = tpu.memref_slice %arg2[%select_n3A, %add3A_51, %dma_start3A_56, %dma_start3A_57] : memref<1x64x128x128xf32, #tpu.memory_space<hbm>> -> memref<1x1x128x128xf32, #tpu.memory_space<hbm>>
      %dma_start3A_59 = tpu.memref_squeeze %dma_start3A_58 : memref<1x1x128x128xf32, #tpu.memory_space<hbm>> -> memref<128x128xf32, #tpu.memory_space<hbm>>
      tpu.enqueue_dma source(%dma_start3A_59 : memref<128x128xf32, #tpu.memory_space<hbm>>) target(%arg9 : memref<128x128xf32, #tpu.memory_space<vmem>>) target_semaphore(%arg12 : memref<!tpu.dma_semaphore, #tpu.memory_space<semaphore_mem>>)
      "tpu.region"() ({
        %run_scoped3A_416 = tpu.sem_alloc : memref<!tpu.dma_semaphore, #tpu.memory_space<semaphore_mem>>
        %dma_start3A_417 = arith.constant 0 : i32
        %dma_start3A_418 = tpu.memref_slice %arg7[%add3A_42, %dma_start3A_417] : memref<128x128xi32, #tpu.memory_space<vmem>> -> memref<1x128xi32, #tpu.memory_space<vmem>>
        %dma_start3A_419 = tpu.memref_squeeze %dma_start3A_418 : memref<1x128xi32, #tpu.memory_space<vmem>> -> memref<128xi32, #tpu.memory_space<vmem>>
        %dma_start3A_420 = arith.constant 0 : i32
        %dma_start3A_421 = arith.constant 0 : i32
        %dma_start3A_422 = tpu.memref_slice %arg11[%dma_start3A_420, %dma_start3A_421] : memref<4096x128xf32, #tpu.memory_space<vmem_shared>> -> memref<4096x128xf32, #tpu.memory_space<vmem_shared>>
        tpu.enqueue_indirect_dma source(%arg8 : memref<128x128xf32, #tpu.memory_space<vmem>>) target(%dma_start3A_422 : memref<4096x128xf32, #tpu.memory_space<vmem_shared>>) offsets(%dma_start3A_419 : memref<128xi32, #tpu.memory_space<vmem>>) semaphore(%run_scoped3A_416 : memref<!tpu.dma_semaphore, #tpu.memory_space<semaphore_mem>>) {add = true}
        %dma_wait3A_423 = arith.constant 0 : i32
        %dma_wait3A_424 = tpu.memref_slice %arg7[%add3A_42, %dma_wait3A_423] : memref<128x128xi32, #tpu.memory_space<vmem>> -> memref<1x128xi32, #tpu.memory_space<vmem>>
        %dma_wait3A_425 = tpu.memref_squeeze %dma_wait3A_424 : memref<1x128xi32, #tpu.memory_space<vmem>> -> memref<128xi32, #tpu.memory_space<vmem>>
        %dma_wait3A_426 = arith.constant 0 : i32
        %dma_wait3A_427 = arith.constant 0 : i32
        %dma_wait3A_428 = tpu.memref_slice %arg11[%dma_wait3A_426, %dma_wait3A_427] : memref<4096x128xf32, #tpu.memory_space<vmem_shared>> -> memref<4096x128xf32, #tpu.memory_space<vmem_shared>>
        tpu.wait_indirect_dma semaphore(%run_scoped3A_416 : memref<!tpu.dma_semaphore, #tpu.memory_space<semaphore_mem>>) src(%arg8 : memref<128x128xf32, #tpu.memory_space<vmem>>) dst(%dma_wait3A_428 : memref<4096x128xf32, #tpu.memory_space<vmem_shared>>)
        tpu.yield
      }) : () -> ()
      %get3A = arith.index_cast %add3A_42 : i32 to index
      %get3A_60 = arith.constant 0 : index
      %get3A_61 = tpu.vector_load %arg7[%get3A, %get3A_60] {strides = array<i32>} : memref<128x128xi32, #tpu.memory_space<vmem>>, vector<16xi32>,
      %shift_right_logical3A = arith.constant 7 : i32
      %shift_right_logical3A_62 = vector.broadcast %shift_right_logical3A : i32 to vector<16xi32>
      %shift_right_logical3A_63 = arith.shrui %get3A_61, %shift_right_logical3A_62 : vector<16xi32>
      %and3A_64 = arith.constant 127 : i32
      %and3A_65 = vector.broadcast %and3A_64 : i32 to vector<16xi32>
      %and3A_66 = arith.andi %get3A_61, %and3A_65 : vector<16xi32>
      tpu.vector_store_idx %arg10[%shift_right_logical3A_63, %and3A_66], %broadcast_in_dim3A_1 {add = true} : memref<32x128xf32, #tpu.memory_space<vmem>>[vector<16xi32>, vector<16xi32>], vector<16xf32>,
      %get3A_67 = arith.index_cast %add3A_42 : i32 to index
      %get3A_68 = arith.constant 16 : index
      %get3A_69 = tpu.vector_load %arg7[%get3A_67, %get3A_68] {strides = array<i32>} : memref<128x128xi32, #tpu.memory_space<vmem>>, vector<16xi32>,
      %shift_right_logical3A_70 = arith.constant 7 : i32
      %shift_right_logical3A_71 = vector.broadcast %shift_right_logical3A_70 : i32 to vector<16xi32>
      %shift_right_logical3A_72 = arith.shrui %get3A_69, %shift_right_logical3A_71 : vector<16xi32>
      %and3A_73 = arith.constant 127 : i32
      %and3A_74 = vector.broadcast %and3A_73 : i32 to vector<16xi32>
      %and3A_75 = arith.andi %get3A_69, %and3A_74 : vector<16xi32>
      tpu.vector_store_idx %arg10[%shift_right_logical3A_72, %and3A_75], %broadcast_in_dim3A_1 {add = true} : memref<32x128xf32, #tpu.memory_space<vmem>>[vector<16xi32>, vector<16xi32>], vector<16xf32>,
      %get3A_76 = arith.index_cast %add3A_42 : i32 to index
      %get3A_77 = arith.constant 32 : index
      %get3A_78 = tpu.vector_load %arg7[%get3A_76, %get3A_77] {strides = array<i32>} : memref<128x128xi32, #tpu.memory_space<vmem>>, vector<16xi32>,
      %shift_right_logical3A_79 = arith.constant 7 : i32
      %shift_right_logical3A_80 = vector.broadcast %shift_right_logical3A_79 : i32 to vector<16xi32>
      %shift_right_logical3A_81 = arith.shrui %get3A_78, %shift_right_logical3A_80 : vector<16xi32>
      %and3A_82 = arith.constant 127 : i32
      %and3A_83 = vector.broadcast %and3A_82 : i32 to vector<16xi32>
      %and3A_84 = arith.andi %get3A_78, %and3A_83 : vector<16xi32>
      tpu.vector_store_idx %arg10[%shift_right_logical3A_81, %and3A_84], %broadcast_in_dim3A_1 {add = true} : memref<32x128xf32, #tpu.memory_space<vmem>>[vector<16xi32>, vector<16xi32>], vector<16xf32>,
      %get3A_85 = arith.index_cast %add3A_42 : i32 to index
      %get3A_86 = arith.constant 48 : index
      %get3A_87 = tpu.vector_load %arg7[%get3A_85, %get3A_86] {strides = array<i32>} : memref<128x128xi32, #tpu.memory_space<vmem>>, vector<16xi32>,
      %shift_right_logical3A_88 = arith.constant 7 : i32
      %shift_right_logical3A_89 = vector.broadcast %shift_right_logical3A_88 : i32 to vector<16xi32>
      %shift_right_logical3A_90 = arith.shrui %get3A_87, %shift_right_logical3A_89 : vector<16xi32>
      %and3A_91 = arith.constant 127 : i32
      %and3A_92 = vector.broadcast %and3A_91 : i32 to vector<16xi32>
      %and3A_93 = arith.andi %get3A_87, %and3A_92 : vector<16xi32>
      tpu.vector_store_idx %arg10[%shift_right_logical3A_90, %and3A_93], %broadcast_in_dim3A_1 {add = true} : memref<32x128xf32, #tpu.memory_space<vmem>>[vector<16xi32>, vector<16xi32>], vector<16xf32>,
      %get3A_94 = arith.index_cast %add3A_42 : i32 to index
      %get3A_95 = arith.constant 64 : index
      %get3A_96 = tpu.vector_load %arg7[%get3A_94, %get3A_95] {strides = array<i32>} : memref<128x128xi32, #tpu.memory_space<vmem>>, vector<16xi32>,
      %shift_right_logical3A_97 = arith.constant 7 : i32
      %shift_right_logical3A_98 = vector.broadcast %shift_right_logical3A_97 : i32 to vector<16xi32>
      %shift_right_logical3A_99 = arith.shrui %get3A_96, %shift_right_logical3A_98 : vector<16xi32>
      %and3A_100 = arith.constant 127 : i32
      %and3A_101 = vector.broadcast %and3A_100 : i32 to vector<16xi32>
      %and3A_102 = arith.andi %get3A_96, %and3A_101 : vector<16xi32>
      tpu.vector_store_idx %arg10[%shift_right_logical3A_99, %and3A_102], %broadcast_in_dim3A_1 {add = true} : memref<32x128xf32, #tpu.memory_space<vmem>>[vector<16xi32>, vector<16xi32>], vector<16xf32>,
      %get3A_103 = arith.index_cast %add3A_42 : i32 to index
      %get3A_104 = arith.constant 80 : index
      %get3A_105 = tpu.vector_load %arg7[%get3A_103, %get3A_104] {strides = array<i32>} : memref<128x128xi32, #tpu.memory_space<vmem>>, vector<16xi32>,
      %shift_right_logical3A_106 = arith.constant 7 : i32
      %shift_right_logical3A_107 = vector.broadcast %shift_right_logical3A_106 : i32 to vector<16xi32>
      %shift_right_logical3A_108 = arith.shrui %get3A_105, %shift_right_logical3A_107 : vector<16xi32>
      %and3A_109 = arith.constant 127 : i32
      %and3A_110 = vector.broadcast %and3A_109 : i32 to vector<16xi32>
      %and3A_111 = arith.andi %get3A_105, %and3A_110 : vector<16xi32>
      tpu.vector_store_idx %arg10[%shift_right_logical3A_108, %and3A_111], %broadcast_in_dim3A_1 {add = true} : memref<32x128xf32, #tpu.memory_space<vmem>>[vector<16xi32>, vector<16xi32>], vector<16xf32>,
      %get3A_112 = arith.index_cast %add3A_42 : i32 to index
      %get3A_113 = arith.constant 96 : index
      %get3A_114 = tpu.vector_load %arg7[%get3A_112, %get3A_113] {strides = array<i32>} : memref<128x128xi32, #tpu.memory_space<vmem>>, vector<16xi32>,
      %shift_right_logical3A_115 = arith.constant 7 : i32
      %shift_right_logical3A_116 = vector.broadcast %shift_right_logical3A_115 : i32 to vector<16xi32>
      %shift_right_logical3A_117 = arith.shrui %get3A_114, %shift_right_logical3A_116 : vector<16xi32>
      %and3A_118 = arith.constant 127 : i32
      %and3A_119 = vector.broadcast %and3A_118 : i32 to vector<16xi32>
      %and3A_120 = arith.andi %get3A_114, %and3A_119 : vector<16xi32>
      tpu.vector_store_idx %arg10[%shift_right_logical3A_117, %and3A_120], %broadcast_in_dim3A_1 {add = true} : memref<32x128xf32, #tpu.memory_space<vmem>>[vector<16xi32>, vector<16xi32>], vector<16xf32>,
      %get3A_121 = arith.index_cast %add3A_42 : i32 to index
      %get3A_122 = arith.constant 112 : index
      %get3A_123 = tpu.vector_load %arg7[%get3A_121, %get3A_122] {strides = array<i32>} : memref<128x128xi32, #tpu.memory_space<vmem>>, vector<16xi32>,
      %shift_right_logical3A_124 = arith.constant 7 : i32
      %shift_right_logical3A_125 = vector.broadcast %shift_right_logical3A_124 : i32 to vector<16xi32>
      %shift_right_logical3A_126 = arith.shrui %get3A_123, %shift_right_logical3A_125 : vector<16xi32>
      %and3A_127 = arith.constant 127 : i32
      %and3A_128 = vector.broadcast %and3A_127 : i32 to vector<16xi32>
      %and3A_129 = arith.andi %get3A_123, %and3A_128 : vector<16xi32>
      tpu.vector_store_idx %arg10[%shift_right_logical3A_126, %and3A_129], %broadcast_in_dim3A_1 {add = true} : memref<32x128xf32, #tpu.memory_space<vmem>>[vector<16xi32>, vector<16xi32>], vector<16xf32>,
      %mul3A_130 = arith.constant 4 : i32
      %mul3A_131 = arith.muli %arg1, %mul3A_130 : i32
      %add3A_132 = arith.constant 1 : i32
      %add3A_133 = arith.addi %mul3A_131, %add3A_132 : i32
      %dma_wait3A_134 = arith.constant 0 : i32
      %dma_wait3A_135 = arith.constant 0 : i32
      %dma_wait3A_136 = tpu.memref_slice %arg2[%select_n3A, %add3A_51, %dma_wait3A_134, %dma_wait3A_135] : memref<1x64x128x128xf32, #tpu.memory_space<hbm>> -> memref<1x1x128x128xf32, #tpu.memory_space<hbm>>
      %dma_wait3A_137 = tpu.memref_squeeze %dma_wait3A_136 : memref<1x1x128x128xf32, #tpu.memory_space<hbm>> -> memref<128x128xf32, #tpu.memory_space<hbm>>
      %dma_wait3A_138 = arith.constant 0 : i32
      %dma_wait3A_139 = arith.constant 0 : i32
      %dma_wait3A_140 = tpu.memref_slice %arg2[%select_n3A, %add3A_51, %dma_wait3A_138, %dma_wait3A_139] : memref<1x64x128x128xf32, #tpu.memory_space<hbm>> -> memref<1x1x128x128xf32, #tpu.memory_space<hbm>>
      %dma_wait3A_141 = tpu.memref_squeeze %dma_wait3A_140 : memref<1x1x128x128xf32, #tpu.memory_space<hbm>> -> memref<128x128xf32, #tpu.memory_space<hbm>>
      tpu.wait_dma2 semaphore(%arg12 : memref<!tpu.dma_semaphore, #tpu.memory_space<semaphore_mem>>) src(%dma_wait3A_141 : memref<128x128xf32, #tpu.memory_space<hbm>>) dst(%arg9 : memref<128x128xf32, #tpu.memory_space<vmem>>)
      %add3A_142 = arith.constant 1 : i32
      %add3A_143 = arith.addi %add3A_133, %add3A_142 : i32
      %dma_start3A_144 = arith.constant 0 : i32
      %dma_start3A_145 = arith.constant 0 : i32
      %dma_start3A_146 = tpu.memref_slice %arg2[%select_n3A, %add3A_143, %dma_start3A_144, %dma_start3A_145] : memref<1x64x128x128xf32, #tpu.memory_space<hbm>> -> memref<1x1x128x128xf32, #tpu.memory_space<hbm>>
      %dma_start3A_147 = tpu.memref_squeeze %dma_start3A_146 : memref<1x1x128x128xf32, #tpu.memory_space<hbm>> -> memref<128x128xf32, #tpu.memory_space<hbm>>
      %dma_start3A_148 = arith.constant 0 : i32
      %dma_start3A_149 = arith.constant 0 : i32
      %dma_start3A_150 = tpu.memref_slice %arg2[%select_n3A, %add3A_143, %dma_start3A_148, %dma_start3A_149] : memref<1x64x128x128xf32, #tpu.memory_space<hbm>> -> memref<1x1x128x128xf32, #tpu.memory_space<hbm>>
      %dma_start3A_151 = tpu.memref_squeeze %dma_start3A_150 : memref<1x1x128x128xf32, #tpu.memory_space<hbm>> -> memref<128x128xf32, #tpu.memory_space<hbm>>
      tpu.enqueue_dma source(%dma_start3A_151 : memref<128x128xf32, #tpu.memory_space<hbm>>) target(%arg8 : memref<128x128xf32, #tpu.memory_space<vmem>>) target_semaphore(%arg12 : memref<!tpu.dma_semaphore, #tpu.memory_space<semaphore_mem>>)
      "tpu.region"() ({
        %run_scoped3A_416 = tpu.sem_alloc : memref<!tpu.dma_semaphore, #tpu.memory_space<semaphore_mem>>
        %dma_start3A_417 = arith.constant 0 : i32
        %dma_start3A_418 = tpu.memref_slice %arg7[%add3A_133, %dma_start3A_417] : memref<128x128xi32, #tpu.memory_space<vmem>> -> memref<1x128xi32, #tpu.memory_space<vmem>>
        %dma_start3A_419 = tpu.memref_squeeze %dma_start3A_418 : memref<1x128xi32, #tpu.memory_space<vmem>> -> memref<128xi32, #tpu.memory_space<vmem>>
        %dma_start3A_420 = arith.constant 0 : i32
        %dma_start3A_421 = arith.constant 0 : i32
        %dma_start3A_422 = tpu.memref_slice %arg11[%dma_start3A_420, %dma_start3A_421] : memref<4096x128xf32, #tpu.memory_space<vmem_shared>> -> memref<4096x128xf32, #tpu.memory_space<vmem_shared>>
        tpu.enqueue_indirect_dma source(%arg9 : memref<128x128xf32, #tpu.memory_space<vmem>>) target(%dma_start3A_422 : memref<4096x128xf32, #tpu.memory_space<vmem_shared>>) offsets(%dma_start3A_419 : memref<128xi32, #tpu.memory_space<vmem>>) semaphore(%run_scoped3A_416 : memref<!tpu.dma_semaphore, #tpu.memory_space<semaphore_mem>>) {add = true}
        %dma_wait3A_423 = arith.constant 0 : i32
        %dma_wait3A_424 = tpu.memref_slice %arg7[%add3A_133, %dma_wait3A_423] : memref<128x128xi32, #tpu.memory_space<vmem>> -> memref<1x128xi32, #tpu.memory_space<vmem>>
        %dma_wait3A_425 = tpu.memref_squeeze %dma_wait3A_424 : memref<1x128xi32, #tpu.memory_space<vmem>> -> memref<128xi32, #tpu.memory_space<vmem>>
        %dma_wait3A_426 = arith.constant 0 : i32
        %dma_wait3A_427 = arith.constant 0 : i32
        %dma_wait3A_428 = tpu.memref_slice %arg11[%dma_wait3A_426, %dma_wait3A_427] : memref<4096x128xf32, #tpu.memory_space<vmem_shared>> -> memref<4096x128xf32, #tpu.memory_space<vmem_shared>>
        tpu.wait_indirect_dma semaphore(%run_scoped3A_416 : memref<!tpu.dma_semaphore, #tpu.memory_space<semaphore_mem>>) src(%arg9 : memref<128x128xf32, #tpu.memory_space<vmem>>) dst(%dma_wait3A_428 : memref<4096x128xf32, #tpu.memory_space<vmem_shared>>)
        tpu.yield
      }) : () -> ()
      %get3A_152 = arith.index_cast %add3A_133 : i32 to index
      %get3A_153 = arith.constant 0 : index
      %get3A_154 = tpu.vector_load %arg7[%get3A_152, %get3A_153] {strides = array<i32>} : memref<128x128xi32, #tpu.memory_space<vmem>>, vector<16xi32>,
      %shift_right_logical3A_155 = arith.constant 7 : i32
      %shift_right_logical3A_156 = vector.broadcast %shift_right_logical3A_155 : i32 to vector<16xi32>
      %shift_right_logical3A_157 = arith.shrui %get3A_154, %shift_right_logical3A_156 : vector<16xi32>
      %and3A_158 = arith.constant 127 : i32
      %and3A_159 = vector.broadcast %and3A_158 : i32 to vector<16xi32>
      %and3A_160 = arith.andi %get3A_154, %and3A_159 : vector<16xi32>
      tpu.vector_store_idx %arg10[%shift_right_logical3A_157, %and3A_160], %broadcast_in_dim3A_1 {add = true} : memref<32x128xf32, #tpu.memory_space<vmem>>[vector<16xi32>, vector<16xi32>], vector<16xf32>,
      %get3A_161 = arith.index_cast %add3A_133 : i32 to index
      %get3A_162 = arith.constant 16 : index
      %get3A_163 = tpu.vector_load %arg7[%get3A_161, %get3A_162] {strides = array<i32>} : memref<128x128xi32, #tpu.memory_space<vmem>>, vector<16xi32>,
      %shift_right_logical3A_164 = arith.constant 7 : i32
      %shift_right_logical3A_165 = vector.broadcast %shift_right_logical3A_164 : i32 to vector<16xi32>
      %shift_right_logical3A_166 = arith.shrui %get3A_163, %shift_right_logical3A_165 : vector<16xi32>
      %and3A_167 = arith.constant 127 : i32
      %and3A_168 = vector.broadcast %and3A_167 : i32 to vector<16xi32>
      %and3A_169 = arith.andi %get3A_163, %and3A_168 : vector<16xi32>
      tpu.vector_store_idx %arg10[%shift_right_logical3A_166, %and3A_169], %broadcast_in_dim3A_1 {add = true} : memref<32x128xf32, #tpu.memory_space<vmem>>[vector<16xi32>, vector<16xi32>], vector<16xf32>,
      %get3A_170 = arith.index_cast %add3A_133 : i32 to index
      %get3A_171 = arith.constant 32 : index
      %get3A_172 = tpu.vector_load %arg7[%get3A_170, %get3A_171] {strides = array<i32>} : memref<128x128xi32, #tpu.memory_space<vmem>>, vector<16xi32>,
      %shift_right_logical3A_173 = arith.constant 7 : i32
      %shift_right_logical3A_174 = vector.broadcast %shift_right_logical3A_173 : i32 to vector<16xi32>
      %shift_right_logical3A_175 = arith.shrui %get3A_172, %shift_right_logical3A_174 : vector<16xi32>
      %and3A_176 = arith.constant 127 : i32
      %and3A_177 = vector.broadcast %and3A_176 : i32 to vector<16xi32>
      %and3A_178 = arith.andi %get3A_172, %and3A_177 : vector<16xi32>
      tpu.vector_store_idx %arg10[%shift_right_logical3A_175, %and3A_178], %broadcast_in_dim3A_1 {add = true} : memref<32x128xf32, #tpu.memory_space<vmem>>[vector<16xi32>, vector<16xi32>], vector<16xf32>,
      %get3A_179 = arith.index_cast %add3A_133 : i32 to index
      %get3A_180 = arith.constant 48 : index
      %get3A_181 = tpu.vector_load %arg7[%get3A_179, %get3A_180] {strides = array<i32>} : memref<128x128xi32, #tpu.memory_space<vmem>>, vector<16xi32>,
      %shift_right_logical3A_182 = arith.constant 7 : i32
      %shift_right_logical3A_183 = vector.broadcast %shift_right_logical3A_182 : i32 to vector<16xi32>
      %shift_right_logical3A_184 = arith.shrui %get3A_181, %shift_right_logical3A_183 : vector<16xi32>
      %and3A_185 = arith.constant 127 : i32
      %and3A_186 = vector.broadcast %and3A_185 : i32 to vector<16xi32>
      %and3A_187 = arith.andi %get3A_181, %and3A_186 : vector<16xi32>
      tpu.vector_store_idx %arg10[%shift_right_logical3A_184, %and3A_187], %broadcast_in_dim3A_1 {add = true} : memref<32x128xf32, #tpu.memory_space<vmem>>[vector<16xi32>, vector<16xi32>], vector<16xf32>,
      %get3A_188 = arith.index_cast %add3A_133 : i32 to index
      %get3A_189 = arith.constant 64 : index
      %get3A_190 = tpu.vector_load %arg7[%get3A_188, %get3A_189] {strides = array<i32>} : memref<128x128xi32, #tpu.memory_space<vmem>>, vector<16xi32>,
      %shift_right_logical3A_191 = arith.constant 7 : i32
      %shift_right_logical3A_192 = vector.broadcast %shift_right_logical3A_191 : i32 to vector<16xi32>
      %shift_right_logical3A_193 = arith.shrui %get3A_190, %shift_right_logical3A_192 : vector<16xi32>
      %and3A_194 = arith.constant 127 : i32
      %and3A_195 = vector.broadcast %and3A_194 : i32 to vector<16xi32>
      %and3A_196 = arith.andi %get3A_190, %and3A_195 : vector<16xi32>
      tpu.vector_store_idx %arg10[%shift_right_logical3A_193, %and3A_196], %broadcast_in_dim3A_1 {add = true} : memref<32x128xf32, #tpu.memory_space<vmem>>[vector<16xi32>, vector<16xi32>], vector<16xf32>,
      %get3A_197 = arith.index_cast %add3A_133 : i32 to index
      %get3A_198 = arith.constant 80 : index
      %get3A_199 = tpu.vector_load %arg7[%get3A_197, %get3A_198] {strides = array<i32>} : memref<128x128xi32, #tpu.memory_space<vmem>>, vector<16xi32>,
      %shift_right_logical3A_200 = arith.constant 7 : i32
      %shift_right_logical3A_201 = vector.broadcast %shift_right_logical3A_200 : i32 to vector<16xi32>
      %shift_right_logical3A_202 = arith.shrui %get3A_199, %shift_right_logical3A_201 : vector<16xi32>
      %and3A_203 = arith.constant 127 : i32
      %and3A_204 = vector.broadcast %and3A_203 : i32 to vector<16xi32>
      %and3A_205 = arith.andi %get3A_199, %and3A_204 : vector<16xi32>
      tpu.vector_store_idx %arg10[%shift_right_logical3A_202, %and3A_205], %broadcast_in_dim3A_1 {add = true} : memref<32x128xf32, #tpu.memory_space<vmem>>[vector<16xi32>, vector<16xi32>], vector<16xf32>,
      %get3A_206 = arith.index_cast %add3A_133 : i32 to index
      %get3A_207 = arith.constant 96 : index
      %get3A_208 = tpu.vector_load %arg7[%get3A_206, %get3A_207] {strides = array<i32>} : memref<128x128xi32, #tpu.memory_space<vmem>>, vector<16xi32>,
      %shift_right_logical3A_209 = arith.constant 7 : i32
      %shift_right_logical3A_210 = vector.broadcast %shift_right_logical3A_209 : i32 to vector<16xi32>
      %shift_right_logical3A_211 = arith.shrui %get3A_208, %shift_right_logical3A_210 : vector<16xi32>
      %and3A_212 = arith.constant 127 : i32
      %and3A_213 = vector.broadcast %and3A_212 : i32 to vector<16xi32>
      %and3A_214 = arith.andi %get3A_208, %and3A_213 : vector<16xi32>
      tpu.vector_store_idx %arg10[%shift_right_logical3A_211, %and3A_214], %broadcast_in_dim3A_1 {add = true} : memref<32x128xf32, #tpu.memory_space<vmem>>[vector<16xi32>, vector<16xi32>], vector<16xf32>,
      %get3A_215 = arith.index_cast %add3A_133 : i32 to index
      %get3A_216 = arith.constant 112 : index
      %get3A_217 = tpu.vector_load %arg7[%get3A_215, %get3A_216] {strides = array<i32>} : memref<128x128xi32, #tpu.memory_space<vmem>>, vector<16xi32>,
      %shift_right_logical3A_218 = arith.constant 7 : i32
      %shift_right_logical3A_219 = vector.broadcast %shift_right_logical3A_218 : i32 to vector<16xi32>
      %shift_right_logical3A_220 = arith.shrui %get3A_217, %shift_right_logical3A_219 : vector<16xi32>
      %and3A_221 = arith.constant 127 : i32
      %and3A_222 = vector.broadcast %and3A_221 : i32 to vector<16xi32>
      %and3A_223 = arith.andi %get3A_217, %and3A_222 : vector<16xi32>
      tpu.vector_store_idx %arg10[%shift_right_logical3A_220, %and3A_223], %broadcast_in_dim3A_1 {add = true} : memref<32x128xf32, #tpu.memory_space<vmem>>[vector<16xi32>, vector<16xi32>], vector<16xf32>,
      %mul3A_224 = arith.constant 4 : i32
      %mul3A_225 = arith.muli %arg1, %mul3A_224 : i32
      %add3A_226 = arith.constant 2 : i32
      %add3A_227 = arith.addi %mul3A_225, %add3A_226 : i32
      %dma_wait3A_228 = arith.constant 0 : i32
      %dma_wait3A_229 = arith.constant 0 : i32
      %dma_wait3A_230 = tpu.memref_slice %arg2[%select_n3A, %add3A_143, %dma_wait3A_228, %dma_wait3A_229] : memref<1x64x128x128xf32, #tpu.memory_space<hbm>> -> memref<1x1x128x128xf32, #tpu.memory_space<hbm>>
      %dma_wait3A_231 = tpu.memref_squeeze %dma_wait3A_230 : memref<1x1x128x128xf32, #tpu.memory_space<hbm>> -> memref<128x128xf32, #tpu.memory_space<hbm>>
      %dma_wait3A_232 = arith.constant 0 : i32
      %dma_wait3A_233 = arith.constant 0 : i32
      %dma_wait3A_234 = tpu.memref_slice %arg2[%select_n3A, %add3A_143, %dma_wait3A_232, %dma_wait3A_233] : memref<1x64x128x128xf32, #tpu.memory_space<hbm>> -> memref<1x1x128x128xf32, #tpu.memory_space<hbm>>
      %dma_wait3A_235 = tpu.memref_squeeze %dma_wait3A_234 : memref<1x1x128x128xf32, #tpu.memory_space<hbm>> -> memref<128x128xf32, #tpu.memory_space<hbm>>
      tpu.wait_dma2 semaphore(%arg12 : memref<!tpu.dma_semaphore, #tpu.memory_space<semaphore_mem>>) src(%dma_wait3A_235 : memref<128x128xf32, #tpu.memory_space<hbm>>) dst(%arg8 : memref<128x128xf32, #tpu.memory_space<vmem>>)
      %add3A_236 = arith.constant 1 : i32
      %add3A_237 = arith.addi %add3A_227, %add3A_236 : i32
      %dma_start3A_238 = arith.constant 0 : i32
      %dma_start3A_239 = arith.constant 0 : i32
      %dma_start3A_240 = tpu.memref_slice %arg2[%select_n3A, %add3A_237, %dma_start3A_238, %dma_start3A_239] : memref<1x64x128x128xf32, #tpu.memory_space<hbm>> -> memref<1x1x128x128xf32, #tpu.memory_space<hbm>>
      %dma_start3A_241 = tpu.memref_squeeze %dma_start3A_240 : memref<1x1x128x128xf32, #tpu.memory_space<hbm>> -> memref<128x128xf32, #tpu.memory_space<hbm>>
      %dma_start3A_242 = arith.constant 0 : i32
      %dma_start3A_243 = arith.constant 0 : i32
      %dma_start3A_244 = tpu.memref_slice %arg2[%select_n3A, %add3A_237, %dma_start3A_242, %dma_start3A_243] : memref<1x64x128x128xf32, #tpu.memory_space<hbm>> -> memref<1x1x128x128xf32, #tpu.memory_space<hbm>>
      %dma_start3A_245 = tpu.memref_squeeze %dma_start3A_244 : memref<1x1x128x128xf32, #tpu.memory_space<hbm>> -> memref<128x128xf32, #tpu.memory_space<hbm>>
      tpu.enqueue_dma source(%dma_start3A_245 : memref<128x128xf32, #tpu.memory_space<hbm>>) target(%arg9 : memref<128x128xf32, #tpu.memory_space<vmem>>) target_semaphore(%arg12 : memref<!tpu.dma_semaphore, #tpu.memory_space<semaphore_mem>>)
      "tpu.region"() ({
        %run_scoped3A_416 = tpu.sem_alloc : memref<!tpu.dma_semaphore, #tpu.memory_space<semaphore_mem>>
        %dma_start3A_417 = arith.constant 0 : i32
        %dma_start3A_418 = tpu.memref_slice %arg7[%add3A_227, %dma_start3A_417] : memref<128x128xi32, #tpu.memory_space<vmem>> -> memref<1x128xi32, #tpu.memory_space<vmem>>
        %dma_start3A_419 = tpu.memref_squeeze %dma_start3A_418 : memref<1x128xi32, #tpu.memory_space<vmem>> -> memref<128xi32, #tpu.memory_space<vmem>>
        %dma_start3A_420 = arith.constant 0 : i32
        %dma_start3A_421 = arith.constant 0 : i32
        %dma_start3A_422 = tpu.memref_slice %arg11[%dma_start3A_420, %dma_start3A_421] : memref<4096x128xf32, #tpu.memory_space<vmem_shared>> -> memref<4096x128xf32, #tpu.memory_space<vmem_shared>>
        tpu.enqueue_indirect_dma source(%arg8 : memref<128x128xf32, #tpu.memory_space<vmem>>) target(%dma_start3A_422 : memref<4096x128xf32, #tpu.memory_space<vmem_shared>>) offsets(%dma_start3A_419 : memref<128xi32, #tpu.memory_space<vmem>>) semaphore(%run_scoped3A_416 : memref<!tpu.dma_semaphore, #tpu.memory_space<semaphore_mem>>) {add = true}
        %dma_wait3A_423 = arith.constant 0 : i32
        %dma_wait3A_424 = tpu.memref_slice %arg7[%add3A_227, %dma_wait3A_423] : memref<128x128xi32, #tpu.memory_space<vmem>> -> memref<1x128xi32, #tpu.memory_space<vmem>>
        %dma_wait3A_425 = tpu.memref_squeeze %dma_wait3A_424 : memref<1x128xi32, #tpu.memory_space<vmem>> -> memref<128xi32, #tpu.memory_space<vmem>>
        %dma_wait3A_426 = arith.constant 0 : i32
        %dma_wait3A_427 = arith.constant 0 : i32
        %dma_wait3A_428 = tpu.memref_slice %arg11[%dma_wait3A_426, %dma_wait3A_427] : memref<4096x128xf32, #tpu.memory_space<vmem_shared>> -> memref<4096x128xf32, #tpu.memory_space<vmem_shared>>
        tpu.wait_indirect_dma semaphore(%run_scoped3A_416 : memref<!tpu.dma_semaphore, #tpu.memory_space<semaphore_mem>>) src(%arg8 : memref<128x128xf32, #tpu.memory_space<vmem>>) dst(%dma_wait3A_428 : memref<4096x128xf32, #tpu.memory_space<vmem_shared>>)
        tpu.yield
      }) : () -> ()
      %get3A_246 = arith.index_cast %add3A_227 : i32 to index
      %get3A_247 = arith.constant 0 : index
      %get3A_248 = tpu.vector_load %arg7[%get3A_246, %get3A_247] {strides = array<i32>} : memref<128x128xi32, #tpu.memory_space<vmem>>, vector<16xi32>,
      %shift_right_logical3A_249 = arith.constant 7 : i32
      %shift_right_logical3A_250 = vector.broadcast %shift_right_logical3A_249 : i32 to vector<16xi32>
      %shift_right_logical3A_251 = arith.shrui %get3A_248, %shift_right_logical3A_250 : vector<16xi32>
      %and3A_252 = arith.constant 127 : i32
      %and3A_253 = vector.broadcast %and3A_252 : i32 to vector<16xi32>
      %and3A_254 = arith.andi %get3A_248, %and3A_253 : vector<16xi32>
      tpu.vector_store_idx %arg10[%shift_right_logical3A_251, %and3A_254], %broadcast_in_dim3A_1 {add = true} : memref<32x128xf32, #tpu.memory_space<vmem>>[vector<16xi32>, vector<16xi32>], vector<16xf32>,
      %get3A_255 = arith.index_cast %add3A_227 : i32 to index
      %get3A_256 = arith.constant 16 : index
      %get3A_257 = tpu.vector_load %arg7[%get3A_255, %get3A_256] {strides = array<i32>} : memref<128x128xi32, #tpu.memory_space<vmem>>, vector<16xi32>,
      %shift_right_logical3A_258 = arith.constant 7 : i32
      %shift_right_logical3A_259 = vector.broadcast %shift_right_logical3A_258 : i32 to vector<16xi32>
      %shift_right_logical3A_260 = arith.shrui %get3A_257, %shift_right_logical3A_259 : vector<16xi32>
      %and3A_261 = arith.constant 127 : i32
      %and3A_262 = vector.broadcast %and3A_261 : i32 to vector<16xi32>
      %and3A_263 = arith.andi %get3A_257, %and3A_262 : vector<16xi32>
      tpu.vector_store_idx %arg10[%shift_right_logical3A_260, %and3A_263], %broadcast_in_dim3A_1 {add = true} : memref<32x128xf32, #tpu.memory_space<vmem>>[vector<16xi32>, vector<16xi32>], vector<16xf32>,
      %get3A_264 = arith.index_cast %add3A_227 : i32 to index
      %get3A_265 = arith.constant 32 : index
      %get3A_266 = tpu.vector_load %arg7[%get3A_264, %get3A_265] {strides = array<i32>} : memref<128x128xi32, #tpu.memory_space<vmem>>, vector<16xi32>,
      %shift_right_logical3A_267 = arith.constant 7 : i32
      %shift_right_logical3A_268 = vector.broadcast %shift_right_logical3A_267 : i32 to vector<16xi32>
      %shift_right_logical3A_269 = arith.shrui %get3A_266, %shift_right_logical3A_268 : vector<16xi32>
      %and3A_270 = arith.constant 127 : i32
      %and3A_271 = vector.broadcast %and3A_270 : i32 to vector<16xi32>
      %and3A_272 = arith.andi %get3A_266, %and3A_271 : vector<16xi32>
      tpu.vector_store_idx %arg10[%shift_right_logical3A_269, %and3A_272], %broadcast_in_dim3A_1 {add = true} : memref<32x128xf32, #tpu.memory_space<vmem>>[vector<16xi32>, vector<16xi32>], vector<16xf32>,
      %get3A_273 = arith.index_cast %add3A_227 : i32 to index
      %get3A_274 = arith.constant 48 : index
      %get3A_275 = tpu.vector_load %arg7[%get3A_273, %get3A_274] {strides = array<i32>} : memref<128x128xi32, #tpu.memory_space<vmem>>, vector<16xi32>,
      %shift_right_logical3A_276 = arith.constant 7 : i32
      %shift_right_logical3A_277 = vector.broadcast %shift_right_logical3A_276 : i32 to vector<16xi32>
      %shift_right_logical3A_278 = arith.shrui %get3A_275, %shift_right_logical3A_277 : vector<16xi32>
      %and3A_279 = arith.constant 127 : i32
      %and3A_280 = vector.broadcast %and3A_279 : i32 to vector<16xi32>
      %and3A_281 = arith.andi %get3A_275, %and3A_280 : vector<16xi32>
      tpu.vector_store_idx %arg10[%shift_right_logical3A_278, %and3A_281], %broadcast_in_dim3A_1 {add = true} : memref<32x128xf32, #tpu.memory_space<vmem>>[vector<16xi32>, vector<16xi32>], vector<16xf32>,
      %get3A_282 = arith.index_cast %add3A_227 : i32 to index
      %get3A_283 = arith.constant 64 : index
      %get3A_284 = tpu.vector_load %arg7[%get3A_282, %get3A_283] {strides = array<i32>} : memref<128x128xi32, #tpu.memory_space<vmem>>, vector<16xi32>,
      %shift_right_logical3A_285 = arith.constant 7 : i32
      %shift_right_logical3A_286 = vector.broadcast %shift_right_logical3A_285 : i32 to vector<16xi32>
      %shift_right_logical3A_287 = arith.shrui %get3A_284, %shift_right_logical3A_286 : vector<16xi32>
      %and3A_288 = arith.constant 127 : i32
      %and3A_289 = vector.broadcast %and3A_288 : i32 to vector<16xi32>
      %and3A_290 = arith.andi %get3A_284, %and3A_289 : vector<16xi32>
      tpu.vector_store_idx %arg10[%shift_right_logical3A_287, %and3A_290], %broadcast_in_dim3A_1 {add = true} : memref<32x128xf32, #tpu.memory_space<vmem>>[vector<16xi32>, vector<16xi32>], vector<16xf32>,
      %get3A_291 = arith.index_cast %add3A_227 : i32 to index
      %get3A_292 = arith.constant 80 : index
      %get3A_293 = tpu.vector_load %arg7[%get3A_291, %get3A_292] {strides = array<i32>} : memref<128x128xi32, #tpu.memory_space<vmem>>, vector<16xi32>,
      %shift_right_logical3A_294 = arith.constant 7 : i32
      %shift_right_logical3A_295 = vector.broadcast %shift_right_logical3A_294 : i32 to vector<16xi32>
      %shift_right_logical3A_296 = arith.shrui %get3A_293, %shift_right_logical3A_295 : vector<16xi32>
      %and3A_297 = arith.constant 127 : i32
      %and3A_298 = vector.broadcast %and3A_297 : i32 to vector<16xi32>
      %and3A_299 = arith.andi %get3A_293, %and3A_298 : vector<16xi32>
      tpu.vector_store_idx %arg10[%shift_right_logical3A_296, %and3A_299], %broadcast_in_dim3A_1 {add = true} : memref<32x128xf32, #tpu.memory_space<vmem>>[vector<16xi32>, vector<16xi32>], vector<16xf32>,
      %get3A_300 = arith.index_cast %add3A_227 : i32 to index
      %get3A_301 = arith.constant 96 : index
      %get3A_302 = tpu.vector_load %arg7[%get3A_300, %get3A_301] {strides = array<i32>} : memref<128x128xi32, #tpu.memory_space<vmem>>, vector<16xi32>,
      %shift_right_logical3A_303 = arith.constant 7 : i32
      %shift_right_logical3A_304 = vector.broadcast %shift_right_logical3A_303 : i32 to vector<16xi32>
      %shift_right_logical3A_305 = arith.shrui %get3A_302, %shift_right_logical3A_304 : vector<16xi32>
      %and3A_306 = arith.constant 127 : i32
      %and3A_307 = vector.broadcast %and3A_306 : i32 to vector<16xi32>
      %and3A_308 = arith.andi %get3A_302, %and3A_307 : vector<16xi32>
      tpu.vector_store_idx %arg10[%shift_right_logical3A_305, %and3A_308], %broadcast_in_dim3A_1 {add = true} : memref<32x128xf32, #tpu.memory_space<vmem>>[vector<16xi32>, vector<16xi32>], vector<16xf32>,
      %get3A_309 = arith.index_cast %add3A_227 : i32 to index
      %get3A_310 = arith.constant 112 : index
      %get3A_311 = tpu.vector_load %arg7[%get3A_309, %get3A_310] {strides = array<i32>} : memref<128x128xi32, #tpu.memory_space<vmem>>, vector<16xi32>,
      %shift_right_logical3A_312 = arith.constant 7 : i32
      %shift_right_logical3A_313 = vector.broadcast %shift_right_logical3A_312 : i32 to vector<16xi32>
      %shift_right_logical3A_314 = arith.shrui %get3A_311, %shift_right_logical3A_313 : vector<16xi32>
      %and3A_315 = arith.constant 127 : i32
      %and3A_316 = vector.broadcast %and3A_315 : i32 to vector<16xi32>
      %and3A_317 = arith.andi %get3A_311, %and3A_316 : vector<16xi32>
      tpu.vector_store_idx %arg10[%shift_right_logical3A_314, %and3A_317], %broadcast_in_dim3A_1 {add = true} : memref<32x128xf32, #tpu.memory_space<vmem>>[vector<16xi32>, vector<16xi32>], vector<16xf32>,
      %mul3A_318 = arith.constant 4 : i32
      %mul3A_319 = arith.muli %arg1, %mul3A_318 : i32
      %add3A_320 = arith.constant 3 : i32
      %add3A_321 = arith.addi %mul3A_319, %add3A_320 : i32
      %dma_wait3A_322 = arith.constant 0 : i32
      %dma_wait3A_323 = arith.constant 0 : i32
      %dma_wait3A_324 = tpu.memref_slice %arg2[%select_n3A, %add3A_237, %dma_wait3A_322, %dma_wait3A_323] : memref<1x64x128x128xf32, #tpu.memory_space<hbm>> -> memref<1x1x128x128xf32, #tpu.memory_space<hbm>>
      %dma_wait3A_325 = tpu.memref_squeeze %dma_wait3A_324 : memref<1x1x128x128xf32, #tpu.memory_space<hbm>> -> memref<128x128xf32, #tpu.memory_space<hbm>>
      %dma_wait3A_326 = arith.constant 0 : i32
      %dma_wait3A_327 = arith.constant 0 : i32
      %dma_wait3A_328 = tpu.memref_slice %arg2[%select_n3A, %add3A_237, %dma_wait3A_326, %dma_wait3A_327] : memref<1x64x128x128xf32, #tpu.memory_space<hbm>> -> memref<1x1x128x128xf32, #tpu.memory_space<hbm>>
      %dma_wait3A_329 = tpu.memref_squeeze %dma_wait3A_328 : memref<1x1x128x128xf32, #tpu.memory_space<hbm>> -> memref<128x128xf32, #tpu.memory_space<hbm>>
      tpu.wait_dma2 semaphore(%arg12 : memref<!tpu.dma_semaphore, #tpu.memory_space<semaphore_mem>>) src(%dma_wait3A_329 : memref<128x128xf32, #tpu.memory_space<hbm>>) dst(%arg9 : memref<128x128xf32, #tpu.memory_space<vmem>>)
      "tpu.region"() ({
        %run_scoped3A_416 = tpu.sem_alloc : memref<!tpu.dma_semaphore, #tpu.memory_space<semaphore_mem>>
        %dma_start3A_417 = arith.constant 0 : i32
        %dma_start3A_418 = tpu.memref_slice %arg7[%add3A_321, %dma_start3A_417] : memref<128x128xi32, #tpu.memory_space<vmem>> -> memref<1x128xi32, #tpu.memory_space<vmem>>
        %dma_start3A_419 = tpu.memref_squeeze %dma_start3A_418 : memref<1x128xi32, #tpu.memory_space<vmem>> -> memref<128xi32, #tpu.memory_space<vmem>>
        %dma_start3A_420 = arith.constant 0 : i32
        %dma_start3A_421 = arith.constant 0 : i32
        %dma_start3A_422 = tpu.memref_slice %arg11[%dma_start3A_420, %dma_start3A_421] : memref<4096x128xf32, #tpu.memory_space<vmem_shared>> -> memref<4096x128xf32, #tpu.memory_space<vmem_shared>>
        tpu.enqueue_indirect_dma source(%arg9 : memref<128x128xf32, #tpu.memory_space<vmem>>) target(%dma_start3A_422 : memref<4096x128xf32, #tpu.memory_space<vmem_shared>>) offsets(%dma_start3A_419 : memref<128xi32, #tpu.memory_space<vmem>>) semaphore(%run_scoped3A_416 : memref<!tpu.dma_semaphore, #tpu.memory_space<semaphore_mem>>) {add = true}
        %dma_wait3A_423 = arith.constant 0 : i32
        %dma_wait3A_424 = tpu.memref_slice %arg7[%add3A_321, %dma_wait3A_423] : memref<128x128xi32, #tpu.memory_space<vmem>> -> memref<1x128xi32, #tpu.memory_space<vmem>>
        %dma_wait3A_425 = tpu.memref_squeeze %dma_wait3A_424 : memref<1x128xi32, #tpu.memory_space<vmem>> -> memref<128xi32, #tpu.memory_space<vmem>>
        %dma_wait3A_426 = arith.constant 0 : i32
        %dma_wait3A_427 = arith.constant 0 : i32
        %dma_wait3A_428 = tpu.memref_slice %arg11[%dma_wait3A_426, %dma_wait3A_427] : memref<4096x128xf32, #tpu.memory_space<vmem_shared>> -> memref<4096x128xf32, #tpu.memory_space<vmem_shared>>
        tpu.wait_indirect_dma semaphore(%run_scoped3A_416 : memref<!tpu.dma_semaphore, #tpu.memory_space<semaphore_mem>>) src(%arg9 : memref<128x128xf32, #tpu.memory_space<vmem>>) dst(%dma_wait3A_428 : memref<4096x128xf32, #tpu.memory_space<vmem_shared>>)
        tpu.yield
      }) : () -> ()
      %get3A_330 = arith.index_cast %add3A_321 : i32 to index
      %get3A_331 = arith.constant 0 : index
      %get3A_332 = tpu.vector_load %arg7[%get3A_330, %get3A_331] {strides = array<i32>} : memref<128x128xi32, #tpu.memory_space<vmem>>, vector<16xi32>,
      %shift_right_logical3A_333 = arith.constant 7 : i32
      %shift_right_logical3A_334 = vector.broadcast %shift_right_logical3A_333 : i32 to vector<16xi32>
      %shift_right_logical3A_335 = arith.shrui %get3A_332, %shift_right_logical3A_334 : vector<16xi32>
      %and3A_336 = arith.constant 127 : i32
      %and3A_337 = vector.broadcast %and3A_336 : i32 to vector<16xi32>
      %and3A_338 = arith.andi %get3A_332, %and3A_337 : vector<16xi32>
      tpu.vector_store_idx %arg10[%shift_right_logical3A_335, %and3A_338], %broadcast_in_dim3A_1 {add = true} : memref<32x128xf32, #tpu.memory_space<vmem>>[vector<16xi32>, vector<16xi32>], vector<16xf32>,
      %get3A_339 = arith.index_cast %add3A_321 : i32 to index
      %get3A_340 = arith.constant 16 : index
      %get3A_341 = tpu.vector_load %arg7[%get3A_339, %get3A_340] {strides = array<i32>} : memref<128x128xi32, #tpu.memory_space<vmem>>, vector<16xi32>,
      %shift_right_logical3A_342 = arith.constant 7 : i32
      %shift_right_logical3A_343 = vector.broadcast %shift_right_logical3A_342 : i32 to vector<16xi32>
      %shift_right_logical3A_344 = arith.shrui %get3A_341, %shift_right_logical3A_343 : vector<16xi32>
      %and3A_345 = arith.constant 127 : i32
      %and3A_346 = vector.broadcast %and3A_345 : i32 to vector<16xi32>
      %and3A_347 = arith.andi %get3A_341, %and3A_346 : vector<16xi32>
      tpu.vector_store_idx %arg10[%shift_right_logical3A_344, %and3A_347], %broadcast_in_dim3A_1 {add = true} : memref<32x128xf32, #tpu.memory_space<vmem>>[vector<16xi32>, vector<16xi32>], vector<16xf32>,
      %get3A_348 = arith.index_cast %add3A_321 : i32 to index
      %get3A_349 = arith.constant 32 : index
      %get3A_350 = tpu.vector_load %arg7[%get3A_348, %get3A_349] {strides = array<i32>} : memref<128x128xi32, #tpu.memory_space<vmem>>, vector<16xi32>,
      %shift_right_logical3A_351 = arith.constant 7 : i32
      %shift_right_logical3A_352 = vector.broadcast %shift_right_logical3A_351 : i32 to vector<16xi32>
      %shift_right_logical3A_353 = arith.shrui %get3A_350, %shift_right_logical3A_352 : vector<16xi32>
      %and3A_354 = arith.constant 127 : i32
      %and3A_355 = vector.broadcast %and3A_354 : i32 to vector<16xi32>
      %and3A_356 = arith.andi %get3A_350, %and3A_355 : vector<16xi32>
      tpu.vector_store_idx %arg10[%shift_right_logical3A_353, %and3A_356], %broadcast_in_dim3A_1 {add = true} : memref<32x128xf32, #tpu.memory_space<vmem>>[vector<16xi32>, vector<16xi32>], vector<16xf32>,
      %get3A_357 = arith.index_cast %add3A_321 : i32 to index
      %get3A_358 = arith.constant 48 : index
      %get3A_359 = tpu.vector_load %arg7[%get3A_357, %get3A_358] {strides = array<i32>} : memref<128x128xi32, #tpu.memory_space<vmem>>, vector<16xi32>,
      %shift_right_logical3A_360 = arith.constant 7 : i32
      %shift_right_logical3A_361 = vector.broadcast %shift_right_logical3A_360 : i32 to vector<16xi32>
      %shift_right_logical3A_362 = arith.shrui %get3A_359, %shift_right_logical3A_361 : vector<16xi32>
      %and3A_363 = arith.constant 127 : i32
      %and3A_364 = vector.broadcast %and3A_363 : i32 to vector<16xi32>
      %and3A_365 = arith.andi %get3A_359, %and3A_364 : vector<16xi32>
      tpu.vector_store_idx %arg10[%shift_right_logical3A_362, %and3A_365], %broadcast_in_dim3A_1 {add = true} : memref<32x128xf32, #tpu.memory_space<vmem>>[vector<16xi32>, vector<16xi32>], vector<16xf32>,
      %get3A_366 = arith.index_cast %add3A_321 : i32 to index
      %get3A_367 = arith.constant 64 : index
      %get3A_368 = tpu.vector_load %arg7[%get3A_366, %get3A_367] {strides = array<i32>} : memref<128x128xi32, #tpu.memory_space<vmem>>, vector<16xi32>,
      %shift_right_logical3A_369 = arith.constant 7 : i32
      %shift_right_logical3A_370 = vector.broadcast %shift_right_logical3A_369 : i32 to vector<16xi32>
      %shift_right_logical3A_371 = arith.shrui %get3A_368, %shift_right_logical3A_370 : vector<16xi32>
      %and3A_372 = arith.constant 127 : i32
      %and3A_373 = vector.broadcast %and3A_372 : i32 to vector<16xi32>
      %and3A_374 = arith.andi %get3A_368, %and3A_373 : vector<16xi32>
      tpu.vector_store_idx %arg10[%shift_right_logical3A_371, %and3A_374], %broadcast_in_dim3A_1 {add = true} : memref<32x128xf32, #tpu.memory_space<vmem>>[vector<16xi32>, vector<16xi32>], vector<16xf32>,
      %get3A_375 = arith.index_cast %add3A_321 : i32 to index
      %get3A_376 = arith.constant 80 : index
      %get3A_377 = tpu.vector_load %arg7[%get3A_375, %get3A_376] {strides = array<i32>} : memref<128x128xi32, #tpu.memory_space<vmem>>, vector<16xi32>,
      %shift_right_logical3A_378 = arith.constant 7 : i32
      %shift_right_logical3A_379 = vector.broadcast %shift_right_logical3A_378 : i32 to vector<16xi32>
      %shift_right_logical3A_380 = arith.shrui %get3A_377, %shift_right_logical3A_379 : vector<16xi32>
      %and3A_381 = arith.constant 127 : i32
      %and3A_382 = vector.broadcast %and3A_381 : i32 to vector<16xi32>
      %and3A_383 = arith.andi %get3A_377, %and3A_382 : vector<16xi32>
      tpu.vector_store_idx %arg10[%shift_right_logical3A_380, %and3A_383], %broadcast_in_dim3A_1 {add = true} : memref<32x128xf32, #tpu.memory_space<vmem>>[vector<16xi32>, vector<16xi32>], vector<16xf32>,
      %get3A_384 = arith.index_cast %add3A_321 : i32 to index
      %get3A_385 = arith.constant 96 : index
      %get3A_386 = tpu.vector_load %arg7[%get3A_384, %get3A_385] {strides = array<i32>} : memref<128x128xi32, #tpu.memory_space<vmem>>, vector<16xi32>,
      %shift_right_logical3A_387 = arith.constant 7 : i32
      %shift_right_logical3A_388 = vector.broadcast %shift_right_logical3A_387 : i32 to vector<16xi32>
      %shift_right_logical3A_389 = arith.shrui %get3A_386, %shift_right_logical3A_388 : vector<16xi32>
      %and3A_390 = arith.constant 127 : i32
      %and3A_391 = vector.broadcast %and3A_390 : i32 to vector<16xi32>
      %and3A_392 = arith.andi %get3A_386, %and3A_391 : vector<16xi32>
      tpu.vector_store_idx %arg10[%shift_right_logical3A_389, %and3A_392], %broadcast_in_dim3A_1 {add = true} : memref<32x128xf32, #tpu.memory_space<vmem>>[vector<16xi32>, vector<16xi32>], vector<16xf32>,
      %get3A_393 = arith.index_cast %add3A_321 : i32 to index
      %get3A_394 = arith.constant 112 : index
      %get3A_395 = tpu.vector_load %arg7[%get3A_393, %get3A_394] {strides = array<i32>} : memref<128x128xi32, #tpu.memory_space<vmem>>, vector<16xi32>,
      %shift_right_logical3A_396 = arith.constant 7 : i32
      %shift_right_logical3A_397 = vector.broadcast %shift_right_logical3A_396 : i32 to vector<16xi32>
      %shift_right_logical3A_398 = arith.shrui %get3A_395, %shift_right_logical3A_397 : vector<16xi32>
      %and3A_399 = arith.constant 127 : i32
      %and3A_400 = vector.broadcast %and3A_399 : i32 to vector<16xi32>
      %and3A_401 = arith.andi %get3A_395, %and3A_400 : vector<16xi32>
      tpu.vector_store_idx %arg10[%shift_right_logical3A_398, %and3A_401], %broadcast_in_dim3A_1 {add = true} : memref<32x128xf32, #tpu.memory_space<vmem>>[vector<16xi32>, vector<16xi32>], vector<16xf32>,
      "tpu.region"() ({
        %run_scoped3A_416 = tpu.sem_alloc : memref<!tpu.dma_semaphore, #tpu.memory_space<semaphore_mem>>
        %dma_start3A_417 = arith.constant 0 : i32
        %dma_start3A_418 = arith.constant 0 : i32
        %dma_start3A_419 = tpu.memref_slice %arg6[%add3A_13, %arg1, %dma_start3A_417, %dma_start3A_418] : memref<4x16x32x128xf32, #tpu.memory_space<hbm>> -> memref<1x1x32x128xf32, #tpu.memory_space<hbm>>
        %dma_start3A_420 = tpu.memref_squeeze %dma_start3A_419 : memref<1x1x32x128xf32, #tpu.memory_space<hbm>> -> memref<32x128xf32, #tpu.memory_space<hbm>>
        %dma_start3A_421 = arith.constant 0 : i32
        %dma_start3A_422 = arith.constant 0 : i32
        %dma_start3A_423 = tpu.memref_slice %arg6[%add3A_13, %arg1, %dma_start3A_421, %dma_start3A_422] : memref<4x16x32x128xf32, #tpu.memory_space<hbm>> -> memref<1x1x32x128xf32, #tpu.memory_space<hbm>>
        %dma_start3A_424 = tpu.memref_squeeze %dma_start3A_423 : memref<1x1x32x128xf32, #tpu.memory_space<hbm>> -> memref<32x128xf32, #tpu.memory_space<hbm>>
        tpu.enqueue_dma source(%arg10 : memref<32x128xf32, #tpu.memory_space<vmem>>) target(%dma_start3A_424 : memref<32x128xf32, #tpu.memory_space<hbm>>) target_semaphore(%run_scoped3A_416 : memref<!tpu.dma_semaphore, #tpu.memory_space<semaphore_mem>>)
        %dma_wait3A_425 = arith.constant 0 : i32
        %dma_wait3A_426 = arith.constant 0 : i32
        %dma_wait3A_427 = tpu.memref_slice %arg6[%add3A_13, %arg1, %dma_wait3A_425, %dma_wait3A_426] : memref<4x16x32x128xf32, #tpu.memory_space<hbm>> -> memref<1x1x32x128xf32, #tpu.memory_space<hbm>>
        %dma_wait3A_428 = tpu.memref_squeeze %dma_wait3A_427 : memref<1x1x32x128xf32, #tpu.memory_space<hbm>> -> memref<32x128xf32, #tpu.memory_space<hbm>>
        %dma_wait3A_429 = arith.constant 0 : i32
        %dma_wait3A_430 = arith.constant 0 : i32
        %dma_wait3A_431 = tpu.memref_slice %arg6[%add3A_13, %arg1, %dma_wait3A_429, %dma_wait3A_430] : memref<4x16x32x128xf32, #tpu.memory_space<hbm>> -> memref<1x1x32x128xf32, #tpu.memory_space<hbm>>
        %dma_wait3A_432 = tpu.memref_squeeze %dma_wait3A_431 : memref<1x1x32x128xf32, #tpu.memory_space<hbm>> -> memref<32x128xf32, #tpu.memory_space<hbm>>
        tpu.wait_dma2 semaphore(%run_scoped3A_416 : memref<!tpu.dma_semaphore, #tpu.memory_space<semaphore_mem>>) src(%arg10 : memref<32x128xf32, #tpu.memory_space<vmem>>) dst(%dma_wait3A_432 : memref<32x128xf32, #tpu.memory_space<hbm>>)
        tpu.yield
      }) : () -> ()
      %barrier3A_402 = arith.constant 0 : index
      tpu.barrier barrier_id(%barrier3A_402)
      %add3A_403 = arith.constant 0 : i32
      %add3A_404 = arith.addi %mul3A_0, %add3A_403 : i32
      %add3A_405 = arith.constant 0 : i32
      %add3A_406 = arith.addi %mul3A_0, %add3A_405 : i32
      "tpu.region"() ({
        %run_scoped3A_416 = tpu.sem_alloc : memref<!tpu.dma_semaphore, #tpu.memory_space<semaphore_mem>>
        %dma_start3A_417 = arith.constant 0 : i32
        %dma_start3A_418 = tpu.memref_slice %arg5[%add3A_13, %add3A_406, %dma_start3A_417] : memref<4x4096x128xf32, #tpu.memory_space<hbm>> -> memref<1x128x128xf32, #tpu.memory_space<hbm>>
        %dma_start3A_419 = tpu.memref_squeeze %dma_start3A_418 : memref<1x128x128xf32, #tpu.memory_space<hbm>> -> memref<128x128xf32, #tpu.memory_space<hbm>>
        %dma_start3A_420 = arith.constant 0 : i32
        %dma_start3A_421 = tpu.memref_slice %arg11[%add3A_404, %dma_start3A_420] : memref<4096x128xf32, #tpu.memory_space<vmem_shared>> -> memref<128x128xf32, #tpu.memory_space<vmem_shared>>
        tpu.enqueue_dma source(%dma_start3A_421 : memref<128x128xf32, #tpu.memory_space<vmem_shared>>) target(%dma_start3A_419 : memref<128x128xf32, #tpu.memory_space<hbm>>) target_semaphore(%run_scoped3A_416 : memref<!tpu.dma_semaphore, #tpu.memory_space<semaphore_mem>>)
        %dma_wait3A_422 = arith.constant 0 : i32
        %dma_wait3A_423 = tpu.memref_slice %arg5[%add3A_13, %add3A_406, %dma_wait3A_422] : memref<4x4096x128xf32, #tpu.memory_space<hbm>> -> memref<1x128x128xf32, #tpu.memory_space<hbm>>
        %dma_wait3A_424 = tpu.memref_squeeze %dma_wait3A_423 : memref<1x128x128xf32, #tpu.memory_space<hbm>> -> memref<128x128xf32, #tpu.memory_space<hbm>>
        %dma_wait3A_425 = arith.constant 0 : i32
        %dma_wait3A_426 = tpu.memref_slice %arg11[%add3A_404, %dma_wait3A_425] : memref<4096x128xf32, #tpu.memory_space<vmem_shared>> -> memref<128x128xf32, #tpu.memory_space<vmem_shared>>
        tpu.wait_dma2 semaphore(%run_scoped3A_416 : memref<!tpu.dma_semaphore, #tpu.memory_space<semaphore_mem>>) src(%dma_wait3A_426 : memref<128x128xf32, #tpu.memory_space<vmem_shared>>) dst(%dma_wait3A_424 : memref<128x128xf32, #tpu.memory_space<hbm>>)
        tpu.yield
      }) : () -> ()
      %add3A_407 = arith.constant 0 : i32
      %add3A_408 = arith.addi %mul3A_0, %add3A_407 : i32
      "tpu.region"() ({
        %run_scoped3A_416 = tpu.sem_alloc : memref<!tpu.dma_semaphore, #tpu.memory_space<semaphore_mem>>
        %dma_start3A_417 = arith.constant 0 : i32
        %dma_start3A_418 = tpu.memref_slice %arg11[%add3A_408, %dma_start3A_417] : memref<4096x128xf32, #tpu.memory_space<vmem_shared>> -> memref<128x128xf32, #tpu.memory_space<vmem_shared>>
        tpu.enqueue_dma source(%arg4 : memref<128x128xf32, #tpu.memory_space<hbm>>) target(%dma_start3A_418 : memref<128x128xf32, #tpu.memory_space<vmem_shared>>) target_semaphore(%run_scoped3A_416 : memref<!tpu.dma_semaphore, #tpu.memory_space<semaphore_mem>>)
        %dma_wait3A_419 = arith.constant 0 : i32
        %dma_wait3A_420 = tpu.memref_slice %arg11[%add3A_408, %dma_wait3A_419] : memref<4096x128xf32, #tpu.memory_space<vmem_shared>> -> memref<128x128xf32, #tpu.memory_space<vmem_shared>>
        tpu.wait_dma2 semaphore(%run_scoped3A_416 : memref<!tpu.dma_semaphore, #tpu.memory_space<semaphore_mem>>) src(%arg4 : memref<128x128xf32, #tpu.memory_space<hbm>>) dst(%dma_wait3A_420 : memref<128x128xf32, #tpu.memory_space<vmem_shared>>)
        tpu.yield
      }) : () -> ()
      %add3A_409 = arith.constant 128 : i32
      %add3A_410 = arith.addi %mul3A_0, %add3A_409 : i32
      %add3A_411 = arith.constant 128 : i32
      %add3A_412 = arith.addi %mul3A_0, %add3A_411 : i32
      "tpu.region"() ({
        %run_scoped3A_416 = tpu.sem_alloc : memref<!tpu.dma_semaphore, #tpu.memory_space<semaphore_mem>>
        %dma_start3A_417 = arith.constant 0 : i32
        %dma_start3A_418 = tpu.memref_slice %arg5[%add3A_13, %add3A_412, %dma_start3A_417] : memref<4x4096x128xf32, #tpu.memory_space<hbm>> -> memref<1x128x128xf32, #tpu.memory_space<hbm>>
        %dma_start3A_419 = tpu.memref_squeeze %dma_start3A_418 : memref<1x128x128xf32, #tpu.memory_space<hbm>> -> memref<128x128xf32, #tpu.memory_space<hbm>>
        %dma_start3A_420 = arith.constant 0 : i32
        %dma_start3A_421 = tpu.memref_slice %arg11[%add3A_410, %dma_start3A_420] : memref<4096x128xf32, #tpu.memory_space<vmem_shared>> -> memref<128x128xf32, #tpu.memory_space<vmem_shared>>
        tpu.enqueue_dma source(%dma_start3A_421 : memref<128x128xf32, #tpu.memory_space<vmem_shared>>) target(%dma_start3A_419 : memref<128x128xf32, #tpu.memory_space<hbm>>) target_semaphore(%run_scoped3A_416 : memref<!tpu.dma_semaphore, #tpu.memory_space<semaphore_mem>>)
        %dma_wait3A_422 = arith.constant 0 : i32
        %dma_wait3A_423 = tpu.memref_slice %arg5[%add3A_13, %add3A_412, %dma_wait3A_422] : memref<4x4096x128xf32, #tpu.memory_space<hbm>> -> memref<1x128x128xf32, #tpu.memory_space<hbm>>
        %dma_wait3A_424 = tpu.memref_squeeze %dma_wait3A_423 : memref<1x128x128xf32, #tpu.memory_space<hbm>> -> memref<128x128xf32, #tpu.memory_space<hbm>>
        %dma_wait3A_425 = arith.constant 0 : i32
        %dma_wait3A_426 = tpu.memref_slice %arg11[%add3A_410, %dma_wait3A_425] : memref<4096x128xf32, #tpu.memory_space<vmem_shared>> -> memref<128x128xf32, #tpu.memory_space<vmem_shared>>
        tpu.wait_dma2 semaphore(%run_scoped3A_416 : memref<!tpu.dma_semaphore, #tpu.memory_space<semaphore_mem>>) src(%dma_wait3A_426 : memref<128x128xf32, #tpu.memory_space<vmem_shared>>) dst(%dma_wait3A_424 : memref<128x128xf32, #tpu.memory_space<hbm>>)
        tpu.yield
      }) : () -> ()
      %add3A_413 = arith.constant 128 : i32
      %add3A_414 = arith.addi %mul3A_0, %add3A_413 : i32
      "tpu.region"() ({
        %run_scoped3A_416 = tpu.sem_alloc : memref<!tpu.dma_semaphore, #tpu.memory_space<semaphore_mem>>
        %dma_start3A_417 = arith.constant 0 : i32
        %dma_start3A_418 = tpu.memref_slice %arg11[%add3A_414, %dma_start3A_417] : memref<4096x128xf32, #tpu.memory_space<vmem_shared>> -> memref<128x128xf32, #tpu.memory_space<vmem_shared>>
        tpu.enqueue_dma source(%arg4 : memref<128x128xf32, #tpu.memory_space<hbm>>) target(%dma_start3A_418 : memref<128x128xf32, #tpu.memory_space<vmem_shared>>) target_semaphore(%run_scoped3A_416 : memref<!tpu.dma_semaphore, #tpu.memory_space<semaphore_mem>>)
        %dma_wait3A_419 = arith.constant 0 : i32
        %dma_wait3A_420 = tpu.memref_slice %arg11[%add3A_414, %dma_wait3A_419] : memref<4096x128xf32, #tpu.memory_space<vmem_shared>> -> memref<128x128xf32, #tpu.memory_space<vmem_shared>>
        tpu.wait_dma2 semaphore(%run_scoped3A_416 : memref<!tpu.dma_semaphore, #tpu.memory_space<semaphore_mem>>) src(%arg4 : memref<128x128xf32, #tpu.memory_space<hbm>>) dst(%dma_wait3A_420 : memref<128x128xf32, #tpu.memory_space<vmem_shared>>)
        tpu.yield
      }) : () -> ()
      %barrier3A_415 = arith.constant 0 : index
      tpu.barrier barrier_id(%barrier3A_415)
    }
    %scan3A_9 = arith.constant 2 : i32
    return
  }
}

#map = affine_map<(d0, d1) -> (0, 0, 0, 0)>
#map1 = affine_map<(d0, d1) -> (0, 0)>
#map2 = affine_map<(d0, d1) -> (0, 0, 0)>
module attributes {stable_mosaic.version = 14 : i64} {
  func.func @_sc_body(%arg0: i32, %arg1: i32, %arg2: memref<1x64x128x128xf32, #tpu.memory_space<hbm>>, %arg3: memref<4x1x128x128xi32, #tpu.memory_space<hbm>>, %arg4: memref<128x128xf32, #tpu.memory_space<hbm>>, %arg5: memref<4x4096x128xf32, #tpu.memory_space<hbm>>, %arg6: memref<4x16x32x128xf32, #tpu.memory_space<hbm>>, %arg7: memref<128x128xi32, #tpu.memory_space<vmem>>, %arg8: memref<128x128xf32, #tpu.memory_space<vmem>>, %arg9: memref<128x128xf32, #tpu.memory_space<vmem>>, %arg10: memref<32x128xf32, #tpu.memory_space<vmem>>, %arg11: memref<4096x128xf32, #tpu.memory_space<vmem_shared>>, %arg12: memref<!tpu.dma_semaphore, #tpu.memory_space<semaphore_mem>>) attributes {dimension_semantics = [#tpu.dimension_semantics<core_parallel>, #tpu.dimension_semantics<subcore_parallel>], iteration_bounds = array<i64: 2, 16>, scalar_prefetch = 0 : i64, scratch_operands = 6 : i64, tpu.core_type = #tpu.core_type<sc_vector_subcore>, window_params = [{transform_indices = #map}, {transform_indices = #map}, {transform_indices = #map1}, {transform_indices = #map2}, {transform_indices = #map}]} {
    %mul3A = arith.constant 256 : i32
    %mul3A_0 = arith.muli %arg1, %mul3A : i32
    %broadcast_in_dim3A = arith.constant 1.000000e+00 : f32
    %broadcast_in_dim3A_1 = vector.broadcast %broadcast_in_dim3A : f32 to vector<16xf32>
    %add3A = arith.constant 0 : i32
    %add3A_2 = arith.addi %mul3A_0, %add3A : i32
    "tpu.region"() ({
      %run_scoped3A = tpu.sem_alloc : memref<!tpu.dma_semaphore, #tpu.memory_space<semaphore_mem>>
      %dma_start3A = arith.constant 0 : i32
      %dma_start3A_10 = tpu.memref_slice %arg11[%add3A_2, %dma_start3A] : memref<4096x128xf32, #tpu.memory_space<vmem_shared>> -> memref<128x128xf32, #tpu.memory_space<vmem_shared>>
      tpu.enqueue_dma source(%arg4 : memref<128x128xf32, #tpu.memory_space<hbm>>) target(%dma_start3A_10 : memref<128x128xf32, #tpu.memory_space<vmem_shared>>) target_semaphore(%run_scoped3A : memref<!tpu.dma_semaphore, #tpu.memory_space<semaphore_mem>>)
      %dma_wait3A = arith.constant 0 : i32
      %dma_wait3A_11 = tpu.memref_slice %arg11[%add3A_2, %dma_wait3A] : memref<4096x128xf32, #tpu.memory_space<vmem_shared>> -> memref<128x128xf32, #tpu.memory_space<vmem_shared>>
      tpu.wait_dma2 semaphore(%run_scoped3A : memref<!tpu.dma_semaphore, #tpu.memory_space<semaphore_mem>>) src(%arg4 : memref<128x128xf32, #tpu.memory_space<hbm>>) dst(%dma_wait3A_11 : memref<128x128xf32, #tpu.memory_space<vmem_shared>>)
      tpu.yield
    }) : () -> ()
    %add3A_3 = arith.constant 128 : i32
    %add3A_4 = arith.addi %mul3A_0, %add3A_3 : i32
    "tpu.region"() ({
      %run_scoped3A = tpu.sem_alloc : memref<!tpu.dma_semaphore, #tpu.memory_space<semaphore_mem>>
      %dma_start3A = arith.constant 0 : i32
      %dma_start3A_10 = tpu.memref_slice %arg11[%add3A_4, %dma_start3A] : memref<4096x128xf32, #tpu.memory_space<vmem_shared>> -> memref<128x128xf32, #tpu.memory_space<vmem_shared>>
      tpu.enqueue_dma source(%arg4 : memref<128x128xf32, #tpu.memory_space<hbm>>) target(%dma_start3A_10 : memref<128x128xf32, #tpu.memory_space<vmem_shared>>) target_semaphore(%run_scoped3A : memref<!tpu.dma_semaphore, #tpu.memory_space<semaphore_mem>>)
      %dma_wait3A = arith.constant 0 : i32
      %dma_wait3A_11 = tpu.memref_slice %arg11[%add3A_4, %dma_wait3A] : memref<4096x128xf32, #tpu.memory_space<vmem_shared>> -> memref<128x128xf32, #tpu.memory_space<vmem_shared>>
      tpu.wait_dma2 semaphore(%run_scoped3A : memref<!tpu.dma_semaphore, #tpu.memory_space<semaphore_mem>>) src(%arg4 : memref<128x128xf32, #tpu.memory_space<hbm>>) dst(%dma_wait3A_11 : memref<128x128xf32, #tpu.memory_space<vmem_shared>>)
      tpu.yield
    }) : () -> ()
    %barrier3A = arith.constant 0 : index
    tpu.barrier barrier_id(%barrier3A)
    %scan3A = arith.constant 0 : i32
    %scan3A_5 = arith.constant 0 : i32
    %scan3A_6 = arith.constant 2 : i32
    %scan3A_7 = arith.addi %scan3A_5, %scan3A_6 : i32
    %scan3A_8 = arith.constant 1 : i32
    scf.for %scan3A_10 = %scan3A_5 to %scan3A_7 step %scan3A_8  : i32 {
      %mul3A_11 = arith.constant 2 : i32
      %mul3A_12 = arith.muli %arg0, %mul3A_11 : i32
      %add3A_13 = arith.addi %mul3A_12, %scan3A_10 : i32
      %jit3A = arith.constant 4 : i32
      %div3A = arith.divsi %add3A_13, %jit3A : i32
      %sign3A = arith.constant 0 : i32
      %sign3A_14 = arith.cmpi sgt, %add3A_13, %sign3A : i32
      %sign3A_15 = arith.extui %sign3A_14 : i1 to i32
      %sign3A_16 = arith.constant 0 : i32
      %sign3A_17 = arith.cmpi slt, %add3A_13, %sign3A_16 : i32
      %sign3A_18 = arith.extui %sign3A_17 : i1 to i32
      %sign3A_19 = arith.subi %sign3A_15, %sign3A_18 : i32
      %sign3A_20 = arith.constant 0 : i32
      %sign3A_21 = arith.cmpi sgt, %jit3A, %sign3A_20 : i32
      %sign3A_22 = arith.extui %sign3A_21 : i1 to i32
      %sign3A_23 = arith.constant 0 : i32
      %sign3A_24 = arith.cmpi slt, %jit3A, %sign3A_23 : i32
      %sign3A_25 = arith.extui %sign3A_24 : i1 to i32
      %sign3A_26 = arith.subi %sign3A_22, %sign3A_25 : i32
      %ne3A = arith.cmpi ne, %sign3A_19, %sign3A_26 : i32
      %rem3A = arith.remsi %add3A_13, %jit3A : i32
      %ne3A_27 = arith.constant 0 : i32
      %ne3A_28 = arith.cmpi ne, %rem3A, %ne3A_27 : i32
      %and3A = arith.andi %ne3A, %ne3A_28 : i1
      %sub3A = arith.constant 1 : i32
      %sub3A_29 = arith.subi %div3A, %sub3A : i32
      %select_n3A = arith.select %and3A, %sub3A_29, %div3A : i32
      %mul3A_30 = arith.constant 4 : i32
      %mul3A_31 = arith.muli %arg1, %mul3A_30 : i32
      %dma_start3A = arith.constant 0 : i32
      %dma_start3A_32 = arith.constant 0 : i32
      %dma_start3A_33 = tpu.memref_slice %arg2[%select_n3A, %mul3A_31, %dma_start3A, %dma_start3A_32] : memref<1x64x128x128xf32, #tpu.memory_space<hbm>> -> memref<1x1x128x128xf32, #tpu.memory_space<hbm>>
      %dma_start3A_34 = tpu.memref_squeeze %dma_start3A_33 : memref<1x1x128x128xf32, #tpu.memory_space<hbm>> -> memref<128x128xf32, #tpu.memory_space<hbm>>
      %dma_start3A_35 = arith.constant 0 : i32
      %dma_start3A_36 = arith.constant 0 : i32
      %dma_start3A_37 = tpu.memref_slice %arg2[%select_n3A, %mul3A_31, %dma_start3A_35, %dma_start3A_36] : memref<1x64x128x128xf32, #tpu.memory_space<hbm>> -> memref<1x1x128x128xf32, #tpu.memory_space<hbm>>
      %dma_start3A_38 = tpu.memref_squeeze %dma_start3A_37 : memref<1x1x128x128xf32, #tpu.memory_space<hbm>> -> memref<128x128xf32, #tpu.memory_space<hbm>>
      tpu.enqueue_dma source(%dma_start3A_38 : memref<128x128xf32, #tpu.memory_space<hbm>>) target(%arg8 : memref<128x128xf32, #tpu.memory_space<vmem>>) target_semaphore(%arg12 : memref<!tpu.dma_semaphore, #tpu.memory_space<semaphore_mem>>)
      %run_scoped3A = arith.constant 0 : i32
      "tpu.region"() ({
        %run_scoped3A_416 = tpu.sem_alloc : memref<!tpu.dma_semaphore, #tpu.memory_space<semaphore_mem>>
        %dma_start3A_417 = arith.constant 0 : i32
        %dma_start3A_418 = arith.constant 0 : i32
        %dma_start3A_419 = tpu.memref_slice %arg3[%add3A_13, %run_scoped3A, %dma_start3A_417, %dma_start3A_418] : memref<4x1x128x128xi32, #tpu.memory_space<hbm>> -> memref<1x1x128x128xi32, #tpu.memory_space<hbm>>
        %dma_start3A_420 = tpu.memref_squeeze %dma_start3A_419 : memref<1x1x128x128xi32, #tpu.memory_space<hbm>> -> memref<128x128xi32, #tpu.memory_space<hbm>>
        %dma_start3A_421 = arith.constant 0 : i32
        %dma_start3A_422 = arith.constant 0 : i32
        %dma_start3A_423 = tpu.memref_slice %arg3[%add3A_13, %run_scoped3A, %dma_start3A_421, %dma_start3A_422] : memref<4x1x128x128xi32, #tpu.memory_space<hbm>> -> memref<1x1x128x128xi32, #tpu.memory_space<hbm>>
        %dma_start3A_424 = tpu.memref_squeeze %dma_start3A_423 : memref<1x1x128x128xi32, #tpu.memory_space<hbm>> -> memref<128x128xi32, #tpu.memory_space<hbm>>
        tpu.enqueue_dma source(%dma_start3A_424 : memref<128x128xi32, #tpu.memory_space<hbm>>) target(%arg7 : memref<128x128xi32, #tpu.memory_space<vmem>>) target_semaphore(%run_scoped3A_416 : memref<!tpu.dma_semaphore, #tpu.memory_space<semaphore_mem>>)
        %dma_wait3A_425 = arith.constant 0 : i32
        %dma_wait3A_426 = arith.constant 0 : i32
        %dma_wait3A_427 = tpu.memref_slice %arg3[%add3A_13, %run_scoped3A, %dma_wait3A_425, %dma_wait3A_426] : memref<4x1x128x128xi32, #tpu.memory_space<hbm>> -> memref<1x1x128x128xi32, #tpu.memory_space<hbm>>
        %dma_wait3A_428 = tpu.memref_squeeze %dma_wait3A_427 : memref<1x1x128x128xi32, #tpu.memory_space<hbm>> -> memref<128x128xi32, #tpu.memory_space<hbm>>
        %dma_wait3A_429 = arith.constant 0 : i32
        %dma_wait3A_430 = arith.constant 0 : i32
        %dma_wait3A_431 = tpu.memref_slice %arg3[%add3A_13, %run_scoped3A, %dma_wait3A_429, %dma_wait3A_430] : memref<4x1x128x128xi32, #tpu.memory_space<hbm>> -> memref<1x1x128x128xi32, #tpu.memory_space<hbm>>
        %dma_wait3A_432 = tpu.memref_squeeze %dma_wait3A_431 : memref<1x1x128x128xi32, #tpu.memory_space<hbm>> -> memref<128x128xi32, #tpu.memory_space<hbm>>
        tpu.wait_dma2 semaphore(%run_scoped3A_416 : memref<!tpu.dma_semaphore, #tpu.memory_space<semaphore_mem>>) src(%dma_wait3A_432 : memref<128x128xi32, #tpu.memory_space<hbm>>) dst(%arg7 : memref<128x128xi32, #tpu.memory_space<vmem>>)
        tpu.yield
      }) : () -> ()
      "tpu.region"() ({
        %run_scoped3A_416 = tpu.sem_alloc : memref<!tpu.dma_semaphore, #tpu.memory_space<semaphore_mem>>
        %dma_start3A_417 = arith.constant 0 : i32
        %dma_start3A_418 = arith.constant 0 : i32
        %dma_start3A_419 = tpu.memref_slice %arg4[%dma_start3A_417, %dma_start3A_418] : memref<128x128xf32, #tpu.memory_space<hbm>> -> memref<32x128xf32, #tpu.memory_space<hbm>>
        %dma_start3A_420 = arith.constant 0 : i32
        %dma_start3A_421 = arith.constant 0 : i32
        %dma_start3A_422 = tpu.memref_slice %arg4[%dma_start3A_420, %dma_start3A_421] : memref<128x128xf32, #tpu.memory_space<hbm>> -> memref<32x128xf32, #tpu.memory_space<hbm>>
        tpu.enqueue_dma source(%dma_start3A_422 : memref<32x128xf32, #tpu.memory_space<hbm>>) target(%arg10 : memref<32x128xf32, #tpu.memory_space<vmem>>) target_semaphore(%run_scoped3A_416 : memref<!tpu.dma_semaphore, #tpu.memory_space<semaphore_mem>>)
        %dma_wait3A_423 = arith.constant 0 : i32
        %dma_wait3A_424 = arith.constant 0 : i32
        %dma_wait3A_425 = tpu.memref_slice %arg4[%dma_wait3A_423, %dma_wait3A_424] : memref<128x128xf32, #tpu.memory_space<hbm>> -> memref<32x128xf32, #tpu.memory_space<hbm>>
        %dma_wait3A_426 = arith.constant 0 : i32
        %dma_wait3A_427 = arith.constant 0 : i32
        %dma_wait3A_428 = tpu.memref_slice %arg4[%dma_wait3A_426, %dma_wait3A_427] : memref<128x128xf32, #tpu.memory_space<hbm>> -> memref<32x128xf32, #tpu.memory_space<hbm>>
        tpu.wait_dma2 semaphore(%run_scoped3A_416 : memref<!tpu.dma_semaphore, #tpu.memory_space<semaphore_mem>>) src(%dma_wait3A_428 : memref<32x128xf32, #tpu.memory_space<hbm>>) dst(%arg10 : memref<32x128xf32, #tpu.memory_space<vmem>>)
        tpu.yield
      }) : () -> ()
      %mul3A_39 = arith.constant 4 : i32
      %mul3A_40 = arith.muli %arg1, %mul3A_39 : i32
      %add3A_41 = arith.constant 0 : i32
      %add3A_42 = arith.addi %mul3A_40, %add3A_41 : i32
      %dma_wait3A = arith.constant 0 : i32
      %dma_wait3A_43 = arith.constant 0 : i32
      %dma_wait3A_44 = tpu.memref_slice %arg2[%select_n3A, %mul3A_31, %dma_wait3A, %dma_wait3A_43] : memref<1x64x128x128xf32, #tpu.memory_space<hbm>> -> memref<1x1x128x128xf32, #tpu.memory_space<hbm>>
      %dma_wait3A_45 = tpu.memref_squeeze %dma_wait3A_44 : memref<1x1x128x128xf32, #tpu.memory_space<hbm>> -> memref<128x128xf32, #tpu.memory_space<hbm>>
      %dma_wait3A_46 = arith.constant 0 : i32
      %dma_wait3A_47 = arith.constant 0 : i32
      %dma_wait3A_48 = tpu.memref_slice %arg2[%select_n3A, %mul3A_31, %dma_wait3A_46, %dma_wait3A_47] : memref<1x64x128x128xf32, #tpu.memory_space<hbm>> -> memref<1x1x128x128xf32, #tpu.memory_space<hbm>>
      %dma_wait3A_49 = tpu.memref_squeeze %dma_wait3A_48 : memref<1x1x128x128xf32, #tpu.memory_space<hbm>> -> memref<128x128xf32, #tpu.memory_space<hbm>>
      tpu.wait_dma2 semaphore(%arg12 : memref<!tpu.dma_semaphore, #tpu.memory_space<semaphore_mem>>) src(%dma_wait3A_49 : memref<128x128xf32, #tpu.memory_space<hbm>>) dst(%arg8 : memref<128x128xf32, #tpu.memory_space<vmem>>)
      %add3A_50 = arith.constant 1 : i32
      %add3A_51 = arith.addi %add3A_42, %add3A_50 : i32
      %dma_start3A_52 = arith.constant 0 : i32
      %dma_start3A_53 = arith.constant 0 : i32
      %dma_start3A_54 = tpu.memref_slice %arg2[%select_n3A, %add3A_51, %dma_start3A_52, %dma_start3A_53] : memref<1x64x128x128xf32, #tpu.memory_space<hbm>> -> memref<1x1x128x128xf32, #tpu.memory_space<hbm>>
      %dma_start3A_55 = tpu.memref_squeeze %dma_start3A_54 : memref<1x1x128x128xf32, #tpu.memory_space<hbm>> -> memref<128x128xf32, #tpu.memory_space<hbm>>
      %dma_start3A_56 = arith.constant 0 : i32
      %dma_start3A_57 = arith.constant 0 : i32
      %dma_start3A_58 = tpu.memref_slice %arg2[%select_n3A, %add3A_51, %dma_start3A_56, %dma_start3A_57] : memref<1x64x128x128xf32, #tpu.memory_space<hbm>> -> memref<1x1x128x128xf32, #tpu.memory_space<hbm>>
      %dma_start3A_59 = tpu.memref_squeeze %dma_start3A_58 : memref<1x1x128x128xf32, #tpu.memory_space<hbm>> -> memref<128x128xf32, #tpu.memory_space<hbm>>
      tpu.enqueue_dma source(%dma_start3A_59 : memref<128x128xf32, #tpu.memory_space<hbm>>) target(%arg9 : memref<128x128xf32, #tpu.memory_space<vmem>>) target_semaphore(%arg12 : memref<!tpu.dma_semaphore, #tpu.memory_space<semaphore_mem>>)
      "tpu.region"() ({
        %run_scoped3A_416 = tpu.sem_alloc : memref<!tpu.dma_semaphore, #tpu.memory_space<semaphore_mem>>
        %dma_start3A_417 = arith.constant 0 : i32
        %dma_start3A_418 = tpu.memref_slice %arg7[%add3A_42, %dma_start3A_417] : memref<128x128xi32, #tpu.memory_space<vmem>> -> memref<1x128xi32, #tpu.memory_space<vmem>>
        %dma_start3A_419 = tpu.memref_squeeze %dma_start3A_418 : memref<1x128xi32, #tpu.memory_space<vmem>> -> memref<128xi32, #tpu.memory_space<vmem>>
        %dma_start3A_420 = arith.constant 0 : i32
        %dma_start3A_421 = arith.constant 0 : i32
        %dma_start3A_422 = tpu.memref_slice %arg11[%dma_start3A_420, %dma_start3A_421] : memref<4096x128xf32, #tpu.memory_space<vmem_shared>> -> memref<4096x128xf32, #tpu.memory_space<vmem_shared>>
        tpu.enqueue_indirect_dma source(%arg8 : memref<128x128xf32, #tpu.memory_space<vmem>>) target(%dma_start3A_422 : memref<4096x128xf32, #tpu.memory_space<vmem_shared>>) offsets(%dma_start3A_419 : memref<128xi32, #tpu.memory_space<vmem>>) semaphore(%run_scoped3A_416 : memref<!tpu.dma_semaphore, #tpu.memory_space<semaphore_mem>>) {add = true}
        %dma_wait3A_423 = arith.constant 0 : i32
        %dma_wait3A_424 = tpu.memref_slice %arg7[%add3A_42, %dma_wait3A_423] : memref<128x128xi32, #tpu.memory_space<vmem>> -> memref<1x128xi32, #tpu.memory_space<vmem>>
        %dma_wait3A_425 = tpu.memref_squeeze %dma_wait3A_424 : memref<1x128xi32, #tpu.memory_space<vmem>> -> memref<128xi32, #tpu.memory_space<vmem>>
        %dma_wait3A_426 = arith.constant 0 : i32
        %dma_wait3A_427 = arith.constant 0 : i32
        %dma_wait3A_428 = tpu.memref_slice %arg11[%dma_wait3A_426, %dma_wait3A_427] : memref<4096x128xf32, #tpu.memory_space<vmem_shared>> -> memref<4096x128xf32, #tpu.memory_space<vmem_shared>>
        tpu.wait_indirect_dma semaphore(%run_scoped3A_416 : memref<!tpu.dma_semaphore, #tpu.memory_space<semaphore_mem>>) src(%arg8 : memref<128x128xf32, #tpu.memory_space<vmem>>) dst(%dma_wait3A_428 : memref<4096x128xf32, #tpu.memory_space<vmem_shared>>)
        tpu.yield
      }) : () -> ()
      %get3A = arith.index_cast %add3A_42 : i32 to index
      %get3A_60 = arith.constant 0 : index
      %get3A_61 = tpu.vector_load %arg7[%get3A, %get3A_60] {strides = array<i32>} : memref<128x128xi32, #tpu.memory_space<vmem>>, vector<16xi32>,
      %shift_right_logical3A = arith.constant 7 : i32
      %shift_right_logical3A_62 = vector.broadcast %shift_right_logical3A : i32 to vector<16xi32>
      %shift_right_logical3A_63 = arith.shrui %get3A_61, %shift_right_logical3A_62 : vector<16xi32>
      %and3A_64 = arith.constant 127 : i32
      %and3A_65 = vector.broadcast %and3A_64 : i32 to vector<16xi32>
      %and3A_66 = arith.andi %get3A_61, %and3A_65 : vector<16xi32>
      tpu.vector_store_idx %arg10[%shift_right_logical3A_63, %and3A_66], %broadcast_in_dim3A_1 {add = true} : memref<32x128xf32, #tpu.memory_space<vmem>>[vector<16xi32>, vector<16xi32>], vector<16xf32>,
      %get3A_67 = arith.index_cast %add3A_42 : i32 to index
      %get3A_68 = arith.constant 16 : index
      %get3A_69 = tpu.vector_load %arg7[%get3A_67, %get3A_68] {strides = array<i32>} : memref<128x128xi32, #tpu.memory_space<vmem>>, vector<16xi32>,
      %shift_right_logical3A_70 = arith.constant 7 : i32
      %shift_right_logical3A_71 = vector.broadcast %shift_right_logical3A_70 : i32 to vector<16xi32>
      %shift_right_logical3A_72 = arith.shrui %get3A_69, %shift_right_logical3A_71 : vector<16xi32>
      %and3A_73 = arith.constant 127 : i32
      %and3A_74 = vector.broadcast %and3A_73 : i32 to vector<16xi32>
      %and3A_75 = arith.andi %get3A_69, %and3A_74 : vector<16xi32>
      tpu.vector_store_idx %arg10[%shift_right_logical3A_72, %and3A_75], %broadcast_in_dim3A_1 {add = true} : memref<32x128xf32, #tpu.memory_space<vmem>>[vector<16xi32>, vector<16xi32>], vector<16xf32>,
      %get3A_76 = arith.index_cast %add3A_42 : i32 to index
      %get3A_77 = arith.constant 32 : index
      %get3A_78 = tpu.vector_load %arg7[%get3A_76, %get3A_77] {strides = array<i32>} : memref<128x128xi32, #tpu.memory_space<vmem>>, vector<16xi32>,
      %shift_right_logical3A_79 = arith.constant 7 : i32
      %shift_right_logical3A_80 = vector.broadcast %shift_right_logical3A_79 : i32 to vector<16xi32>
      %shift_right_logical3A_81 = arith.shrui %get3A_78, %shift_right_logical3A_80 : vector<16xi32>
      %and3A_82 = arith.constant 127 : i32
      %and3A_83 = vector.broadcast %and3A_82 : i32 to vector<16xi32>
      %and3A_84 = arith.andi %get3A_78, %and3A_83 : vector<16xi32>
      tpu.vector_store_idx %arg10[%shift_right_logical3A_81, %and3A_84], %broadcast_in_dim3A_1 {add = true} : memref<32x128xf32, #tpu.memory_space<vmem>>[vector<16xi32>, vector<16xi32>], vector<16xf32>,
      %get3A_85 = arith.index_cast %add3A_42 : i32 to index
      %get3A_86 = arith.constant 48 : index
      %get3A_87 = tpu.vector_load %arg7[%get3A_85, %get3A_86] {strides = array<i32>} : memref<128x128xi32, #tpu.memory_space<vmem>>, vector<16xi32>,
      %shift_right_logical3A_88 = arith.constant 7 : i32
      %shift_right_logical3A_89 = vector.broadcast %shift_right_logical3A_88 : i32 to vector<16xi32>
      %shift_right_logical3A_90 = arith.shrui %get3A_87, %shift_right_logical3A_89 : vector<16xi32>
      %and3A_91 = arith.constant 127 : i32
      %and3A_92 = vector.broadcast %and3A_91 : i32 to vector<16xi32>
      %and3A_93 = arith.andi %get3A_87, %and3A_92 : vector<16xi32>
      tpu.vector_store_idx %arg10[%shift_right_logical3A_90, %and3A_93], %broadcast_in_dim3A_1 {add = true} : memref<32x128xf32, #tpu.memory_space<vmem>>[vector<16xi32>, vector<16xi32>], vector<16xf32>,
      %get3A_94 = arith.index_cast %add3A_42 : i32 to index
      %get3A_95 = arith.constant 64 : index
      %get3A_96 = tpu.vector_load %arg7[%get3A_94, %get3A_95] {strides = array<i32>} : memref<128x128xi32, #tpu.memory_space<vmem>>, vector<16xi32>,
      %shift_right_logical3A_97 = arith.constant 7 : i32
      %shift_right_logical3A_98 = vector.broadcast %shift_right_logical3A_97 : i32 to vector<16xi32>
      %shift_right_logical3A_99 = arith.shrui %get3A_96, %shift_right_logical3A_98 : vector<16xi32>
      %and3A_100 = arith.constant 127 : i32
      %and3A_101 = vector.broadcast %and3A_100 : i32 to vector<16xi32>
      %and3A_102 = arith.andi %get3A_96, %and3A_101 : vector<16xi32>
      tpu.vector_store_idx %arg10[%shift_right_logical3A_99, %and3A_102], %broadcast_in_dim3A_1 {add = true} : memref<32x128xf32, #tpu.memory_space<vmem>>[vector<16xi32>, vector<16xi32>], vector<16xf32>,
      %get3A_103 = arith.index_cast %add3A_42 : i32 to index
      %get3A_104 = arith.constant 80 : index
      %get3A_105 = tpu.vector_load %arg7[%get3A_103, %get3A_104] {strides = array<i32>} : memref<128x128xi32, #tpu.memory_space<vmem>>, vector<16xi32>,
      %shift_right_logical3A_106 = arith.constant 7 : i32
      %shift_right_logical3A_107 = vector.broadcast %shift_right_logical3A_106 : i32 to vector<16xi32>
      %shift_right_logical3A_108 = arith.shrui %get3A_105, %shift_right_logical3A_107 : vector<16xi32>
      %and3A_109 = arith.constant 127 : i32
      %and3A_110 = vector.broadcast %and3A_109 : i32 to vector<16xi32>
      %and3A_111 = arith.andi %get3A_105, %and3A_110 : vector<16xi32>
      tpu.vector_store_idx %arg10[%shift_right_logical3A_108, %and3A_111], %broadcast_in_dim3A_1 {add = true} : memref<32x128xf32, #tpu.memory_space<vmem>>[vector<16xi32>, vector<16xi32>], vector<16xf32>,
      %get3A_112 = arith.index_cast %add3A_42 : i32 to index
      %get3A_113 = arith.constant 96 : index
      %get3A_114 = tpu.vector_load %arg7[%get3A_112, %get3A_113] {strides = array<i32>} : memref<128x128xi32, #tpu.memory_space<vmem>>, vector<16xi32>,
      %shift_right_logical3A_115 = arith.constant 7 : i32
      %shift_right_logical3A_116 = vector.broadcast %shift_right_logical3A_115 : i32 to vector<16xi32>
      %shift_right_logical3A_117 = arith.shrui %get3A_114, %shift_right_logical3A_116 : vector<16xi32>
      %and3A_118 = arith.constant 127 : i32
      %and3A_119 = vector.broadcast %and3A_118 : i32 to vector<16xi32>
      %and3A_120 = arith.andi %get3A_114, %and3A_119 : vector<16xi32>
      tpu.vector_store_idx %arg10[%shift_right_logical3A_117, %and3A_120], %broadcast_in_dim3A_1 {add = true} : memref<32x128xf32, #tpu.memory_space<vmem>>[vector<16xi32>, vector<16xi32>], vector<16xf32>,
      %get3A_121 = arith.index_cast %add3A_42 : i32 to index
      %get3A_122 = arith.constant 112 : index
      %get3A_123 = tpu.vector_load %arg7[%get3A_121, %get3A_122] {strides = array<i32>} : memref<128x128xi32, #tpu.memory_space<vmem>>, vector<16xi32>,
      %shift_right_logical3A_124 = arith.constant 7 : i32
      %shift_right_logical3A_125 = vector.broadcast %shift_right_logical3A_124 : i32 to vector<16xi32>
      %shift_right_logical3A_126 = arith.shrui %get3A_123, %shift_right_logical3A_125 : vector<16xi32>
      %and3A_127 = arith.constant 127 : i32
      %and3A_128 = vector.broadcast %and3A_127 : i32 to vector<16xi32>
      %and3A_129 = arith.andi %get3A_123, %and3A_128 : vector<16xi32>
      tpu.vector_store_idx %arg10[%shift_right_logical3A_126, %and3A_129], %broadcast_in_dim3A_1 {add = true} : memref<32x128xf32, #tpu.memory_space<vmem>>[vector<16xi32>, vector<16xi32>], vector<16xf32>,
      %mul3A_130 = arith.constant 4 : i32
      %mul3A_131 = arith.muli %arg1, %mul3A_130 : i32
      %add3A_132 = arith.constant 1 : i32
      %add3A_133 = arith.addi %mul3A_131, %add3A_132 : i32
      %dma_wait3A_134 = arith.constant 0 : i32
      %dma_wait3A_135 = arith.constant 0 : i32
      %dma_wait3A_136 = tpu.memref_slice %arg2[%select_n3A, %add3A_51, %dma_wait3A_134, %dma_wait3A_135] : memref<1x64x128x128xf32, #tpu.memory_space<hbm>> -> memref<1x1x128x128xf32, #tpu.memory_space<hbm>>
      %dma_wait3A_137 = tpu.memref_squeeze %dma_wait3A_136 : memref<1x1x128x128xf32, #tpu.memory_space<hbm>> -> memref<128x128xf32, #tpu.memory_space<hbm>>
      %dma_wait3A_138 = arith.constant 0 : i32
      %dma_wait3A_139 = arith.constant 0 : i32
      %dma_wait3A_140 = tpu.memref_slice %arg2[%select_n3A, %add3A_51, %dma_wait3A_138, %dma_wait3A_139] : memref<1x64x128x128xf32, #tpu.memory_space<hbm>> -> memref<1x1x128x128xf32, #tpu.memory_space<hbm>>
      %dma_wait3A_141 = tpu.memref_squeeze %dma_wait3A_140 : memref<1x1x128x128xf32, #tpu.memory_space<hbm>> -> memref<128x128xf32, #tpu.memory_space<hbm>>
      tpu.wait_dma2 semaphore(%arg12 : memref<!tpu.dma_semaphore, #tpu.memory_space<semaphore_mem>>) src(%dma_wait3A_141 : memref<128x128xf32, #tpu.memory_space<hbm>>) dst(%arg9 : memref<128x128xf32, #tpu.memory_space<vmem>>)
      %add3A_142 = arith.constant 1 : i32
      %add3A_143 = arith.addi %add3A_133, %add3A_142 : i32
      %dma_start3A_144 = arith.constant 0 : i32
      %dma_start3A_145 = arith.constant 0 : i32
      %dma_start3A_146 = tpu.memref_slice %arg2[%select_n3A, %add3A_143, %dma_start3A_144, %dma_start3A_145] : memref<1x64x128x128xf32, #tpu.memory_space<hbm>> -> memref<1x1x128x128xf32, #tpu.memory_space<hbm>>
      %dma_start3A_147 = tpu.memref_squeeze %dma_start3A_146 : memref<1x1x128x128xf32, #tpu.memory_space<hbm>> -> memref<128x128xf32, #tpu.memory_space<hbm>>
      %dma_start3A_148 = arith.constant 0 : i32
      %dma_start3A_149 = arith.constant 0 : i32
      %dma_start3A_150 = tpu.memref_slice %arg2[%select_n3A, %add3A_143, %dma_start3A_148, %dma_start3A_149] : memref<1x64x128x128xf32, #tpu.memory_space<hbm>> -> memref<1x1x128x128xf32, #tpu.memory_space<hbm>>
      %dma_start3A_151 = tpu.memref_squeeze %dma_start3A_150 : memref<1x1x128x128xf32, #tpu.memory_space<hbm>> -> memref<128x128xf32, #tpu.memory_space<hbm>>
      tpu.enqueue_dma source(%dma_start3A_151 : memref<128x128xf32, #tpu.memory_space<hbm>>) target(%arg8 : memref<128x128xf32, #tpu.memory_space<vmem>>) target_semaphore(%arg12 : memref<!tpu.dma_semaphore, #tpu.memory_space<semaphore_mem>>)
      "tpu.region"() ({
        %run_scoped3A_416 = tpu.sem_alloc : memref<!tpu.dma_semaphore, #tpu.memory_space<semaphore_mem>>
        %dma_start3A_417 = arith.constant 0 : i32
        %dma_start3A_418 = tpu.memref_slice %arg7[%add3A_133, %dma_start3A_417] : memref<128x128xi32, #tpu.memory_space<vmem>> -> memref<1x128xi32, #tpu.memory_space<vmem>>
        %dma_start3A_419 = tpu.memref_squeeze %dma_start3A_418 : memref<1x128xi32, #tpu.memory_space<vmem>> -> memref<128xi32, #tpu.memory_space<vmem>>
        %dma_start3A_420 = arith.constant 0 : i32
        %dma_start3A_421 = arith.constant 0 : i32
        %dma_start3A_422 = tpu.memref_slice %arg11[%dma_start3A_420, %dma_start3A_421] : memref<4096x128xf32, #tpu.memory_space<vmem_shared>> -> memref<4096x128xf32, #tpu.memory_space<vmem_shared>>
        tpu.enqueue_indirect_dma source(%arg9 : memref<128x128xf32, #tpu.memory_space<vmem>>) target(%dma_start3A_422 : memref<4096x128xf32, #tpu.memory_space<vmem_shared>>) offsets(%dma_start3A_419 : memref<128xi32, #tpu.memory_space<vmem>>) semaphore(%run_scoped3A_416 : memref<!tpu.dma_semaphore, #tpu.memory_space<semaphore_mem>>) {add = true}
        %dma_wait3A_423 = arith.constant 0 : i32
        %dma_wait3A_424 = tpu.memref_slice %arg7[%add3A_133, %dma_wait3A_423] : memref<128x128xi32, #tpu.memory_space<vmem>> -> memref<1x128xi32, #tpu.memory_space<vmem>>
        %dma_wait3A_425 = tpu.memref_squeeze %dma_wait3A_424 : memref<1x128xi32, #tpu.memory_space<vmem>> -> memref<128xi32, #tpu.memory_space<vmem>>
        %dma_wait3A_426 = arith.constant 0 : i32
        %dma_wait3A_427 = arith.constant 0 : i32
        %dma_wait3A_428 = tpu.memref_slice %arg11[%dma_wait3A_426, %dma_wait3A_427] : memref<4096x128xf32, #tpu.memory_space<vmem_shared>> -> memref<4096x128xf32, #tpu.memory_space<vmem_shared>>
        tpu.wait_indirect_dma semaphore(%run_scoped3A_416 : memref<!tpu.dma_semaphore, #tpu.memory_space<semaphore_mem>>) src(%arg9 : memref<128x128xf32, #tpu.memory_space<vmem>>) dst(%dma_wait3A_428 : memref<4096x128xf32, #tpu.memory_space<vmem_shared>>)
        tpu.yield
      }) : () -> ()
      %get3A_152 = arith.index_cast %add3A_133 : i32 to index
      %get3A_153 = arith.constant 0 : index
      %get3A_154 = tpu.vector_load %arg7[%get3A_152, %get3A_153] {strides = array<i32>} : memref<128x128xi32, #tpu.memory_space<vmem>>, vector<16xi32>,
      %shift_right_logical3A_155 = arith.constant 7 : i32
      %shift_right_logical3A_156 = vector.broadcast %shift_right_logical3A_155 : i32 to vector<16xi32>
      %shift_right_logical3A_157 = arith.shrui %get3A_154, %shift_right_logical3A_156 : vector<16xi32>
      %and3A_158 = arith.constant 127 : i32
      %and3A_159 = vector.broadcast %and3A_158 : i32 to vector<16xi32>
      %and3A_160 = arith.andi %get3A_154, %and3A_159 : vector<16xi32>
      tpu.vector_store_idx %arg10[%shift_right_logical3A_157, %and3A_160], %broadcast_in_dim3A_1 {add = true} : memref<32x128xf32, #tpu.memory_space<vmem>>[vector<16xi32>, vector<16xi32>], vector<16xf32>,
      %get3A_161 = arith.index_cast %add3A_133 : i32 to index
      %get3A_162 = arith.constant 16 : index
      %get3A_163 = tpu.vector_load %arg7[%get3A_161, %get3A_162] {strides = array<i32>} : memref<128x128xi32, #tpu.memory_space<vmem>>, vector<16xi32>,
      %shift_right_logical3A_164 = arith.constant 7 : i32
      %shift_right_logical3A_165 = vector.broadcast %shift_right_logical3A_164 : i32 to vector<16xi32>
      %shift_right_logical3A_166 = arith.shrui %get3A_163, %shift_right_logical3A_165 : vector<16xi32>
      %and3A_167 = arith.constant 127 : i32
      %and3A_168 = vector.broadcast %and3A_167 : i32 to vector<16xi32>
      %and3A_169 = arith.andi %get3A_163, %and3A_168 : vector<16xi32>
      tpu.vector_store_idx %arg10[%shift_right_logical3A_166, %and3A_169], %broadcast_in_dim3A_1 {add = true} : memref<32x128xf32, #tpu.memory_space<vmem>>[vector<16xi32>, vector<16xi32>], vector<16xf32>,
      %get3A_170 = arith.index_cast %add3A_133 : i32 to index
      %get3A_171 = arith.constant 32 : index
      %get3A_172 = tpu.vector_load %arg7[%get3A_170, %get3A_171] {strides = array<i32>} : memref<128x128xi32, #tpu.memory_space<vmem>>, vector<16xi32>,
      %shift_right_logical3A_173 = arith.constant 7 : i32
      %shift_right_logical3A_174 = vector.broadcast %shift_right_logical3A_173 : i32 to vector<16xi32>
      %shift_right_logical3A_175 = arith.shrui %get3A_172, %shift_right_logical3A_174 : vector<16xi32>
      %and3A_176 = arith.constant 127 : i32
      %and3A_177 = vector.broadcast %and3A_176 : i32 to vector<16xi32>
      %and3A_178 = arith.andi %get3A_172, %and3A_177 : vector<16xi32>
      tpu.vector_store_idx %arg10[%shift_right_logical3A_175, %and3A_178], %broadcast_in_dim3A_1 {add = true} : memref<32x128xf32, #tpu.memory_space<vmem>>[vector<16xi32>, vector<16xi32>], vector<16xf32>,
      %get3A_179 = arith.index_cast %add3A_133 : i32 to index
      %get3A_180 = arith.constant 48 : index
      %get3A_181 = tpu.vector_load %arg7[%get3A_179, %get3A_180] {strides = array<i32>} : memref<128x128xi32, #tpu.memory_space<vmem>>, vector<16xi32>,
      %shift_right_logical3A_182 = arith.constant 7 : i32
      %shift_right_logical3A_183 = vector.broadcast %shift_right_logical3A_182 : i32 to vector<16xi32>
      %shift_right_logical3A_184 = arith.shrui %get3A_181, %shift_right_logical3A_183 : vector<16xi32>
      %and3A_185 = arith.constant 127 : i32
      %and3A_186 = vector.broadcast %and3A_185 : i32 to vector<16xi32>
      %and3A_187 = arith.andi %get3A_181, %and3A_186 : vector<16xi32>
      tpu.vector_store_idx %arg10[%shift_right_logical3A_184, %and3A_187], %broadcast_in_dim3A_1 {add = true} : memref<32x128xf32, #tpu.memory_space<vmem>>[vector<16xi32>, vector<16xi32>], vector<16xf32>,
      %get3A_188 = arith.index_cast %add3A_133 : i32 to index
      %get3A_189 = arith.constant 64 : index
      %get3A_190 = tpu.vector_load %arg7[%get3A_188, %get3A_189] {strides = array<i32>} : memref<128x128xi32, #tpu.memory_space<vmem>>, vector<16xi32>,
      %shift_right_logical3A_191 = arith.constant 7 : i32
      %shift_right_logical3A_192 = vector.broadcast %shift_right_logical3A_191 : i32 to vector<16xi32>
      %shift_right_logical3A_193 = arith.shrui %get3A_190, %shift_right_logical3A_192 : vector<16xi32>
      %and3A_194 = arith.constant 127 : i32
      %and3A_195 = vector.broadcast %and3A_194 : i32 to vector<16xi32>
      %and3A_196 = arith.andi %get3A_190, %and3A_195 : vector<16xi32>
      tpu.vector_store_idx %arg10[%shift_right_logical3A_193, %and3A_196], %broadcast_in_dim3A_1 {add = true} : memref<32x128xf32, #tpu.memory_space<vmem>>[vector<16xi32>, vector<16xi32>], vector<16xf32>,
      %get3A_197 = arith.index_cast %add3A_133 : i32 to index
      %get3A_198 = arith.constant 80 : index
      %get3A_199 = tpu.vector_load %arg7[%get3A_197, %get3A_198] {strides = array<i32>} : memref<128x128xi32, #tpu.memory_space<vmem>>, vector<16xi32>,
      %shift_right_logical3A_200 = arith.constant 7 : i32
      %shift_right_logical3A_201 = vector.broadcast %shift_right_logical3A_200 : i32 to vector<16xi32>
      %shift_right_logical3A_202 = arith.shrui %get3A_199, %shift_right_logical3A_201 : vector<16xi32>
      %and3A_203 = arith.constant 127 : i32
      %and3A_204 = vector.broadcast %and3A_203 : i32 to vector<16xi32>
      %and3A_205 = arith.andi %get3A_199, %and3A_204 : vector<16xi32>
      tpu.vector_store_idx %arg10[%shift_right_logical3A_202, %and3A_205], %broadcast_in_dim3A_1 {add = true} : memref<32x128xf32, #tpu.memory_space<vmem>>[vector<16xi32>, vector<16xi32>], vector<16xf32>,
      %get3A_206 = arith.index_cast %add3A_133 : i32 to index
      %get3A_207 = arith.constant 96 : index
      %get3A_208 = tpu.vector_load %arg7[%get3A_206, %get3A_207] {strides = array<i32>} : memref<128x128xi32, #tpu.memory_space<vmem>>, vector<16xi32>,
      %shift_right_logical3A_209 = arith.constant 7 : i32
      %shift_right_logical3A_210 = vector.broadcast %shift_right_logical3A_209 : i32 to vector<16xi32>
      %shift_right_logical3A_211 = arith.shrui %get3A_208, %shift_right_logical3A_210 : vector<16xi32>
      %and3A_212 = arith.constant 127 : i32
      %and3A_213 = vector.broadcast %and3A_212 : i32 to vector<16xi32>
      %and3A_214 = arith.andi %get3A_208, %and3A_213 : vector<16xi32>
      tpu.vector_store_idx %arg10[%shift_right_logical3A_211, %and3A_214], %broadcast_in_dim3A_1 {add = true} : memref<32x128xf32, #tpu.memory_space<vmem>>[vector<16xi32>, vector<16xi32>], vector<16xf32>,
      %get3A_215 = arith.index_cast %add3A_133 : i32 to index
      %get3A_216 = arith.constant 112 : index
      %get3A_217 = tpu.vector_load %arg7[%get3A_215, %get3A_216] {strides = array<i32>} : memref<128x128xi32, #tpu.memory_space<vmem>>, vector<16xi32>,
      %shift_right_logical3A_218 = arith.constant 7 : i32
      %shift_right_logical3A_219 = vector.broadcast %shift_right_logical3A_218 : i32 to vector<16xi32>
      %shift_right_logical3A_220 = arith.shrui %get3A_217, %shift_right_logical3A_219 : vector<16xi32>
      %and3A_221 = arith.constant 127 : i32
      %and3A_222 = vector.broadcast %and3A_221 : i32 to vector<16xi32>
      %and3A_223 = arith.andi %get3A_217, %and3A_222 : vector<16xi32>
      tpu.vector_store_idx %arg10[%shift_right_logical3A_220, %and3A_223], %broadcast_in_dim3A_1 {add = true} : memref<32x128xf32, #tpu.memory_space<vmem>>[vector<16xi32>, vector<16xi32>], vector<16xf32>,
      %mul3A_224 = arith.constant 4 : i32
      %mul3A_225 = arith.muli %arg1, %mul3A_224 : i32
      %add3A_226 = arith.constant 2 : i32
      %add3A_227 = arith.addi %mul3A_225, %add3A_226 : i32
      %dma_wait3A_228 = arith.constant 0 : i32
      %dma_wait3A_229 = arith.constant 0 : i32
      %dma_wait3A_230 = tpu.memref_slice %arg2[%select_n3A, %add3A_143, %dma_wait3A_228, %dma_wait3A_229] : memref<1x64x128x128xf32, #tpu.memory_space<hbm>> -> memref<1x1x128x128xf32, #tpu.memory_space<hbm>>
      %dma_wait3A_231 = tpu.memref_squeeze %dma_wait3A_230 : memref<1x1x128x128xf32, #tpu.memory_space<hbm>> -> memref<128x128xf32, #tpu.memory_space<hbm>>
      %dma_wait3A_232 = arith.constant 0 : i32
      %dma_wait3A_233 = arith.constant 0 : i32
      %dma_wait3A_234 = tpu.memref_slice %arg2[%select_n3A, %add3A_143, %dma_wait3A_232, %dma_wait3A_233] : memref<1x64x128x128xf32, #tpu.memory_space<hbm>> -> memref<1x1x128x128xf32, #tpu.memory_space<hbm>>
      %dma_wait3A_235 = tpu.memref_squeeze %dma_wait3A_234 : memref<1x1x128x128xf32, #tpu.memory_space<hbm>> -> memref<128x128xf32, #tpu.memory_space<hbm>>
      tpu.wait_dma2 semaphore(%arg12 : memref<!tpu.dma_semaphore, #tpu.memory_space<semaphore_mem>>) src(%dma_wait3A_235 : memref<128x128xf32, #tpu.memory_space<hbm>>) dst(%arg8 : memref<128x128xf32, #tpu.memory_space<vmem>>)
      %add3A_236 = arith.constant 1 : i32
      %add3A_237 = arith.addi %add3A_227, %add3A_236 : i32
      %dma_start3A_238 = arith.constant 0 : i32
      %dma_start3A_239 = arith.constant 0 : i32
      %dma_start3A_240 = tpu.memref_slice %arg2[%select_n3A, %add3A_237, %dma_start3A_238, %dma_start3A_239] : memref<1x64x128x128xf32, #tpu.memory_space<hbm>> -> memref<1x1x128x128xf32, #tpu.memory_space<hbm>>
      %dma_start3A_241 = tpu.memref_squeeze %dma_start3A_240 : memref<1x1x128x128xf32, #tpu.memory_space<hbm>> -> memref<128x128xf32, #tpu.memory_space<hbm>>
      %dma_start3A_242 = arith.constant 0 : i32
      %dma_start3A_243 = arith.constant 0 : i32
      %dma_start3A_244 = tpu.memref_slice %arg2[%select_n3A, %add3A_237, %dma_start3A_242, %dma_start3A_243] : memref<1x64x128x128xf32, #tpu.memory_space<hbm>> -> memref<1x1x128x128xf32, #tpu.memory_space<hbm>>
      %dma_start3A_245 = tpu.memref_squeeze %dma_start3A_244 : memref<1x1x128x128xf32, #tpu.memory_space<hbm>> -> memref<128x128xf32, #tpu.memory_space<hbm>>
      tpu.enqueue_dma source(%dma_start3A_245 : memref<128x128xf32, #tpu.memory_space<hbm>>) target(%arg9 : memref<128x128xf32, #tpu.memory_space<vmem>>) target_semaphore(%arg12 : memref<!tpu.dma_semaphore, #tpu.memory_space<semaphore_mem>>)
      "tpu.region"() ({
        %run_scoped3A_416 = tpu.sem_alloc : memref<!tpu.dma_semaphore, #tpu.memory_space<semaphore_mem>>
        %dma_start3A_417 = arith.constant 0 : i32
        %dma_start3A_418 = tpu.memref_slice %arg7[%add3A_227, %dma_start3A_417] : memref<128x128xi32, #tpu.memory_space<vmem>> -> memref<1x128xi32, #tpu.memory_space<vmem>>
        %dma_start3A_419 = tpu.memref_squeeze %dma_start3A_418 : memref<1x128xi32, #tpu.memory_space<vmem>> -> memref<128xi32, #tpu.memory_space<vmem>>
        %dma_start3A_420 = arith.constant 0 : i32
        %dma_start3A_421 = arith.constant 0 : i32
        %dma_start3A_422 = tpu.memref_slice %arg11[%dma_start3A_420, %dma_start3A_421] : memref<4096x128xf32, #tpu.memory_space<vmem_shared>> -> memref<4096x128xf32, #tpu.memory_space<vmem_shared>>
        tpu.enqueue_indirect_dma source(%arg8 : memref<128x128xf32, #tpu.memory_space<vmem>>) target(%dma_start3A_422 : memref<4096x128xf32, #tpu.memory_space<vmem_shared>>) offsets(%dma_start3A_419 : memref<128xi32, #tpu.memory_space<vmem>>) semaphore(%run_scoped3A_416 : memref<!tpu.dma_semaphore, #tpu.memory_space<semaphore_mem>>) {add = true}
        %dma_wait3A_423 = arith.constant 0 : i32
        %dma_wait3A_424 = tpu.memref_slice %arg7[%add3A_227, %dma_wait3A_423] : memref<128x128xi32, #tpu.memory_space<vmem>> -> memref<1x128xi32, #tpu.memory_space<vmem>>
        %dma_wait3A_425 = tpu.memref_squeeze %dma_wait3A_424 : memref<1x128xi32, #tpu.memory_space<vmem>> -> memref<128xi32, #tpu.memory_space<vmem>>
        %dma_wait3A_426 = arith.constant 0 : i32
        %dma_wait3A_427 = arith.constant 0 : i32
        %dma_wait3A_428 = tpu.memref_slice %arg11[%dma_wait3A_426, %dma_wait3A_427] : memref<4096x128xf32, #tpu.memory_space<vmem_shared>> -> memref<4096x128xf32, #tpu.memory_space<vmem_shared>>
        tpu.wait_indirect_dma semaphore(%run_scoped3A_416 : memref<!tpu.dma_semaphore, #tpu.memory_space<semaphore_mem>>) src(%arg8 : memref<128x128xf32, #tpu.memory_space<vmem>>) dst(%dma_wait3A_428 : memref<4096x128xf32, #tpu.memory_space<vmem_shared>>)
        tpu.yield
      }) : () -> ()
      %get3A_246 = arith.index_cast %add3A_227 : i32 to index
      %get3A_247 = arith.constant 0 : index
      %get3A_248 = tpu.vector_load %arg7[%get3A_246, %get3A_247] {strides = array<i32>} : memref<128x128xi32, #tpu.memory_space<vmem>>, vector<16xi32>,
      %shift_right_logical3A_249 = arith.constant 7 : i32
      %shift_right_logical3A_250 = vector.broadcast %shift_right_logical3A_249 : i32 to vector<16xi32>
      %shift_right_logical3A_251 = arith.shrui %get3A_248, %shift_right_logical3A_250 : vector<16xi32>
      %and3A_252 = arith.constant 127 : i32
      %and3A_253 = vector.broadcast %and3A_252 : i32 to vector<16xi32>
      %and3A_254 = arith.andi %get3A_248, %and3A_253 : vector<16xi32>
      tpu.vector_store_idx %arg10[%shift_right_logical3A_251, %and3A_254], %broadcast_in_dim3A_1 {add = true} : memref<32x128xf32, #tpu.memory_space<vmem>>[vector<16xi32>, vector<16xi32>], vector<16xf32>,
      %get3A_255 = arith.index_cast %add3A_227 : i32 to index
      %get3A_256 = arith.constant 16 : index
      %get3A_257 = tpu.vector_load %arg7[%get3A_255, %get3A_256] {strides = array<i32>} : memref<128x128xi32, #tpu.memory_space<vmem>>, vector<16xi32>,
      %shift_right_logical3A_258 = arith.constant 7 : i32
      %shift_right_logical3A_259 = vector.broadcast %shift_right_logical3A_258 : i32 to vector<16xi32>
      %shift_right_logical3A_260 = arith.shrui %get3A_257, %shift_right_logical3A_259 : vector<16xi32>
      %and3A_261 = arith.constant 127 : i32
      %and3A_262 = vector.broadcast %and3A_261 : i32 to vector<16xi32>
      %and3A_263 = arith.andi %get3A_257, %and3A_262 : vector<16xi32>
      tpu.vector_store_idx %arg10[%shift_right_logical3A_260, %and3A_263], %broadcast_in_dim3A_1 {add = true} : memref<32x128xf32, #tpu.memory_space<vmem>>[vector<16xi32>, vector<16xi32>], vector<16xf32>,
      %get3A_264 = arith.index_cast %add3A_227 : i32 to index
      %get3A_265 = arith.constant 32 : index
      %get3A_266 = tpu.vector_load %arg7[%get3A_264, %get3A_265] {strides = array<i32>} : memref<128x128xi32, #tpu.memory_space<vmem>>, vector<16xi32>,
      %shift_right_logical3A_267 = arith.constant 7 : i32
      %shift_right_logical3A_268 = vector.broadcast %shift_right_logical3A_267 : i32 to vector<16xi32>
      %shift_right_logical3A_269 = arith.shrui %get3A_266, %shift_right_logical3A_268 : vector<16xi32>
      %and3A_270 = arith.constant 127 : i32
      %and3A_271 = vector.broadcast %and3A_270 : i32 to vector<16xi32>
      %and3A_272 = arith.andi %get3A_266, %and3A_271 : vector<16xi32>
      tpu.vector_store_idx %arg10[%shift_right_logical3A_269, %and3A_272], %broadcast_in_dim3A_1 {add = true} : memref<32x128xf32, #tpu.memory_space<vmem>>[vector<16xi32>, vector<16xi32>], vector<16xf32>,
      %get3A_273 = arith.index_cast %add3A_227 : i32 to index
      %get3A_274 = arith.constant 48 : index
      %get3A_275 = tpu.vector_load %arg7[%get3A_273, %get3A_274] {strides = array<i32>} : memref<128x128xi32, #tpu.memory_space<vmem>>, vector<16xi32>,
      %shift_right_logical3A_276 = arith.constant 7 : i32
      %shift_right_logical3A_277 = vector.broadcast %shift_right_logical3A_276 : i32 to vector<16xi32>
      %shift_right_logical3A_278 = arith.shrui %get3A_275, %shift_right_logical3A_277 : vector<16xi32>
      %and3A_279 = arith.constant 127 : i32
      %and3A_280 = vector.broadcast %and3A_279 : i32 to vector<16xi32>
      %and3A_281 = arith.andi %get3A_275, %and3A_280 : vector<16xi32>
      tpu.vector_store_idx %arg10[%shift_right_logical3A_278, %and3A_281], %broadcast_in_dim3A_1 {add = true} : memref<32x128xf32, #tpu.memory_space<vmem>>[vector<16xi32>, vector<16xi32>], vector<16xf32>,
      %get3A_282 = arith.index_cast %add3A_227 : i32 to index
      %get3A_283 = arith.constant 64 : index
      %get3A_284 = tpu.vector_load %arg7[%get3A_282, %get3A_283] {strides = array<i32>} : memref<128x128xi32, #tpu.memory_space<vmem>>, vector<16xi32>,
      %shift_right_logical3A_285 = arith.constant 7 : i32
      %shift_right_logical3A_286 = vector.broadcast %shift_right_logical3A_285 : i32 to vector<16xi32>
      %shift_right_logical3A_287 = arith.shrui %get3A_284, %shift_right_logical3A_286 : vector<16xi32>
      %and3A_288 = arith.constant 127 : i32
      %and3A_289 = vector.broadcast %and3A_288 : i32 to vector<16xi32>
      %and3A_290 = arith.andi %get3A_284, %and3A_289 : vector<16xi32>
      tpu.vector_store_idx %arg10[%shift_right_logical3A_287, %and3A_290], %broadcast_in_dim3A_1 {add = true} : memref<32x128xf32, #tpu.memory_space<vmem>>[vector<16xi32>, vector<16xi32>], vector<16xf32>,
      %get3A_291 = arith.index_cast %add3A_227 : i32 to index
      %get3A_292 = arith.constant 80 : index
      %get3A_293 = tpu.vector_load %arg7[%get3A_291, %get3A_292] {strides = array<i32>} : memref<128x128xi32, #tpu.memory_space<vmem>>, vector<16xi32>,
      %shift_right_logical3A_294 = arith.constant 7 : i32
      %shift_right_logical3A_295 = vector.broadcast %shift_right_logical3A_294 : i32 to vector<16xi32>
      %shift_right_logical3A_296 = arith.shrui %get3A_293, %shift_right_logical3A_295 : vector<16xi32>
      %and3A_297 = arith.constant 127 : i32
      %and3A_298 = vector.broadcast %and3A_297 : i32 to vector<16xi32>
      %and3A_299 = arith.andi %get3A_293, %and3A_298 : vector<16xi32>
      tpu.vector_store_idx %arg10[%shift_right_logical3A_296, %and3A_299], %broadcast_in_dim3A_1 {add = true} : memref<32x128xf32, #tpu.memory_space<vmem>>[vector<16xi32>, vector<16xi32>], vector<16xf32>,
      %get3A_300 = arith.index_cast %add3A_227 : i32 to index
      %get3A_301 = arith.constant 96 : index
      %get3A_302 = tpu.vector_load %arg7[%get3A_300, %get3A_301] {strides = array<i32>} : memref<128x128xi32, #tpu.memory_space<vmem>>, vector<16xi32>,
      %shift_right_logical3A_303 = arith.constant 7 : i32
      %shift_right_logical3A_304 = vector.broadcast %shift_right_logical3A_303 : i32 to vector<16xi32>
      %shift_right_logical3A_305 = arith.shrui %get3A_302, %shift_right_logical3A_304 : vector<16xi32>
      %and3A_306 = arith.constant 127 : i32
      %and3A_307 = vector.broadcast %and3A_306 : i32 to vector<16xi32>
      %and3A_308 = arith.andi %get3A_302, %and3A_307 : vector<16xi32>
      tpu.vector_store_idx %arg10[%shift_right_logical3A_305, %and3A_308], %broadcast_in_dim3A_1 {add = true} : memref<32x128xf32, #tpu.memory_space<vmem>>[vector<16xi32>, vector<16xi32>], vector<16xf32>,
      %get3A_309 = arith.index_cast %add3A_227 : i32 to index
      %get3A_310 = arith.constant 112 : index
      %get3A_311 = tpu.vector_load %arg7[%get3A_309, %get3A_310] {strides = array<i32>} : memref<128x128xi32, #tpu.memory_space<vmem>>, vector<16xi32>,
      %shift_right_logical3A_312 = arith.constant 7 : i32
      %shift_right_logical3A_313 = vector.broadcast %shift_right_logical3A_312 : i32 to vector<16xi32>
      %shift_right_logical3A_314 = arith.shrui %get3A_311, %shift_right_logical3A_313 : vector<16xi32>
      %and3A_315 = arith.constant 127 : i32
      %and3A_316 = vector.broadcast %and3A_315 : i32 to vector<16xi32>
      %and3A_317 = arith.andi %get3A_311, %and3A_316 : vector<16xi32>
      tpu.vector_store_idx %arg10[%shift_right_logical3A_314, %and3A_317], %broadcast_in_dim3A_1 {add = true} : memref<32x128xf32, #tpu.memory_space<vmem>>[vector<16xi32>, vector<16xi32>], vector<16xf32>,
      %mul3A_318 = arith.constant 4 : i32
      %mul3A_319 = arith.muli %arg1, %mul3A_318 : i32
      %add3A_320 = arith.constant 3 : i32
      %add3A_321 = arith.addi %mul3A_319, %add3A_320 : i32
      %dma_wait3A_322 = arith.constant 0 : i32
      %dma_wait3A_323 = arith.constant 0 : i32
      %dma_wait3A_324 = tpu.memref_slice %arg2[%select_n3A, %add3A_237, %dma_wait3A_322, %dma_wait3A_323] : memref<1x64x128x128xf32, #tpu.memory_space<hbm>> -> memref<1x1x128x128xf32, #tpu.memory_space<hbm>>
      %dma_wait3A_325 = tpu.memref_squeeze %dma_wait3A_324 : memref<1x1x128x128xf32, #tpu.memory_space<hbm>> -> memref<128x128xf32, #tpu.memory_space<hbm>>
      %dma_wait3A_326 = arith.constant 0 : i32
      %dma_wait3A_327 = arith.constant 0 : i32
      %dma_wait3A_328 = tpu.memref_slice %arg2[%select_n3A, %add3A_237, %dma_wait3A_326, %dma_wait3A_327] : memref<1x64x128x128xf32, #tpu.memory_space<hbm>> -> memref<1x1x128x128xf32, #tpu.memory_space<hbm>>
      %dma_wait3A_329 = tpu.memref_squeeze %dma_wait3A_328 : memref<1x1x128x128xf32, #tpu.memory_space<hbm>> -> memref<128x128xf32, #tpu.memory_space<hbm>>
      tpu.wait_dma2 semaphore(%arg12 : memref<!tpu.dma_semaphore, #tpu.memory_space<semaphore_mem>>) src(%dma_wait3A_329 : memref<128x128xf32, #tpu.memory_space<hbm>>) dst(%arg9 : memref<128x128xf32, #tpu.memory_space<vmem>>)
      "tpu.region"() ({
        %run_scoped3A_416 = tpu.sem_alloc : memref<!tpu.dma_semaphore, #tpu.memory_space<semaphore_mem>>
        %dma_start3A_417 = arith.constant 0 : i32
        %dma_start3A_418 = tpu.memref_slice %arg7[%add3A_321, %dma_start3A_417] : memref<128x128xi32, #tpu.memory_space<vmem>> -> memref<1x128xi32, #tpu.memory_space<vmem>>
        %dma_start3A_419 = tpu.memref_squeeze %dma_start3A_418 : memref<1x128xi32, #tpu.memory_space<vmem>> -> memref<128xi32, #tpu.memory_space<vmem>>
        %dma_start3A_420 = arith.constant 0 : i32
        %dma_start3A_421 = arith.constant 0 : i32
        %dma_start3A_422 = tpu.memref_slice %arg11[%dma_start3A_420, %dma_start3A_421] : memref<4096x128xf32, #tpu.memory_space<vmem_shared>> -> memref<4096x128xf32, #tpu.memory_space<vmem_shared>>
        tpu.enqueue_indirect_dma source(%arg9 : memref<128x128xf32, #tpu.memory_space<vmem>>) target(%dma_start3A_422 : memref<4096x128xf32, #tpu.memory_space<vmem_shared>>) offsets(%dma_start3A_419 : memref<128xi32, #tpu.memory_space<vmem>>) semaphore(%run_scoped3A_416 : memref<!tpu.dma_semaphore, #tpu.memory_space<semaphore_mem>>) {add = true}
        %dma_wait3A_423 = arith.constant 0 : i32
        %dma_wait3A_424 = tpu.memref_slice %arg7[%add3A_321, %dma_wait3A_423] : memref<128x128xi32, #tpu.memory_space<vmem>> -> memref<1x128xi32, #tpu.memory_space<vmem>>
        %dma_wait3A_425 = tpu.memref_squeeze %dma_wait3A_424 : memref<1x128xi32, #tpu.memory_space<vmem>> -> memref<128xi32, #tpu.memory_space<vmem>>
        %dma_wait3A_426 = arith.constant 0 : i32
        %dma_wait3A_427 = arith.constant 0 : i32
        %dma_wait3A_428 = tpu.memref_slice %arg11[%dma_wait3A_426, %dma_wait3A_427] : memref<4096x128xf32, #tpu.memory_space<vmem_shared>> -> memref<4096x128xf32, #tpu.memory_space<vmem_shared>>
        tpu.wait_indirect_dma semaphore(%run_scoped3A_416 : memref<!tpu.dma_semaphore, #tpu.memory_space<semaphore_mem>>) src(%arg9 : memref<128x128xf32, #tpu.memory_space<vmem>>) dst(%dma_wait3A_428 : memref<4096x128xf32, #tpu.memory_space<vmem_shared>>)
        tpu.yield
      }) : () -> ()
      %get3A_330 = arith.index_cast %add3A_321 : i32 to index
      %get3A_331 = arith.constant 0 : index
      %get3A_332 = tpu.vector_load %arg7[%get3A_330, %get3A_331] {strides = array<i32>} : memref<128x128xi32, #tpu.memory_space<vmem>>, vector<16xi32>,
      %shift_right_logical3A_333 = arith.constant 7 : i32
      %shift_right_logical3A_334 = vector.broadcast %shift_right_logical3A_333 : i32 to vector<16xi32>
      %shift_right_logical3A_335 = arith.shrui %get3A_332, %shift_right_logical3A_334 : vector<16xi32>
      %and3A_336 = arith.constant 127 : i32
      %and3A_337 = vector.broadcast %and3A_336 : i32 to vector<16xi32>
      %and3A_338 = arith.andi %get3A_332, %and3A_337 : vector<16xi32>
      tpu.vector_store_idx %arg10[%shift_right_logical3A_335, %and3A_338], %broadcast_in_dim3A_1 {add = true} : memref<32x128xf32, #tpu.memory_space<vmem>>[vector<16xi32>, vector<16xi32>], vector<16xf32>,
      %get3A_339 = arith.index_cast %add3A_321 : i32 to index
      %get3A_340 = arith.constant 16 : index
      %get3A_341 = tpu.vector_load %arg7[%get3A_339, %get3A_340] {strides = array<i32>} : memref<128x128xi32, #tpu.memory_space<vmem>>, vector<16xi32>,
      %shift_right_logical3A_342 = arith.constant 7 : i32
      %shift_right_logical3A_343 = vector.broadcast %shift_right_logical3A_342 : i32 to vector<16xi32>
      %shift_right_logical3A_344 = arith.shrui %get3A_341, %shift_right_logical3A_343 : vector<16xi32>
      %and3A_345 = arith.constant 127 : i32
      %and3A_346 = vector.broadcast %and3A_345 : i32 to vector<16xi32>
      %and3A_347 = arith.andi %get3A_341, %and3A_346 : vector<16xi32>
      tpu.vector_store_idx %arg10[%shift_right_logical3A_344, %and3A_347], %broadcast_in_dim3A_1 {add = true} : memref<32x128xf32, #tpu.memory_space<vmem>>[vector<16xi32>, vector<16xi32>], vector<16xf32>,
      %get3A_348 = arith.index_cast %add3A_321 : i32 to index
      %get3A_349 = arith.constant 32 : index
      %get3A_350 = tpu.vector_load %arg7[%get3A_348, %get3A_349] {strides = array<i32>} : memref<128x128xi32, #tpu.memory_space<vmem>>, vector<16xi32>,
      %shift_right_logical3A_351 = arith.constant 7 : i32
      %shift_right_logical3A_352 = vector.broadcast %shift_right_logical3A_351 : i32 to vector<16xi32>
      %shift_right_logical3A_353 = arith.shrui %get3A_350, %shift_right_logical3A_352 : vector<16xi32>
      %and3A_354 = arith.constant 127 : i32
      %and3A_355 = vector.broadcast %and3A_354 : i32 to vector<16xi32>
      %and3A_356 = arith.andi %get3A_350, %and3A_355 : vector<16xi32>
      tpu.vector_store_idx %arg10[%shift_right_logical3A_353, %and3A_356], %broadcast_in_dim3A_1 {add = true} : memref<32x128xf32, #tpu.memory_space<vmem>>[vector<16xi32>, vector<16xi32>], vector<16xf32>,
      %get3A_357 = arith.index_cast %add3A_321 : i32 to index
      %get3A_358 = arith.constant 48 : index
      %get3A_359 = tpu.vector_load %arg7[%get3A_357, %get3A_358] {strides = array<i32>} : memref<128x128xi32, #tpu.memory_space<vmem>>, vector<16xi32>,
      %shift_right_logical3A_360 = arith.constant 7 : i32
      %shift_right_logical3A_361 = vector.broadcast %shift_right_logical3A_360 : i32 to vector<16xi32>
      %shift_right_logical3A_362 = arith.shrui %get3A_359, %shift_right_logical3A_361 : vector<16xi32>
      %and3A_363 = arith.constant 127 : i32
      %and3A_364 = vector.broadcast %and3A_363 : i32 to vector<16xi32>
      %and3A_365 = arith.andi %get3A_359, %and3A_364 : vector<16xi32>
      tpu.vector_store_idx %arg10[%shift_right_logical3A_362, %and3A_365], %broadcast_in_dim3A_1 {add = true} : memref<32x128xf32, #tpu.memory_space<vmem>>[vector<16xi32>, vector<16xi32>], vector<16xf32>,
      %get3A_366 = arith.index_cast %add3A_321 : i32 to index
      %get3A_367 = arith.constant 64 : index
      %get3A_368 = tpu.vector_load %arg7[%get3A_366, %get3A_367] {strides = array<i32>} : memref<128x128xi32, #tpu.memory_space<vmem>>, vector<16xi32>,
      %shift_right_logical3A_369 = arith.constant 7 : i32
      %shift_right_logical3A_370 = vector.broadcast %shift_right_logical3A_369 : i32 to vector<16xi32>
      %shift_right_logical3A_371 = arith.shrui %get3A_368, %shift_right_logical3A_370 : vector<16xi32>
      %and3A_372 = arith.constant 127 : i32
      %and3A_373 = vector.broadcast %and3A_372 : i32 to vector<16xi32>
      %and3A_374 = arith.andi %get3A_368, %and3A_373 : vector<16xi32>
      tpu.vector_store_idx %arg10[%shift_right_logical3A_371, %and3A_374], %broadcast_in_dim3A_1 {add = true} : memref<32x128xf32, #tpu.memory_space<vmem>>[vector<16xi32>, vector<16xi32>], vector<16xf32>,
      %get3A_375 = arith.index_cast %add3A_321 : i32 to index
      %get3A_376 = arith.constant 80 : index
      %get3A_377 = tpu.vector_load %arg7[%get3A_375, %get3A_376] {strides = array<i32>} : memref<128x128xi32, #tpu.memory_space<vmem>>, vector<16xi32>,
      %shift_right_logical3A_378 = arith.constant 7 : i32
      %shift_right_logical3A_379 = vector.broadcast %shift_right_logical3A_378 : i32 to vector<16xi32>
      %shift_right_logical3A_380 = arith.shrui %get3A_377, %shift_right_logical3A_379 : vector<16xi32>
      %and3A_381 = arith.constant 127 : i32
      %and3A_382 = vector.broadcast %and3A_381 : i32 to vector<16xi32>
      %and3A_383 = arith.andi %get3A_377, %and3A_382 : vector<16xi32>
      tpu.vector_store_idx %arg10[%shift_right_logical3A_380, %and3A_383], %broadcast_in_dim3A_1 {add = true} : memref<32x128xf32, #tpu.memory_space<vmem>>[vector<16xi32>, vector<16xi32>], vector<16xf32>,
      %get3A_384 = arith.index_cast %add3A_321 : i32 to index
      %get3A_385 = arith.constant 96 : index
      %get3A_386 = tpu.vector_load %arg7[%get3A_384, %get3A_385] {strides = array<i32>} : memref<128x128xi32, #tpu.memory_space<vmem>>, vector<16xi32>,
      %shift_right_logical3A_387 = arith.constant 7 : i32
      %shift_right_logical3A_388 = vector.broadcast %shift_right_logical3A_387 : i32 to vector<16xi32>
      %shift_right_logical3A_389 = arith.shrui %get3A_386, %shift_right_logical3A_388 : vector<16xi32>
      %and3A_390 = arith.constant 127 : i32
      %and3A_391 = vector.broadcast %and3A_390 : i32 to vector<16xi32>
      %and3A_392 = arith.andi %get3A_386, %and3A_391 : vector<16xi32>
      tpu.vector_store_idx %arg10[%shift_right_logical3A_389, %and3A_392], %broadcast_in_dim3A_1 {add = true} : memref<32x128xf32, #tpu.memory_space<vmem>>[vector<16xi32>, vector<16xi32>], vector<16xf32>,
      %get3A_393 = arith.index_cast %add3A_321 : i32 to index
      %get3A_394 = arith.constant 112 : index
      %get3A_395 = tpu.vector_load %arg7[%get3A_393, %get3A_394] {strides = array<i32>} : memref<128x128xi32, #tpu.memory_space<vmem>>, vector<16xi32>,
      %shift_right_logical3A_396 = arith.constant 7 : i32
      %shift_right_logical3A_397 = vector.broadcast %shift_right_logical3A_396 : i32 to vector<16xi32>
      %shift_right_logical3A_398 = arith.shrui %get3A_395, %shift_right_logical3A_397 : vector<16xi32>
      %and3A_399 = arith.constant 127 : i32
      %and3A_400 = vector.broadcast %and3A_399 : i32 to vector<16xi32>
      %and3A_401 = arith.andi %get3A_395, %and3A_400 : vector<16xi32>
      tpu.vector_store_idx %arg10[%shift_right_logical3A_398, %and3A_401], %broadcast_in_dim3A_1 {add = true} : memref<32x128xf32, #tpu.memory_space<vmem>>[vector<16xi32>, vector<16xi32>], vector<16xf32>,
      "tpu.region"() ({
        %run_scoped3A_416 = tpu.sem_alloc : memref<!tpu.dma_semaphore, #tpu.memory_space<semaphore_mem>>
        %dma_start3A_417 = arith.constant 0 : i32
        %dma_start3A_418 = arith.constant 0 : i32
        %dma_start3A_419 = tpu.memref_slice %arg6[%add3A_13, %arg1, %dma_start3A_417, %dma_start3A_418] : memref<4x16x32x128xf32, #tpu.memory_space<hbm>> -> memref<1x1x32x128xf32, #tpu.memory_space<hbm>>
        %dma_start3A_420 = tpu.memref_squeeze %dma_start3A_419 : memref<1x1x32x128xf32, #tpu.memory_space<hbm>> -> memref<32x128xf32, #tpu.memory_space<hbm>>
        %dma_start3A_421 = arith.constant 0 : i32
        %dma_start3A_422 = arith.constant 0 : i32
        %dma_start3A_423 = tpu.memref_slice %arg6[%add3A_13, %arg1, %dma_start3A_421, %dma_start3A_422] : memref<4x16x32x128xf32, #tpu.memory_space<hbm>> -> memref<1x1x32x128xf32, #tpu.memory_space<hbm>>
        %dma_start3A_424 = tpu.memref_squeeze %dma_start3A_423 : memref<1x1x32x128xf32, #tpu.memory_space<hbm>> -> memref<32x128xf32, #tpu.memory_space<hbm>>
        tpu.enqueue_dma source(%arg10 : memref<32x128xf32, #tpu.memory_space<vmem>>) target(%dma_start3A_424 : memref<32x128xf32, #tpu.memory_space<hbm>>) target_semaphore(%run_scoped3A_416 : memref<!tpu.dma_semaphore, #tpu.memory_space<semaphore_mem>>)
        %dma_wait3A_425 = arith.constant 0 : i32
        %dma_wait3A_426 = arith.constant 0 : i32
        %dma_wait3A_427 = tpu.memref_slice %arg6[%add3A_13, %arg1, %dma_wait3A_425, %dma_wait3A_426] : memref<4x16x32x128xf32, #tpu.memory_space<hbm>> -> memref<1x1x32x128xf32, #tpu.memory_space<hbm>>
        %dma_wait3A_428 = tpu.memref_squeeze %dma_wait3A_427 : memref<1x1x32x128xf32, #tpu.memory_space<hbm>> -> memref<32x128xf32, #tpu.memory_space<hbm>>
        %dma_wait3A_429 = arith.constant 0 : i32
        %dma_wait3A_430 = arith.constant 0 : i32
        %dma_wait3A_431 = tpu.memref_slice %arg6[%add3A_13, %arg1, %dma_wait3A_429, %dma_wait3A_430] : memref<4x16x32x128xf32, #tpu.memory_space<hbm>> -> memref<1x1x32x128xf32, #tpu.memory_space<hbm>>
        %dma_wait3A_432 = tpu.memref_squeeze %dma_wait3A_431 : memref<1x1x32x128xf32, #tpu.memory_space<hbm>> -> memref<32x128xf32, #tpu.memory_space<hbm>>
        tpu.wait_dma2 semaphore(%run_scoped3A_416 : memref<!tpu.dma_semaphore, #tpu.memory_space<semaphore_mem>>) src(%arg10 : memref<32x128xf32, #tpu.memory_space<vmem>>) dst(%dma_wait3A_432 : memref<32x128xf32, #tpu.memory_space<hbm>>)
        tpu.yield
      }) : () -> ()
      %barrier3A_402 = arith.constant 0 : index
      tpu.barrier barrier_id(%barrier3A_402)
      %add3A_403 = arith.constant 0 : i32
      %add3A_404 = arith.addi %mul3A_0, %add3A_403 : i32
      %add3A_405 = arith.constant 0 : i32
      %add3A_406 = arith.addi %mul3A_0, %add3A_405 : i32
      "tpu.region"() ({
        %run_scoped3A_416 = tpu.sem_alloc : memref<!tpu.dma_semaphore, #tpu.memory_space<semaphore_mem>>
        %dma_start3A_417 = arith.constant 0 : i32
        %dma_start3A_418 = tpu.memref_slice %arg5[%add3A_13, %add3A_406, %dma_start3A_417] : memref<4x4096x128xf32, #tpu.memory_space<hbm>> -> memref<1x128x128xf32, #tpu.memory_space<hbm>>
        %dma_start3A_419 = tpu.memref_squeeze %dma_start3A_418 : memref<1x128x128xf32, #tpu.memory_space<hbm>> -> memref<128x128xf32, #tpu.memory_space<hbm>>
        %dma_start3A_420 = arith.constant 0 : i32
        %dma_start3A_421 = tpu.memref_slice %arg11[%add3A_404, %dma_start3A_420] : memref<4096x128xf32, #tpu.memory_space<vmem_shared>> -> memref<128x128xf32, #tpu.memory_space<vmem_shared>>
        tpu.enqueue_dma source(%dma_start3A_421 : memref<128x128xf32, #tpu.memory_space<vmem_shared>>) target(%dma_start3A_419 : memref<128x128xf32, #tpu.memory_space<hbm>>) target_semaphore(%run_scoped3A_416 : memref<!tpu.dma_semaphore, #tpu.memory_space<semaphore_mem>>)
        %dma_wait3A_422 = arith.constant 0 : i32
        %dma_wait3A_423 = tpu.memref_slice %arg5[%add3A_13, %add3A_406, %dma_wait3A_422] : memref<4x4096x128xf32, #tpu.memory_space<hbm>> -> memref<1x128x128xf32, #tpu.memory_space<hbm>>
        %dma_wait3A_424 = tpu.memref_squeeze %dma_wait3A_423 : memref<1x128x128xf32, #tpu.memory_space<hbm>> -> memref<128x128xf32, #tpu.memory_space<hbm>>
        %dma_wait3A_425 = arith.constant 0 : i32
        %dma_wait3A_426 = tpu.memref_slice %arg11[%add3A_404, %dma_wait3A_425] : memref<4096x128xf32, #tpu.memory_space<vmem_shared>> -> memref<128x128xf32, #tpu.memory_space<vmem_shared>>
        tpu.wait_dma2 semaphore(%run_scoped3A_416 : memref<!tpu.dma_semaphore, #tpu.memory_space<semaphore_mem>>) src(%dma_wait3A_426 : memref<128x128xf32, #tpu.memory_space<vmem_shared>>) dst(%dma_wait3A_424 : memref<128x128xf32, #tpu.memory_space<hbm>>)
        tpu.yield
      }) : () -> ()
      %add3A_407 = arith.constant 0 : i32
      %add3A_408 = arith.addi %mul3A_0, %add3A_407 : i32
      "tpu.region"() ({
        %run_scoped3A_416 = tpu.sem_alloc : memref<!tpu.dma_semaphore, #tpu.memory_space<semaphore_mem>>
        %dma_start3A_417 = arith.constant 0 : i32
        %dma_start3A_418 = tpu.memref_slice %arg11[%add3A_408, %dma_start3A_417] : memref<4096x128xf32, #tpu.memory_space<vmem_shared>> -> memref<128x128xf32, #tpu.memory_space<vmem_shared>>
        tpu.enqueue_dma source(%arg4 : memref<128x128xf32, #tpu.memory_space<hbm>>) target(%dma_start3A_418 : memref<128x128xf32, #tpu.memory_space<vmem_shared>>) target_semaphore(%run_scoped3A_416 : memref<!tpu.dma_semaphore, #tpu.memory_space<semaphore_mem>>)
        %dma_wait3A_419 = arith.constant 0 : i32
        %dma_wait3A_420 = tpu.memref_slice %arg11[%add3A_408, %dma_wait3A_419] : memref<4096x128xf32, #tpu.memory_space<vmem_shared>> -> memref<128x128xf32, #tpu.memory_space<vmem_shared>>
        tpu.wait_dma2 semaphore(%run_scoped3A_416 : memref<!tpu.dma_semaphore, #tpu.memory_space<semaphore_mem>>) src(%arg4 : memref<128x128xf32, #tpu.memory_space<hbm>>) dst(%dma_wait3A_420 : memref<128x128xf32, #tpu.memory_space<vmem_shared>>)
        tpu.yield
      }) : () -> ()
      %add3A_409 = arith.constant 128 : i32
      %add3A_410 = arith.addi %mul3A_0, %add3A_409 : i32
      %add3A_411 = arith.constant 128 : i32
      %add3A_412 = arith.addi %mul3A_0, %add3A_411 : i32
      "tpu.region"() ({
        %run_scoped3A_416 = tpu.sem_alloc : memref<!tpu.dma_semaphore, #tpu.memory_space<semaphore_mem>>
        %dma_start3A_417 = arith.constant 0 : i32
        %dma_start3A_418 = tpu.memref_slice %arg5[%add3A_13, %add3A_412, %dma_start3A_417] : memref<4x4096x128xf32, #tpu.memory_space<hbm>> -> memref<1x128x128xf32, #tpu.memory_space<hbm>>
        %dma_start3A_419 = tpu.memref_squeeze %dma_start3A_418 : memref<1x128x128xf32, #tpu.memory_space<hbm>> -> memref<128x128xf32, #tpu.memory_space<hbm>>
        %dma_start3A_420 = arith.constant 0 : i32
        %dma_start3A_421 = tpu.memref_slice %arg11[%add3A_410, %dma_start3A_420] : memref<4096x128xf32, #tpu.memory_space<vmem_shared>> -> memref<128x128xf32, #tpu.memory_space<vmem_shared>>
        tpu.enqueue_dma source(%dma_start3A_421 : memref<128x128xf32, #tpu.memory_space<vmem_shared>>) target(%dma_start3A_419 : memref<128x128xf32, #tpu.memory_space<hbm>>) target_semaphore(%run_scoped3A_416 : memref<!tpu.dma_semaphore, #tpu.memory_space<semaphore_mem>>)
        %dma_wait3A_422 = arith.constant 0 : i32
        %dma_wait3A_423 = tpu.memref_slice %arg5[%add3A_13, %add3A_412, %dma_wait3A_422] : memref<4x4096x128xf32, #tpu.memory_space<hbm>> -> memref<1x128x128xf32, #tpu.memory_space<hbm>>
        %dma_wait3A_424 = tpu.memref_squeeze %dma_wait3A_423 : memref<1x128x128xf32, #tpu.memory_space<hbm>> -> memref<128x128xf32, #tpu.memory_space<hbm>>
        %dma_wait3A_425 = arith.constant 0 : i32
        %dma_wait3A_426 = tpu.memref_slice %arg11[%add3A_410, %dma_wait3A_425] : memref<4096x128xf32, #tpu.memory_space<vmem_shared>> -> memref<128x128xf32, #tpu.memory_space<vmem_shared>>
        tpu.wait_dma2 semaphore(%run_scoped3A_416 : memref<!tpu.dma_semaphore, #tpu.memory_space<semaphore_mem>>) src(%dma_wait3A_426 : memref<128x128xf32, #tpu.memory_space<vmem_shared>>) dst(%dma_wait3A_424 : memref<128x128xf32, #tpu.memory_space<hbm>>)
        tpu.yield
      }) : () -> ()
      %add3A_413 = arith.constant 128 : i32
      %add3A_414 = arith.addi %mul3A_0, %add3A_413 : i32
      "tpu.region"() ({
        %run_scoped3A_416 = tpu.sem_alloc : memref<!tpu.dma_semaphore, #tpu.memory_space<semaphore_mem>>
        %dma_start3A_417 = arith.constant 0 : i32
        %dma_start3A_418 = tpu.memref_slice %arg11[%add3A_414, %dma_start3A_417] : memref<4096x128xf32, #tpu.memory_space<vmem_shared>> -> memref<128x128xf32, #tpu.memory_space<vmem_shared>>
        tpu.enqueue_dma source(%arg4 : memref<128x128xf32, #tpu.memory_space<hbm>>) target(%dma_start3A_418 : memref<128x128xf32, #tpu.memory_space<vmem_shared>>) target_semaphore(%run_scoped3A_416 : memref<!tpu.dma_semaphore, #tpu.memory_space<semaphore_mem>>)
        %dma_wait3A_419 = arith.constant 0 : i32
        %dma_wait3A_420 = tpu.memref_slice %arg11[%add3A_414, %dma_wait3A_419] : memref<4096x128xf32, #tpu.memory_space<vmem_shared>> -> memref<128x128xf32, #tpu.memory_space<vmem_shared>>
        tpu.wait_dma2 semaphore(%run_scoped3A_416 : memref<!tpu.dma_semaphore, #tpu.memory_space<semaphore_mem>>) src(%arg4 : memref<128x128xf32, #tpu.memory_space<hbm>>) dst(%dma_wait3A_420 : memref<128x128xf32, #tpu.memory_space<vmem_shared>>)
        tpu.yield
      }) : () -> ()
      %barrier3A_415 = arith.constant 0 : index
      tpu.barrier barrier_id(%barrier3A_415)
    }
    %scan3A_9 = arith.constant 2 : i32
    return
  }
}

#map = affine_map<(d0, d1) -> (0, 0, 0, 0)>
#map1 = affine_map<(d0, d1) -> (0, 0)>
#map2 = affine_map<(d0, d1) -> (0, 0, 0)>
module attributes {stable_mosaic.version = 14 : i64} {
  func.func @_sc_body(%arg0: i32, %arg1: i32, %arg2: memref<1x64x128x128xf32, #tpu.memory_space<hbm>>, %arg3: memref<4x1x128x128xi32, #tpu.memory_space<hbm>>, %arg4: memref<128x128xf32, #tpu.memory_space<hbm>>, %arg5: memref<4x4096x128xf32, #tpu.memory_space<hbm>>, %arg6: memref<4x16x32x128xf32, #tpu.memory_space<hbm>>, %arg7: memref<128x128xi32, #tpu.memory_space<vmem>>, %arg8: memref<128x128xf32, #tpu.memory_space<vmem>>, %arg9: memref<128x128xf32, #tpu.memory_space<vmem>>, %arg10: memref<32x128xf32, #tpu.memory_space<vmem>>, %arg11: memref<4096x128xf32, #tpu.memory_space<vmem_shared>>, %arg12: memref<!tpu.dma_semaphore, #tpu.memory_space<semaphore_mem>>) attributes {dimension_semantics = [#tpu.dimension_semantics<core_parallel>, #tpu.dimension_semantics<subcore_parallel>], iteration_bounds = array<i64: 2, 16>, scalar_prefetch = 0 : i64, scratch_operands = 6 : i64, tpu.core_type = #tpu.core_type<sc_vector_subcore>, window_params = [{transform_indices = #map}, {transform_indices = #map}, {transform_indices = #map1}, {transform_indices = #map2}, {transform_indices = #map}]} {
    %mul3A = arith.constant 256 : i32
    %mul3A_0 = arith.muli %arg1, %mul3A : i32
    %broadcast_in_dim3A = arith.constant 1.000000e+00 : f32
    %broadcast_in_dim3A_1 = vector.broadcast %broadcast_in_dim3A : f32 to vector<16xf32>
    %add3A = arith.constant 0 : i32
    %add3A_2 = arith.addi %mul3A_0, %add3A : i32
    "tpu.region"() ({
      %run_scoped3A = tpu.sem_alloc : memref<!tpu.dma_semaphore, #tpu.memory_space<semaphore_mem>>
      %dma_start3A = arith.constant 0 : i32
      %dma_start3A_10 = tpu.memref_slice %arg11[%add3A_2, %dma_start3A] : memref<4096x128xf32, #tpu.memory_space<vmem_shared>> -> memref<128x128xf32, #tpu.memory_space<vmem_shared>>
      tpu.enqueue_dma source(%arg4 : memref<128x128xf32, #tpu.memory_space<hbm>>) target(%dma_start3A_10 : memref<128x128xf32, #tpu.memory_space<vmem_shared>>) target_semaphore(%run_scoped3A : memref<!tpu.dma_semaphore, #tpu.memory_space<semaphore_mem>>)
      %dma_wait3A = arith.constant 0 : i32
      %dma_wait3A_11 = tpu.memref_slice %arg11[%add3A_2, %dma_wait3A] : memref<4096x128xf32, #tpu.memory_space<vmem_shared>> -> memref<128x128xf32, #tpu.memory_space<vmem_shared>>
      tpu.wait_dma2 semaphore(%run_scoped3A : memref<!tpu.dma_semaphore, #tpu.memory_space<semaphore_mem>>) src(%arg4 : memref<128x128xf32, #tpu.memory_space<hbm>>) dst(%dma_wait3A_11 : memref<128x128xf32, #tpu.memory_space<vmem_shared>>)
      tpu.yield
    }) : () -> ()
    %add3A_3 = arith.constant 128 : i32
    %add3A_4 = arith.addi %mul3A_0, %add3A_3 : i32
    "tpu.region"() ({
      %run_scoped3A = tpu.sem_alloc : memref<!tpu.dma_semaphore, #tpu.memory_space<semaphore_mem>>
      %dma_start3A = arith.constant 0 : i32
      %dma_start3A_10 = tpu.memref_slice %arg11[%add3A_4, %dma_start3A] : memref<4096x128xf32, #tpu.memory_space<vmem_shared>> -> memref<128x128xf32, #tpu.memory_space<vmem_shared>>
      tpu.enqueue_dma source(%arg4 : memref<128x128xf32, #tpu.memory_space<hbm>>) target(%dma_start3A_10 : memref<128x128xf32, #tpu.memory_space<vmem_shared>>) target_semaphore(%run_scoped3A : memref<!tpu.dma_semaphore, #tpu.memory_space<semaphore_mem>>)
      %dma_wait3A = arith.constant 0 : i32
      %dma_wait3A_11 = tpu.memref_slice %arg11[%add3A_4, %dma_wait3A] : memref<4096x128xf32, #tpu.memory_space<vmem_shared>> -> memref<128x128xf32, #tpu.memory_space<vmem_shared>>
      tpu.wait_dma2 semaphore(%run_scoped3A : memref<!tpu.dma_semaphore, #tpu.memory_space<semaphore_mem>>) src(%arg4 : memref<128x128xf32, #tpu.memory_space<hbm>>) dst(%dma_wait3A_11 : memref<128x128xf32, #tpu.memory_space<vmem_shared>>)
      tpu.yield
    }) : () -> ()
    %barrier3A = arith.constant 0 : index
    tpu.barrier barrier_id(%barrier3A)
    %scan3A = arith.constant 0 : i32
    %scan3A_5 = arith.constant 0 : i32
    %scan3A_6 = arith.constant 2 : i32
    %scan3A_7 = arith.addi %scan3A_5, %scan3A_6 : i32
    %scan3A_8 = arith.constant 1 : i32
    scf.for %scan3A_10 = %scan3A_5 to %scan3A_7 step %scan3A_8  : i32 {
      %mul3A_11 = arith.constant 2 : i32
      %mul3A_12 = arith.muli %arg0, %mul3A_11 : i32
      %add3A_13 = arith.addi %mul3A_12, %scan3A_10 : i32
      %jit3A = arith.constant 4 : i32
      %div3A = arith.divsi %add3A_13, %jit3A : i32
      %sign3A = arith.constant 0 : i32
      %sign3A_14 = arith.cmpi sgt, %add3A_13, %sign3A : i32
      %sign3A_15 = arith.extui %sign3A_14 : i1 to i32
      %sign3A_16 = arith.constant 0 : i32
      %sign3A_17 = arith.cmpi slt, %add3A_13, %sign3A_16 : i32
      %sign3A_18 = arith.extui %sign3A_17 : i1 to i32
      %sign3A_19 = arith.subi %sign3A_15, %sign3A_18 : i32
      %sign3A_20 = arith.constant 0 : i32
      %sign3A_21 = arith.cmpi sgt, %jit3A, %sign3A_20 : i32
      %sign3A_22 = arith.extui %sign3A_21 : i1 to i32
      %sign3A_23 = arith.constant 0 : i32
      %sign3A_24 = arith.cmpi slt, %jit3A, %sign3A_23 : i32
      %sign3A_25 = arith.extui %sign3A_24 : i1 to i32
      %sign3A_26 = arith.subi %sign3A_22, %sign3A_25 : i32
      %ne3A = arith.cmpi ne, %sign3A_19, %sign3A_26 : i32
      %rem3A = arith.remsi %add3A_13, %jit3A : i32
      %ne3A_27 = arith.constant 0 : i32
      %ne3A_28 = arith.cmpi ne, %rem3A, %ne3A_27 : i32
      %and3A = arith.andi %ne3A, %ne3A_28 : i1
      %sub3A = arith.constant 1 : i32
      %sub3A_29 = arith.subi %div3A, %sub3A : i32
      %select_n3A = arith.select %and3A, %sub3A_29, %div3A : i32
      %mul3A_30 = arith.constant 4 : i32
      %mul3A_31 = arith.muli %arg1, %mul3A_30 : i32
      %dma_start3A = arith.constant 0 : i32
      %dma_start3A_32 = arith.constant 0 : i32
      %dma_start3A_33 = tpu.memref_slice %arg2[%select_n3A, %mul3A_31, %dma_start3A, %dma_start3A_32] : memref<1x64x128x128xf32, #tpu.memory_space<hbm>> -> memref<1x1x128x128xf32, #tpu.memory_space<hbm>>
      %dma_start3A_34 = tpu.memref_squeeze %dma_start3A_33 : memref<1x1x128x128xf32, #tpu.memory_space<hbm>> -> memref<128x128xf32, #tpu.memory_space<hbm>>
      %dma_start3A_35 = arith.constant 0 : i32
      %dma_start3A_36 = arith.constant 0 : i32
      %dma_start3A_37 = tpu.memref_slice %arg2[%select_n3A, %mul3A_31, %dma_start3A_35, %dma_start3A_36] : memref<1x64x128x128xf32, #tpu.memory_space<hbm>> -> memref<1x1x128x128xf32, #tpu.memory_space<hbm>>
      %dma_start3A_38 = tpu.memref_squeeze %dma_start3A_37 : memref<1x1x128x128xf32, #tpu.memory_space<hbm>> -> memref<128x128xf32, #tpu.memory_space<hbm>>
      tpu.enqueue_dma source(%dma_start3A_38 : memref<128x128xf32, #tpu.memory_space<hbm>>) target(%arg8 : memref<128x128xf32, #tpu.memory_space<vmem>>) target_semaphore(%arg12 : memref<!tpu.dma_semaphore, #tpu.memory_space<semaphore_mem>>)
      %run_scoped3A = arith.constant 0 : i32
      "tpu.region"() ({
        %run_scoped3A_416 = tpu.sem_alloc : memref<!tpu.dma_semaphore, #tpu.memory_space<semaphore_mem>>
        %dma_start3A_417 = arith.constant 0 : i32
        %dma_start3A_418 = arith.constant 0 : i32
        %dma_start3A_419 = tpu.memref_slice %arg3[%add3A_13, %run_scoped3A, %dma_start3A_417, %dma_start3A_418] : memref<4x1x128x128xi32, #tpu.memory_space<hbm>> -> memref<1x1x128x128xi32, #tpu.memory_space<hbm>>
        %dma_start3A_420 = tpu.memref_squeeze %dma_start3A_419 : memref<1x1x128x128xi32, #tpu.memory_space<hbm>> -> memref<128x128xi32, #tpu.memory_space<hbm>>
        %dma_start3A_421 = arith.constant 0 : i32
        %dma_start3A_422 = arith.constant 0 : i32
        %dma_start3A_423 = tpu.memref_slice %arg3[%add3A_13, %run_scoped3A, %dma_start3A_421, %dma_start3A_422] : memref<4x1x128x128xi32, #tpu.memory_space<hbm>> -> memref<1x1x128x128xi32, #tpu.memory_space<hbm>>
        %dma_start3A_424 = tpu.memref_squeeze %dma_start3A_423 : memref<1x1x128x128xi32, #tpu.memory_space<hbm>> -> memref<128x128xi32, #tpu.memory_space<hbm>>
        tpu.enqueue_dma source(%dma_start3A_424 : memref<128x128xi32, #tpu.memory_space<hbm>>) target(%arg7 : memref<128x128xi32, #tpu.memory_space<vmem>>) target_semaphore(%run_scoped3A_416 : memref<!tpu.dma_semaphore, #tpu.memory_space<semaphore_mem>>)
        %dma_wait3A_425 = arith.constant 0 : i32
        %dma_wait3A_426 = arith.constant 0 : i32
        %dma_wait3A_427 = tpu.memref_slice %arg3[%add3A_13, %run_scoped3A, %dma_wait3A_425, %dma_wait3A_426] : memref<4x1x128x128xi32, #tpu.memory_space<hbm>> -> memref<1x1x128x128xi32, #tpu.memory_space<hbm>>
        %dma_wait3A_428 = tpu.memref_squeeze %dma_wait3A_427 : memref<1x1x128x128xi32, #tpu.memory_space<hbm>> -> memref<128x128xi32, #tpu.memory_space<hbm>>
        %dma_wait3A_429 = arith.constant 0 : i32
        %dma_wait3A_430 = arith.constant 0 : i32
        %dma_wait3A_431 = tpu.memref_slice %arg3[%add3A_13, %run_scoped3A, %dma_wait3A_429, %dma_wait3A_430] : memref<4x1x128x128xi32, #tpu.memory_space<hbm>> -> memref<1x1x128x128xi32, #tpu.memory_space<hbm>>
        %dma_wait3A_432 = tpu.memref_squeeze %dma_wait3A_431 : memref<1x1x128x128xi32, #tpu.memory_space<hbm>> -> memref<128x128xi32, #tpu.memory_space<hbm>>
        tpu.wait_dma2 semaphore(%run_scoped3A_416 : memref<!tpu.dma_semaphore, #tpu.memory_space<semaphore_mem>>) src(%dma_wait3A_432 : memref<128x128xi32, #tpu.memory_space<hbm>>) dst(%arg7 : memref<128x128xi32, #tpu.memory_space<vmem>>)
        tpu.yield
      }) : () -> ()
      "tpu.region"() ({
        %run_scoped3A_416 = tpu.sem_alloc : memref<!tpu.dma_semaphore, #tpu.memory_space<semaphore_mem>>
        %dma_start3A_417 = arith.constant 0 : i32
        %dma_start3A_418 = arith.constant 0 : i32
        %dma_start3A_419 = tpu.memref_slice %arg4[%dma_start3A_417, %dma_start3A_418] : memref<128x128xf32, #tpu.memory_space<hbm>> -> memref<32x128xf32, #tpu.memory_space<hbm>>
        %dma_start3A_420 = arith.constant 0 : i32
        %dma_start3A_421 = arith.constant 0 : i32
        %dma_start3A_422 = tpu.memref_slice %arg4[%dma_start3A_420, %dma_start3A_421] : memref<128x128xf32, #tpu.memory_space<hbm>> -> memref<32x128xf32, #tpu.memory_space<hbm>>
        tpu.enqueue_dma source(%dma_start3A_422 : memref<32x128xf32, #tpu.memory_space<hbm>>) target(%arg10 : memref<32x128xf32, #tpu.memory_space<vmem>>) target_semaphore(%run_scoped3A_416 : memref<!tpu.dma_semaphore, #tpu.memory_space<semaphore_mem>>)
        %dma_wait3A_423 = arith.constant 0 : i32
        %dma_wait3A_424 = arith.constant 0 : i32
        %dma_wait3A_425 = tpu.memref_slice %arg4[%dma_wait3A_423, %dma_wait3A_424] : memref<128x128xf32, #tpu.memory_space<hbm>> -> memref<32x128xf32, #tpu.memory_space<hbm>>
        %dma_wait3A_426 = arith.constant 0 : i32
        %dma_wait3A_427 = arith.constant 0 : i32
        %dma_wait3A_428 = tpu.memref_slice %arg4[%dma_wait3A_426, %dma_wait3A_427] : memref<128x128xf32, #tpu.memory_space<hbm>> -> memref<32x128xf32, #tpu.memory_space<hbm>>
        tpu.wait_dma2 semaphore(%run_scoped3A_416 : memref<!tpu.dma_semaphore, #tpu.memory_space<semaphore_mem>>) src(%dma_wait3A_428 : memref<32x128xf32, #tpu.memory_space<hbm>>) dst(%arg10 : memref<32x128xf32, #tpu.memory_space<vmem>>)
        tpu.yield
      }) : () -> ()
      %mul3A_39 = arith.constant 4 : i32
      %mul3A_40 = arith.muli %arg1, %mul3A_39 : i32
      %add3A_41 = arith.constant 0 : i32
      %add3A_42 = arith.addi %mul3A_40, %add3A_41 : i32
      %dma_wait3A = arith.constant 0 : i32
      %dma_wait3A_43 = arith.constant 0 : i32
      %dma_wait3A_44 = tpu.memref_slice %arg2[%select_n3A, %mul3A_31, %dma_wait3A, %dma_wait3A_43] : memref<1x64x128x128xf32, #tpu.memory_space<hbm>> -> memref<1x1x128x128xf32, #tpu.memory_space<hbm>>
      %dma_wait3A_45 = tpu.memref_squeeze %dma_wait3A_44 : memref<1x1x128x128xf32, #tpu.memory_space<hbm>> -> memref<128x128xf32, #tpu.memory_space<hbm>>
      %dma_wait3A_46 = arith.constant 0 : i32
      %dma_wait3A_47 = arith.constant 0 : i32
      %dma_wait3A_48 = tpu.memref_slice %arg2[%select_n3A, %mul3A_31, %dma_wait3A_46, %dma_wait3A_47] : memref<1x64x128x128xf32, #tpu.memory_space<hbm>> -> memref<1x1x128x128xf32, #tpu.memory_space<hbm>>
      %dma_wait3A_49 = tpu.memref_squeeze %dma_wait3A_48 : memref<1x1x128x128xf32, #tpu.memory_space<hbm>> -> memref<128x128xf32, #tpu.memory_space<hbm>>
      tpu.wait_dma2 semaphore(%arg12 : memref<!tpu.dma_semaphore, #tpu.memory_space<semaphore_mem>>) src(%dma_wait3A_49 : memref<128x128xf32, #tpu.memory_space<hbm>>) dst(%arg8 : memref<128x128xf32, #tpu.memory_space<vmem>>)
      %add3A_50 = arith.constant 1 : i32
      %add3A_51 = arith.addi %add3A_42, %add3A_50 : i32
      %dma_start3A_52 = arith.constant 0 : i32
      %dma_start3A_53 = arith.constant 0 : i32
      %dma_start3A_54 = tpu.memref_slice %arg2[%select_n3A, %add3A_51, %dma_start3A_52, %dma_start3A_53] : memref<1x64x128x128xf32, #tpu.memory_space<hbm>> -> memref<1x1x128x128xf32, #tpu.memory_space<hbm>>
      %dma_start3A_55 = tpu.memref_squeeze %dma_start3A_54 : memref<1x1x128x128xf32, #tpu.memory_space<hbm>> -> memref<128x128xf32, #tpu.memory_space<hbm>>
      %dma_start3A_56 = arith.constant 0 : i32
      %dma_start3A_57 = arith.constant 0 : i32
      %dma_start3A_58 = tpu.memref_slice %arg2[%select_n3A, %add3A_51, %dma_start3A_56, %dma_start3A_57] : memref<1x64x128x128xf32, #tpu.memory_space<hbm>> -> memref<1x1x128x128xf32, #tpu.memory_space<hbm>>
      %dma_start3A_59 = tpu.memref_squeeze %dma_start3A_58 : memref<1x1x128x128xf32, #tpu.memory_space<hbm>> -> memref<128x128xf32, #tpu.memory_space<hbm>>
      tpu.enqueue_dma source(%dma_start3A_59 : memref<128x128xf32, #tpu.memory_space<hbm>>) target(%arg9 : memref<128x128xf32, #tpu.memory_space<vmem>>) target_semaphore(%arg12 : memref<!tpu.dma_semaphore, #tpu.memory_space<semaphore_mem>>)
      "tpu.region"() ({
        %run_scoped3A_416 = tpu.sem_alloc : memref<!tpu.dma_semaphore, #tpu.memory_space<semaphore_mem>>
        %dma_start3A_417 = arith.constant 0 : i32
        %dma_start3A_418 = tpu.memref_slice %arg7[%add3A_42, %dma_start3A_417] : memref<128x128xi32, #tpu.memory_space<vmem>> -> memref<1x128xi32, #tpu.memory_space<vmem>>
        %dma_start3A_419 = tpu.memref_squeeze %dma_start3A_418 : memref<1x128xi32, #tpu.memory_space<vmem>> -> memref<128xi32, #tpu.memory_space<vmem>>
        %dma_start3A_420 = arith.constant 0 : i32
        %dma_start3A_421 = arith.constant 0 : i32
        %dma_start3A_422 = tpu.memref_slice %arg11[%dma_start3A_420, %dma_start3A_421] : memref<4096x128xf32, #tpu.memory_space<vmem_shared>> -> memref<4096x128xf32, #tpu.memory_space<vmem_shared>>
        tpu.enqueue_indirect_dma source(%arg8 : memref<128x128xf32, #tpu.memory_space<vmem>>) target(%dma_start3A_422 : memref<4096x128xf32, #tpu.memory_space<vmem_shared>>) offsets(%dma_start3A_419 : memref<128xi32, #tpu.memory_space<vmem>>) semaphore(%run_scoped3A_416 : memref<!tpu.dma_semaphore, #tpu.memory_space<semaphore_mem>>) {add = true}
        %dma_wait3A_423 = arith.constant 0 : i32
        %dma_wait3A_424 = tpu.memref_slice %arg7[%add3A_42, %dma_wait3A_423] : memref<128x128xi32, #tpu.memory_space<vmem>> -> memref<1x128xi32, #tpu.memory_space<vmem>>
        %dma_wait3A_425 = tpu.memref_squeeze %dma_wait3A_424 : memref<1x128xi32, #tpu.memory_space<vmem>> -> memref<128xi32, #tpu.memory_space<vmem>>
        %dma_wait3A_426 = arith.constant 0 : i32
        %dma_wait3A_427 = arith.constant 0 : i32
        %dma_wait3A_428 = tpu.memref_slice %arg11[%dma_wait3A_426, %dma_wait3A_427] : memref<4096x128xf32, #tpu.memory_space<vmem_shared>> -> memref<4096x128xf32, #tpu.memory_space<vmem_shared>>
        tpu.wait_indirect_dma semaphore(%run_scoped3A_416 : memref<!tpu.dma_semaphore, #tpu.memory_space<semaphore_mem>>) src(%arg8 : memref<128x128xf32, #tpu.memory_space<vmem>>) dst(%dma_wait3A_428 : memref<4096x128xf32, #tpu.memory_space<vmem_shared>>)
        tpu.yield
      }) : () -> ()
      %get3A = arith.index_cast %add3A_42 : i32 to index
      %get3A_60 = arith.constant 0 : index
      %get3A_61 = tpu.vector_load %arg7[%get3A, %get3A_60] {strides = array<i32>} : memref<128x128xi32, #tpu.memory_space<vmem>>, vector<16xi32>,
      %shift_right_logical3A = arith.constant 7 : i32
      %shift_right_logical3A_62 = vector.broadcast %shift_right_logical3A : i32 to vector<16xi32>
      %shift_right_logical3A_63 = arith.shrui %get3A_61, %shift_right_logical3A_62 : vector<16xi32>
      %and3A_64 = arith.constant 127 : i32
      %and3A_65 = vector.broadcast %and3A_64 : i32 to vector<16xi32>
      %and3A_66 = arith.andi %get3A_61, %and3A_65 : vector<16xi32>
      tpu.vector_store_idx %arg10[%shift_right_logical3A_63, %and3A_66], %broadcast_in_dim3A_1 {add = true} : memref<32x128xf32, #tpu.memory_space<vmem>>[vector<16xi32>, vector<16xi32>], vector<16xf32>,
      %get3A_67 = arith.index_cast %add3A_42 : i32 to index
      %get3A_68 = arith.constant 16 : index
      %get3A_69 = tpu.vector_load %arg7[%get3A_67, %get3A_68] {strides = array<i32>} : memref<128x128xi32, #tpu.memory_space<vmem>>, vector<16xi32>,
      %shift_right_logical3A_70 = arith.constant 7 : i32
      %shift_right_logical3A_71 = vector.broadcast %shift_right_logical3A_70 : i32 to vector<16xi32>
      %shift_right_logical3A_72 = arith.shrui %get3A_69, %shift_right_logical3A_71 : vector<16xi32>
      %and3A_73 = arith.constant 127 : i32
      %and3A_74 = vector.broadcast %and3A_73 : i32 to vector<16xi32>
      %and3A_75 = arith.andi %get3A_69, %and3A_74 : vector<16xi32>
      tpu.vector_store_idx %arg10[%shift_right_logical3A_72, %and3A_75], %broadcast_in_dim3A_1 {add = true} : memref<32x128xf32, #tpu.memory_space<vmem>>[vector<16xi32>, vector<16xi32>], vector<16xf32>,
      %get3A_76 = arith.index_cast %add3A_42 : i32 to index
      %get3A_77 = arith.constant 32 : index
      %get3A_78 = tpu.vector_load %arg7[%get3A_76, %get3A_77] {strides = array<i32>} : memref<128x128xi32, #tpu.memory_space<vmem>>, vector<16xi32>,
      %shift_right_logical3A_79 = arith.constant 7 : i32
      %shift_right_logical3A_80 = vector.broadcast %shift_right_logical3A_79 : i32 to vector<16xi32>
      %shift_right_logical3A_81 = arith.shrui %get3A_78, %shift_right_logical3A_80 : vector<16xi32>
      %and3A_82 = arith.constant 127 : i32
      %and3A_83 = vector.broadcast %and3A_82 : i32 to vector<16xi32>
      %and3A_84 = arith.andi %get3A_78, %and3A_83 : vector<16xi32>
      tpu.vector_store_idx %arg10[%shift_right_logical3A_81, %and3A_84], %broadcast_in_dim3A_1 {add = true} : memref<32x128xf32, #tpu.memory_space<vmem>>[vector<16xi32>, vector<16xi32>], vector<16xf32>,
      %get3A_85 = arith.index_cast %add3A_42 : i32 to index
      %get3A_86 = arith.constant 48 : index
      %get3A_87 = tpu.vector_load %arg7[%get3A_85, %get3A_86] {strides = array<i32>} : memref<128x128xi32, #tpu.memory_space<vmem>>, vector<16xi32>,
      %shift_right_logical3A_88 = arith.constant 7 : i32
      %shift_right_logical3A_89 = vector.broadcast %shift_right_logical3A_88 : i32 to vector<16xi32>
      %shift_right_logical3A_90 = arith.shrui %get3A_87, %shift_right_logical3A_89 : vector<16xi32>
      %and3A_91 = arith.constant 127 : i32
      %and3A_92 = vector.broadcast %and3A_91 : i32 to vector<16xi32>
      %and3A_93 = arith.andi %get3A_87, %and3A_92 : vector<16xi32>
      tpu.vector_store_idx %arg10[%shift_right_logical3A_90, %and3A_93], %broadcast_in_dim3A_1 {add = true} : memref<32x128xf32, #tpu.memory_space<vmem>>[vector<16xi32>, vector<16xi32>], vector<16xf32>,
      %get3A_94 = arith.index_cast %add3A_42 : i32 to index
      %get3A_95 = arith.constant 64 : index
      %get3A_96 = tpu.vector_load %arg7[%get3A_94, %get3A_95] {strides = array<i32>} : memref<128x128xi32, #tpu.memory_space<vmem>>, vector<16xi32>,
      %shift_right_logical3A_97 = arith.constant 7 : i32
      %shift_right_logical3A_98 = vector.broadcast %shift_right_logical3A_97 : i32 to vector<16xi32>
      %shift_right_logical3A_99 = arith.shrui %get3A_96, %shift_right_logical3A_98 : vector<16xi32>
      %and3A_100 = arith.constant 127 : i32
      %and3A_101 = vector.broadcast %and3A_100 : i32 to vector<16xi32>
      %and3A_102 = arith.andi %get3A_96, %and3A_101 : vector<16xi32>
      tpu.vector_store_idx %arg10[%shift_right_logical3A_99, %and3A_102], %broadcast_in_dim3A_1 {add = true} : memref<32x128xf32, #tpu.memory_space<vmem>>[vector<16xi32>, vector<16xi32>], vector<16xf32>,
      %get3A_103 = arith.index_cast %add3A_42 : i32 to index
      %get3A_104 = arith.constant 80 : index
      %get3A_105 = tpu.vector_load %arg7[%get3A_103, %get3A_104] {strides = array<i32>} : memref<128x128xi32, #tpu.memory_space<vmem>>, vector<16xi32>,
      %shift_right_logical3A_106 = arith.constant 7 : i32
      %shift_right_logical3A_107 = vector.broadcast %shift_right_logical3A_106 : i32 to vector<16xi32>
      %shift_right_logical3A_108 = arith.shrui %get3A_105, %shift_right_logical3A_107 : vector<16xi32>
      %and3A_109 = arith.constant 127 : i32
      %and3A_110 = vector.broadcast %and3A_109 : i32 to vector<16xi32>
      %and3A_111 = arith.andi %get3A_105, %and3A_110 : vector<16xi32>
      tpu.vector_store_idx %arg10[%shift_right_logical3A_108, %and3A_111], %broadcast_in_dim3A_1 {add = true} : memref<32x128xf32, #tpu.memory_space<vmem>>[vector<16xi32>, vector<16xi32>], vector<16xf32>,
      %get3A_112 = arith.index_cast %add3A_42 : i32 to index
      %get3A_113 = arith.constant 96 : index
      %get3A_114 = tpu.vector_load %arg7[%get3A_112, %get3A_113] {strides = array<i32>} : memref<128x128xi32, #tpu.memory_space<vmem>>, vector<16xi32>,
      %shift_right_logical3A_115 = arith.constant 7 : i32
      %shift_right_logical3A_116 = vector.broadcast %shift_right_logical3A_115 : i32 to vector<16xi32>
      %shift_right_logical3A_117 = arith.shrui %get3A_114, %shift_right_logical3A_116 : vector<16xi32>
      %and3A_118 = arith.constant 127 : i32
      %and3A_119 = vector.broadcast %and3A_118 : i32 to vector<16xi32>
      %and3A_120 = arith.andi %get3A_114, %and3A_119 : vector<16xi32>
      tpu.vector_store_idx %arg10[%shift_right_logical3A_117, %and3A_120], %broadcast_in_dim3A_1 {add = true} : memref<32x128xf32, #tpu.memory_space<vmem>>[vector<16xi32>, vector<16xi32>], vector<16xf32>,
      %get3A_121 = arith.index_cast %add3A_42 : i32 to index
      %get3A_122 = arith.constant 112 : index
      %get3A_123 = tpu.vector_load %arg7[%get3A_121, %get3A_122] {strides = array<i32>} : memref<128x128xi32, #tpu.memory_space<vmem>>, vector<16xi32>,
      %shift_right_logical3A_124 = arith.constant 7 : i32
      %shift_right_logical3A_125 = vector.broadcast %shift_right_logical3A_124 : i32 to vector<16xi32>
      %shift_right_logical3A_126 = arith.shrui %get3A_123, %shift_right_logical3A_125 : vector<16xi32>
      %and3A_127 = arith.constant 127 : i32
      %and3A_128 = vector.broadcast %and3A_127 : i32 to vector<16xi32>
      %and3A_129 = arith.andi %get3A_123, %and3A_128 : vector<16xi32>
      tpu.vector_store_idx %arg10[%shift_right_logical3A_126, %and3A_129], %broadcast_in_dim3A_1 {add = true} : memref<32x128xf32, #tpu.memory_space<vmem>>[vector<16xi32>, vector<16xi32>], vector<16xf32>,
      %mul3A_130 = arith.constant 4 : i32
      %mul3A_131 = arith.muli %arg1, %mul3A_130 : i32
      %add3A_132 = arith.constant 1 : i32
      %add3A_133 = arith.addi %mul3A_131, %add3A_132 : i32
      %dma_wait3A_134 = arith.constant 0 : i32
      %dma_wait3A_135 = arith.constant 0 : i32
      %dma_wait3A_136 = tpu.memref_slice %arg2[%select_n3A, %add3A_51, %dma_wait3A_134, %dma_wait3A_135] : memref<1x64x128x128xf32, #tpu.memory_space<hbm>> -> memref<1x1x128x128xf32, #tpu.memory_space<hbm>>
      %dma_wait3A_137 = tpu.memref_squeeze %dma_wait3A_136 : memref<1x1x128x128xf32, #tpu.memory_space<hbm>> -> memref<128x128xf32, #tpu.memory_space<hbm>>
      %dma_wait3A_138 = arith.constant 0 : i32
      %dma_wait3A_139 = arith.constant 0 : i32
      %dma_wait3A_140 = tpu.memref_slice %arg2[%select_n3A, %add3A_51, %dma_wait3A_138, %dma_wait3A_139] : memref<1x64x128x128xf32, #tpu.memory_space<hbm>> -> memref<1x1x128x128xf32, #tpu.memory_space<hbm>>
      %dma_wait3A_141 = tpu.memref_squeeze %dma_wait3A_140 : memref<1x1x128x128xf32, #tpu.memory_space<hbm>> -> memref<128x128xf32, #tpu.memory_space<hbm>>
      tpu.wait_dma2 semaphore(%arg12 : memref<!tpu.dma_semaphore, #tpu.memory_space<semaphore_mem>>) src(%dma_wait3A_141 : memref<128x128xf32, #tpu.memory_space<hbm>>) dst(%arg9 : memref<128x128xf32, #tpu.memory_space<vmem>>)
      %add3A_142 = arith.constant 1 : i32
      %add3A_143 = arith.addi %add3A_133, %add3A_142 : i32
      %dma_start3A_144 = arith.constant 0 : i32
      %dma_start3A_145 = arith.constant 0 : i32
      %dma_start3A_146 = tpu.memref_slice %arg2[%select_n3A, %add3A_143, %dma_start3A_144, %dma_start3A_145] : memref<1x64x128x128xf32, #tpu.memory_space<hbm>> -> memref<1x1x128x128xf32, #tpu.memory_space<hbm>>
      %dma_start3A_147 = tpu.memref_squeeze %dma_start3A_146 : memref<1x1x128x128xf32, #tpu.memory_space<hbm>> -> memref<128x128xf32, #tpu.memory_space<hbm>>
      %dma_start3A_148 = arith.constant 0 : i32
      %dma_start3A_149 = arith.constant 0 : i32
      %dma_start3A_150 = tpu.memref_slice %arg2[%select_n3A, %add3A_143, %dma_start3A_148, %dma_start3A_149] : memref<1x64x128x128xf32, #tpu.memory_space<hbm>> -> memref<1x1x128x128xf32, #tpu.memory_space<hbm>>
      %dma_start3A_151 = tpu.memref_squeeze %dma_start3A_150 : memref<1x1x128x128xf32, #tpu.memory_space<hbm>> -> memref<128x128xf32, #tpu.memory_space<hbm>>
      tpu.enqueue_dma source(%dma_start3A_151 : memref<128x128xf32, #tpu.memory_space<hbm>>) target(%arg8 : memref<128x128xf32, #tpu.memory_space<vmem>>) target_semaphore(%arg12 : memref<!tpu.dma_semaphore, #tpu.memory_space<semaphore_mem>>)
      "tpu.region"() ({
        %run_scoped3A_416 = tpu.sem_alloc : memref<!tpu.dma_semaphore, #tpu.memory_space<semaphore_mem>>
        %dma_start3A_417 = arith.constant 0 : i32
        %dma_start3A_418 = tpu.memref_slice %arg7[%add3A_133, %dma_start3A_417] : memref<128x128xi32, #tpu.memory_space<vmem>> -> memref<1x128xi32, #tpu.memory_space<vmem>>
        %dma_start3A_419 = tpu.memref_squeeze %dma_start3A_418 : memref<1x128xi32, #tpu.memory_space<vmem>> -> memref<128xi32, #tpu.memory_space<vmem>>
        %dma_start3A_420 = arith.constant 0 : i32
        %dma_start3A_421 = arith.constant 0 : i32
        %dma_start3A_422 = tpu.memref_slice %arg11[%dma_start3A_420, %dma_start3A_421] : memref<4096x128xf32, #tpu.memory_space<vmem_shared>> -> memref<4096x128xf32, #tpu.memory_space<vmem_shared>>
        tpu.enqueue_indirect_dma source(%arg9 : memref<128x128xf32, #tpu.memory_space<vmem>>) target(%dma_start3A_422 : memref<4096x128xf32, #tpu.memory_space<vmem_shared>>) offsets(%dma_start3A_419 : memref<128xi32, #tpu.memory_space<vmem>>) semaphore(%run_scoped3A_416 : memref<!tpu.dma_semaphore, #tpu.memory_space<semaphore_mem>>) {add = true}
        %dma_wait3A_423 = arith.constant 0 : i32
        %dma_wait3A_424 = tpu.memref_slice %arg7[%add3A_133, %dma_wait3A_423] : memref<128x128xi32, #tpu.memory_space<vmem>> -> memref<1x128xi32, #tpu.memory_space<vmem>>
        %dma_wait3A_425 = tpu.memref_squeeze %dma_wait3A_424 : memref<1x128xi32, #tpu.memory_space<vmem>> -> memref<128xi32, #tpu.memory_space<vmem>>
        %dma_wait3A_426 = arith.constant 0 : i32
        %dma_wait3A_427 = arith.constant 0 : i32
        %dma_wait3A_428 = tpu.memref_slice %arg11[%dma_wait3A_426, %dma_wait3A_427] : memref<4096x128xf32, #tpu.memory_space<vmem_shared>> -> memref<4096x128xf32, #tpu.memory_space<vmem_shared>>
        tpu.wait_indirect_dma semaphore(%run_scoped3A_416 : memref<!tpu.dma_semaphore, #tpu.memory_space<semaphore_mem>>) src(%arg9 : memref<128x128xf32, #tpu.memory_space<vmem>>) dst(%dma_wait3A_428 : memref<4096x128xf32, #tpu.memory_space<vmem_shared>>)
        tpu.yield
      }) : () -> ()
      %get3A_152 = arith.index_cast %add3A_133 : i32 to index
      %get3A_153 = arith.constant 0 : index
      %get3A_154 = tpu.vector_load %arg7[%get3A_152, %get3A_153] {strides = array<i32>} : memref<128x128xi32, #tpu.memory_space<vmem>>, vector<16xi32>,
      %shift_right_logical3A_155 = arith.constant 7 : i32
      %shift_right_logical3A_156 = vector.broadcast %shift_right_logical3A_155 : i32 to vector<16xi32>
      %shift_right_logical3A_157 = arith.shrui %get3A_154, %shift_right_logical3A_156 : vector<16xi32>
      %and3A_158 = arith.constant 127 : i32
      %and3A_159 = vector.broadcast %and3A_158 : i32 to vector<16xi32>
      %and3A_160 = arith.andi %get3A_154, %and3A_159 : vector<16xi32>
      tpu.vector_store_idx %arg10[%shift_right_logical3A_157, %and3A_160], %broadcast_in_dim3A_1 {add = true} : memref<32x128xf32, #tpu.memory_space<vmem>>[vector<16xi32>, vector<16xi32>], vector<16xf32>,
      %get3A_161 = arith.index_cast %add3A_133 : i32 to index
      %get3A_162 = arith.constant 16 : index
      %get3A_163 = tpu.vector_load %arg7[%get3A_161, %get3A_162] {strides = array<i32>} : memref<128x128xi32, #tpu.memory_space<vmem>>, vector<16xi32>,
      %shift_right_logical3A_164 = arith.constant 7 : i32
      %shift_right_logical3A_165 = vector.broadcast %shift_right_logical3A_164 : i32 to vector<16xi32>
      %shift_right_logical3A_166 = arith.shrui %get3A_163, %shift_right_logical3A_165 : vector<16xi32>
      %and3A_167 = arith.constant 127 : i32
      %and3A_168 = vector.broadcast %and3A_167 : i32 to vector<16xi32>
      %and3A_169 = arith.andi %get3A_163, %and3A_168 : vector<16xi32>
      tpu.vector_store_idx %arg10[%shift_right_logical3A_166, %and3A_169], %broadcast_in_dim3A_1 {add = true} : memref<32x128xf32, #tpu.memory_space<vmem>>[vector<16xi32>, vector<16xi32>], vector<16xf32>,
      %get3A_170 = arith.index_cast %add3A_133 : i32 to index
      %get3A_171 = arith.constant 32 : index
      %get3A_172 = tpu.vector_load %arg7[%get3A_170, %get3A_171] {strides = array<i32>} : memref<128x128xi32, #tpu.memory_space<vmem>>, vector<16xi32>,
      %shift_right_logical3A_173 = arith.constant 7 : i32
      %shift_right_logical3A_174 = vector.broadcast %shift_right_logical3A_173 : i32 to vector<16xi32>
      %shift_right_logical3A_175 = arith.shrui %get3A_172, %shift_right_logical3A_174 : vector<16xi32>
      %and3A_176 = arith.constant 127 : i32
      %and3A_177 = vector.broadcast %and3A_176 : i32 to vector<16xi32>
      %and3A_178 = arith.andi %get3A_172, %and3A_177 : vector<16xi32>
      tpu.vector_store_idx %arg10[%shift_right_logical3A_175, %and3A_178], %broadcast_in_dim3A_1 {add = true} : memref<32x128xf32, #tpu.memory_space<vmem>>[vector<16xi32>, vector<16xi32>], vector<16xf32>,
      %get3A_179 = arith.index_cast %add3A_133 : i32 to index
      %get3A_180 = arith.constant 48 : index
      %get3A_181 = tpu.vector_load %arg7[%get3A_179, %get3A_180] {strides = array<i32>} : memref<128x128xi32, #tpu.memory_space<vmem>>, vector<16xi32>,
      %shift_right_logical3A_182 = arith.constant 7 : i32
      %shift_right_logical3A_183 = vector.broadcast %shift_right_logical3A_182 : i32 to vector<16xi32>
      %shift_right_logical3A_184 = arith.shrui %get3A_181, %shift_right_logical3A_183 : vector<16xi32>
      %and3A_185 = arith.constant 127 : i32
      %and3A_186 = vector.broadcast %and3A_185 : i32 to vector<16xi32>
      %and3A_187 = arith.andi %get3A_181, %and3A_186 : vector<16xi32>
      tpu.vector_store_idx %arg10[%shift_right_logical3A_184, %and3A_187], %broadcast_in_dim3A_1 {add = true} : memref<32x128xf32, #tpu.memory_space<vmem>>[vector<16xi32>, vector<16xi32>], vector<16xf32>,
      %get3A_188 = arith.index_cast %add3A_133 : i32 to index
      %get3A_189 = arith.constant 64 : index
      %get3A_190 = tpu.vector_load %arg7[%get3A_188, %get3A_189] {strides = array<i32>} : memref<128x128xi32, #tpu.memory_space<vmem>>, vector<16xi32>,
      %shift_right_logical3A_191 = arith.constant 7 : i32
      %shift_right_logical3A_192 = vector.broadcast %shift_right_logical3A_191 : i32 to vector<16xi32>
      %shift_right_logical3A_193 = arith.shrui %get3A_190, %shift_right_logical3A_192 : vector<16xi32>
      %and3A_194 = arith.constant 127 : i32
      %and3A_195 = vector.broadcast %and3A_194 : i32 to vector<16xi32>
      %and3A_196 = arith.andi %get3A_190, %and3A_195 : vector<16xi32>
      tpu.vector_store_idx %arg10[%shift_right_logical3A_193, %and3A_196], %broadcast_in_dim3A_1 {add = true} : memref<32x128xf32, #tpu.memory_space<vmem>>[vector<16xi32>, vector<16xi32>], vector<16xf32>,
      %get3A_197 = arith.index_cast %add3A_133 : i32 to index
      %get3A_198 = arith.constant 80 : index
      %get3A_199 = tpu.vector_load %arg7[%get3A_197, %get3A_198] {strides = array<i32>} : memref<128x128xi32, #tpu.memory_space<vmem>>, vector<16xi32>,
      %shift_right_logical3A_200 = arith.constant 7 : i32
      %shift_right_logical3A_201 = vector.broadcast %shift_right_logical3A_200 : i32 to vector<16xi32>
      %shift_right_logical3A_202 = arith.shrui %get3A_199, %shift_right_logical3A_201 : vector<16xi32>
      %and3A_203 = arith.constant 127 : i32
      %and3A_204 = vector.broadcast %and3A_203 : i32 to vector<16xi32>
      %and3A_205 = arith.andi %get3A_199, %and3A_204 : vector<16xi32>
      tpu.vector_store_idx %arg10[%shift_right_logical3A_202, %and3A_205], %broadcast_in_dim3A_1 {add = true} : memref<32x128xf32, #tpu.memory_space<vmem>>[vector<16xi32>, vector<16xi32>], vector<16xf32>,
      %get3A_206 = arith.index_cast %add3A_133 : i32 to index
      %get3A_207 = arith.constant 96 : index
      %get3A_208 = tpu.vector_load %arg7[%get3A_206, %get3A_207] {strides = array<i32>} : memref<128x128xi32, #tpu.memory_space<vmem>>, vector<16xi32>,
      %shift_right_logical3A_209 = arith.constant 7 : i32
      %shift_right_logical3A_210 = vector.broadcast %shift_right_logical3A_209 : i32 to vector<16xi32>
      %shift_right_logical3A_211 = arith.shrui %get3A_208, %shift_right_logical3A_210 : vector<16xi32>
      %and3A_212 = arith.constant 127 : i32
      %and3A_213 = vector.broadcast %and3A_212 : i32 to vector<16xi32>
      %and3A_214 = arith.andi %get3A_208, %and3A_213 : vector<16xi32>
      tpu.vector_store_idx %arg10[%shift_right_logical3A_211, %and3A_214], %broadcast_in_dim3A_1 {add = true} : memref<32x128xf32, #tpu.memory_space<vmem>>[vector<16xi32>, vector<16xi32>], vector<16xf32>,
      %get3A_215 = arith.index_cast %add3A_133 : i32 to index
      %get3A_216 = arith.constant 112 : index
      %get3A_217 = tpu.vector_load %arg7[%get3A_215, %get3A_216] {strides = array<i32>} : memref<128x128xi32, #tpu.memory_space<vmem>>, vector<16xi32>,
      %shift_right_logical3A_218 = arith.constant 7 : i32
      %shift_right_logical3A_219 = vector.broadcast %shift_right_logical3A_218 : i32 to vector<16xi32>
      %shift_right_logical3A_220 = arith.shrui %get3A_217, %shift_right_logical3A_219 : vector<16xi32>
      %and3A_221 = arith.constant 127 : i32
      %and3A_222 = vector.broadcast %and3A_221 : i32 to vector<16xi32>
      %and3A_223 = arith.andi %get3A_217, %and3A_222 : vector<16xi32>
      tpu.vector_store_idx %arg10[%shift_right_logical3A_220, %and3A_223], %broadcast_in_dim3A_1 {add = true} : memref<32x128xf32, #tpu.memory_space<vmem>>[vector<16xi32>, vector<16xi32>], vector<16xf32>,
      %mul3A_224 = arith.constant 4 : i32
      %mul3A_225 = arith.muli %arg1, %mul3A_224 : i32
      %add3A_226 = arith.constant 2 : i32
      %add3A_227 = arith.addi %mul3A_225, %add3A_226 : i32
      %dma_wait3A_228 = arith.constant 0 : i32
      %dma_wait3A_229 = arith.constant 0 : i32
      %dma_wait3A_230 = tpu.memref_slice %arg2[%select_n3A, %add3A_143, %dma_wait3A_228, %dma_wait3A_229] : memref<1x64x128x128xf32, #tpu.memory_space<hbm>> -> memref<1x1x128x128xf32, #tpu.memory_space<hbm>>
      %dma_wait3A_231 = tpu.memref_squeeze %dma_wait3A_230 : memref<1x1x128x128xf32, #tpu.memory_space<hbm>> -> memref<128x128xf32, #tpu.memory_space<hbm>>
      %dma_wait3A_232 = arith.constant 0 : i32
      %dma_wait3A_233 = arith.constant 0 : i32
      %dma_wait3A_234 = tpu.memref_slice %arg2[%select_n3A, %add3A_143, %dma_wait3A_232, %dma_wait3A_233] : memref<1x64x128x128xf32, #tpu.memory_space<hbm>> -> memref<1x1x128x128xf32, #tpu.memory_space<hbm>>
      %dma_wait3A_235 = tpu.memref_squeeze %dma_wait3A_234 : memref<1x1x128x128xf32, #tpu.memory_space<hbm>> -> memref<128x128xf32, #tpu.memory_space<hbm>>
      tpu.wait_dma2 semaphore(%arg12 : memref<!tpu.dma_semaphore, #tpu.memory_space<semaphore_mem>>) src(%dma_wait3A_235 : memref<128x128xf32, #tpu.memory_space<hbm>>) dst(%arg8 : memref<128x128xf32, #tpu.memory_space<vmem>>)
      %add3A_236 = arith.constant 1 : i32
      %add3A_237 = arith.addi %add3A_227, %add3A_236 : i32
      %dma_start3A_238 = arith.constant 0 : i32
      %dma_start3A_239 = arith.constant 0 : i32
      %dma_start3A_240 = tpu.memref_slice %arg2[%select_n3A, %add3A_237, %dma_start3A_238, %dma_start3A_239] : memref<1x64x128x128xf32, #tpu.memory_space<hbm>> -> memref<1x1x128x128xf32, #tpu.memory_space<hbm>>
      %dma_start3A_241 = tpu.memref_squeeze %dma_start3A_240 : memref<1x1x128x128xf32, #tpu.memory_space<hbm>> -> memref<128x128xf32, #tpu.memory_space<hbm>>
      %dma_start3A_242 = arith.constant 0 : i32
      %dma_start3A_243 = arith.constant 0 : i32
      %dma_start3A_244 = tpu.memref_slice %arg2[%select_n3A, %add3A_237, %dma_start3A_242, %dma_start3A_243] : memref<1x64x128x128xf32, #tpu.memory_space<hbm>> -> memref<1x1x128x128xf32, #tpu.memory_space<hbm>>
      %dma_start3A_245 = tpu.memref_squeeze %dma_start3A_244 : memref<1x1x128x128xf32, #tpu.memory_space<hbm>> -> memref<128x128xf32, #tpu.memory_space<hbm>>
      tpu.enqueue_dma source(%dma_start3A_245 : memref<128x128xf32, #tpu.memory_space<hbm>>) target(%arg9 : memref<128x128xf32, #tpu.memory_space<vmem>>) target_semaphore(%arg12 : memref<!tpu.dma_semaphore, #tpu.memory_space<semaphore_mem>>)
      "tpu.region"() ({
        %run_scoped3A_416 = tpu.sem_alloc : memref<!tpu.dma_semaphore, #tpu.memory_space<semaphore_mem>>
        %dma_start3A_417 = arith.constant 0 : i32
        %dma_start3A_418 = tpu.memref_slice %arg7[%add3A_227, %dma_start3A_417] : memref<128x128xi32, #tpu.memory_space<vmem>> -> memref<1x128xi32, #tpu.memory_space<vmem>>
        %dma_start3A_419 = tpu.memref_squeeze %dma_start3A_418 : memref<1x128xi32, #tpu.memory_space<vmem>> -> memref<128xi32, #tpu.memory_space<vmem>>
        %dma_start3A_420 = arith.constant 0 : i32
        %dma_start3A_421 = arith.constant 0 : i32
        %dma_start3A_422 = tpu.memref_slice %arg11[%dma_start3A_420, %dma_start3A_421] : memref<4096x128xf32, #tpu.memory_space<vmem_shared>> -> memref<4096x128xf32, #tpu.memory_space<vmem_shared>>
        tpu.enqueue_indirect_dma source(%arg8 : memref<128x128xf32, #tpu.memory_space<vmem>>) target(%dma_start3A_422 : memref<4096x128xf32, #tpu.memory_space<vmem_shared>>) offsets(%dma_start3A_419 : memref<128xi32, #tpu.memory_space<vmem>>) semaphore(%run_scoped3A_416 : memref<!tpu.dma_semaphore, #tpu.memory_space<semaphore_mem>>) {add = true}
        %dma_wait3A_423 = arith.constant 0 : i32
        %dma_wait3A_424 = tpu.memref_slice %arg7[%add3A_227, %dma_wait3A_423] : memref<128x128xi32, #tpu.memory_space<vmem>> -> memref<1x128xi32, #tpu.memory_space<vmem>>
        %dma_wait3A_425 = tpu.memref_squeeze %dma_wait3A_424 : memref<1x128xi32, #tpu.memory_space<vmem>> -> memref<128xi32, #tpu.memory_space<vmem>>
        %dma_wait3A_426 = arith.constant 0 : i32
        %dma_wait3A_427 = arith.constant 0 : i32
        %dma_wait3A_428 = tpu.memref_slice %arg11[%dma_wait3A_426, %dma_wait3A_427] : memref<4096x128xf32, #tpu.memory_space<vmem_shared>> -> memref<4096x128xf32, #tpu.memory_space<vmem_shared>>
        tpu.wait_indirect_dma semaphore(%run_scoped3A_416 : memref<!tpu.dma_semaphore, #tpu.memory_space<semaphore_mem>>) src(%arg8 : memref<128x128xf32, #tpu.memory_space<vmem>>) dst(%dma_wait3A_428 : memref<4096x128xf32, #tpu.memory_space<vmem_shared>>)
        tpu.yield
      }) : () -> ()
      %get3A_246 = arith.index_cast %add3A_227 : i32 to index
      %get3A_247 = arith.constant 0 : index
      %get3A_248 = tpu.vector_load %arg7[%get3A_246, %get3A_247] {strides = array<i32>} : memref<128x128xi32, #tpu.memory_space<vmem>>, vector<16xi32>,
      %shift_right_logical3A_249 = arith.constant 7 : i32
      %shift_right_logical3A_250 = vector.broadcast %shift_right_logical3A_249 : i32 to vector<16xi32>
      %shift_right_logical3A_251 = arith.shrui %get3A_248, %shift_right_logical3A_250 : vector<16xi32>
      %and3A_252 = arith.constant 127 : i32
      %and3A_253 = vector.broadcast %and3A_252 : i32 to vector<16xi32>
      %and3A_254 = arith.andi %get3A_248, %and3A_253 : vector<16xi32>
      tpu.vector_store_idx %arg10[%shift_right_logical3A_251, %and3A_254], %broadcast_in_dim3A_1 {add = true} : memref<32x128xf32, #tpu.memory_space<vmem>>[vector<16xi32>, vector<16xi32>], vector<16xf32>,
      %get3A_255 = arith.index_cast %add3A_227 : i32 to index
      %get3A_256 = arith.constant 16 : index
      %get3A_257 = tpu.vector_load %arg7[%get3A_255, %get3A_256] {strides = array<i32>} : memref<128x128xi32, #tpu.memory_space<vmem>>, vector<16xi32>,
      %shift_right_logical3A_258 = arith.constant 7 : i32
      %shift_right_logical3A_259 = vector.broadcast %shift_right_logical3A_258 : i32 to vector<16xi32>
      %shift_right_logical3A_260 = arith.shrui %get3A_257, %shift_right_logical3A_259 : vector<16xi32>
      %and3A_261 = arith.constant 127 : i32
      %and3A_262 = vector.broadcast %and3A_261 : i32 to vector<16xi32>
      %and3A_263 = arith.andi %get3A_257, %and3A_262 : vector<16xi32>
      tpu.vector_store_idx %arg10[%shift_right_logical3A_260, %and3A_263], %broadcast_in_dim3A_1 {add = true} : memref<32x128xf32, #tpu.memory_space<vmem>>[vector<16xi32>, vector<16xi32>], vector<16xf32>,
      %get3A_264 = arith.index_cast %add3A_227 : i32 to index
      %get3A_265 = arith.constant 32 : index
      %get3A_266 = tpu.vector_load %arg7[%get3A_264, %get3A_265] {strides = array<i32>} : memref<128x128xi32, #tpu.memory_space<vmem>>, vector<16xi32>,
      %shift_right_logical3A_267 = arith.constant 7 : i32
      %shift_right_logical3A_268 = vector.broadcast %shift_right_logical3A_267 : i32 to vector<16xi32>
      %shift_right_logical3A_269 = arith.shrui %get3A_266, %shift_right_logical3A_268 : vector<16xi32>
      %and3A_270 = arith.constant 127 : i32
      %and3A_271 = vector.broadcast %and3A_270 : i32 to vector<16xi32>
      %and3A_272 = arith.andi %get3A_266, %and3A_271 : vector<16xi32>
      tpu.vector_store_idx %arg10[%shift_right_logical3A_269, %and3A_272], %broadcast_in_dim3A_1 {add = true} : memref<32x128xf32, #tpu.memory_space<vmem>>[vector<16xi32>, vector<16xi32>], vector<16xf32>,
      %get3A_273 = arith.index_cast %add3A_227 : i32 to index
      %get3A_274 = arith.constant 48 : index
      %get3A_275 = tpu.vector_load %arg7[%get3A_273, %get3A_274] {strides = array<i32>} : memref<128x128xi32, #tpu.memory_space<vmem>>, vector<16xi32>,
      %shift_right_logical3A_276 = arith.constant 7 : i32
      %shift_right_logical3A_277 = vector.broadcast %shift_right_logical3A_276 : i32 to vector<16xi32>
      %shift_right_logical3A_278 = arith.shrui %get3A_275, %shift_right_logical3A_277 : vector<16xi32>
      %and3A_279 = arith.constant 127 : i32
      %and3A_280 = vector.broadcast %and3A_279 : i32 to vector<16xi32>
      %and3A_281 = arith.andi %get3A_275, %and3A_280 : vector<16xi32>
      tpu.vector_store_idx %arg10[%shift_right_logical3A_278, %and3A_281], %broadcast_in_dim3A_1 {add = true} : memref<32x128xf32, #tpu.memory_space<vmem>>[vector<16xi32>, vector<16xi32>], vector<16xf32>,
      %get3A_282 = arith.index_cast %add3A_227 : i32 to index
      %get3A_283 = arith.constant 64 : index
      %get3A_284 = tpu.vector_load %arg7[%get3A_282, %get3A_283] {strides = array<i32>} : memref<128x128xi32, #tpu.memory_space<vmem>>, vector<16xi32>,
      %shift_right_logical3A_285 = arith.constant 7 : i32
      %shift_right_logical3A_286 = vector.broadcast %shift_right_logical3A_285 : i32 to vector<16xi32>
      %shift_right_logical3A_287 = arith.shrui %get3A_284, %shift_right_logical3A_286 : vector<16xi32>
      %and3A_288 = arith.constant 127 : i32
      %and3A_289 = vector.broadcast %and3A_288 : i32 to vector<16xi32>
      %and3A_290 = arith.andi %get3A_284, %and3A_289 : vector<16xi32>
      tpu.vector_store_idx %arg10[%shift_right_logical3A_287, %and3A_290], %broadcast_in_dim3A_1 {add = true} : memref<32x128xf32, #tpu.memory_space<vmem>>[vector<16xi32>, vector<16xi32>], vector<16xf32>,
      %get3A_291 = arith.index_cast %add3A_227 : i32 to index
      %get3A_292 = arith.constant 80 : index
      %get3A_293 = tpu.vector_load %arg7[%get3A_291, %get3A_292] {strides = array<i32>} : memref<128x128xi32, #tpu.memory_space<vmem>>, vector<16xi32>,
      %shift_right_logical3A_294 = arith.constant 7 : i32
      %shift_right_logical3A_295 = vector.broadcast %shift_right_logical3A_294 : i32 to vector<16xi32>
      %shift_right_logical3A_296 = arith.shrui %get3A_293, %shift_right_logical3A_295 : vector<16xi32>
      %and3A_297 = arith.constant 127 : i32
      %and3A_298 = vector.broadcast %and3A_297 : i32 to vector<16xi32>
      %and3A_299 = arith.andi %get3A_293, %and3A_298 : vector<16xi32>
      tpu.vector_store_idx %arg10[%shift_right_logical3A_296, %and3A_299], %broadcast_in_dim3A_1 {add = true} : memref<32x128xf32, #tpu.memory_space<vmem>>[vector<16xi32>, vector<16xi32>], vector<16xf32>,
      %get3A_300 = arith.index_cast %add3A_227 : i32 to index
      %get3A_301 = arith.constant 96 : index
      %get3A_302 = tpu.vector_load %arg7[%get3A_300, %get3A_301] {strides = array<i32>} : memref<128x128xi32, #tpu.memory_space<vmem>>, vector<16xi32>,
      %shift_right_logical3A_303 = arith.constant 7 : i32
      %shift_right_logical3A_304 = vector.broadcast %shift_right_logical3A_303 : i32 to vector<16xi32>
      %shift_right_logical3A_305 = arith.shrui %get3A_302, %shift_right_logical3A_304 : vector<16xi32>
      %and3A_306 = arith.constant 127 : i32
      %and3A_307 = vector.broadcast %and3A_306 : i32 to vector<16xi32>
      %and3A_308 = arith.andi %get3A_302, %and3A_307 : vector<16xi32>
      tpu.vector_store_idx %arg10[%shift_right_logical3A_305, %and3A_308], %broadcast_in_dim3A_1 {add = true} : memref<32x128xf32, #tpu.memory_space<vmem>>[vector<16xi32>, vector<16xi32>], vector<16xf32>,
      %get3A_309 = arith.index_cast %add3A_227 : i32 to index
      %get3A_310 = arith.constant 112 : index
      %get3A_311 = tpu.vector_load %arg7[%get3A_309, %get3A_310] {strides = array<i32>} : memref<128x128xi32, #tpu.memory_space<vmem>>, vector<16xi32>,
      %shift_right_logical3A_312 = arith.constant 7 : i32
      %shift_right_logical3A_313 = vector.broadcast %shift_right_logical3A_312 : i32 to vector<16xi32>
      %shift_right_logical3A_314 = arith.shrui %get3A_311, %shift_right_logical3A_313 : vector<16xi32>
      %and3A_315 = arith.constant 127 : i32
      %and3A_316 = vector.broadcast %and3A_315 : i32 to vector<16xi32>
      %and3A_317 = arith.andi %get3A_311, %and3A_316 : vector<16xi32>
      tpu.vector_store_idx %arg10[%shift_right_logical3A_314, %and3A_317], %broadcast_in_dim3A_1 {add = true} : memref<32x128xf32, #tpu.memory_space<vmem>>[vector<16xi32>, vector<16xi32>], vector<16xf32>,
      %mul3A_318 = arith.constant 4 : i32
      %mul3A_319 = arith.muli %arg1, %mul3A_318 : i32
      %add3A_320 = arith.constant 3 : i32
      %add3A_321 = arith.addi %mul3A_319, %add3A_320 : i32
      %dma_wait3A_322 = arith.constant 0 : i32
      %dma_wait3A_323 = arith.constant 0 : i32
      %dma_wait3A_324 = tpu.memref_slice %arg2[%select_n3A, %add3A_237, %dma_wait3A_322, %dma_wait3A_323] : memref<1x64x128x128xf32, #tpu.memory_space<hbm>> -> memref<1x1x128x128xf32, #tpu.memory_space<hbm>>
      %dma_wait3A_325 = tpu.memref_squeeze %dma_wait3A_324 : memref<1x1x128x128xf32, #tpu.memory_space<hbm>> -> memref<128x128xf32, #tpu.memory_space<hbm>>
      %dma_wait3A_326 = arith.constant 0 : i32
      %dma_wait3A_327 = arith.constant 0 : i32
      %dma_wait3A_328 = tpu.memref_slice %arg2[%select_n3A, %add3A_237, %dma_wait3A_326, %dma_wait3A_327] : memref<1x64x128x128xf32, #tpu.memory_space<hbm>> -> memref<1x1x128x128xf32, #tpu.memory_space<hbm>>
      %dma_wait3A_329 = tpu.memref_squeeze %dma_wait3A_328 : memref<1x1x128x128xf32, #tpu.memory_space<hbm>> -> memref<128x128xf32, #tpu.memory_space<hbm>>
      tpu.wait_dma2 semaphore(%arg12 : memref<!tpu.dma_semaphore, #tpu.memory_space<semaphore_mem>>) src(%dma_wait3A_329 : memref<128x128xf32, #tpu.memory_space<hbm>>) dst(%arg9 : memref<128x128xf32, #tpu.memory_space<vmem>>)
      "tpu.region"() ({
        %run_scoped3A_416 = tpu.sem_alloc : memref<!tpu.dma_semaphore, #tpu.memory_space<semaphore_mem>>
        %dma_start3A_417 = arith.constant 0 : i32
        %dma_start3A_418 = tpu.memref_slice %arg7[%add3A_321, %dma_start3A_417] : memref<128x128xi32, #tpu.memory_space<vmem>> -> memref<1x128xi32, #tpu.memory_space<vmem>>
        %dma_start3A_419 = tpu.memref_squeeze %dma_start3A_418 : memref<1x128xi32, #tpu.memory_space<vmem>> -> memref<128xi32, #tpu.memory_space<vmem>>
        %dma_start3A_420 = arith.constant 0 : i32
        %dma_start3A_421 = arith.constant 0 : i32
        %dma_start3A_422 = tpu.memref_slice %arg11[%dma_start3A_420, %dma_start3A_421] : memref<4096x128xf32, #tpu.memory_space<vmem_shared>> -> memref<4096x128xf32, #tpu.memory_space<vmem_shared>>
        tpu.enqueue_indirect_dma source(%arg9 : memref<128x128xf32, #tpu.memory_space<vmem>>) target(%dma_start3A_422 : memref<4096x128xf32, #tpu.memory_space<vmem_shared>>) offsets(%dma_start3A_419 : memref<128xi32, #tpu.memory_space<vmem>>) semaphore(%run_scoped3A_416 : memref<!tpu.dma_semaphore, #tpu.memory_space<semaphore_mem>>) {add = true}
        %dma_wait3A_423 = arith.constant 0 : i32
        %dma_wait3A_424 = tpu.memref_slice %arg7[%add3A_321, %dma_wait3A_423] : memref<128x128xi32, #tpu.memory_space<vmem>> -> memref<1x128xi32, #tpu.memory_space<vmem>>
        %dma_wait3A_425 = tpu.memref_squeeze %dma_wait3A_424 : memref<1x128xi32, #tpu.memory_space<vmem>> -> memref<128xi32, #tpu.memory_space<vmem>>
        %dma_wait3A_426 = arith.constant 0 : i32
        %dma_wait3A_427 = arith.constant 0 : i32
        %dma_wait3A_428 = tpu.memref_slice %arg11[%dma_wait3A_426, %dma_wait3A_427] : memref<4096x128xf32, #tpu.memory_space<vmem_shared>> -> memref<4096x128xf32, #tpu.memory_space<vmem_shared>>
        tpu.wait_indirect_dma semaphore(%run_scoped3A_416 : memref<!tpu.dma_semaphore, #tpu.memory_space<semaphore_mem>>) src(%arg9 : memref<128x128xf32, #tpu.memory_space<vmem>>) dst(%dma_wait3A_428 : memref<4096x128xf32, #tpu.memory_space<vmem_shared>>)
        tpu.yield
      }) : () -> ()
      %get3A_330 = arith.index_cast %add3A_321 : i32 to index
      %get3A_331 = arith.constant 0 : index
      %get3A_332 = tpu.vector_load %arg7[%get3A_330, %get3A_331] {strides = array<i32>} : memref<128x128xi32, #tpu.memory_space<vmem>>, vector<16xi32>,
      %shift_right_logical3A_333 = arith.constant 7 : i32
      %shift_right_logical3A_334 = vector.broadcast %shift_right_logical3A_333 : i32 to vector<16xi32>
      %shift_right_logical3A_335 = arith.shrui %get3A_332, %shift_right_logical3A_334 : vector<16xi32>
      %and3A_336 = arith.constant 127 : i32
      %and3A_337 = vector.broadcast %and3A_336 : i32 to vector<16xi32>
      %and3A_338 = arith.andi %get3A_332, %and3A_337 : vector<16xi32>
      tpu.vector_store_idx %arg10[%shift_right_logical3A_335, %and3A_338], %broadcast_in_dim3A_1 {add = true} : memref<32x128xf32, #tpu.memory_space<vmem>>[vector<16xi32>, vector<16xi32>], vector<16xf32>,
      %get3A_339 = arith.index_cast %add3A_321 : i32 to index
      %get3A_340 = arith.constant 16 : index
      %get3A_341 = tpu.vector_load %arg7[%get3A_339, %get3A_340] {strides = array<i32>} : memref<128x128xi32, #tpu.memory_space<vmem>>, vector<16xi32>,
      %shift_right_logical3A_342 = arith.constant 7 : i32
      %shift_right_logical3A_343 = vector.broadcast %shift_right_logical3A_342 : i32 to vector<16xi32>
      %shift_right_logical3A_344 = arith.shrui %get3A_341, %shift_right_logical3A_343 : vector<16xi32>
      %and3A_345 = arith.constant 127 : i32
      %and3A_346 = vector.broadcast %and3A_345 : i32 to vector<16xi32>
      %and3A_347 = arith.andi %get3A_341, %and3A_346 : vector<16xi32>
      tpu.vector_store_idx %arg10[%shift_right_logical3A_344, %and3A_347], %broadcast_in_dim3A_1 {add = true} : memref<32x128xf32, #tpu.memory_space<vmem>>[vector<16xi32>, vector<16xi32>], vector<16xf32>,
      %get3A_348 = arith.index_cast %add3A_321 : i32 to index
      %get3A_349 = arith.constant 32 : index
      %get3A_350 = tpu.vector_load %arg7[%get3A_348, %get3A_349] {strides = array<i32>} : memref<128x128xi32, #tpu.memory_space<vmem>>, vector<16xi32>,
      %shift_right_logical3A_351 = arith.constant 7 : i32
      %shift_right_logical3A_352 = vector.broadcast %shift_right_logical3A_351 : i32 to vector<16xi32>
      %shift_right_logical3A_353 = arith.shrui %get3A_350, %shift_right_logical3A_352 : vector<16xi32>
      %and3A_354 = arith.constant 127 : i32
      %and3A_355 = vector.broadcast %and3A_354 : i32 to vector<16xi32>
      %and3A_356 = arith.andi %get3A_350, %and3A_355 : vector<16xi32>
      tpu.vector_store_idx %arg10[%shift_right_logical3A_353, %and3A_356], %broadcast_in_dim3A_1 {add = true} : memref<32x128xf32, #tpu.memory_space<vmem>>[vector<16xi32>, vector<16xi32>], vector<16xf32>,
      %get3A_357 = arith.index_cast %add3A_321 : i32 to index
      %get3A_358 = arith.constant 48 : index
      %get3A_359 = tpu.vector_load %arg7[%get3A_357, %get3A_358] {strides = array<i32>} : memref<128x128xi32, #tpu.memory_space<vmem>>, vector<16xi32>,
      %shift_right_logical3A_360 = arith.constant 7 : i32
      %shift_right_logical3A_361 = vector.broadcast %shift_right_logical3A_360 : i32 to vector<16xi32>
      %shift_right_logical3A_362 = arith.shrui %get3A_359, %shift_right_logical3A_361 : vector<16xi32>
      %and3A_363 = arith.constant 127 : i32
      %and3A_364 = vector.broadcast %and3A_363 : i32 to vector<16xi32>
      %and3A_365 = arith.andi %get3A_359, %and3A_364 : vector<16xi32>
      tpu.vector_store_idx %arg10[%shift_right_logical3A_362, %and3A_365], %broadcast_in_dim3A_1 {add = true} : memref<32x128xf32, #tpu.memory_space<vmem>>[vector<16xi32>, vector<16xi32>], vector<16xf32>,
      %get3A_366 = arith.index_cast %add3A_321 : i32 to index
      %get3A_367 = arith.constant 64 : index
      %get3A_368 = tpu.vector_load %arg7[%get3A_366, %get3A_367] {strides = array<i32>} : memref<128x128xi32, #tpu.memory_space<vmem>>, vector<16xi32>,
      %shift_right_logical3A_369 = arith.constant 7 : i32
      %shift_right_logical3A_370 = vector.broadcast %shift_right_logical3A_369 : i32 to vector<16xi32>
      %shift_right_logical3A_371 = arith.shrui %get3A_368, %shift_right_logical3A_370 : vector<16xi32>
      %and3A_372 = arith.constant 127 : i32
      %and3A_373 = vector.broadcast %and3A_372 : i32 to vector<16xi32>
      %and3A_374 = arith.andi %get3A_368, %and3A_373 : vector<16xi32>
      tpu.vector_store_idx %arg10[%shift_right_logical3A_371, %and3A_374], %broadcast_in_dim3A_1 {add = true} : memref<32x128xf32, #tpu.memory_space<vmem>>[vector<16xi32>, vector<16xi32>], vector<16xf32>,
      %get3A_375 = arith.index_cast %add3A_321 : i32 to index
      %get3A_376 = arith.constant 80 : index
      %get3A_377 = tpu.vector_load %arg7[%get3A_375, %get3A_376] {strides = array<i32>} : memref<128x128xi32, #tpu.memory_space<vmem>>, vector<16xi32>,
      %shift_right_logical3A_378 = arith.constant 7 : i32
      %shift_right_logical3A_379 = vector.broadcast %shift_right_logical3A_378 : i32 to vector<16xi32>
      %shift_right_logical3A_380 = arith.shrui %get3A_377, %shift_right_logical3A_379 : vector<16xi32>
      %and3A_381 = arith.constant 127 : i32
      %and3A_382 = vector.broadcast %and3A_381 : i32 to vector<16xi32>
      %and3A_383 = arith.andi %get3A_377, %and3A_382 : vector<16xi32>
      tpu.vector_store_idx %arg10[%shift_right_logical3A_380, %and3A_383], %broadcast_in_dim3A_1 {add = true} : memref<32x128xf32, #tpu.memory_space<vmem>>[vector<16xi32>, vector<16xi32>], vector<16xf32>,
      %get3A_384 = arith.index_cast %add3A_321 : i32 to index
      %get3A_385 = arith.constant 96 : index
      %get3A_386 = tpu.vector_load %arg7[%get3A_384, %get3A_385] {strides = array<i32>} : memref<128x128xi32, #tpu.memory_space<vmem>>, vector<16xi32>,
      %shift_right_logical3A_387 = arith.constant 7 : i32
      %shift_right_logical3A_388 = vector.broadcast %shift_right_logical3A_387 : i32 to vector<16xi32>
      %shift_right_logical3A_389 = arith.shrui %get3A_386, %shift_right_logical3A_388 : vector<16xi32>
      %and3A_390 = arith.constant 127 : i32
      %and3A_391 = vector.broadcast %and3A_390 : i32 to vector<16xi32>
      %and3A_392 = arith.andi %get3A_386, %and3A_391 : vector<16xi32>
      tpu.vector_store_idx %arg10[%shift_right_logical3A_389, %and3A_392], %broadcast_in_dim3A_1 {add = true} : memref<32x128xf32, #tpu.memory_space<vmem>>[vector<16xi32>, vector<16xi32>], vector<16xf32>,
      %get3A_393 = arith.index_cast %add3A_321 : i32 to index
      %get3A_394 = arith.constant 112 : index
      %get3A_395 = tpu.vector_load %arg7[%get3A_393, %get3A_394] {strides = array<i32>} : memref<128x128xi32, #tpu.memory_space<vmem>>, vector<16xi32>,
      %shift_right_logical3A_396 = arith.constant 7 : i32
      %shift_right_logical3A_397 = vector.broadcast %shift_right_logical3A_396 : i32 to vector<16xi32>
      %shift_right_logical3A_398 = arith.shrui %get3A_395, %shift_right_logical3A_397 : vector<16xi32>
      %and3A_399 = arith.constant 127 : i32
      %and3A_400 = vector.broadcast %and3A_399 : i32 to vector<16xi32>
      %and3A_401 = arith.andi %get3A_395, %and3A_400 : vector<16xi32>
      tpu.vector_store_idx %arg10[%shift_right_logical3A_398, %and3A_401], %broadcast_in_dim3A_1 {add = true} : memref<32x128xf32, #tpu.memory_space<vmem>>[vector<16xi32>, vector<16xi32>], vector<16xf32>,
      "tpu.region"() ({
        %run_scoped3A_416 = tpu.sem_alloc : memref<!tpu.dma_semaphore, #tpu.memory_space<semaphore_mem>>
        %dma_start3A_417 = arith.constant 0 : i32
        %dma_start3A_418 = arith.constant 0 : i32
        %dma_start3A_419 = tpu.memref_slice %arg6[%add3A_13, %arg1, %dma_start3A_417, %dma_start3A_418] : memref<4x16x32x128xf32, #tpu.memory_space<hbm>> -> memref<1x1x32x128xf32, #tpu.memory_space<hbm>>
        %dma_start3A_420 = tpu.memref_squeeze %dma_start3A_419 : memref<1x1x32x128xf32, #tpu.memory_space<hbm>> -> memref<32x128xf32, #tpu.memory_space<hbm>>
        %dma_start3A_421 = arith.constant 0 : i32
        %dma_start3A_422 = arith.constant 0 : i32
        %dma_start3A_423 = tpu.memref_slice %arg6[%add3A_13, %arg1, %dma_start3A_421, %dma_start3A_422] : memref<4x16x32x128xf32, #tpu.memory_space<hbm>> -> memref<1x1x32x128xf32, #tpu.memory_space<hbm>>
        %dma_start3A_424 = tpu.memref_squeeze %dma_start3A_423 : memref<1x1x32x128xf32, #tpu.memory_space<hbm>> -> memref<32x128xf32, #tpu.memory_space<hbm>>
        tpu.enqueue_dma source(%arg10 : memref<32x128xf32, #tpu.memory_space<vmem>>) target(%dma_start3A_424 : memref<32x128xf32, #tpu.memory_space<hbm>>) target_semaphore(%run_scoped3A_416 : memref<!tpu.dma_semaphore, #tpu.memory_space<semaphore_mem>>)
        %dma_wait3A_425 = arith.constant 0 : i32
        %dma_wait3A_426 = arith.constant 0 : i32
        %dma_wait3A_427 = tpu.memref_slice %arg6[%add3A_13, %arg1, %dma_wait3A_425, %dma_wait3A_426] : memref<4x16x32x128xf32, #tpu.memory_space<hbm>> -> memref<1x1x32x128xf32, #tpu.memory_space<hbm>>
        %dma_wait3A_428 = tpu.memref_squeeze %dma_wait3A_427 : memref<1x1x32x128xf32, #tpu.memory_space<hbm>> -> memref<32x128xf32, #tpu.memory_space<hbm>>
        %dma_wait3A_429 = arith.constant 0 : i32
        %dma_wait3A_430 = arith.constant 0 : i32
        %dma_wait3A_431 = tpu.memref_slice %arg6[%add3A_13, %arg1, %dma_wait3A_429, %dma_wait3A_430] : memref<4x16x32x128xf32, #tpu.memory_space<hbm>> -> memref<1x1x32x128xf32, #tpu.memory_space<hbm>>
        %dma_wait3A_432 = tpu.memref_squeeze %dma_wait3A_431 : memref<1x1x32x128xf32, #tpu.memory_space<hbm>> -> memref<32x128xf32, #tpu.memory_space<hbm>>
        tpu.wait_dma2 semaphore(%run_scoped3A_416 : memref<!tpu.dma_semaphore, #tpu.memory_space<semaphore_mem>>) src(%arg10 : memref<32x128xf32, #tpu.memory_space<vmem>>) dst(%dma_wait3A_432 : memref<32x128xf32, #tpu.memory_space<hbm>>)
        tpu.yield
      }) : () -> ()
      %barrier3A_402 = arith.constant 0 : index
      tpu.barrier barrier_id(%barrier3A_402)
      %add3A_403 = arith.constant 0 : i32
      %add3A_404 = arith.addi %mul3A_0, %add3A_403 : i32
      %add3A_405 = arith.constant 0 : i32
      %add3A_406 = arith.addi %mul3A_0, %add3A_405 : i32
      "tpu.region"() ({
        %run_scoped3A_416 = tpu.sem_alloc : memref<!tpu.dma_semaphore, #tpu.memory_space<semaphore_mem>>
        %dma_start3A_417 = arith.constant 0 : i32
        %dma_start3A_418 = tpu.memref_slice %arg5[%add3A_13, %add3A_406, %dma_start3A_417] : memref<4x4096x128xf32, #tpu.memory_space<hbm>> -> memref<1x128x128xf32, #tpu.memory_space<hbm>>
        %dma_start3A_419 = tpu.memref_squeeze %dma_start3A_418 : memref<1x128x128xf32, #tpu.memory_space<hbm>> -> memref<128x128xf32, #tpu.memory_space<hbm>>
        %dma_start3A_420 = arith.constant 0 : i32
        %dma_start3A_421 = tpu.memref_slice %arg11[%add3A_404, %dma_start3A_420] : memref<4096x128xf32, #tpu.memory_space<vmem_shared>> -> memref<128x128xf32, #tpu.memory_space<vmem_shared>>
        tpu.enqueue_dma source(%dma_start3A_421 : memref<128x128xf32, #tpu.memory_space<vmem_shared>>) target(%dma_start3A_419 : memref<128x128xf32, #tpu.memory_space<hbm>>) target_semaphore(%run_scoped3A_416 : memref<!tpu.dma_semaphore, #tpu.memory_space<semaphore_mem>>)
        %dma_wait3A_422 = arith.constant 0 : i32
        %dma_wait3A_423 = tpu.memref_slice %arg5[%add3A_13, %add3A_406, %dma_wait3A_422] : memref<4x4096x128xf32, #tpu.memory_space<hbm>> -> memref<1x128x128xf32, #tpu.memory_space<hbm>>
        %dma_wait3A_424 = tpu.memref_squeeze %dma_wait3A_423 : memref<1x128x128xf32, #tpu.memory_space<hbm>> -> memref<128x128xf32, #tpu.memory_space<hbm>>
        %dma_wait3A_425 = arith.constant 0 : i32
        %dma_wait3A_426 = tpu.memref_slice %arg11[%add3A_404, %dma_wait3A_425] : memref<4096x128xf32, #tpu.memory_space<vmem_shared>> -> memref<128x128xf32, #tpu.memory_space<vmem_shared>>
        tpu.wait_dma2 semaphore(%run_scoped3A_416 : memref<!tpu.dma_semaphore, #tpu.memory_space<semaphore_mem>>) src(%dma_wait3A_426 : memref<128x128xf32, #tpu.memory_space<vmem_shared>>) dst(%dma_wait3A_424 : memref<128x128xf32, #tpu.memory_space<hbm>>)
        tpu.yield
      }) : () -> ()
      %add3A_407 = arith.constant 0 : i32
      %add3A_408 = arith.addi %mul3A_0, %add3A_407 : i32
      "tpu.region"() ({
        %run_scoped3A_416 = tpu.sem_alloc : memref<!tpu.dma_semaphore, #tpu.memory_space<semaphore_mem>>
        %dma_start3A_417 = arith.constant 0 : i32
        %dma_start3A_418 = tpu.memref_slice %arg11[%add3A_408, %dma_start3A_417] : memref<4096x128xf32, #tpu.memory_space<vmem_shared>> -> memref<128x128xf32, #tpu.memory_space<vmem_shared>>
        tpu.enqueue_dma source(%arg4 : memref<128x128xf32, #tpu.memory_space<hbm>>) target(%dma_start3A_418 : memref<128x128xf32, #tpu.memory_space<vmem_shared>>) target_semaphore(%run_scoped3A_416 : memref<!tpu.dma_semaphore, #tpu.memory_space<semaphore_mem>>)
        %dma_wait3A_419 = arith.constant 0 : i32
        %dma_wait3A_420 = tpu.memref_slice %arg11[%add3A_408, %dma_wait3A_419] : memref<4096x128xf32, #tpu.memory_space<vmem_shared>> -> memref<128x128xf32, #tpu.memory_space<vmem_shared>>
        tpu.wait_dma2 semaphore(%run_scoped3A_416 : memref<!tpu.dma_semaphore, #tpu.memory_space<semaphore_mem>>) src(%arg4 : memref<128x128xf32, #tpu.memory_space<hbm>>) dst(%dma_wait3A_420 : memref<128x128xf32, #tpu.memory_space<vmem_shared>>)
        tpu.yield
      }) : () -> ()
      %add3A_409 = arith.constant 128 : i32
      %add3A_410 = arith.addi %mul3A_0, %add3A_409 : i32
      %add3A_411 = arith.constant 128 : i32
      %add3A_412 = arith.addi %mul3A_0, %add3A_411 : i32
      "tpu.region"() ({
        %run_scoped3A_416 = tpu.sem_alloc : memref<!tpu.dma_semaphore, #tpu.memory_space<semaphore_mem>>
        %dma_start3A_417 = arith.constant 0 : i32
        %dma_start3A_418 = tpu.memref_slice %arg5[%add3A_13, %add3A_412, %dma_start3A_417] : memref<4x4096x128xf32, #tpu.memory_space<hbm>> -> memref<1x128x128xf32, #tpu.memory_space<hbm>>
        %dma_start3A_419 = tpu.memref_squeeze %dma_start3A_418 : memref<1x128x128xf32, #tpu.memory_space<hbm>> -> memref<128x128xf32, #tpu.memory_space<hbm>>
        %dma_start3A_420 = arith.constant 0 : i32
        %dma_start3A_421 = tpu.memref_slice %arg11[%add3A_410, %dma_start3A_420] : memref<4096x128xf32, #tpu.memory_space<vmem_shared>> -> memref<128x128xf32, #tpu.memory_space<vmem_shared>>
        tpu.enqueue_dma source(%dma_start3A_421 : memref<128x128xf32, #tpu.memory_space<vmem_shared>>) target(%dma_start3A_419 : memref<128x128xf32, #tpu.memory_space<hbm>>) target_semaphore(%run_scoped3A_416 : memref<!tpu.dma_semaphore, #tpu.memory_space<semaphore_mem>>)
        %dma_wait3A_422 = arith.constant 0 : i32
        %dma_wait3A_423 = tpu.memref_slice %arg5[%add3A_13, %add3A_412, %dma_wait3A_422] : memref<4x4096x128xf32, #tpu.memory_space<hbm>> -> memref<1x128x128xf32, #tpu.memory_space<hbm>>
        %dma_wait3A_424 = tpu.memref_squeeze %dma_wait3A_423 : memref<1x128x128xf32, #tpu.memory_space<hbm>> -> memref<128x128xf32, #tpu.memory_space<hbm>>
        %dma_wait3A_425 = arith.constant 0 : i32
        %dma_wait3A_426 = tpu.memref_slice %arg11[%add3A_410, %dma_wait3A_425] : memref<4096x128xf32, #tpu.memory_space<vmem_shared>> -> memref<128x128xf32, #tpu.memory_space<vmem_shared>>
        tpu.wait_dma2 semaphore(%run_scoped3A_416 : memref<!tpu.dma_semaphore, #tpu.memory_space<semaphore_mem>>) src(%dma_wait3A_426 : memref<128x128xf32, #tpu.memory_space<vmem_shared>>) dst(%dma_wait3A_424 : memref<128x128xf32, #tpu.memory_space<hbm>>)
        tpu.yield
      }) : () -> ()
      %add3A_413 = arith.constant 128 : i32
      %add3A_414 = arith.addi %mul3A_0, %add3A_413 : i32
      "tpu.region"() ({
        %run_scoped3A_416 = tpu.sem_alloc : memref<!tpu.dma_semaphore, #tpu.memory_space<semaphore_mem>>
        %dma_start3A_417 = arith.constant 0 : i32
        %dma_start3A_418 = tpu.memref_slice %arg11[%add3A_414, %dma_start3A_417] : memref<4096x128xf32, #tpu.memory_space<vmem_shared>> -> memref<128x128xf32, #tpu.memory_space<vmem_shared>>
        tpu.enqueue_dma source(%arg4 : memref<128x128xf32, #tpu.memory_space<hbm>>) target(%dma_start3A_418 : memref<128x128xf32, #tpu.memory_space<vmem_shared>>) target_semaphore(%run_scoped3A_416 : memref<!tpu.dma_semaphore, #tpu.memory_space<semaphore_mem>>)
        %dma_wait3A_419 = arith.constant 0 : i32
        %dma_wait3A_420 = tpu.memref_slice %arg11[%add3A_414, %dma_wait3A_419] : memref<4096x128xf32, #tpu.memory_space<vmem_shared>> -> memref<128x128xf32, #tpu.memory_space<vmem_shared>>
        tpu.wait_dma2 semaphore(%run_scoped3A_416 : memref<!tpu.dma_semaphore, #tpu.memory_space<semaphore_mem>>) src(%arg4 : memref<128x128xf32, #tpu.memory_space<hbm>>) dst(%dma_wait3A_420 : memref<128x128xf32, #tpu.memory_space<vmem_shared>>)
        tpu.yield
      }) : () -> ()
      %barrier3A_415 = arith.constant 0 : index
      tpu.barrier barrier_id(%barrier3A_415)
    }
    %scan3A_9 = arith.constant 2 : i32
    return
  }
}

module attributes {stable_mosaic.version = 14 : i64} {
  func.func @_mlp_body(%arg0: i32, %arg1: memref<1x8192x8xf32, #tpu.memory_space<vmem>>, %arg2: memref<8x256xf32, #tpu.memory_space<vmem>>, %arg3: memref<256xf32, #tpu.memory_space<vmem>>, %arg4: memref<256x128xf32, #tpu.memory_space<vmem>>, %arg5: memref<128xf32, #tpu.memory_space<vmem>>, %arg6: memref<128x128xf32, #tpu.memory_space<vmem>>, %arg7: memref<128xf32, #tpu.memory_space<vmem>>, %arg8: memref<256x128xf32, #tpu.memory_space<vmem>>, %arg9: memref<256x128xf32, #tpu.memory_space<vmem>>, %arg10: memref<128xf32, #tpu.memory_space<vmem>>, %arg11: memref<128x128xf32, #tpu.memory_space<vmem>>, %arg12: memref<128xf32, #tpu.memory_space<vmem>>, %arg13: memref<256x128xf32, #tpu.memory_space<vmem>>, %arg14: memref<256x128xf32, #tpu.memory_space<vmem>>, %arg15: memref<128xf32, #tpu.memory_space<vmem>>, %arg16: memref<128x128xf32, #tpu.memory_space<vmem>>, %arg17: memref<128xf32, #tpu.memory_space<vmem>>, %arg18: memref<256x128xf32, #tpu.memory_space<vmem>>, %arg19: memref<256x128xf32, #tpu.memory_space<vmem>>, %arg20: memref<128xf32, #tpu.memory_space<vmem>>, %arg21: memref<128x128xf32, #tpu.memory_space<vmem>>, %arg22: memref<128xf32, #tpu.memory_space<vmem>>, %arg23: memref<256x128xf32, #tpu.memory_space<vmem>>, %arg24: memref<256x128xf32, #tpu.memory_space<vmem>>, %arg25: memref<128xf32, #tpu.memory_space<vmem>>, %arg26: memref<128x128xf32, #tpu.memory_space<vmem>>, %arg27: memref<128xf32, #tpu.memory_space<vmem>>, %arg28: memref<256x128xf32, #tpu.memory_space<vmem>>, %arg29: memref<1x4x8192xi32, #tpu.memory_space<vmem>>, %arg30: memref<1x8192x128xf32, #tpu.memory_space<vmem>>, %arg31: memref<1x4x128x128xi32, #tpu.memory_space<vmem>>) attributes {dimension_semantics = [#tpu.dimension_semantics<parallel>], iteration_bounds = array<i64: 1>, scalar_prefetch = 0 : i64, scratch_operands = 0 : i64, tpu.core_type = #tpu.core_type<tc>, window_params = [{transform_indices = @transform_0, window_bounds = array<i64: 1, 8192, 8>}, {pipeline_mode = #tpu.pipeline_mode<synchronous>, transform_indices = @transform_1, window_bounds = array<i64: 8, 256>}, {pipeline_mode = #tpu.pipeline_mode<synchronous>, transform_indices = @transform_2, window_bounds = array<i64: 256>}, {pipeline_mode = #tpu.pipeline_mode<synchronous>, transform_indices = @transform_3, window_bounds = array<i64: 256, 128>}, {pipeline_mode = #tpu.pipeline_mode<synchronous>, transform_indices = @transform_4, window_bounds = array<i64: 128>}, {pipeline_mode = #tpu.pipeline_mode<synchronous>, transform_indices = @transform_5, window_bounds = array<i64: 128, 128>}, {pipeline_mode = #tpu.pipeline_mode<synchronous>, transform_indices = @transform_6, window_bounds = array<i64: 128>}, {pipeline_mode = #tpu.pipeline_mode<synchronous>, transform_indices = @transform_7, window_bounds = array<i64: 256, 128>}, {pipeline_mode = #tpu.pipeline_mode<synchronous>, transform_indices = @transform_8, window_bounds = array<i64: 256, 128>}, {pipeline_mode = #tpu.pipeline_mode<synchronous>, transform_indices = @transform_9, window_bounds = array<i64: 128>}, {pipeline_mode = #tpu.pipeline_mode<synchronous>, transform_indices = @transform_10, window_bounds = array<i64: 128, 128>}, {pipeline_mode = #tpu.pipeline_mode<synchronous>, transform_indices = @transform_11, window_bounds = array<i64: 128>}, {pipeline_mode = #tpu.pipeline_mode<synchronous>, transform_indices = @transform_12, window_bounds = array<i64: 256, 128>}, {pipeline_mode = #tpu.pipeline_mode<synchronous>, transform_indices = @transform_13, window_bounds = array<i64: 256, 128>}, {pipeline_mode = #tpu.pipeline_mode<synchronous>, transform_indices = @transform_14, window_bounds = array<i64: 128>}, {pipeline_mode = #tpu.pipeline_mode<synchronous>, transform_indices = @transform_15, window_bounds = array<i64: 128, 128>}, {pipeline_mode = #tpu.pipeline_mode<synchronous>, transform_indices = @transform_16, window_bounds = array<i64: 128>}, {pipeline_mode = #tpu.pipeline_mode<synchronous>, transform_indices = @transform_17, window_bounds = array<i64: 256, 128>}, {pipeline_mode = #tpu.pipeline_mode<synchronous>, transform_indices = @transform_18, window_bounds = array<i64: 256, 128>}, {pipeline_mode = #tpu.pipeline_mode<synchronous>, transform_indices = @transform_19, window_bounds = array<i64: 128>}, {pipeline_mode = #tpu.pipeline_mode<synchronous>, transform_indices = @transform_20, window_bounds = array<i64: 128, 128>}, {pipeline_mode = #tpu.pipeline_mode<synchronous>, transform_indices = @transform_21, window_bounds = array<i64: 128>}, {pipeline_mode = #tpu.pipeline_mode<synchronous>, transform_indices = @transform_22, window_bounds = array<i64: 256, 128>}, {pipeline_mode = #tpu.pipeline_mode<synchronous>, transform_indices = @transform_23, window_bounds = array<i64: 256, 128>}, {pipeline_mode = #tpu.pipeline_mode<synchronous>, transform_indices = @transform_24, window_bounds = array<i64: 128>}, {pipeline_mode = #tpu.pipeline_mode<synchronous>, transform_indices = @transform_25, window_bounds = array<i64: 128, 128>}, {pipeline_mode = #tpu.pipeline_mode<synchronous>, transform_indices = @transform_26, window_bounds = array<i64: 128>}, {pipeline_mode = #tpu.pipeline_mode<synchronous>, transform_indices = @transform_27, window_bounds = array<i64: 256, 128>}, {transform_indices = @transform_28, window_bounds = array<i64: 1, 4, 8192>}, {transform_indices = @transform_29, window_bounds = array<i64: 1, 8192, 128>}, {transform_indices = @transform_30, window_bounds = array<i64: 1, 4, 128, 128>}]} {
    %get3A = arith.constant 0 : index
    %get3A_0 = arith.constant 0 : index
    %get3A_1 = arith.constant 0 : index
    %get3A_2 = vector.load %arg1[%get3A, %get3A_0, %get3A_1] : memref<1x8192x8xf32, #tpu.memory_space<vmem>>, vector<1x8192x8xf32>
    %get3A_3 = vector.shape_cast %get3A_2 : vector<1x8192x8xf32> to vector<8192x8xf32>
    %get3A_4 = arith.constant 0 : index
    %get3A_5 = arith.constant 0 : index
    %get3A_6 = vector.load %arg2[%get3A_4, %get3A_5] : memref<8x256xf32, #tpu.memory_space<vmem>>, vector<8x256xf32>
    %dot_general3A = arith.constant dense<0.000000e+00> : vector<8192x256xf32>
    %dot_general3A_7 = tpu.matmul %get3A_3, %get3A_6, %dot_general3A {dimension_numbers = #tpu.dot_dimension_numbers<[1], [0], [0], [1], [0, 0, 1, 1], [], []>, transpose_lhs_hint = false} : vector<8192x8xf32>, vector<8x256xf32>, vector<8192x256xf32> -> vector<8192x256xf32>
    %get3A_8 = arith.constant 0 : index
    %get3A_9 = vector.load %arg3[%get3A_8] : memref<256xf32, #tpu.memory_space<vmem>>, vector<256xf32>
    %broadcast_in_dim3A = vector.shape_cast %get3A_9 : vector<256xf32> to vector<1x256xf32>
    %add3A = vector.broadcast %broadcast_in_dim3A : vector<1x256xf32> to vector<8192x256xf32>
    %add3A_10 = arith.addf %dot_general3A_7, %add3A : vector<8192x256xf32>
    %get3A_11 = arith.constant 0 : index
    %get3A_12 = arith.constant 0 : index
    %get3A_13 = vector.load %arg4[%get3A_11, %get3A_12] : memref<256x128xf32, #tpu.memory_space<vmem>>, vector<256x128xf32>
    %get3A_14 = arith.constant 0 : index
    %get3A_15 = vector.load %arg5[%get3A_14] : memref<128xf32, #tpu.memory_space<vmem>>, vector<128xf32>
    %get3A_16 = arith.constant 0 : index
    %get3A_17 = arith.constant 0 : index
    %get3A_18 = vector.load %arg6[%get3A_16, %get3A_17] : memref<128x128xf32, #tpu.memory_space<vmem>>, vector<128x128xf32>
    %get3A_19 = arith.constant 0 : index
    %get3A_20 = vector.load %arg7[%get3A_19] : memref<128xf32, #tpu.memory_space<vmem>>, vector<128xf32>
    %get3A_21 = arith.constant 0 : index
    %get3A_22 = arith.constant 0 : index
    %get3A_23 = vector.load %arg8[%get3A_21, %get3A_22] : memref<256x128xf32, #tpu.memory_space<vmem>>, vector<256x128xf32>
    %max3A = arith.constant 0.000000e+00 : f32
    %max3A_24 = vector.broadcast %max3A : f32 to vector<8192x256xf32>
    %max3A_25 = arith.maximumf %add3A_10, %max3A_24 : vector<8192x256xf32>
    %dot_general3A_26 = arith.constant dense<0.000000e+00> : vector<8192x128xf32>
    %dot_general3A_27 = tpu.matmul %max3A_25, %get3A_13, %dot_general3A_26 {dimension_numbers = #tpu.dot_dimension_numbers<[1], [0], [0], [1], [0, 0, 1, 1], [], []>, transpose_lhs_hint = false} : vector<8192x256xf32>, vector<256x128xf32>, vector<8192x128xf32> -> vector<8192x128xf32>
    %broadcast_in_dim3A_28 = vector.shape_cast %get3A_15 : vector<128xf32> to vector<1x128xf32>
    %add3A_29 = vector.broadcast %broadcast_in_dim3A_28 : vector<1x128xf32> to vector<8192x128xf32>
    %add3A_30 = arith.addf %dot_general3A_27, %add3A_29 : vector<8192x128xf32>
    %max3A_31 = arith.constant 0.000000e+00 : f32
    %max3A_32 = vector.broadcast %max3A_31 : f32 to vector<8192x128xf32>
    %max3A_33 = arith.maximumf %add3A_30, %max3A_32 : vector<8192x128xf32>
    %dot_general3A_34 = arith.constant dense<0.000000e+00> : vector<8192x128xf32>
    %dot_general3A_35 = tpu.matmul %max3A_33, %get3A_18, %dot_general3A_34 {dimension_numbers = #tpu.dot_dimension_numbers<[1], [0], [0], [1], [0, 0, 1, 1], [], []>, transpose_lhs_hint = false} : vector<8192x128xf32>, vector<128x128xf32>, vector<8192x128xf32> -> vector<8192x128xf32>
    %broadcast_in_dim3A_36 = vector.shape_cast %get3A_20 : vector<128xf32> to vector<1x128xf32>
    %add3A_37 = vector.broadcast %broadcast_in_dim3A_36 : vector<1x128xf32> to vector<8192x128xf32>
    %add3A_38 = arith.addf %dot_general3A_35, %add3A_37 : vector<8192x128xf32>
    %dot_general3A_39 = arith.constant dense<0.000000e+00> : vector<8192x128xf32>
    %dot_general3A_40 = tpu.matmul %add3A_10, %get3A_23, %dot_general3A_39 {dimension_numbers = #tpu.dot_dimension_numbers<[1], [0], [0], [1], [0, 0, 1, 1], [], []>, transpose_lhs_hint = false} : vector<8192x256xf32>, vector<256x128xf32>, vector<8192x128xf32> -> vector<8192x128xf32>
    %add3A_41 = arith.addf %dot_general3A_40, %add3A_38 : vector<8192x128xf32>
    %reduce_max3A = arith.constant dense<0xFF800000> : vector<128xf32>
    %reduce_max3A_42 = vector.multi_reduction <maximumf>, %add3A_41, %reduce_max3A [0] : vector<8192x128xf32> to vector<128xf32>
    %broadcast_in_dim3A_43 = vector.shape_cast %reduce_max3A_42 : vector<128xf32> to vector<1x128xf32>
    %get3A_44 = arith.constant 0 : index
    %get3A_45 = arith.constant 0 : index
    %get3A_46 = vector.load %arg9[%get3A_44, %get3A_45] : memref<256x128xf32, #tpu.memory_space<vmem>>, vector<256x128xf32>
    %get3A_47 = arith.constant 0 : index
    %get3A_48 = vector.load %arg10[%get3A_47] : memref<128xf32, #tpu.memory_space<vmem>>, vector<128xf32>
    %get3A_49 = arith.constant 0 : index
    %get3A_50 = arith.constant 0 : index
    %get3A_51 = vector.load %arg11[%get3A_49, %get3A_50] : memref<128x128xf32, #tpu.memory_space<vmem>>, vector<128x128xf32>
    %get3A_52 = arith.constant 0 : index
    %get3A_53 = vector.load %arg12[%get3A_52] : memref<128xf32, #tpu.memory_space<vmem>>, vector<128xf32>
    %get3A_54 = arith.constant 0 : index
    %get3A_55 = arith.constant 0 : index
    %get3A_56 = vector.load %arg13[%get3A_54, %get3A_55] : memref<256x128xf32, #tpu.memory_space<vmem>>, vector<256x128xf32>
    %max3A_57 = arith.constant 0.000000e+00 : f32
    %max3A_58 = vector.broadcast %max3A_57 : f32 to vector<8192x128xf32>
    %max3A_59 = arith.maximumf %add3A_41, %max3A_58 : vector<8192x128xf32>
    %max3A_60 = arith.constant 0.000000e+00 : f32
    %max3A_61 = vector.broadcast %max3A_60 : f32 to vector<1x128xf32>
    %max3A_62 = arith.maximumf %broadcast_in_dim3A_43, %max3A_61 : vector<1x128xf32>
    %slice3A = vector.extract_strided_slice %get3A_46 {offsets = [0, 0], sizes = [128, 128], strides = [1, 1]} : vector<256x128xf32> to vector<128x128xf32>
    %dot_general3A_63 = arith.constant dense<0.000000e+00> : vector<8192x128xf32>
    %dot_general3A_64 = tpu.matmul %max3A_59, %slice3A, %dot_general3A_63 {dimension_numbers = #tpu.dot_dimension_numbers<[1], [0], [0], [1], [0, 0, 1, 1], [], []>, transpose_lhs_hint = false} : vector<8192x128xf32>, vector<128x128xf32>, vector<8192x128xf32> -> vector<8192x128xf32>
    %slice3A_65 = vector.extract_strided_slice %get3A_46 {offsets = [128, 0], sizes = [128, 128], strides = [1, 1]} : vector<256x128xf32> to vector<128x128xf32>
    %dot_general3A_66 = arith.constant dense<0.000000e+00> : vector<1x128xf32>
    %dot_general3A_67 = tpu.matmul %max3A_62, %slice3A_65, %dot_general3A_66 {dimension_numbers = #tpu.dot_dimension_numbers<[1], [0], [0], [1], [0, 0, 1, 1], [], []>, transpose_lhs_hint = false} : vector<1x128xf32>, vector<128x128xf32>, vector<1x128xf32> -> vector<1x128xf32>
    %add3A_68 = vector.broadcast %dot_general3A_67 : vector<1x128xf32> to vector<8192x128xf32>
    %add3A_69 = arith.addf %dot_general3A_64, %add3A_68 : vector<8192x128xf32>
    %broadcast_in_dim3A_70 = vector.shape_cast %get3A_48 : vector<128xf32> to vector<1x128xf32>
    %add3A_71 = vector.broadcast %broadcast_in_dim3A_70 : vector<1x128xf32> to vector<8192x128xf32>
    %add3A_72 = arith.addf %add3A_69, %add3A_71 : vector<8192x128xf32>
    %max3A_73 = arith.constant 0.000000e+00 : f32
    %max3A_74 = vector.broadcast %max3A_73 : f32 to vector<8192x128xf32>
    %max3A_75 = arith.maximumf %add3A_72, %max3A_74 : vector<8192x128xf32>
    %dot_general3A_76 = arith.constant dense<0.000000e+00> : vector<8192x128xf32>
    %dot_general3A_77 = tpu.matmul %max3A_75, %get3A_51, %dot_general3A_76 {dimension_numbers = #tpu.dot_dimension_numbers<[1], [0], [0], [1], [0, 0, 1, 1], [], []>, transpose_lhs_hint = false} : vector<8192x128xf32>, vector<128x128xf32>, vector<8192x128xf32> -> vector<8192x128xf32>
    %broadcast_in_dim3A_78 = vector.shape_cast %get3A_53 : vector<128xf32> to vector<1x128xf32>
    %add3A_79 = vector.broadcast %broadcast_in_dim3A_78 : vector<1x128xf32> to vector<8192x128xf32>
    %add3A_80 = arith.addf %dot_general3A_77, %add3A_79 : vector<8192x128xf32>
    %slice3A_81 = vector.extract_strided_slice %get3A_56 {offsets = [0, 0], sizes = [128, 128], strides = [1, 1]} : vector<256x128xf32> to vector<128x128xf32>
    %dot_general3A_82 = arith.constant dense<0.000000e+00> : vector<8192x128xf32>
    %dot_general3A_83 = tpu.matmul %add3A_41, %slice3A_81, %dot_general3A_82 {dimension_numbers = #tpu.dot_dimension_numbers<[1], [0], [0], [1], [0, 0, 1, 1], [], []>, transpose_lhs_hint = false} : vector<8192x128xf32>, vector<128x128xf32>, vector<8192x128xf32> -> vector<8192x128xf32>
    %slice3A_84 = vector.extract_strided_slice %get3A_56 {offsets = [128, 0], sizes = [128, 128], strides = [1, 1]} : vector<256x128xf32> to vector<128x128xf32>
    %dot_general3A_85 = arith.constant dense<0.000000e+00> : vector<1x128xf32>
    %dot_general3A_86 = tpu.matmul %broadcast_in_dim3A_43, %slice3A_84, %dot_general3A_85 {dimension_numbers = #tpu.dot_dimension_numbers<[1], [0], [0], [1], [0, 0, 1, 1], [], []>, transpose_lhs_hint = false} : vector<1x128xf32>, vector<128x128xf32>, vector<1x128xf32> -> vector<1x128xf32>
    %add3A_87 = vector.broadcast %dot_general3A_86 : vector<1x128xf32> to vector<8192x128xf32>
    %add3A_88 = arith.addf %dot_general3A_83, %add3A_87 : vector<8192x128xf32>
    %add3A_89 = arith.addf %add3A_88, %add3A_80 : vector<8192x128xf32>
    %reduce_max3A_90 = arith.constant dense<0xFF800000> : vector<128xf32>
    %reduce_max3A_91 = vector.multi_reduction <maximumf>, %add3A_89, %reduce_max3A_90 [0] : vector<8192x128xf32> to vector<128xf32>
    %broadcast_in_dim3A_92 = vector.shape_cast %reduce_max3A_91 : vector<128xf32> to vector<1x128xf32>
    %get3A_93 = arith.constant 0 : index
    %get3A_94 = arith.constant 0 : index
    %get3A_95 = vector.load %arg14[%get3A_93, %get3A_94] : memref<256x128xf32, #tpu.memory_space<vmem>>, vector<256x128xf32>
    %get3A_96 = arith.constant 0 : index
    %get3A_97 = vector.load %arg15[%get3A_96] : memref<128xf32, #tpu.memory_space<vmem>>, vector<128xf32>
    %get3A_98 = arith.constant 0 : index
    %get3A_99 = arith.constant 0 : index
    %get3A_100 = vector.load %arg16[%get3A_98, %get3A_99] : memref<128x128xf32, #tpu.memory_space<vmem>>, vector<128x128xf32>
    %get3A_101 = arith.constant 0 : index
    %get3A_102 = vector.load %arg17[%get3A_101] : memref<128xf32, #tpu.memory_space<vmem>>, vector<128xf32>
    %get3A_103 = arith.constant 0 : index
    %get3A_104 = arith.constant 0 : index
    %get3A_105 = vector.load %arg18[%get3A_103, %get3A_104] : memref<256x128xf32, #tpu.memory_space<vmem>>, vector<256x128xf32>
    %max3A_106 = arith.constant 0.000000e+00 : f32
    %max3A_107 = vector.broadcast %max3A_106 : f32 to vector<8192x128xf32>
    %max3A_108 = arith.maximumf %add3A_89, %max3A_107 : vector<8192x128xf32>
    %max3A_109 = arith.constant 0.000000e+00 : f32
    %max3A_110 = vector.broadcast %max3A_109 : f32 to vector<1x128xf32>
    %max3A_111 = arith.maximumf %broadcast_in_dim3A_92, %max3A_110 : vector<1x128xf32>
    %slice3A_112 = vector.extract_strided_slice %get3A_95 {offsets = [0, 0], sizes = [128, 128], strides = [1, 1]} : vector<256x128xf32> to vector<128x128xf32>
    %dot_general3A_113 = arith.constant dense<0.000000e+00> : vector<8192x128xf32>
    %dot_general3A_114 = tpu.matmul %max3A_108, %slice3A_112, %dot_general3A_113 {dimension_numbers = #tpu.dot_dimension_numbers<[1], [0], [0], [1], [0, 0, 1, 1], [], []>, transpose_lhs_hint = false} : vector<8192x128xf32>, vector<128x128xf32>, vector<8192x128xf32> -> vector<8192x128xf32>
    %slice3A_115 = vector.extract_strided_slice %get3A_95 {offsets = [128, 0], sizes = [128, 128], strides = [1, 1]} : vector<256x128xf32> to vector<128x128xf32>
    %dot_general3A_116 = arith.constant dense<0.000000e+00> : vector<1x128xf32>
    %dot_general3A_117 = tpu.matmul %max3A_111, %slice3A_115, %dot_general3A_116 {dimension_numbers = #tpu.dot_dimension_numbers<[1], [0], [0], [1], [0, 0, 1, 1], [], []>, transpose_lhs_hint = false} : vector<1x128xf32>, vector<128x128xf32>, vector<1x128xf32> -> vector<1x128xf32>
    %add3A_118 = vector.broadcast %dot_general3A_117 : vector<1x128xf32> to vector<8192x128xf32>
    %add3A_119 = arith.addf %dot_general3A_114, %add3A_118 : vector<8192x128xf32>
    %broadcast_in_dim3A_120 = vector.shape_cast %get3A_97 : vector<128xf32> to vector<1x128xf32>
    %add3A_121 = vector.broadcast %broadcast_in_dim3A_120 : vector<1x128xf32> to vector<8192x128xf32>
    %add3A_122 = arith.addf %add3A_119, %add3A_121 : vector<8192x128xf32>
    %max3A_123 = arith.constant 0.000000e+00 : f32
    %max3A_124 = vector.broadcast %max3A_123 : f32 to vector<8192x128xf32>
    %max3A_125 = arith.maximumf %add3A_122, %max3A_124 : vector<8192x128xf32>
    %dot_general3A_126 = arith.constant dense<0.000000e+00> : vector<8192x128xf32>
    %dot_general3A_127 = tpu.matmul %max3A_125, %get3A_100, %dot_general3A_126 {dimension_numbers = #tpu.dot_dimension_numbers<[1], [0], [0], [1], [0, 0, 1, 1], [], []>, transpose_lhs_hint = false} : vector<8192x128xf32>, vector<128x128xf32>, vector<8192x128xf32> -> vector<8192x128xf32>
    %broadcast_in_dim3A_128 = vector.shape_cast %get3A_102 : vector<128xf32> to vector<1x128xf32>
    %add3A_129 = vector.broadcast %broadcast_in_dim3A_128 : vector<1x128xf32> to vector<8192x128xf32>
    %add3A_130 = arith.addf %dot_general3A_127, %add3A_129 : vector<8192x128xf32>
    %slice3A_131 = vector.extract_strided_slice %get3A_105 {offsets = [0, 0], sizes = [128, 128], strides = [1, 1]} : vector<256x128xf32> to vector<128x128xf32>
    %dot_general3A_132 = arith.constant dense<0.000000e+00> : vector<8192x128xf32>
    %dot_general3A_133 = tpu.matmul %add3A_89, %slice3A_131, %dot_general3A_132 {dimension_numbers = #tpu.dot_dimension_numbers<[1], [0], [0], [1], [0, 0, 1, 1], [], []>, transpose_lhs_hint = false} : vector<8192x128xf32>, vector<128x128xf32>, vector<8192x128xf32> -> vector<8192x128xf32>
    %slice3A_134 = vector.extract_strided_slice %get3A_105 {offsets = [128, 0], sizes = [128, 128], strides = [1, 1]} : vector<256x128xf32> to vector<128x128xf32>
    %dot_general3A_135 = arith.constant dense<0.000000e+00> : vector<1x128xf32>
    %dot_general3A_136 = tpu.matmul %broadcast_in_dim3A_92, %slice3A_134, %dot_general3A_135 {dimension_numbers = #tpu.dot_dimension_numbers<[1], [0], [0], [1], [0, 0, 1, 1], [], []>, transpose_lhs_hint = false} : vector<1x128xf32>, vector<128x128xf32>, vector<1x128xf32> -> vector<1x128xf32>
    %add3A_137 = vector.broadcast %dot_general3A_136 : vector<1x128xf32> to vector<8192x128xf32>
    %add3A_138 = arith.addf %dot_general3A_133, %add3A_137 : vector<8192x128xf32>
    %add3A_139 = arith.addf %add3A_138, %add3A_130 : vector<8192x128xf32>
    %reduce_max3A_140 = arith.constant dense<0xFF800000> : vector<128xf32>
    %reduce_max3A_141 = vector.multi_reduction <maximumf>, %add3A_139, %reduce_max3A_140 [0] : vector<8192x128xf32> to vector<128xf32>
    %broadcast_in_dim3A_142 = vector.shape_cast %reduce_max3A_141 : vector<128xf32> to vector<1x128xf32>
    %get3A_143 = arith.constant 0 : index
    %get3A_144 = arith.constant 0 : index
    %get3A_145 = vector.load %arg19[%get3A_143, %get3A_144] : memref<256x128xf32, #tpu.memory_space<vmem>>, vector<256x128xf32>
    %get3A_146 = arith.constant 0 : index
    %get3A_147 = vector.load %arg20[%get3A_146] : memref<128xf32, #tpu.memory_space<vmem>>, vector<128xf32>
    %get3A_148 = arith.constant 0 : index
    %get3A_149 = arith.constant 0 : index
    %get3A_150 = vector.load %arg21[%get3A_148, %get3A_149] : memref<128x128xf32, #tpu.memory_space<vmem>>, vector<128x128xf32>
    %get3A_151 = arith.constant 0 : index
    %get3A_152 = vector.load %arg22[%get3A_151] : memref<128xf32, #tpu.memory_space<vmem>>, vector<128xf32>
    %get3A_153 = arith.constant 0 : index
    %get3A_154 = arith.constant 0 : index
    %get3A_155 = vector.load %arg23[%get3A_153, %get3A_154] : memref<256x128xf32, #tpu.memory_space<vmem>>, vector<256x128xf32>
    %max3A_156 = arith.constant 0.000000e+00 : f32
    %max3A_157 = vector.broadcast %max3A_156 : f32 to vector<8192x128xf32>
    %max3A_158 = arith.maximumf %add3A_139, %max3A_157 : vector<8192x128xf32>
    %max3A_159 = arith.constant 0.000000e+00 : f32
    %max3A_160 = vector.broadcast %max3A_159 : f32 to vector<1x128xf32>
    %max3A_161 = arith.maximumf %broadcast_in_dim3A_142, %max3A_160 : vector<1x128xf32>
    %slice3A_162 = vector.extract_strided_slice %get3A_145 {offsets = [0, 0], sizes = [128, 128], strides = [1, 1]} : vector<256x128xf32> to vector<128x128xf32>
    %dot_general3A_163 = arith.constant dense<0.000000e+00> : vector<8192x128xf32>
    %dot_general3A_164 = tpu.matmul %max3A_158, %slice3A_162, %dot_general3A_163 {dimension_numbers = #tpu.dot_dimension_numbers<[1], [0], [0], [1], [0, 0, 1, 1], [], []>, transpose_lhs_hint = false} : vector<8192x128xf32>, vector<128x128xf32>, vector<8192x128xf32> -> vector<8192x128xf32>
    %slice3A_165 = vector.extract_strided_slice %get3A_145 {offsets = [128, 0], sizes = [128, 128], strides = [1, 1]} : vector<256x128xf32> to vector<128x128xf32>
    %dot_general3A_166 = arith.constant dense<0.000000e+00> : vector<1x128xf32>
    %dot_general3A_167 = tpu.matmul %max3A_161, %slice3A_165, %dot_general3A_166 {dimension_numbers = #tpu.dot_dimension_numbers<[1], [0], [0], [1], [0, 0, 1, 1], [], []>, transpose_lhs_hint = false} : vector<1x128xf32>, vector<128x128xf32>, vector<1x128xf32> -> vector<1x128xf32>
    %add3A_168 = vector.broadcast %dot_general3A_167 : vector<1x128xf32> to vector<8192x128xf32>
    %add3A_169 = arith.addf %dot_general3A_164, %add3A_168 : vector<8192x128xf32>
    %broadcast_in_dim3A_170 = vector.shape_cast %get3A_147 : vector<128xf32> to vector<1x128xf32>
    %add3A_171 = vector.broadcast %broadcast_in_dim3A_170 : vector<1x128xf32> to vector<8192x128xf32>
    %add3A_172 = arith.addf %add3A_169, %add3A_171 : vector<8192x128xf32>
    %max3A_173 = arith.constant 0.000000e+00 : f32
    %max3A_174 = vector.broadcast %max3A_173 : f32 to vector<8192x128xf32>
    %max3A_175 = arith.maximumf %add3A_172, %max3A_174 : vector<8192x128xf32>
    %dot_general3A_176 = arith.constant dense<0.000000e+00> : vector<8192x128xf32>
    %dot_general3A_177 = tpu.matmul %max3A_175, %get3A_150, %dot_general3A_176 {dimension_numbers = #tpu.dot_dimension_numbers<[1], [0], [0], [1], [0, 0, 1, 1], [], []>, transpose_lhs_hint = false} : vector<8192x128xf32>, vector<128x128xf32>, vector<8192x128xf32> -> vector<8192x128xf32>
    %broadcast_in_dim3A_178 = vector.shape_cast %get3A_152 : vector<128xf32> to vector<1x128xf32>
    %add3A_179 = vector.broadcast %broadcast_in_dim3A_178 : vector<1x128xf32> to vector<8192x128xf32>
    %add3A_180 = arith.addf %dot_general3A_177, %add3A_179 : vector<8192x128xf32>
    %slice3A_181 = vector.extract_strided_slice %get3A_155 {offsets = [0, 0], sizes = [128, 128], strides = [1, 1]} : vector<256x128xf32> to vector<128x128xf32>
    %dot_general3A_182 = arith.constant dense<0.000000e+00> : vector<8192x128xf32>
    %dot_general3A_183 = tpu.matmul %add3A_139, %slice3A_181, %dot_general3A_182 {dimension_numbers = #tpu.dot_dimension_numbers<[1], [0], [0], [1], [0, 0, 1, 1], [], []>, transpose_lhs_hint = false} : vector<8192x128xf32>, vector<128x128xf32>, vector<8192x128xf32> -> vector<8192x128xf32>
    %slice3A_184 = vector.extract_strided_slice %get3A_155 {offsets = [128, 0], sizes = [128, 128], strides = [1, 1]} : vector<256x128xf32> to vector<128x128xf32>
    %dot_general3A_185 = arith.constant dense<0.000000e+00> : vector<1x128xf32>
    %dot_general3A_186 = tpu.matmul %broadcast_in_dim3A_142, %slice3A_184, %dot_general3A_185 {dimension_numbers = #tpu.dot_dimension_numbers<[1], [0], [0], [1], [0, 0, 1, 1], [], []>, transpose_lhs_hint = false} : vector<1x128xf32>, vector<128x128xf32>, vector<1x128xf32> -> vector<1x128xf32>
    %add3A_187 = vector.broadcast %dot_general3A_186 : vector<1x128xf32> to vector<8192x128xf32>
    %add3A_188 = arith.addf %dot_general3A_183, %add3A_187 : vector<8192x128xf32>
    %add3A_189 = arith.addf %add3A_188, %add3A_180 : vector<8192x128xf32>
    %reduce_max3A_190 = arith.constant dense<0xFF800000> : vector<128xf32>
    %reduce_max3A_191 = vector.multi_reduction <maximumf>, %add3A_189, %reduce_max3A_190 [0] : vector<8192x128xf32> to vector<128xf32>
    %broadcast_in_dim3A_192 = vector.shape_cast %reduce_max3A_191 : vector<128xf32> to vector<1x128xf32>
    %get3A_193 = arith.constant 0 : index
    %get3A_194 = arith.constant 0 : index
    %get3A_195 = vector.load %arg24[%get3A_193, %get3A_194] : memref<256x128xf32, #tpu.memory_space<vmem>>, vector<256x128xf32>
    %get3A_196 = arith.constant 0 : index
    %get3A_197 = vector.load %arg25[%get3A_196] : memref<128xf32, #tpu.memory_space<vmem>>, vector<128xf32>
    %get3A_198 = arith.constant 0 : index
    %get3A_199 = arith.constant 0 : index
    %get3A_200 = vector.load %arg26[%get3A_198, %get3A_199] : memref<128x128xf32, #tpu.memory_space<vmem>>, vector<128x128xf32>
    %get3A_201 = arith.constant 0 : index
    %get3A_202 = vector.load %arg27[%get3A_201] : memref<128xf32, #tpu.memory_space<vmem>>, vector<128xf32>
    %get3A_203 = arith.constant 0 : index
    %get3A_204 = arith.constant 0 : index
    %get3A_205 = vector.load %arg28[%get3A_203, %get3A_204] : memref<256x128xf32, #tpu.memory_space<vmem>>, vector<256x128xf32>
    %max3A_206 = arith.constant 0.000000e+00 : f32
    %max3A_207 = vector.broadcast %max3A_206 : f32 to vector<8192x128xf32>
    %max3A_208 = arith.maximumf %add3A_189, %max3A_207 : vector<8192x128xf32>
    %max3A_209 = arith.constant 0.000000e+00 : f32
    %max3A_210 = vector.broadcast %max3A_209 : f32 to vector<1x128xf32>
    %max3A_211 = arith.maximumf %broadcast_in_dim3A_192, %max3A_210 : vector<1x128xf32>
    %slice3A_212 = vector.extract_strided_slice %get3A_195 {offsets = [0, 0], sizes = [128, 128], strides = [1, 1]} : vector<256x128xf32> to vector<128x128xf32>
    %dot_general3A_213 = arith.constant dense<0.000000e+00> : vector<8192x128xf32>
    %dot_general3A_214 = tpu.matmul %max3A_208, %slice3A_212, %dot_general3A_213 {dimension_numbers = #tpu.dot_dimension_numbers<[1], [0], [0], [1], [0, 0, 1, 1], [], []>, transpose_lhs_hint = false} : vector<8192x128xf32>, vector<128x128xf32>, vector<8192x128xf32> -> vector<8192x128xf32>
    %slice3A_215 = vector.extract_strided_slice %get3A_195 {offsets = [128, 0], sizes = [128, 128], strides = [1, 1]} : vector<256x128xf32> to vector<128x128xf32>
    %dot_general3A_216 = arith.constant dense<0.000000e+00> : vector<1x128xf32>
    %dot_general3A_217 = tpu.matmul %max3A_211, %slice3A_215, %dot_general3A_216 {dimension_numbers = #tpu.dot_dimension_numbers<[1], [0], [0], [1], [0, 0, 1, 1], [], []>, transpose_lhs_hint = false} : vector<1x128xf32>, vector<128x128xf32>, vector<1x128xf32> -> vector<1x128xf32>
    %add3A_218 = vector.broadcast %dot_general3A_217 : vector<1x128xf32> to vector<8192x128xf32>
    %add3A_219 = arith.addf %dot_general3A_214, %add3A_218 : vector<8192x128xf32>
    %broadcast_in_dim3A_220 = vector.shape_cast %get3A_197 : vector<128xf32> to vector<1x128xf32>
    %add3A_221 = vector.broadcast %broadcast_in_dim3A_220 : vector<1x128xf32> to vector<8192x128xf32>
    %add3A_222 = arith.addf %add3A_219, %add3A_221 : vector<8192x128xf32>
    %max3A_223 = arith.constant 0.000000e+00 : f32
    %max3A_224 = vector.broadcast %max3A_223 : f32 to vector<8192x128xf32>
    %max3A_225 = arith.maximumf %add3A_222, %max3A_224 : vector<8192x128xf32>
    %dot_general3A_226 = arith.constant dense<0.000000e+00> : vector<8192x128xf32>
    %dot_general3A_227 = tpu.matmul %max3A_225, %get3A_200, %dot_general3A_226 {dimension_numbers = #tpu.dot_dimension_numbers<[1], [0], [0], [1], [0, 0, 1, 1], [], []>, transpose_lhs_hint = false} : vector<8192x128xf32>, vector<128x128xf32>, vector<8192x128xf32> -> vector<8192x128xf32>
    %broadcast_in_dim3A_228 = vector.shape_cast %get3A_202 : vector<128xf32> to vector<1x128xf32>
    %add3A_229 = vector.broadcast %broadcast_in_dim3A_228 : vector<1x128xf32> to vector<8192x128xf32>
    %add3A_230 = arith.addf %dot_general3A_227, %add3A_229 : vector<8192x128xf32>
    %slice3A_231 = vector.extract_strided_slice %get3A_205 {offsets = [0, 0], sizes = [128, 128], strides = [1, 1]} : vector<256x128xf32> to vector<128x128xf32>
    %dot_general3A_232 = arith.constant dense<0.000000e+00> : vector<8192x128xf32>
    %dot_general3A_233 = tpu.matmul %add3A_189, %slice3A_231, %dot_general3A_232 {dimension_numbers = #tpu.dot_dimension_numbers<[1], [0], [0], [1], [0, 0, 1, 1], [], []>, transpose_lhs_hint = false} : vector<8192x128xf32>, vector<128x128xf32>, vector<8192x128xf32> -> vector<8192x128xf32>
    %slice3A_234 = vector.extract_strided_slice %get3A_205 {offsets = [128, 0], sizes = [128, 128], strides = [1, 1]} : vector<256x128xf32> to vector<128x128xf32>
    %dot_general3A_235 = arith.constant dense<0.000000e+00> : vector<1x128xf32>
    %dot_general3A_236 = tpu.matmul %broadcast_in_dim3A_192, %slice3A_234, %dot_general3A_235 {dimension_numbers = #tpu.dot_dimension_numbers<[1], [0], [0], [1], [0, 0, 1, 1], [], []>, transpose_lhs_hint = false} : vector<1x128xf32>, vector<128x128xf32>, vector<1x128xf32> -> vector<1x128xf32>
    %add3A_237 = vector.broadcast %dot_general3A_236 : vector<1x128xf32> to vector<8192x128xf32>
    %add3A_238 = arith.addf %dot_general3A_233, %add3A_237 : vector<8192x128xf32>
    %add3A_239 = arith.addf %add3A_238, %add3A_230 : vector<8192x128xf32>
    %swap3A = arith.constant 0 : index
    %swap3A_240 = arith.constant 0 : index
    %swap3A_241 = arith.constant 0 : index
    %swap3A_242 = vector.load %arg30[%swap3A, %swap3A_240, %swap3A_241] : memref<1x8192x128xf32, #tpu.memory_space<vmem>>, vector<1x8192x128xf32>
    %swap3A_243 = vector.shape_cast %swap3A_242 : vector<1x8192x128xf32> to vector<8192x128xf32>
    %swap3A_244 = vector.shape_cast %add3A_239 : vector<8192x128xf32> to vector<1x8192x128xf32>
    tpu.vector_store %arg30[%swap3A, %swap3A_240, %swap3A_241], %swap3A_244 {strides = array<i32>} : memref<1x8192x128xf32, #tpu.memory_space<vmem>>, vector<1x8192x128xf32>,
    %get3A_245 = arith.constant 0 : index
    %get3A_246 = arith.constant 0 : index
    %get3A_247 = arith.constant 0 : index
    %get3A_248 = vector.load %arg29[%get3A_245, %get3A_246, %get3A_247] : memref<1x4x8192xi32, #tpu.memory_space<vmem>>, vector<1x4x8192xi32>
    %get3A_249 = vector.shape_cast %get3A_248 : vector<1x4x8192xi32> to vector<4x8192xi32>
    %reshape3A = vector.shape_cast %get3A_249 : vector<4x8192xi32> to vector<4x64x128xi32>
    %broadcast_in_dim3A_250 = arith.constant 0 : i32
    %broadcast_in_dim3A_251 = vector.broadcast %broadcast_in_dim3A_250 : i32 to vector<4x64x128xi32>
    %concatenate3A = tpu.concatenate %reshape3A, %broadcast_in_dim3A_251 in 1 : vector<4x64x128xi32>, vector<4x64x128xi32> -> vector<4x128x128xi32>
    %swap3A_252 = arith.constant 0 : index
    %swap3A_253 = arith.constant 0 : index
    %swap3A_254 = arith.constant 0 : index
    %swap3A_255 = arith.constant 0 : index
    %swap3A_256 = vector.load %arg31[%swap3A_252, %swap3A_253, %swap3A_254, %swap3A_255] : memref<1x4x128x128xi32, #tpu.memory_space<vmem>>, vector<1x4x128x128xi32>
    %swap3A_257 = vector.shape_cast %swap3A_256 : vector<1x4x128x128xi32> to vector<4x128x128xi32>
    %swap3A_258 = vector.shape_cast %concatenate3A : vector<4x128x128xi32> to vector<1x4x128x128xi32>
    tpu.vector_store %arg31[%swap3A_252, %swap3A_253, %swap3A_254, %swap3A_255], %swap3A_258 {strides = array<i32>} : memref<1x4x128x128xi32, #tpu.memory_space<vmem>>, vector<1x4x128x128xi32>,
    return
  }
  func.func @transform_0(%arg0: i32) -> (i32, i32, i32) {
    %c0_i32 = arith.constant 0 : i32
    %c0_i32_0 = arith.constant 0 : i32
    %c0_i32_1 = arith.constant 0 : i32
    return %arg0, %c0_i32, %c0_i32_0 : i32, i32, i32
  }
  func.func @transform_1(%arg0: i32) -> (i32, i32) {
    %c0_i32 = arith.constant 0 : i32
    %c0_i32_0 = arith.constant 0 : i32
    %c0_i32_1 = arith.constant 0 : i32
    return %c0_i32, %c0_i32_0 : i32, i32
  }
  func.func @transform_2(%arg0: i32) -> i32 {
    %c0_i32 = arith.constant 0 : i32
    %c0_i32_0 = arith.constant 0 : i32
    return %c0_i32 : i32
  }
  func.func @transform_3(%arg0: i32) -> (i32, i32) {
    %c0_i32 = arith.constant 0 : i32
    %c0_i32_0 = arith.constant 0 : i32
    %c0_i32_1 = arith.constant 0 : i32
    return %c0_i32, %c0_i32_0 : i32, i32
  }
  func.func @transform_4(%arg0: i32) -> i32 {
    %c0_i32 = arith.constant 0 : i32
    %c0_i32_0 = arith.constant 0 : i32
    return %c0_i32 : i32
  }
  func.func @transform_5(%arg0: i32) -> (i32, i32) {
    %c0_i32 = arith.constant 0 : i32
    %c0_i32_0 = arith.constant 0 : i32
    %c0_i32_1 = arith.constant 0 : i32
    return %c0_i32, %c0_i32_0 : i32, i32
  }
  func.func @transform_6(%arg0: i32) -> i32 {
    %c0_i32 = arith.constant 0 : i32
    %c0_i32_0 = arith.constant 0 : i32
    return %c0_i32 : i32
  }
  func.func @transform_7(%arg0: i32) -> (i32, i32) {
    %c0_i32 = arith.constant 0 : i32
    %c0_i32_0 = arith.constant 0 : i32
    %c0_i32_1 = arith.constant 0 : i32
    return %c0_i32, %c0_i32_0 : i32, i32
  }
  func.func @transform_8(%arg0: i32) -> (i32, i32) {
    %c0_i32 = arith.constant 0 : i32
    %c0_i32_0 = arith.constant 0 : i32
    %c0_i32_1 = arith.constant 0 : i32
    return %c0_i32, %c0_i32_0 : i32, i32
  }
  func.func @transform_9(%arg0: i32) -> i32 {
    %c0_i32 = arith.constant 0 : i32
    %c0_i32_0 = arith.constant 0 : i32
    return %c0_i32 : i32
  }
  func.func @transform_10(%arg0: i32) -> (i32, i32) {
    %c0_i32 = arith.constant 0 : i32
    %c0_i32_0 = arith.constant 0 : i32
    %c0_i32_1 = arith.constant 0 : i32
    return %c0_i32, %c0_i32_0 : i32, i32
  }
  func.func @transform_11(%arg0: i32) -> i32 {
    %c0_i32 = arith.constant 0 : i32
    %c0_i32_0 = arith.constant 0 : i32
    return %c0_i32 : i32
  }
  func.func @transform_12(%arg0: i32) -> (i32, i32) {
    %c0_i32 = arith.constant 0 : i32
    %c0_i32_0 = arith.constant 0 : i32
    %c0_i32_1 = arith.constant 0 : i32
    return %c0_i32, %c0_i32_0 : i32, i32
  }
  func.func @transform_13(%arg0: i32) -> (i32, i32) {
    %c0_i32 = arith.constant 0 : i32
    %c0_i32_0 = arith.constant 0 : i32
    %c0_i32_1 = arith.constant 0 : i32
    return %c0_i32, %c0_i32_0 : i32, i32
  }
  func.func @transform_14(%arg0: i32) -> i32 {
    %c0_i32 = arith.constant 0 : i32
    %c0_i32_0 = arith.constant 0 : i32
    return %c0_i32 : i32
  }
  func.func @transform_15(%arg0: i32) -> (i32, i32) {
    %c0_i32 = arith.constant 0 : i32
    %c0_i32_0 = arith.constant 0 : i32
    %c0_i32_1 = arith.constant 0 : i32
    return %c0_i32, %c0_i32_0 : i32, i32
  }
  func.func @transform_16(%arg0: i32) -> i32 {
    %c0_i32 = arith.constant 0 : i32
    %c0_i32_0 = arith.constant 0 : i32
    return %c0_i32 : i32
  }
  func.func @transform_17(%arg0: i32) -> (i32, i32) {
    %c0_i32 = arith.constant 0 : i32
    %c0_i32_0 = arith.constant 0 : i32
    %c0_i32_1 = arith.constant 0 : i32
    return %c0_i32, %c0_i32_0 : i32, i32
  }
  func.func @transform_18(%arg0: i32) -> (i32, i32) {
    %c0_i32 = arith.constant 0 : i32
    %c0_i32_0 = arith.constant 0 : i32
    %c0_i32_1 = arith.constant 0 : i32
    return %c0_i32, %c0_i32_0 : i32, i32
  }
  func.func @transform_19(%arg0: i32) -> i32 {
    %c0_i32 = arith.constant 0 : i32
    %c0_i32_0 = arith.constant 0 : i32
    return %c0_i32 : i32
  }
  func.func @transform_20(%arg0: i32) -> (i32, i32) {
    %c0_i32 = arith.constant 0 : i32
    %c0_i32_0 = arith.constant 0 : i32
    %c0_i32_1 = arith.constant 0 : i32
    return %c0_i32, %c0_i32_0 : i32, i32
  }
  func.func @transform_21(%arg0: i32) -> i32 {
    %c0_i32 = arith.constant 0 : i32
    %c0_i32_0 = arith.constant 0 : i32
    return %c0_i32 : i32
  }
  func.func @transform_22(%arg0: i32) -> (i32, i32) {
    %c0_i32 = arith.constant 0 : i32
    %c0_i32_0 = arith.constant 0 : i32
    %c0_i32_1 = arith.constant 0 : i32
    return %c0_i32, %c0_i32_0 : i32, i32
  }
  func.func @transform_23(%arg0: i32) -> (i32, i32) {
    %c0_i32 = arith.constant 0 : i32
    %c0_i32_0 = arith.constant 0 : i32
    %c0_i32_1 = arith.constant 0 : i32
    return %c0_i32, %c0_i32_0 : i32, i32
  }
  func.func @transform_24(%arg0: i32) -> i32 {
    %c0_i32 = arith.constant 0 : i32
    %c0_i32_0 = arith.constant 0 : i32
    return %c0_i32 : i32
  }
  func.func @transform_25(%arg0: i32) -> (i32, i32) {
    %c0_i32 = arith.constant 0 : i32
    %c0_i32_0 = arith.constant 0 : i32
    %c0_i32_1 = arith.constant 0 : i32
    return %c0_i32, %c0_i32_0 : i32, i32
  }
  func.func @transform_26(%arg0: i32) -> i32 {
    %c0_i32 = arith.constant 0 : i32
    %c0_i32_0 = arith.constant 0 : i32
    return %c0_i32 : i32
  }
  func.func @transform_27(%arg0: i32) -> (i32, i32) {
    %c0_i32 = arith.constant 0 : i32
    %c0_i32_0 = arith.constant 0 : i32
    %c0_i32_1 = arith.constant 0 : i32
    return %c0_i32, %c0_i32_0 : i32, i32
  }
  func.func @transform_28(%arg0: i32) -> (i32, i32, i32) {
    %c0_i32 = arith.constant 0 : i32
    %c0_i32_0 = arith.constant 0 : i32
    %c0_i32_1 = arith.constant 0 : i32
    return %arg0, %c0_i32, %c0_i32_0 : i32, i32, i32
  }
  func.func @transform_29(%arg0: i32) -> (i32, i32, i32) {
    %c0_i32 = arith.constant 0 : i32
    %c0_i32_0 = arith.constant 0 : i32
    %c0_i32_1 = arith.constant 0 : i32
    return %arg0, %c0_i32, %c0_i32_0 : i32, i32, i32
  }
  func.func @transform_30(%arg0: i32) -> (i32, i32, i32, i32) {
    %c0_i32 = arith.constant 0 : i32
    %c0_i32_0 = arith.constant 0 : i32
    %c0_i32_1 = arith.constant 0 : i32
    %c0_i32_2 = arith.constant 0 : i32
    return %arg0, %c0_i32, %c0_i32_0, %c0_i32_1 : i32, i32, i32, i32
  }
}

module attributes {stable_mosaic.version = 14 : i64} {
  func.func @_unet_body(%arg0: i32, %arg1: memref<1x4096x128xf32, #tpu.memory_space<vmem>>, %arg2: memref<1x16x32x128xf32, #tpu.memory_space<vmem>>, %arg3: memref<3x3x128x128xf32, #tpu.memory_space<vmem>>, %arg4: memref<128xf32, #tpu.memory_space<vmem>>, %arg5: memref<3x3x128x256xf32, #tpu.memory_space<vmem>>, %arg6: memref<256xf32, #tpu.memory_space<vmem>>, %arg7: memref<3x3x256x128xf32, #tpu.memory_space<vmem>>, %arg8: memref<3x3x128x128xf32, #tpu.memory_space<vmem>>, %arg9: memref<128xf32, #tpu.memory_space<vmem>>, %arg10: memref<1x1x128x128xf32, #tpu.memory_space<vmem>>, %arg11: memref<128xf32, #tpu.memory_space<vmem>>, %arg12: memref<1x4096x128xf32, #tpu.memory_space<vmem>>) attributes {dimension_semantics = [#tpu.dimension_semantics<parallel>], iteration_bounds = array<i64: 4>, scalar_prefetch = 0 : i64, scratch_operands = 0 : i64, tpu.core_type = #tpu.core_type<tc>, window_params = [{transform_indices = @transform_0, window_bounds = array<i64: 1, 4096, 128>}, {transform_indices = @transform_1, window_bounds = array<i64: 1, 16, 32, 128>}, {pipeline_mode = #tpu.pipeline_mode<synchronous>, transform_indices = @transform_2, window_bounds = array<i64: 3, 3, 128, 128>}, {pipeline_mode = #tpu.pipeline_mode<synchronous>, transform_indices = @transform_3, window_bounds = array<i64: 128>}, {pipeline_mode = #tpu.pipeline_mode<synchronous>, transform_indices = @transform_4, window_bounds = array<i64: 3, 3, 128, 256>}, {pipeline_mode = #tpu.pipeline_mode<synchronous>, transform_indices = @transform_5, window_bounds = array<i64: 256>}, {pipeline_mode = #tpu.pipeline_mode<synchronous>, transform_indices = @transform_6, window_bounds = array<i64: 3, 3, 256, 128>}, {pipeline_mode = #tpu.pipeline_mode<synchronous>, transform_indices = @transform_7, window_bounds = array<i64: 3, 3, 128, 128>}, {pipeline_mode = #tpu.pipeline_mode<synchronous>, transform_indices = @transform_8, window_bounds = array<i64: 128>}, {pipeline_mode = #tpu.pipeline_mode<synchronous>, transform_indices = @transform_9, window_bounds = array<i64: 1, 1, 128, 128>}, {pipeline_mode = #tpu.pipeline_mode<synchronous>, transform_indices = @transform_10, window_bounds = array<i64: 128>}, {transform_indices = @transform_11, window_bounds = array<i64: 1, 4096, 128>}]} {
    %get3A = arith.constant 0 : index
    %get3A_0 = arith.constant 0 : index
    %get3A_1 = arith.constant 0 : index
    %get3A_2 = arith.constant 0 : index
    %get3A_3 = vector.load %arg2[%get3A, %get3A_0, %get3A_1, %get3A_2] : memref<1x16x32x128xf32, #tpu.memory_space<vmem>>, vector<1x16x32x128xf32>
    %get3A_4 = vector.shape_cast %get3A_3 : vector<1x16x32x128xf32> to vector<16x32x128xf32>
    %reduce_sum3A = arith.constant dense<0.000000e+00> : vector<32x128xf32>
    %reduce_sum3A_5 = vector.multi_reduction <add>, %get3A_4, %reduce_sum3A [0] : vector<16x32x128xf32> to vector<32x128xf32>
    %max3A = arith.constant 1.000000e+00 : f32
    %max3A_6 = vector.broadcast %max3A : f32 to vector<32x128xf32>
    %max3A_7 = arith.maximumf %reduce_sum3A_5, %max3A_6 : vector<32x128xf32>
    %broadcast_in_dim3A = vector.shape_cast %max3A_7 : vector<32x128xf32> to vector<32x128x1xf32>
    %get3A_8 = arith.constant 0 : index
    %get3A_9 = arith.constant 0 : index
    %get3A_10 = arith.constant 0 : index
    %get3A_11 = vector.load %arg1[%get3A_8, %get3A_9, %get3A_10] : memref<1x4096x128xf32, #tpu.memory_space<vmem>>, vector<1x4096x128xf32>
    %get3A_12 = vector.shape_cast %get3A_11 : vector<1x4096x128xf32> to vector<4096x128xf32>
    %reshape3A = vector.shape_cast %get3A_12 : vector<4096x128xf32> to vector<32x128x128xf32>
    %div3A = vector.broadcast %broadcast_in_dim3A : vector<32x128x1xf32> to vector<32x128x128xf32>
    %div3A_13 = arith.divf %reshape3A, %div3A : vector<32x128x128xf32>
    %reshape3A_14 = vector.shape_cast %div3A_13 : vector<32x128x128xf32> to vector<4096x128xf32>
    %reshape3A_15 = vector.shape_cast %reshape3A_14 : vector<4096x128xf32> to vector<64x64x128xf32>
    %broadcast_in_dim3A_16 = arith.constant 0.000000e+00 : f32
    %broadcast_in_dim3A_17 = vector.broadcast %broadcast_in_dim3A_16 : f32 to vector<1x64x128xf32>
    %concatenate3A = tpu.concatenate %broadcast_in_dim3A_17, %reshape3A_15, %broadcast_in_dim3A_17 in 0 : vector<1x64x128xf32>, vector<64x64x128xf32>, vector<1x64x128xf32> -> vector<66x64x128xf32>
    %broadcast_in_dim3A_18 = arith.constant 0.000000e+00 : f32
    %broadcast_in_dim3A_19 = vector.broadcast %broadcast_in_dim3A_18 : f32 to vector<66x1x128xf32>
    %concatenate3A_20 = tpu.concatenate %broadcast_in_dim3A_19, %concatenate3A, %broadcast_in_dim3A_19 in 1 : vector<66x1x128xf32>, vector<66x64x128xf32>, vector<66x1x128xf32> -> vector<66x66x128xf32>
    %broadcast_in_dim3A_21 = arith.constant 0.000000e+00 : f32
    %broadcast_in_dim3A_22 = vector.broadcast %broadcast_in_dim3A_21 : f32 to vector<4096x128xf32>
    %slice3A = vector.extract_strided_slice %concatenate3A_20 {offsets = [0, 0, 0], sizes = [64, 64, 128], strides = [1, 1, 1]} : vector<66x66x128xf32> to vector<64x64x128xf32>
    %reshape3A_23 = vector.shape_cast %slice3A : vector<64x64x128xf32> to vector<4096x128xf32>
    %get3A_24 = arith.constant 0 : index
    %get3A_25 = arith.constant 0 : index
    %get3A_26 = arith.constant 0 : index
    %get3A_27 = arith.constant 0 : index
    %get3A_28 = vector.load %arg3[%get3A_24, %get3A_25, %get3A_26, %get3A_27] : memref<3x3x128x128xf32, #tpu.memory_space<vmem>>, vector<1x1x128x128xf32>
    %get3A_29 = vector.shape_cast %get3A_28 : vector<1x1x128x128xf32> to vector<128x128xf32>
    %dot_general3A = arith.constant dense<0.000000e+00> : vector<4096x128xf32>
    %dot_general3A_30 = tpu.matmul %reshape3A_23, %get3A_29, %dot_general3A {dimension_numbers = #tpu.dot_dimension_numbers<[1], [0], [0], [1], [0, 0, 1, 1], [], []>, transpose_lhs_hint = false} : vector<4096x128xf32>, vector<128x128xf32>, vector<4096x128xf32> -> vector<4096x128xf32>
    %add3A = arith.addf %broadcast_in_dim3A_22, %dot_general3A_30 : vector<4096x128xf32>
    %slice3A_31 = vector.extract_strided_slice %concatenate3A_20 {offsets = [0, 1, 0], sizes = [64, 64, 128], strides = [1, 1, 1]} : vector<66x66x128xf32> to vector<64x64x128xf32>
    %reshape3A_32 = vector.shape_cast %slice3A_31 : vector<64x64x128xf32> to vector<4096x128xf32>
    %get3A_33 = arith.constant 0 : index
    %get3A_34 = arith.constant 1 : index
    %get3A_35 = arith.constant 0 : index
    %get3A_36 = arith.constant 0 : index
    %get3A_37 = vector.load %arg3[%get3A_33, %get3A_34, %get3A_35, %get3A_36] : memref<3x3x128x128xf32, #tpu.memory_space<vmem>>, vector<1x1x128x128xf32>
    %get3A_38 = vector.shape_cast %get3A_37 : vector<1x1x128x128xf32> to vector<128x128xf32>
    %dot_general3A_39 = arith.constant dense<0.000000e+00> : vector<4096x128xf32>
    %dot_general3A_40 = tpu.matmul %reshape3A_32, %get3A_38, %dot_general3A_39 {dimension_numbers = #tpu.dot_dimension_numbers<[1], [0], [0], [1], [0, 0, 1, 1], [], []>, transpose_lhs_hint = false} : vector<4096x128xf32>, vector<128x128xf32>, vector<4096x128xf32> -> vector<4096x128xf32>
    %add3A_41 = arith.addf %add3A, %dot_general3A_40 : vector<4096x128xf32>
    %slice3A_42 = vector.extract_strided_slice %concatenate3A_20 {offsets = [0, 2, 0], sizes = [64, 64, 128], strides = [1, 1, 1]} : vector<66x66x128xf32> to vector<64x64x128xf32>
    %reshape3A_43 = vector.shape_cast %slice3A_42 : vector<64x64x128xf32> to vector<4096x128xf32>
    %get3A_44 = arith.constant 0 : index
    %get3A_45 = arith.constant 2 : index
    %get3A_46 = arith.constant 0 : index
    %get3A_47 = arith.constant 0 : index
    %get3A_48 = vector.load %arg3[%get3A_44, %get3A_45, %get3A_46, %get3A_47] : memref<3x3x128x128xf32, #tpu.memory_space<vmem>>, vector<1x1x128x128xf32>
    %get3A_49 = vector.shape_cast %get3A_48 : vector<1x1x128x128xf32> to vector<128x128xf32>
    %dot_general3A_50 = arith.constant dense<0.000000e+00> : vector<4096x128xf32>
    %dot_general3A_51 = tpu.matmul %reshape3A_43, %get3A_49, %dot_general3A_50 {dimension_numbers = #tpu.dot_dimension_numbers<[1], [0], [0], [1], [0, 0, 1, 1], [], []>, transpose_lhs_hint = false} : vector<4096x128xf32>, vector<128x128xf32>, vector<4096x128xf32> -> vector<4096x128xf32>
    %add3A_52 = arith.addf %add3A_41, %dot_general3A_51 : vector<4096x128xf32>
    %slice3A_53 = vector.extract_strided_slice %concatenate3A_20 {offsets = [1, 0, 0], sizes = [64, 64, 128], strides = [1, 1, 1]} : vector<66x66x128xf32> to vector<64x64x128xf32>
    %reshape3A_54 = vector.shape_cast %slice3A_53 : vector<64x64x128xf32> to vector<4096x128xf32>
    %get3A_55 = arith.constant 1 : index
    %get3A_56 = arith.constant 0 : index
    %get3A_57 = arith.constant 0 : index
    %get3A_58 = arith.constant 0 : index
    %get3A_59 = vector.load %arg3[%get3A_55, %get3A_56, %get3A_57, %get3A_58] : memref<3x3x128x128xf32, #tpu.memory_space<vmem>>, vector<1x1x128x128xf32>
    %get3A_60 = vector.shape_cast %get3A_59 : vector<1x1x128x128xf32> to vector<128x128xf32>
    %dot_general3A_61 = arith.constant dense<0.000000e+00> : vector<4096x128xf32>
    %dot_general3A_62 = tpu.matmul %reshape3A_54, %get3A_60, %dot_general3A_61 {dimension_numbers = #tpu.dot_dimension_numbers<[1], [0], [0], [1], [0, 0, 1, 1], [], []>, transpose_lhs_hint = false} : vector<4096x128xf32>, vector<128x128xf32>, vector<4096x128xf32> -> vector<4096x128xf32>
    %add3A_63 = arith.addf %add3A_52, %dot_general3A_62 : vector<4096x128xf32>
    %slice3A_64 = vector.extract_strided_slice %concatenate3A_20 {offsets = [1, 1, 0], sizes = [64, 64, 128], strides = [1, 1, 1]} : vector<66x66x128xf32> to vector<64x64x128xf32>
    %reshape3A_65 = vector.shape_cast %slice3A_64 : vector<64x64x128xf32> to vector<4096x128xf32>
    %get3A_66 = arith.constant 1 : index
    %get3A_67 = arith.constant 1 : index
    %get3A_68 = arith.constant 0 : index
    %get3A_69 = arith.constant 0 : index
    %get3A_70 = vector.load %arg3[%get3A_66, %get3A_67, %get3A_68, %get3A_69] : memref<3x3x128x128xf32, #tpu.memory_space<vmem>>, vector<1x1x128x128xf32>
    %get3A_71 = vector.shape_cast %get3A_70 : vector<1x1x128x128xf32> to vector<128x128xf32>
    %dot_general3A_72 = arith.constant dense<0.000000e+00> : vector<4096x128xf32>
    %dot_general3A_73 = tpu.matmul %reshape3A_65, %get3A_71, %dot_general3A_72 {dimension_numbers = #tpu.dot_dimension_numbers<[1], [0], [0], [1], [0, 0, 1, 1], [], []>, transpose_lhs_hint = false} : vector<4096x128xf32>, vector<128x128xf32>, vector<4096x128xf32> -> vector<4096x128xf32>
    %add3A_74 = arith.addf %add3A_63, %dot_general3A_73 : vector<4096x128xf32>
    %slice3A_75 = vector.extract_strided_slice %concatenate3A_20 {offsets = [1, 2, 0], sizes = [64, 64, 128], strides = [1, 1, 1]} : vector<66x66x128xf32> to vector<64x64x128xf32>
    %reshape3A_76 = vector.shape_cast %slice3A_75 : vector<64x64x128xf32> to vector<4096x128xf32>
    %get3A_77 = arith.constant 1 : index
    %get3A_78 = arith.constant 2 : index
    %get3A_79 = arith.constant 0 : index
    %get3A_80 = arith.constant 0 : index
    %get3A_81 = vector.load %arg3[%get3A_77, %get3A_78, %get3A_79, %get3A_80] : memref<3x3x128x128xf32, #tpu.memory_space<vmem>>, vector<1x1x128x128xf32>
    %get3A_82 = vector.shape_cast %get3A_81 : vector<1x1x128x128xf32> to vector<128x128xf32>
    %dot_general3A_83 = arith.constant dense<0.000000e+00> : vector<4096x128xf32>
    %dot_general3A_84 = tpu.matmul %reshape3A_76, %get3A_82, %dot_general3A_83 {dimension_numbers = #tpu.dot_dimension_numbers<[1], [0], [0], [1], [0, 0, 1, 1], [], []>, transpose_lhs_hint = false} : vector<4096x128xf32>, vector<128x128xf32>, vector<4096x128xf32> -> vector<4096x128xf32>
    %add3A_85 = arith.addf %add3A_74, %dot_general3A_84 : vector<4096x128xf32>
    %slice3A_86 = vector.extract_strided_slice %concatenate3A_20 {offsets = [2, 0, 0], sizes = [64, 64, 128], strides = [1, 1, 1]} : vector<66x66x128xf32> to vector<64x64x128xf32>
    %reshape3A_87 = vector.shape_cast %slice3A_86 : vector<64x64x128xf32> to vector<4096x128xf32>
    %get3A_88 = arith.constant 2 : index
    %get3A_89 = arith.constant 0 : index
    %get3A_90 = arith.constant 0 : index
    %get3A_91 = arith.constant 0 : index
    %get3A_92 = vector.load %arg3[%get3A_88, %get3A_89, %get3A_90, %get3A_91] : memref<3x3x128x128xf32, #tpu.memory_space<vmem>>, vector<1x1x128x128xf32>
    %get3A_93 = vector.shape_cast %get3A_92 : vector<1x1x128x128xf32> to vector<128x128xf32>
    %dot_general3A_94 = arith.constant dense<0.000000e+00> : vector<4096x128xf32>
    %dot_general3A_95 = tpu.matmul %reshape3A_87, %get3A_93, %dot_general3A_94 {dimension_numbers = #tpu.dot_dimension_numbers<[1], [0], [0], [1], [0, 0, 1, 1], [], []>, transpose_lhs_hint = false} : vector<4096x128xf32>, vector<128x128xf32>, vector<4096x128xf32> -> vector<4096x128xf32>
    %add3A_96 = arith.addf %add3A_85, %dot_general3A_95 : vector<4096x128xf32>
    %slice3A_97 = vector.extract_strided_slice %concatenate3A_20 {offsets = [2, 1, 0], sizes = [64, 64, 128], strides = [1, 1, 1]} : vector<66x66x128xf32> to vector<64x64x128xf32>
    %reshape3A_98 = vector.shape_cast %slice3A_97 : vector<64x64x128xf32> to vector<4096x128xf32>
    %get3A_99 = arith.constant 2 : index
    %get3A_100 = arith.constant 1 : index
    %get3A_101 = arith.constant 0 : index
    %get3A_102 = arith.constant 0 : index
    %get3A_103 = vector.load %arg3[%get3A_99, %get3A_100, %get3A_101, %get3A_102] : memref<3x3x128x128xf32, #tpu.memory_space<vmem>>, vector<1x1x128x128xf32>
    %get3A_104 = vector.shape_cast %get3A_103 : vector<1x1x128x128xf32> to vector<128x128xf32>
    %dot_general3A_105 = arith.constant dense<0.000000e+00> : vector<4096x128xf32>
    %dot_general3A_106 = tpu.matmul %reshape3A_98, %get3A_104, %dot_general3A_105 {dimension_numbers = #tpu.dot_dimension_numbers<[1], [0], [0], [1], [0, 0, 1, 1], [], []>, transpose_lhs_hint = false} : vector<4096x128xf32>, vector<128x128xf32>, vector<4096x128xf32> -> vector<4096x128xf32>
    %add3A_107 = arith.addf %add3A_96, %dot_general3A_106 : vector<4096x128xf32>
    %slice3A_108 = vector.extract_strided_slice %concatenate3A_20 {offsets = [2, 2, 0], sizes = [64, 64, 128], strides = [1, 1, 1]} : vector<66x66x128xf32> to vector<64x64x128xf32>
    %reshape3A_109 = vector.shape_cast %slice3A_108 : vector<64x64x128xf32> to vector<4096x128xf32>
    %get3A_110 = arith.constant 2 : index
    %get3A_111 = arith.constant 2 : index
    %get3A_112 = arith.constant 0 : index
    %get3A_113 = arith.constant 0 : index
    %get3A_114 = vector.load %arg3[%get3A_110, %get3A_111, %get3A_112, %get3A_113] : memref<3x3x128x128xf32, #tpu.memory_space<vmem>>, vector<1x1x128x128xf32>
    %get3A_115 = vector.shape_cast %get3A_114 : vector<1x1x128x128xf32> to vector<128x128xf32>
    %dot_general3A_116 = arith.constant dense<0.000000e+00> : vector<4096x128xf32>
    %dot_general3A_117 = tpu.matmul %reshape3A_109, %get3A_115, %dot_general3A_116 {dimension_numbers = #tpu.dot_dimension_numbers<[1], [0], [0], [1], [0, 0, 1, 1], [], []>, transpose_lhs_hint = false} : vector<4096x128xf32>, vector<128x128xf32>, vector<4096x128xf32> -> vector<4096x128xf32>
    %add3A_118 = arith.addf %add3A_107, %dot_general3A_117 : vector<4096x128xf32>
    %get3A_119 = arith.constant 0 : index
    %get3A_120 = vector.load %arg4[%get3A_119] : memref<128xf32, #tpu.memory_space<vmem>>, vector<128xf32>
    %broadcast_in_dim3A_121 = vector.shape_cast %get3A_120 : vector<128xf32> to vector<1x128xf32>
    %add3A_122 = vector.broadcast %broadcast_in_dim3A_121 : vector<1x128xf32> to vector<4096x128xf32>
    %add3A_123 = arith.addf %add3A_118, %add3A_122 : vector<4096x128xf32>
    %max3A_124 = arith.constant 0.000000e+00 : f32
    %max3A_125 = vector.broadcast %max3A_124 : f32 to vector<4096x128xf32>
    %max3A_126 = arith.maximumf %add3A_123, %max3A_125 : vector<4096x128xf32>
    %reshape3A_127 = vector.shape_cast %max3A_126 : vector<4096x128xf32> to vector<64x64x128xf32>
    %reshape3A_128 = vector.shape_cast %reshape3A_127 : vector<64x64x128xf32> to vector<32x2x64x128xf32>
    %reduce_max3A = arith.constant dense<0xFF800000> : vector<32x64x128xf32>
    %reduce_max3A_129 = vector.multi_reduction <maximumf>, %reshape3A_128, %reduce_max3A [1] : vector<32x2x64x128xf32> to vector<32x64x128xf32>
    %reshape3A_130 = vector.shape_cast %reduce_max3A_129 : vector<32x64x128xf32> to vector<32x32x2x128xf32>
    %reduce_max3A_131 = arith.constant dense<0xFF800000> : vector<32x32x128xf32>
    %reduce_max3A_132 = vector.multi_reduction <maximumf>, %reshape3A_130, %reduce_max3A_131 [2] : vector<32x32x2x128xf32> to vector<32x32x128xf32>
    %broadcast_in_dim3A_133 = arith.constant 0.000000e+00 : f32
    %broadcast_in_dim3A_134 = vector.broadcast %broadcast_in_dim3A_133 : f32 to vector<1x32x128xf32>
    %concatenate3A_135 = tpu.concatenate %broadcast_in_dim3A_134, %reduce_max3A_132, %broadcast_in_dim3A_134 in 0 : vector<1x32x128xf32>, vector<32x32x128xf32>, vector<1x32x128xf32> -> vector<34x32x128xf32>
    %broadcast_in_dim3A_136 = arith.constant 0.000000e+00 : f32
    %broadcast_in_dim3A_137 = vector.broadcast %broadcast_in_dim3A_136 : f32 to vector<34x1x128xf32>
    %concatenate3A_138 = tpu.concatenate %broadcast_in_dim3A_137, %concatenate3A_135, %broadcast_in_dim3A_137 in 1 : vector<34x1x128xf32>, vector<34x32x128xf32>, vector<34x1x128xf32> -> vector<34x34x128xf32>
    %broadcast_in_dim3A_139 = arith.constant 0.000000e+00 : f32
    %broadcast_in_dim3A_140 = vector.broadcast %broadcast_in_dim3A_139 : f32 to vector<1024x256xf32>
    %slice3A_141 = vector.extract_strided_slice %concatenate3A_138 {offsets = [0, 0, 0], sizes = [32, 32, 128], strides = [1, 1, 1]} : vector<34x34x128xf32> to vector<32x32x128xf32>
    %reshape3A_142 = vector.shape_cast %slice3A_141 : vector<32x32x128xf32> to vector<1024x128xf32>
    %get3A_143 = arith.constant 0 : index
    %get3A_144 = arith.constant 0 : index
    %get3A_145 = arith.constant 0 : index
    %get3A_146 = arith.constant 0 : index
    %get3A_147 = vector.load %arg5[%get3A_143, %get3A_144, %get3A_145, %get3A_146] : memref<3x3x128x256xf32, #tpu.memory_space<vmem>>, vector<1x1x128x256xf32>
    %get3A_148 = vector.shape_cast %get3A_147 : vector<1x1x128x256xf32> to vector<128x256xf32>
    %dot_general3A_149 = arith.constant dense<0.000000e+00> : vector<1024x256xf32>
    %dot_general3A_150 = tpu.matmul %reshape3A_142, %get3A_148, %dot_general3A_149 {dimension_numbers = #tpu.dot_dimension_numbers<[1], [0], [0], [1], [0, 0, 1, 1], [], []>, transpose_lhs_hint = false} : vector<1024x128xf32>, vector<128x256xf32>, vector<1024x256xf32> -> vector<1024x256xf32>
    %add3A_151 = arith.addf %broadcast_in_dim3A_140, %dot_general3A_150 : vector<1024x256xf32>
    %slice3A_152 = vector.extract_strided_slice %concatenate3A_138 {offsets = [0, 1, 0], sizes = [32, 32, 128], strides = [1, 1, 1]} : vector<34x34x128xf32> to vector<32x32x128xf32>
    %reshape3A_153 = vector.shape_cast %slice3A_152 : vector<32x32x128xf32> to vector<1024x128xf32>
    %get3A_154 = arith.constant 0 : index
    %get3A_155 = arith.constant 1 : index
    %get3A_156 = arith.constant 0 : index
    %get3A_157 = arith.constant 0 : index
    %get3A_158 = vector.load %arg5[%get3A_154, %get3A_155, %get3A_156, %get3A_157] : memref<3x3x128x256xf32, #tpu.memory_space<vmem>>, vector<1x1x128x256xf32>
    %get3A_159 = vector.shape_cast %get3A_158 : vector<1x1x128x256xf32> to vector<128x256xf32>
    %dot_general3A_160 = arith.constant dense<0.000000e+00> : vector<1024x256xf32>
    %dot_general3A_161 = tpu.matmul %reshape3A_153, %get3A_159, %dot_general3A_160 {dimension_numbers = #tpu.dot_dimension_numbers<[1], [0], [0], [1], [0, 0, 1, 1], [], []>, transpose_lhs_hint = false} : vector<1024x128xf32>, vector<128x256xf32>, vector<1024x256xf32> -> vector<1024x256xf32>
    %add3A_162 = arith.addf %add3A_151, %dot_general3A_161 : vector<1024x256xf32>
    %slice3A_163 = vector.extract_strided_slice %concatenate3A_138 {offsets = [0, 2, 0], sizes = [32, 32, 128], strides = [1, 1, 1]} : vector<34x34x128xf32> to vector<32x32x128xf32>
    %reshape3A_164 = vector.shape_cast %slice3A_163 : vector<32x32x128xf32> to vector<1024x128xf32>
    %get3A_165 = arith.constant 0 : index
    %get3A_166 = arith.constant 2 : index
    %get3A_167 = arith.constant 0 : index
    %get3A_168 = arith.constant 0 : index
    %get3A_169 = vector.load %arg5[%get3A_165, %get3A_166, %get3A_167, %get3A_168] : memref<3x3x128x256xf32, #tpu.memory_space<vmem>>, vector<1x1x128x256xf32>
    %get3A_170 = vector.shape_cast %get3A_169 : vector<1x1x128x256xf32> to vector<128x256xf32>
    %dot_general3A_171 = arith.constant dense<0.000000e+00> : vector<1024x256xf32>
    %dot_general3A_172 = tpu.matmul %reshape3A_164, %get3A_170, %dot_general3A_171 {dimension_numbers = #tpu.dot_dimension_numbers<[1], [0], [0], [1], [0, 0, 1, 1], [], []>, transpose_lhs_hint = false} : vector<1024x128xf32>, vector<128x256xf32>, vector<1024x256xf32> -> vector<1024x256xf32>
    %add3A_173 = arith.addf %add3A_162, %dot_general3A_172 : vector<1024x256xf32>
    %slice3A_174 = vector.extract_strided_slice %concatenate3A_138 {offsets = [1, 0, 0], sizes = [32, 32, 128], strides = [1, 1, 1]} : vector<34x34x128xf32> to vector<32x32x128xf32>
    %reshape3A_175 = vector.shape_cast %slice3A_174 : vector<32x32x128xf32> to vector<1024x128xf32>
    %get3A_176 = arith.constant 1 : index
    %get3A_177 = arith.constant 0 : index
    %get3A_178 = arith.constant 0 : index
    %get3A_179 = arith.constant 0 : index
    %get3A_180 = vector.load %arg5[%get3A_176, %get3A_177, %get3A_178, %get3A_179] : memref<3x3x128x256xf32, #tpu.memory_space<vmem>>, vector<1x1x128x256xf32>
    %get3A_181 = vector.shape_cast %get3A_180 : vector<1x1x128x256xf32> to vector<128x256xf32>
    %dot_general3A_182 = arith.constant dense<0.000000e+00> : vector<1024x256xf32>
    %dot_general3A_183 = tpu.matmul %reshape3A_175, %get3A_181, %dot_general3A_182 {dimension_numbers = #tpu.dot_dimension_numbers<[1], [0], [0], [1], [0, 0, 1, 1], [], []>, transpose_lhs_hint = false} : vector<1024x128xf32>, vector<128x256xf32>, vector<1024x256xf32> -> vector<1024x256xf32>
    %add3A_184 = arith.addf %add3A_173, %dot_general3A_183 : vector<1024x256xf32>
    %slice3A_185 = vector.extract_strided_slice %concatenate3A_138 {offsets = [1, 1, 0], sizes = [32, 32, 128], strides = [1, 1, 1]} : vector<34x34x128xf32> to vector<32x32x128xf32>
    %reshape3A_186 = vector.shape_cast %slice3A_185 : vector<32x32x128xf32> to vector<1024x128xf32>
    %get3A_187 = arith.constant 1 : index
    %get3A_188 = arith.constant 1 : index
    %get3A_189 = arith.constant 0 : index
    %get3A_190 = arith.constant 0 : index
    %get3A_191 = vector.load %arg5[%get3A_187, %get3A_188, %get3A_189, %get3A_190] : memref<3x3x128x256xf32, #tpu.memory_space<vmem>>, vector<1x1x128x256xf32>
    %get3A_192 = vector.shape_cast %get3A_191 : vector<1x1x128x256xf32> to vector<128x256xf32>
    %dot_general3A_193 = arith.constant dense<0.000000e+00> : vector<1024x256xf32>
    %dot_general3A_194 = tpu.matmul %reshape3A_186, %get3A_192, %dot_general3A_193 {dimension_numbers = #tpu.dot_dimension_numbers<[1], [0], [0], [1], [0, 0, 1, 1], [], []>, transpose_lhs_hint = false} : vector<1024x128xf32>, vector<128x256xf32>, vector<1024x256xf32> -> vector<1024x256xf32>
    %add3A_195 = arith.addf %add3A_184, %dot_general3A_194 : vector<1024x256xf32>
    %slice3A_196 = vector.extract_strided_slice %concatenate3A_138 {offsets = [1, 2, 0], sizes = [32, 32, 128], strides = [1, 1, 1]} : vector<34x34x128xf32> to vector<32x32x128xf32>
    %reshape3A_197 = vector.shape_cast %slice3A_196 : vector<32x32x128xf32> to vector<1024x128xf32>
    %get3A_198 = arith.constant 1 : index
    %get3A_199 = arith.constant 2 : index
    %get3A_200 = arith.constant 0 : index
    %get3A_201 = arith.constant 0 : index
    %get3A_202 = vector.load %arg5[%get3A_198, %get3A_199, %get3A_200, %get3A_201] : memref<3x3x128x256xf32, #tpu.memory_space<vmem>>, vector<1x1x128x256xf32>
    %get3A_203 = vector.shape_cast %get3A_202 : vector<1x1x128x256xf32> to vector<128x256xf32>
    %dot_general3A_204 = arith.constant dense<0.000000e+00> : vector<1024x256xf32>
    %dot_general3A_205 = tpu.matmul %reshape3A_197, %get3A_203, %dot_general3A_204 {dimension_numbers = #tpu.dot_dimension_numbers<[1], [0], [0], [1], [0, 0, 1, 1], [], []>, transpose_lhs_hint = false} : vector<1024x128xf32>, vector<128x256xf32>, vector<1024x256xf32> -> vector<1024x256xf32>
    %add3A_206 = arith.addf %add3A_195, %dot_general3A_205 : vector<1024x256xf32>
    %slice3A_207 = vector.extract_strided_slice %concatenate3A_138 {offsets = [2, 0, 0], sizes = [32, 32, 128], strides = [1, 1, 1]} : vector<34x34x128xf32> to vector<32x32x128xf32>
    %reshape3A_208 = vector.shape_cast %slice3A_207 : vector<32x32x128xf32> to vector<1024x128xf32>
    %get3A_209 = arith.constant 2 : index
    %get3A_210 = arith.constant 0 : index
    %get3A_211 = arith.constant 0 : index
    %get3A_212 = arith.constant 0 : index
    %get3A_213 = vector.load %arg5[%get3A_209, %get3A_210, %get3A_211, %get3A_212] : memref<3x3x128x256xf32, #tpu.memory_space<vmem>>, vector<1x1x128x256xf32>
    %get3A_214 = vector.shape_cast %get3A_213 : vector<1x1x128x256xf32> to vector<128x256xf32>
    %dot_general3A_215 = arith.constant dense<0.000000e+00> : vector<1024x256xf32>
    %dot_general3A_216 = tpu.matmul %reshape3A_208, %get3A_214, %dot_general3A_215 {dimension_numbers = #tpu.dot_dimension_numbers<[1], [0], [0], [1], [0, 0, 1, 1], [], []>, transpose_lhs_hint = false} : vector<1024x128xf32>, vector<128x256xf32>, vector<1024x256xf32> -> vector<1024x256xf32>
    %add3A_217 = arith.addf %add3A_206, %dot_general3A_216 : vector<1024x256xf32>
    %slice3A_218 = vector.extract_strided_slice %concatenate3A_138 {offsets = [2, 1, 0], sizes = [32, 32, 128], strides = [1, 1, 1]} : vector<34x34x128xf32> to vector<32x32x128xf32>
    %reshape3A_219 = vector.shape_cast %slice3A_218 : vector<32x32x128xf32> to vector<1024x128xf32>
    %get3A_220 = arith.constant 2 : index
    %get3A_221 = arith.constant 1 : index
    %get3A_222 = arith.constant 0 : index
    %get3A_223 = arith.constant 0 : index
    %get3A_224 = vector.load %arg5[%get3A_220, %get3A_221, %get3A_222, %get3A_223] : memref<3x3x128x256xf32, #tpu.memory_space<vmem>>, vector<1x1x128x256xf32>
    %get3A_225 = vector.shape_cast %get3A_224 : vector<1x1x128x256xf32> to vector<128x256xf32>
    %dot_general3A_226 = arith.constant dense<0.000000e+00> : vector<1024x256xf32>
    %dot_general3A_227 = tpu.matmul %reshape3A_219, %get3A_225, %dot_general3A_226 {dimension_numbers = #tpu.dot_dimension_numbers<[1], [0], [0], [1], [0, 0, 1, 1], [], []>, transpose_lhs_hint = false} : vector<1024x128xf32>, vector<128x256xf32>, vector<1024x256xf32> -> vector<1024x256xf32>
    %add3A_228 = arith.addf %add3A_217, %dot_general3A_227 : vector<1024x256xf32>
    %slice3A_229 = vector.extract_strided_slice %concatenate3A_138 {offsets = [2, 2, 0], sizes = [32, 32, 128], strides = [1, 1, 1]} : vector<34x34x128xf32> to vector<32x32x128xf32>
    %reshape3A_230 = vector.shape_cast %slice3A_229 : vector<32x32x128xf32> to vector<1024x128xf32>
    %get3A_231 = arith.constant 2 : index
    %get3A_232 = arith.constant 2 : index
    %get3A_233 = arith.constant 0 : index
    %get3A_234 = arith.constant 0 : index
    %get3A_235 = vector.load %arg5[%get3A_231, %get3A_232, %get3A_233, %get3A_234] : memref<3x3x128x256xf32, #tpu.memory_space<vmem>>, vector<1x1x128x256xf32>
    %get3A_236 = vector.shape_cast %get3A_235 : vector<1x1x128x256xf32> to vector<128x256xf32>
    %dot_general3A_237 = arith.constant dense<0.000000e+00> : vector<1024x256xf32>
    %dot_general3A_238 = tpu.matmul %reshape3A_230, %get3A_236, %dot_general3A_237 {dimension_numbers = #tpu.dot_dimension_numbers<[1], [0], [0], [1], [0, 0, 1, 1], [], []>, transpose_lhs_hint = false} : vector<1024x128xf32>, vector<128x256xf32>, vector<1024x256xf32> -> vector<1024x256xf32>
    %add3A_239 = arith.addf %add3A_228, %dot_general3A_238 : vector<1024x256xf32>
    %get3A_240 = arith.constant 0 : index
    %get3A_241 = vector.load %arg6[%get3A_240] : memref<256xf32, #tpu.memory_space<vmem>>, vector<256xf32>
    %broadcast_in_dim3A_242 = vector.shape_cast %get3A_241 : vector<256xf32> to vector<1x256xf32>
    %add3A_243 = vector.broadcast %broadcast_in_dim3A_242 : vector<1x256xf32> to vector<1024x256xf32>
    %add3A_244 = arith.addf %add3A_239, %add3A_243 : vector<1024x256xf32>
    %max3A_245 = arith.constant 0.000000e+00 : f32
    %max3A_246 = vector.broadcast %max3A_245 : f32 to vector<1024x256xf32>
    %max3A_247 = arith.maximumf %add3A_244, %max3A_246 : vector<1024x256xf32>
    %reshape3A_248 = vector.shape_cast %max3A_247 : vector<1024x256xf32> to vector<32x32x256xf32>
    %broadcast_in_dim3A_249 = vector.shape_cast %reshape3A_248 : vector<32x32x256xf32> to vector<32x1x32x256xf32>
    %broadcast_in_dim3A_250 = vector.shape_cast %broadcast_in_dim3A_249 : vector<32x1x32x256xf32> to vector<32x1x32x256xf32>
    %broadcast_in_dim3A_251 = vector.broadcast %broadcast_in_dim3A_250 : vector<32x1x32x256xf32> to vector<32x2x32x256xf32>
    %reshape3A_252 = vector.shape_cast %broadcast_in_dim3A_251 : vector<32x2x32x256xf32> to vector<64x32x256xf32>
    %broadcast_in_dim3A_253 = vector.shape_cast %reshape3A_252 : vector<64x32x256xf32> to vector<64x32x1x256xf32>
    %broadcast_in_dim3A_254 = vector.shape_cast %broadcast_in_dim3A_253 : vector<64x32x1x256xf32> to vector<64x32x1x256xf32>
    %broadcast_in_dim3A_255 = vector.broadcast %broadcast_in_dim3A_254 : vector<64x32x1x256xf32> to vector<64x32x2x256xf32>
    %reshape3A_256 = vector.shape_cast %broadcast_in_dim3A_255 : vector<64x32x2x256xf32> to vector<64x64x256xf32>
    %broadcast_in_dim3A_257 = arith.constant 0.000000e+00 : f32
    %broadcast_in_dim3A_258 = vector.broadcast %broadcast_in_dim3A_257 : f32 to vector<1x64x256xf32>
    %concatenate3A_259 = tpu.concatenate %broadcast_in_dim3A_258, %reshape3A_256, %broadcast_in_dim3A_258 in 0 : vector<1x64x256xf32>, vector<64x64x256xf32>, vector<1x64x256xf32> -> vector<66x64x256xf32>
    %broadcast_in_dim3A_260 = arith.constant 0.000000e+00 : f32
    %broadcast_in_dim3A_261 = vector.broadcast %broadcast_in_dim3A_260 : f32 to vector<66x1x256xf32>
    %concatenate3A_262 = tpu.concatenate %broadcast_in_dim3A_261, %concatenate3A_259, %broadcast_in_dim3A_261 in 1 : vector<66x1x256xf32>, vector<66x64x256xf32>, vector<66x1x256xf32> -> vector<66x66x256xf32>
    %broadcast_in_dim3A_263 = arith.constant 0.000000e+00 : f32
    %broadcast_in_dim3A_264 = vector.broadcast %broadcast_in_dim3A_263 : f32 to vector<4096x128xf32>
    %slice3A_265 = vector.extract_strided_slice %concatenate3A_262 {offsets = [0, 0, 0], sizes = [64, 64, 256], strides = [1, 1, 1]} : vector<66x66x256xf32> to vector<64x64x256xf32>
    %reshape3A_266 = vector.shape_cast %slice3A_265 : vector<64x64x256xf32> to vector<4096x256xf32>
    %get3A_267 = arith.constant 0 : index
    %get3A_268 = arith.constant 0 : index
    %get3A_269 = arith.constant 0 : index
    %get3A_270 = arith.constant 0 : index
    %get3A_271 = vector.load %arg7[%get3A_267, %get3A_268, %get3A_269, %get3A_270] : memref<3x3x256x128xf32, #tpu.memory_space<vmem>>, vector<1x1x256x128xf32>
    %get3A_272 = vector.shape_cast %get3A_271 : vector<1x1x256x128xf32> to vector<256x128xf32>
    %dot_general3A_273 = arith.constant dense<0.000000e+00> : vector<4096x128xf32>
    %dot_general3A_274 = tpu.matmul %reshape3A_266, %get3A_272, %dot_general3A_273 {dimension_numbers = #tpu.dot_dimension_numbers<[1], [0], [0], [1], [0, 0, 1, 1], [], []>, transpose_lhs_hint = false} : vector<4096x256xf32>, vector<256x128xf32>, vector<4096x128xf32> -> vector<4096x128xf32>
    %add3A_275 = arith.addf %broadcast_in_dim3A_264, %dot_general3A_274 : vector<4096x128xf32>
    %slice3A_276 = vector.extract_strided_slice %concatenate3A_262 {offsets = [0, 1, 0], sizes = [64, 64, 256], strides = [1, 1, 1]} : vector<66x66x256xf32> to vector<64x64x256xf32>
    %reshape3A_277 = vector.shape_cast %slice3A_276 : vector<64x64x256xf32> to vector<4096x256xf32>
    %get3A_278 = arith.constant 0 : index
    %get3A_279 = arith.constant 1 : index
    %get3A_280 = arith.constant 0 : index
    %get3A_281 = arith.constant 0 : index
    %get3A_282 = vector.load %arg7[%get3A_278, %get3A_279, %get3A_280, %get3A_281] : memref<3x3x256x128xf32, #tpu.memory_space<vmem>>, vector<1x1x256x128xf32>
    %get3A_283 = vector.shape_cast %get3A_282 : vector<1x1x256x128xf32> to vector<256x128xf32>
    %dot_general3A_284 = arith.constant dense<0.000000e+00> : vector<4096x128xf32>
    %dot_general3A_285 = tpu.matmul %reshape3A_277, %get3A_283, %dot_general3A_284 {dimension_numbers = #tpu.dot_dimension_numbers<[1], [0], [0], [1], [0, 0, 1, 1], [], []>, transpose_lhs_hint = false} : vector<4096x256xf32>, vector<256x128xf32>, vector<4096x128xf32> -> vector<4096x128xf32>
    %add3A_286 = arith.addf %add3A_275, %dot_general3A_285 : vector<4096x128xf32>
    %slice3A_287 = vector.extract_strided_slice %concatenate3A_262 {offsets = [0, 2, 0], sizes = [64, 64, 256], strides = [1, 1, 1]} : vector<66x66x256xf32> to vector<64x64x256xf32>
    %reshape3A_288 = vector.shape_cast %slice3A_287 : vector<64x64x256xf32> to vector<4096x256xf32>
    %get3A_289 = arith.constant 0 : index
    %get3A_290 = arith.constant 2 : index
    %get3A_291 = arith.constant 0 : index
    %get3A_292 = arith.constant 0 : index
    %get3A_293 = vector.load %arg7[%get3A_289, %get3A_290, %get3A_291, %get3A_292] : memref<3x3x256x128xf32, #tpu.memory_space<vmem>>, vector<1x1x256x128xf32>
    %get3A_294 = vector.shape_cast %get3A_293 : vector<1x1x256x128xf32> to vector<256x128xf32>
    %dot_general3A_295 = arith.constant dense<0.000000e+00> : vector<4096x128xf32>
    %dot_general3A_296 = tpu.matmul %reshape3A_288, %get3A_294, %dot_general3A_295 {dimension_numbers = #tpu.dot_dimension_numbers<[1], [0], [0], [1], [0, 0, 1, 1], [], []>, transpose_lhs_hint = false} : vector<4096x256xf32>, vector<256x128xf32>, vector<4096x128xf32> -> vector<4096x128xf32>
    %add3A_297 = arith.addf %add3A_286, %dot_general3A_296 : vector<4096x128xf32>
    %slice3A_298 = vector.extract_strided_slice %concatenate3A_262 {offsets = [1, 0, 0], sizes = [64, 64, 256], strides = [1, 1, 1]} : vector<66x66x256xf32> to vector<64x64x256xf32>
    %reshape3A_299 = vector.shape_cast %slice3A_298 : vector<64x64x256xf32> to vector<4096x256xf32>
    %get3A_300 = arith.constant 1 : index
    %get3A_301 = arith.constant 0 : index
    %get3A_302 = arith.constant 0 : index
    %get3A_303 = arith.constant 0 : index
    %get3A_304 = vector.load %arg7[%get3A_300, %get3A_301, %get3A_302, %get3A_303] : memref<3x3x256x128xf32, #tpu.memory_space<vmem>>, vector<1x1x256x128xf32>
    %get3A_305 = vector.shape_cast %get3A_304 : vector<1x1x256x128xf32> to vector<256x128xf32>
    %dot_general3A_306 = arith.constant dense<0.000000e+00> : vector<4096x128xf32>
    %dot_general3A_307 = tpu.matmul %reshape3A_299, %get3A_305, %dot_general3A_306 {dimension_numbers = #tpu.dot_dimension_numbers<[1], [0], [0], [1], [0, 0, 1, 1], [], []>, transpose_lhs_hint = false} : vector<4096x256xf32>, vector<256x128xf32>, vector<4096x128xf32> -> vector<4096x128xf32>
    %add3A_308 = arith.addf %add3A_297, %dot_general3A_307 : vector<4096x128xf32>
    %slice3A_309 = vector.extract_strided_slice %concatenate3A_262 {offsets = [1, 1, 0], sizes = [64, 64, 256], strides = [1, 1, 1]} : vector<66x66x256xf32> to vector<64x64x256xf32>
    %reshape3A_310 = vector.shape_cast %slice3A_309 : vector<64x64x256xf32> to vector<4096x256xf32>
    %get3A_311 = arith.constant 1 : index
    %get3A_312 = arith.constant 1 : index
    %get3A_313 = arith.constant 0 : index
    %get3A_314 = arith.constant 0 : index
    %get3A_315 = vector.load %arg7[%get3A_311, %get3A_312, %get3A_313, %get3A_314] : memref<3x3x256x128xf32, #tpu.memory_space<vmem>>, vector<1x1x256x128xf32>
    %get3A_316 = vector.shape_cast %get3A_315 : vector<1x1x256x128xf32> to vector<256x128xf32>
    %dot_general3A_317 = arith.constant dense<0.000000e+00> : vector<4096x128xf32>
    %dot_general3A_318 = tpu.matmul %reshape3A_310, %get3A_316, %dot_general3A_317 {dimension_numbers = #tpu.dot_dimension_numbers<[1], [0], [0], [1], [0, 0, 1, 1], [], []>, transpose_lhs_hint = false} : vector<4096x256xf32>, vector<256x128xf32>, vector<4096x128xf32> -> vector<4096x128xf32>
    %add3A_319 = arith.addf %add3A_308, %dot_general3A_318 : vector<4096x128xf32>
    %slice3A_320 = vector.extract_strided_slice %concatenate3A_262 {offsets = [1, 2, 0], sizes = [64, 64, 256], strides = [1, 1, 1]} : vector<66x66x256xf32> to vector<64x64x256xf32>
    %reshape3A_321 = vector.shape_cast %slice3A_320 : vector<64x64x256xf32> to vector<4096x256xf32>
    %get3A_322 = arith.constant 1 : index
    %get3A_323 = arith.constant 2 : index
    %get3A_324 = arith.constant 0 : index
    %get3A_325 = arith.constant 0 : index
    %get3A_326 = vector.load %arg7[%get3A_322, %get3A_323, %get3A_324, %get3A_325] : memref<3x3x256x128xf32, #tpu.memory_space<vmem>>, vector<1x1x256x128xf32>
    %get3A_327 = vector.shape_cast %get3A_326 : vector<1x1x256x128xf32> to vector<256x128xf32>
    %dot_general3A_328 = arith.constant dense<0.000000e+00> : vector<4096x128xf32>
    %dot_general3A_329 = tpu.matmul %reshape3A_321, %get3A_327, %dot_general3A_328 {dimension_numbers = #tpu.dot_dimension_numbers<[1], [0], [0], [1], [0, 0, 1, 1], [], []>, transpose_lhs_hint = false} : vector<4096x256xf32>, vector<256x128xf32>, vector<4096x128xf32> -> vector<4096x128xf32>
    %add3A_330 = arith.addf %add3A_319, %dot_general3A_329 : vector<4096x128xf32>
    %slice3A_331 = vector.extract_strided_slice %concatenate3A_262 {offsets = [2, 0, 0], sizes = [64, 64, 256], strides = [1, 1, 1]} : vector<66x66x256xf32> to vector<64x64x256xf32>
    %reshape3A_332 = vector.shape_cast %slice3A_331 : vector<64x64x256xf32> to vector<4096x256xf32>
    %get3A_333 = arith.constant 2 : index
    %get3A_334 = arith.constant 0 : index
    %get3A_335 = arith.constant 0 : index
    %get3A_336 = arith.constant 0 : index
    %get3A_337 = vector.load %arg7[%get3A_333, %get3A_334, %get3A_335, %get3A_336] : memref<3x3x256x128xf32, #tpu.memory_space<vmem>>, vector<1x1x256x128xf32>
    %get3A_338 = vector.shape_cast %get3A_337 : vector<1x1x256x128xf32> to vector<256x128xf32>
    %dot_general3A_339 = arith.constant dense<0.000000e+00> : vector<4096x128xf32>
    %dot_general3A_340 = tpu.matmul %reshape3A_332, %get3A_338, %dot_general3A_339 {dimension_numbers = #tpu.dot_dimension_numbers<[1], [0], [0], [1], [0, 0, 1, 1], [], []>, transpose_lhs_hint = false} : vector<4096x256xf32>, vector<256x128xf32>, vector<4096x128xf32> -> vector<4096x128xf32>
    %add3A_341 = arith.addf %add3A_330, %dot_general3A_340 : vector<4096x128xf32>
    %slice3A_342 = vector.extract_strided_slice %concatenate3A_262 {offsets = [2, 1, 0], sizes = [64, 64, 256], strides = [1, 1, 1]} : vector<66x66x256xf32> to vector<64x64x256xf32>
    %reshape3A_343 = vector.shape_cast %slice3A_342 : vector<64x64x256xf32> to vector<4096x256xf32>
    %get3A_344 = arith.constant 2 : index
    %get3A_345 = arith.constant 1 : index
    %get3A_346 = arith.constant 0 : index
    %get3A_347 = arith.constant 0 : index
    %get3A_348 = vector.load %arg7[%get3A_344, %get3A_345, %get3A_346, %get3A_347] : memref<3x3x256x128xf32, #tpu.memory_space<vmem>>, vector<1x1x256x128xf32>
    %get3A_349 = vector.shape_cast %get3A_348 : vector<1x1x256x128xf32> to vector<256x128xf32>
    %dot_general3A_350 = arith.constant dense<0.000000e+00> : vector<4096x128xf32>
    %dot_general3A_351 = tpu.matmul %reshape3A_343, %get3A_349, %dot_general3A_350 {dimension_numbers = #tpu.dot_dimension_numbers<[1], [0], [0], [1], [0, 0, 1, 1], [], []>, transpose_lhs_hint = false} : vector<4096x256xf32>, vector<256x128xf32>, vector<4096x128xf32> -> vector<4096x128xf32>
    %add3A_352 = arith.addf %add3A_341, %dot_general3A_351 : vector<4096x128xf32>
    %slice3A_353 = vector.extract_strided_slice %concatenate3A_262 {offsets = [2, 2, 0], sizes = [64, 64, 256], strides = [1, 1, 1]} : vector<66x66x256xf32> to vector<64x64x256xf32>
    %reshape3A_354 = vector.shape_cast %slice3A_353 : vector<64x64x256xf32> to vector<4096x256xf32>
    %get3A_355 = arith.constant 2 : index
    %get3A_356 = arith.constant 2 : index
    %get3A_357 = arith.constant 0 : index
    %get3A_358 = arith.constant 0 : index
    %get3A_359 = vector.load %arg7[%get3A_355, %get3A_356, %get3A_357, %get3A_358] : memref<3x3x256x128xf32, #tpu.memory_space<vmem>>, vector<1x1x256x128xf32>
    %get3A_360 = vector.shape_cast %get3A_359 : vector<1x1x256x128xf32> to vector<256x128xf32>
    %dot_general3A_361 = arith.constant dense<0.000000e+00> : vector<4096x128xf32>
    %dot_general3A_362 = tpu.matmul %reshape3A_354, %get3A_360, %dot_general3A_361 {dimension_numbers = #tpu.dot_dimension_numbers<[1], [0], [0], [1], [0, 0, 1, 1], [], []>, transpose_lhs_hint = false} : vector<4096x256xf32>, vector<256x128xf32>, vector<4096x128xf32> -> vector<4096x128xf32>
    %add3A_363 = arith.addf %add3A_352, %dot_general3A_362 : vector<4096x128xf32>
    %broadcast_in_dim3A_364 = arith.constant 0.000000e+00 : f32
    %broadcast_in_dim3A_365 = vector.broadcast %broadcast_in_dim3A_364 : f32 to vector<1x64x128xf32>
    %concatenate3A_366 = tpu.concatenate %broadcast_in_dim3A_365, %reshape3A_127, %broadcast_in_dim3A_365 in 0 : vector<1x64x128xf32>, vector<64x64x128xf32>, vector<1x64x128xf32> -> vector<66x64x128xf32>
    %broadcast_in_dim3A_367 = arith.constant 0.000000e+00 : f32
    %broadcast_in_dim3A_368 = vector.broadcast %broadcast_in_dim3A_367 : f32 to vector<66x1x128xf32>
    %concatenate3A_369 = tpu.concatenate %broadcast_in_dim3A_368, %concatenate3A_366, %broadcast_in_dim3A_368 in 1 : vector<66x1x128xf32>, vector<66x64x128xf32>, vector<66x1x128xf32> -> vector<66x66x128xf32>
    %broadcast_in_dim3A_370 = arith.constant 0.000000e+00 : f32
    %broadcast_in_dim3A_371 = vector.broadcast %broadcast_in_dim3A_370 : f32 to vector<4096x128xf32>
    %slice3A_372 = vector.extract_strided_slice %concatenate3A_369 {offsets = [0, 0, 0], sizes = [64, 64, 128], strides = [1, 1, 1]} : vector<66x66x128xf32> to vector<64x64x128xf32>
    %reshape3A_373 = vector.shape_cast %slice3A_372 : vector<64x64x128xf32> to vector<4096x128xf32>
    %get3A_374 = arith.constant 0 : index
    %get3A_375 = arith.constant 0 : index
    %get3A_376 = arith.constant 0 : index
    %get3A_377 = arith.constant 0 : index
    %get3A_378 = vector.load %arg8[%get3A_374, %get3A_375, %get3A_376, %get3A_377] : memref<3x3x128x128xf32, #tpu.memory_space<vmem>>, vector<1x1x128x128xf32>
    %get3A_379 = vector.shape_cast %get3A_378 : vector<1x1x128x128xf32> to vector<128x128xf32>
    %dot_general3A_380 = arith.constant dense<0.000000e+00> : vector<4096x128xf32>
    %dot_general3A_381 = tpu.matmul %reshape3A_373, %get3A_379, %dot_general3A_380 {dimension_numbers = #tpu.dot_dimension_numbers<[1], [0], [0], [1], [0, 0, 1, 1], [], []>, transpose_lhs_hint = false} : vector<4096x128xf32>, vector<128x128xf32>, vector<4096x128xf32> -> vector<4096x128xf32>
    %add3A_382 = arith.addf %broadcast_in_dim3A_371, %dot_general3A_381 : vector<4096x128xf32>
    %slice3A_383 = vector.extract_strided_slice %concatenate3A_369 {offsets = [0, 1, 0], sizes = [64, 64, 128], strides = [1, 1, 1]} : vector<66x66x128xf32> to vector<64x64x128xf32>
    %reshape3A_384 = vector.shape_cast %slice3A_383 : vector<64x64x128xf32> to vector<4096x128xf32>
    %get3A_385 = arith.constant 0 : index
    %get3A_386 = arith.constant 1 : index
    %get3A_387 = arith.constant 0 : index
    %get3A_388 = arith.constant 0 : index
    %get3A_389 = vector.load %arg8[%get3A_385, %get3A_386, %get3A_387, %get3A_388] : memref<3x3x128x128xf32, #tpu.memory_space<vmem>>, vector<1x1x128x128xf32>
    %get3A_390 = vector.shape_cast %get3A_389 : vector<1x1x128x128xf32> to vector<128x128xf32>
    %dot_general3A_391 = arith.constant dense<0.000000e+00> : vector<4096x128xf32>
    %dot_general3A_392 = tpu.matmul %reshape3A_384, %get3A_390, %dot_general3A_391 {dimension_numbers = #tpu.dot_dimension_numbers<[1], [0], [0], [1], [0, 0, 1, 1], [], []>, transpose_lhs_hint = false} : vector<4096x128xf32>, vector<128x128xf32>, vector<4096x128xf32> -> vector<4096x128xf32>
    %add3A_393 = arith.addf %add3A_382, %dot_general3A_392 : vector<4096x128xf32>
    %slice3A_394 = vector.extract_strided_slice %concatenate3A_369 {offsets = [0, 2, 0], sizes = [64, 64, 128], strides = [1, 1, 1]} : vector<66x66x128xf32> to vector<64x64x128xf32>
    %reshape3A_395 = vector.shape_cast %slice3A_394 : vector<64x64x128xf32> to vector<4096x128xf32>
    %get3A_396 = arith.constant 0 : index
    %get3A_397 = arith.constant 2 : index
    %get3A_398 = arith.constant 0 : index
    %get3A_399 = arith.constant 0 : index
    %get3A_400 = vector.load %arg8[%get3A_396, %get3A_397, %get3A_398, %get3A_399] : memref<3x3x128x128xf32, #tpu.memory_space<vmem>>, vector<1x1x128x128xf32>
    %get3A_401 = vector.shape_cast %get3A_400 : vector<1x1x128x128xf32> to vector<128x128xf32>
    %dot_general3A_402 = arith.constant dense<0.000000e+00> : vector<4096x128xf32>
    %dot_general3A_403 = tpu.matmul %reshape3A_395, %get3A_401, %dot_general3A_402 {dimension_numbers = #tpu.dot_dimension_numbers<[1], [0], [0], [1], [0, 0, 1, 1], [], []>, transpose_lhs_hint = false} : vector<4096x128xf32>, vector<128x128xf32>, vector<4096x128xf32> -> vector<4096x128xf32>
    %add3A_404 = arith.addf %add3A_393, %dot_general3A_403 : vector<4096x128xf32>
    %slice3A_405 = vector.extract_strided_slice %concatenate3A_369 {offsets = [1, 0, 0], sizes = [64, 64, 128], strides = [1, 1, 1]} : vector<66x66x128xf32> to vector<64x64x128xf32>
    %reshape3A_406 = vector.shape_cast %slice3A_405 : vector<64x64x128xf32> to vector<4096x128xf32>
    %get3A_407 = arith.constant 1 : index
    %get3A_408 = arith.constant 0 : index
    %get3A_409 = arith.constant 0 : index
    %get3A_410 = arith.constant 0 : index
    %get3A_411 = vector.load %arg8[%get3A_407, %get3A_408, %get3A_409, %get3A_410] : memref<3x3x128x128xf32, #tpu.memory_space<vmem>>, vector<1x1x128x128xf32>
    %get3A_412 = vector.shape_cast %get3A_411 : vector<1x1x128x128xf32> to vector<128x128xf32>
    %dot_general3A_413 = arith.constant dense<0.000000e+00> : vector<4096x128xf32>
    %dot_general3A_414 = tpu.matmul %reshape3A_406, %get3A_412, %dot_general3A_413 {dimension_numbers = #tpu.dot_dimension_numbers<[1], [0], [0], [1], [0, 0, 1, 1], [], []>, transpose_lhs_hint = false} : vector<4096x128xf32>, vector<128x128xf32>, vector<4096x128xf32> -> vector<4096x128xf32>
    %add3A_415 = arith.addf %add3A_404, %dot_general3A_414 : vector<4096x128xf32>
    %slice3A_416 = vector.extract_strided_slice %concatenate3A_369 {offsets = [1, 1, 0], sizes = [64, 64, 128], strides = [1, 1, 1]} : vector<66x66x128xf32> to vector<64x64x128xf32>
    %reshape3A_417 = vector.shape_cast %slice3A_416 : vector<64x64x128xf32> to vector<4096x128xf32>
    %get3A_418 = arith.constant 1 : index
    %get3A_419 = arith.constant 1 : index
    %get3A_420 = arith.constant 0 : index
    %get3A_421 = arith.constant 0 : index
    %get3A_422 = vector.load %arg8[%get3A_418, %get3A_419, %get3A_420, %get3A_421] : memref<3x3x128x128xf32, #tpu.memory_space<vmem>>, vector<1x1x128x128xf32>
    %get3A_423 = vector.shape_cast %get3A_422 : vector<1x1x128x128xf32> to vector<128x128xf32>
    %dot_general3A_424 = arith.constant dense<0.000000e+00> : vector<4096x128xf32>
    %dot_general3A_425 = tpu.matmul %reshape3A_417, %get3A_423, %dot_general3A_424 {dimension_numbers = #tpu.dot_dimension_numbers<[1], [0], [0], [1], [0, 0, 1, 1], [], []>, transpose_lhs_hint = false} : vector<4096x128xf32>, vector<128x128xf32>, vector<4096x128xf32> -> vector<4096x128xf32>
    %add3A_426 = arith.addf %add3A_415, %dot_general3A_425 : vector<4096x128xf32>
    %slice3A_427 = vector.extract_strided_slice %concatenate3A_369 {offsets = [1, 2, 0], sizes = [64, 64, 128], strides = [1, 1, 1]} : vector<66x66x128xf32> to vector<64x64x128xf32>
    %reshape3A_428 = vector.shape_cast %slice3A_427 : vector<64x64x128xf32> to vector<4096x128xf32>
    %get3A_429 = arith.constant 1 : index
    %get3A_430 = arith.constant 2 : index
    %get3A_431 = arith.constant 0 : index
    %get3A_432 = arith.constant 0 : index
    %get3A_433 = vector.load %arg8[%get3A_429, %get3A_430, %get3A_431, %get3A_432] : memref<3x3x128x128xf32, #tpu.memory_space<vmem>>, vector<1x1x128x128xf32>
    %get3A_434 = vector.shape_cast %get3A_433 : vector<1x1x128x128xf32> to vector<128x128xf32>
    %dot_general3A_435 = arith.constant dense<0.000000e+00> : vector<4096x128xf32>
    %dot_general3A_436 = tpu.matmul %reshape3A_428, %get3A_434, %dot_general3A_435 {dimension_numbers = #tpu.dot_dimension_numbers<[1], [0], [0], [1], [0, 0, 1, 1], [], []>, transpose_lhs_hint = false} : vector<4096x128xf32>, vector<128x128xf32>, vector<4096x128xf32> -> vector<4096x128xf32>
    %add3A_437 = arith.addf %add3A_426, %dot_general3A_436 : vector<4096x128xf32>
    %slice3A_438 = vector.extract_strided_slice %concatenate3A_369 {offsets = [2, 0, 0], sizes = [64, 64, 128], strides = [1, 1, 1]} : vector<66x66x128xf32> to vector<64x64x128xf32>
    %reshape3A_439 = vector.shape_cast %slice3A_438 : vector<64x64x128xf32> to vector<4096x128xf32>
    %get3A_440 = arith.constant 2 : index
    %get3A_441 = arith.constant 0 : index
    %get3A_442 = arith.constant 0 : index
    %get3A_443 = arith.constant 0 : index
    %get3A_444 = vector.load %arg8[%get3A_440, %get3A_441, %get3A_442, %get3A_443] : memref<3x3x128x128xf32, #tpu.memory_space<vmem>>, vector<1x1x128x128xf32>
    %get3A_445 = vector.shape_cast %get3A_444 : vector<1x1x128x128xf32> to vector<128x128xf32>
    %dot_general3A_446 = arith.constant dense<0.000000e+00> : vector<4096x128xf32>
    %dot_general3A_447 = tpu.matmul %reshape3A_439, %get3A_445, %dot_general3A_446 {dimension_numbers = #tpu.dot_dimension_numbers<[1], [0], [0], [1], [0, 0, 1, 1], [], []>, transpose_lhs_hint = false} : vector<4096x128xf32>, vector<128x128xf32>, vector<4096x128xf32> -> vector<4096x128xf32>
    %add3A_448 = arith.addf %add3A_437, %dot_general3A_447 : vector<4096x128xf32>
    %slice3A_449 = vector.extract_strided_slice %concatenate3A_369 {offsets = [2, 1, 0], sizes = [64, 64, 128], strides = [1, 1, 1]} : vector<66x66x128xf32> to vector<64x64x128xf32>
    %reshape3A_450 = vector.shape_cast %slice3A_449 : vector<64x64x128xf32> to vector<4096x128xf32>
    %get3A_451 = arith.constant 2 : index
    %get3A_452 = arith.constant 1 : index
    %get3A_453 = arith.constant 0 : index
    %get3A_454 = arith.constant 0 : index
    %get3A_455 = vector.load %arg8[%get3A_451, %get3A_452, %get3A_453, %get3A_454] : memref<3x3x128x128xf32, #tpu.memory_space<vmem>>, vector<1x1x128x128xf32>
    %get3A_456 = vector.shape_cast %get3A_455 : vector<1x1x128x128xf32> to vector<128x128xf32>
    %dot_general3A_457 = arith.constant dense<0.000000e+00> : vector<4096x128xf32>
    %dot_general3A_458 = tpu.matmul %reshape3A_450, %get3A_456, %dot_general3A_457 {dimension_numbers = #tpu.dot_dimension_numbers<[1], [0], [0], [1], [0, 0, 1, 1], [], []>, transpose_lhs_hint = false} : vector<4096x128xf32>, vector<128x128xf32>, vector<4096x128xf32> -> vector<4096x128xf32>
    %add3A_459 = arith.addf %add3A_448, %dot_general3A_458 : vector<4096x128xf32>
    %slice3A_460 = vector.extract_strided_slice %concatenate3A_369 {offsets = [2, 2, 0], sizes = [64, 64, 128], strides = [1, 1, 1]} : vector<66x66x128xf32> to vector<64x64x128xf32>
    %reshape3A_461 = vector.shape_cast %slice3A_460 : vector<64x64x128xf32> to vector<4096x128xf32>
    %get3A_462 = arith.constant 2 : index
    %get3A_463 = arith.constant 2 : index
    %get3A_464 = arith.constant 0 : index
    %get3A_465 = arith.constant 0 : index
    %get3A_466 = vector.load %arg8[%get3A_462, %get3A_463, %get3A_464, %get3A_465] : memref<3x3x128x128xf32, #tpu.memory_space<vmem>>, vector<1x1x128x128xf32>
    %get3A_467 = vector.shape_cast %get3A_466 : vector<1x1x128x128xf32> to vector<128x128xf32>
    %dot_general3A_468 = arith.constant dense<0.000000e+00> : vector<4096x128xf32>
    %dot_general3A_469 = tpu.matmul %reshape3A_461, %get3A_467, %dot_general3A_468 {dimension_numbers = #tpu.dot_dimension_numbers<[1], [0], [0], [1], [0, 0, 1, 1], [], []>, transpose_lhs_hint = false} : vector<4096x128xf32>, vector<128x128xf32>, vector<4096x128xf32> -> vector<4096x128xf32>
    %add3A_470 = arith.addf %add3A_459, %dot_general3A_469 : vector<4096x128xf32>
    %add3A_471 = arith.addf %add3A_363, %add3A_470 : vector<4096x128xf32>
    %get3A_472 = arith.constant 0 : index
    %get3A_473 = vector.load %arg9[%get3A_472] : memref<128xf32, #tpu.memory_space<vmem>>, vector<128xf32>
    %broadcast_in_dim3A_474 = vector.shape_cast %get3A_473 : vector<128xf32> to vector<1x128xf32>
    %add3A_475 = vector.broadcast %broadcast_in_dim3A_474 : vector<1x128xf32> to vector<4096x128xf32>
    %add3A_476 = arith.addf %add3A_471, %add3A_475 : vector<4096x128xf32>
    %max3A_477 = arith.constant 0.000000e+00 : f32
    %max3A_478 = vector.broadcast %max3A_477 : f32 to vector<4096x128xf32>
    %max3A_479 = arith.maximumf %add3A_476, %max3A_478 : vector<4096x128xf32>
    %get3A_480 = arith.constant 0 : index
    %get3A_481 = arith.constant 0 : index
    %get3A_482 = arith.constant 0 : index
    %get3A_483 = arith.constant 0 : index
    %get3A_484 = vector.load %arg10[%get3A_480, %get3A_481, %get3A_482, %get3A_483] : memref<1x1x128x128xf32, #tpu.memory_space<vmem>>, vector<1x1x128x128xf32>
    %get3A_485 = vector.shape_cast %get3A_484 : vector<1x1x128x128xf32> to vector<128x128xf32>
    %dot_general3A_486 = arith.constant dense<0.000000e+00> : vector<4096x128xf32>
    %dot_general3A_487 = tpu.matmul %max3A_479, %get3A_485, %dot_general3A_486 {dimension_numbers = #tpu.dot_dimension_numbers<[1], [0], [0], [1], [0, 0, 1, 1], [], []>, transpose_lhs_hint = false} : vector<4096x128xf32>, vector<128x128xf32>, vector<4096x128xf32> -> vector<4096x128xf32>
    %get3A_488 = arith.constant 0 : index
    %get3A_489 = vector.load %arg11[%get3A_488] : memref<128xf32, #tpu.memory_space<vmem>>, vector<128xf32>
    %broadcast_in_dim3A_490 = vector.shape_cast %get3A_489 : vector<128xf32> to vector<1x128xf32>
    %add3A_491 = vector.broadcast %broadcast_in_dim3A_490 : vector<1x128xf32> to vector<4096x128xf32>
    %add3A_492 = arith.addf %dot_general3A_487, %add3A_491 : vector<4096x128xf32>
    %swap3A = arith.constant 0 : index
    %swap3A_493 = arith.constant 0 : index
    %swap3A_494 = arith.constant 0 : index
    %swap3A_495 = vector.load %arg12[%swap3A, %swap3A_493, %swap3A_494] : memref<1x4096x128xf32, #tpu.memory_space<vmem>>, vector<1x4096x128xf32>
    %swap3A_496 = vector.shape_cast %swap3A_495 : vector<1x4096x128xf32> to vector<4096x128xf32>
    %swap3A_497 = vector.shape_cast %add3A_492 : vector<4096x128xf32> to vector<1x4096x128xf32>
    tpu.vector_store %arg12[%swap3A, %swap3A_493, %swap3A_494], %swap3A_497 {strides = array<i32>} : memref<1x4096x128xf32, #tpu.memory_space<vmem>>, vector<1x4096x128xf32>,
    return
  }
  func.func @transform_0(%arg0: i32) -> (i32, i32, i32) {
    %c0_i32 = arith.constant 0 : i32
    %c0_i32_0 = arith.constant 0 : i32
    %c0_i32_1 = arith.constant 0 : i32
    return %arg0, %c0_i32, %c0_i32_0 : i32, i32, i32
  }
  func.func @transform_1(%arg0: i32) -> (i32, i32, i32, i32) {
    %c0_i32 = arith.constant 0 : i32
    %c0_i32_0 = arith.constant 0 : i32
    %c0_i32_1 = arith.constant 0 : i32
    %c0_i32_2 = arith.constant 0 : i32
    return %arg0, %c0_i32, %c0_i32_0, %c0_i32_1 : i32, i32, i32, i32
  }
  func.func @transform_2(%arg0: i32) -> (i32, i32, i32, i32) {
    %c0_i32 = arith.constant 0 : i32
    %c0_i32_0 = arith.constant 0 : i32
    %c0_i32_1 = arith.constant 0 : i32
    %c0_i32_2 = arith.constant 0 : i32
    %c0_i32_3 = arith.constant 0 : i32
    return %c0_i32, %c0_i32_0, %c0_i32_1, %c0_i32_2 : i32, i32, i32, i32
  }
  func.func @transform_3(%arg0: i32) -> i32 {
    %c0_i32 = arith.constant 0 : i32
    %c0_i32_0 = arith.constant 0 : i32
    return %c0_i32 : i32
  }
  func.func @transform_4(%arg0: i32) -> (i32, i32, i32, i32) {
    %c0_i32 = arith.constant 0 : i32
    %c0_i32_0 = arith.constant 0 : i32
    %c0_i32_1 = arith.constant 0 : i32
    %c0_i32_2 = arith.constant 0 : i32
    %c0_i32_3 = arith.constant 0 : i32
    return %c0_i32, %c0_i32_0, %c0_i32_1, %c0_i32_2 : i32, i32, i32, i32
  }
  func.func @transform_5(%arg0: i32) -> i32 {
    %c0_i32 = arith.constant 0 : i32
    %c0_i32_0 = arith.constant 0 : i32
    return %c0_i32 : i32
  }
  func.func @transform_6(%arg0: i32) -> (i32, i32, i32, i32) {
    %c0_i32 = arith.constant 0 : i32
    %c0_i32_0 = arith.constant 0 : i32
    %c0_i32_1 = arith.constant 0 : i32
    %c0_i32_2 = arith.constant 0 : i32
    %c0_i32_3 = arith.constant 0 : i32
    return %c0_i32, %c0_i32_0, %c0_i32_1, %c0_i32_2 : i32, i32, i32, i32
  }
  func.func @transform_7(%arg0: i32) -> (i32, i32, i32, i32) {
    %c0_i32 = arith.constant 0 : i32
    %c0_i32_0 = arith.constant 0 : i32
    %c0_i32_1 = arith.constant 0 : i32
    %c0_i32_2 = arith.constant 0 : i32
    %c0_i32_3 = arith.constant 0 : i32
    return %c0_i32, %c0_i32_0, %c0_i32_1, %c0_i32_2 : i32, i32, i32, i32
  }
  func.func @transform_8(%arg0: i32) -> i32 {
    %c0_i32 = arith.constant 0 : i32
    %c0_i32_0 = arith.constant 0 : i32
    return %c0_i32 : i32
  }
  func.func @transform_9(%arg0: i32) -> (i32, i32, i32, i32) {
    %c0_i32 = arith.constant 0 : i32
    %c0_i32_0 = arith.constant 0 : i32
    %c0_i32_1 = arith.constant 0 : i32
    %c0_i32_2 = arith.constant 0 : i32
    %c0_i32_3 = arith.constant 0 : i32
    return %c0_i32, %c0_i32_0, %c0_i32_1, %c0_i32_2 : i32, i32, i32, i32
  }
  func.func @transform_10(%arg0: i32) -> i32 {
    %c0_i32 = arith.constant 0 : i32
    %c0_i32_0 = arith.constant 0 : i32
    return %c0_i32 : i32
  }
  func.func @transform_11(%arg0: i32) -> (i32, i32, i32) {
    %c0_i32 = arith.constant 0 : i32
    %c0_i32_0 = arith.constant 0 : i32
    %c0_i32_1 = arith.constant 0 : i32
    return %arg0, %c0_i32, %c0_i32_0 : i32, i32, i32
  }
}

</mosaic_0001>

<sc_bundles>
// kernel: kernel.14.cloned.1.call-start
scs
__scs_entry_jumppad:
0x0: {  	(pc) =	sbr.rel $0x88, $3  }
0x1: {  	(tag) =	ssettag $0x0;
	lr =	simm.s32 $0x1  }
0x2: {  	[smem:$0x3F7D] =	sst lr;
	_ =	strace $0xD0000000  }
0x3: {  	_ = 	snop  }
0x4: {  	_ = 	snop  }
0x5: {  	_ = 	snop  }
0x6: {  	_ = 	snop  }
0x7: {  	_ = 	snop  }
__scs_overlays_trampoline_lowered:
0x8: {  	[smem:$0x3F8C] =	sst s0  }
0x9: {  	[smem:$0x3F8D] =	sst s1  }
0xa: {  	[smem:$0x3F8E] =	sst s2  }
0xb: {  	[smem:$0x3F8F] =	sst s3  }
0xc: {  	[smem:$0x3F90] =	sst s4  }
0xd: {  	[smem:$0x3F91] =	sst s5  }
0xe: {  	[smem:$0x3F92] =	sst s6  }
0xf: {  	[smem:$0x3F93] =	sst s7  }
0x10: {  	[smem:$0x3F94] =	sst s8  }
0x11: {  	[smem:$0x3F95] =	sst s9;
	s0 =	simm.s32 @!p0 $0x0  }
0x12: {  	s1 =	sld [smem:$0x3F7B];
	s0 =	simm.s32 @p0 $0x1  }
0x13: {  	[smem:$0x3F96] =	sst s0;
	s0 =	simm.s32 @!p1 $0x0  }
0x14: {  	s2 =	sld [smem:$0x3F7A];
	s0 =	simm.s32 @p1 $0x1  }
0x15: {  	[smem:$0x3F97] =	sst s0;
	s0 =	simm.s32 @!p2 $0x0  }
0x16: {  	s3 =	sld [smem:$0x3FDB];
	s0 =	simm.s32 @p2 $0x1  }
0x17: {  	s4 =	simm.s32 $0x1BF5;
	[smem:$0x3F99] =	sst s0  }
0x18: {  	s0 =	sld [smem:$0x3F7C];
	_ =	swait.ge [sflag:s4], $0x0  }
0x19: {  	s7 =	sld [smem:$0x3F7D]  }
0x1a: {  	s8 =	sadd.s32 $0xFFFFE003, lr  }
0x1b: {  	s9 =	sadd.s32 $0xFFFFFEF7, lr;
	s5 =	simm.s32 $0xFFFFFFFF;
	p2 =	slt.u32 s8, $0xFFFFF086  }
0x1c: {  	p1 =	slt.u32 s9, $0xF7A;
	s5 =	simm.s32 @!p2 $0x0  }
0x1d: {  	s5 =	simm.s32 @p1 $0x1;
	p0 =	seq.s32 s7, s2  }
0x1e: {  	s7 =	smul.u32 @!p0 $0xF7A, s2;
	p2 =	seq.s32 @!p0 s5, $0x0  }
0x1f: {  	s9 =	smul.u32 $0xF7A, s1;
	s8 =	simm.s32 @!p0 $0x1BF5;
	p2 =	por !p2, p0  }
0x20: {  	[sflag:s8] =	ssyncset.s32 @!p0 $0xFFFFF086;
	s6 =	sadd.s32 @!p0 s3, s7;
	s7 =	simm.s32 @!p0 $0x108  }
0x21: {  	s3 =	sadd.s32 s3, s9;
	s6 =	sadd.s32 @!p0 $0x88, s6;
	s7 =	simm.s32 @p2 $0x1082  }
0x22: {  	[simem:s7], [sflag:s8] =	dma.local @!p0 [hbm:s6], $0xF7A  }
0x23: {  	s9 =	sor.u32 $0xD0000000, s2;
	s6 =	simm.s32 $0x108;
	_ =	swait.ge @!p0 [sflag:s8], $0x0  }
0x24: {  	s3 =	sadd.s32 $0x88, s3;
	s6 =	simm.s32 @!p1 $0x1082;
	[sflag:s4] =	ssyncset.s32 $0xFFFFF086  }
0x25: {  	[simem:s6], [sflag:s4] =	dma.local [hbm:s3], $0xF7A  }
0x26: {  	[smem:$0x3F7D] =	sst s1;
	(tag) =	ssettag s2;
	_ =	strace s9  }
0x27: {  	s1 =	sld [smem:$0x3F8D]  }
0x28: {  	s2 =	sld [smem:$0x3F8E]  }
0x29: {  	s4 =	sld [smem:$0x3F90]  }
0x2a: {  	p0 =	seq.s32 s5, $0x0;
	s5 =	sld [smem:$0x3F91]  }
0x2b: {  	s6 =	sld [smem:$0x3F92]  }
0x2c: {  	s7 =	sld [smem:$0x3F93]  }
0x2d: {  	s3 =	simm.s32 $0x108;
	s8 =	sld [smem:$0x3F94]  }
0x2e: {  	s3 =	simm.s32 @!p0 $0x1082;
	s9 =	sld [smem:$0x3F95]  }
0x2f: {  	lr =	sadd.s32 s0, s3;
	s0 =	sld [smem:$0x3F8C]  }
0x30: {  	s3 =	sld [smem:$0x3F8F]  }
0x31: {  	[smem:$0x3F98] =	sst s10  }
0x32: {  	s10 =	sld [smem:$0x3F96];
	_ =	sdelay $0x3  }
0x33: {  	p0 =	seq.s32 s10, $0x1;
	s10 =	sld [smem:$0x3F98];
	_ =	sdelay $0x3  }
0x34: {  	[smem:$0x3F98] =	sst s10  }
0x35: {  	s10 =	sld [smem:$0x3F97];
	_ =	sdelay $0x3  }
0x36: {  	p1 =	seq.s32 s10, $0x1;
	s10 =	sld [smem:$0x3F98];
	_ =	sdelay $0x3  }
0x37: {  	[smem:$0x3F98] =	sst s10  }
0x38: {  	s10 =	sld [smem:$0x3F99]  }
0x39: {  	_ = 	snop;
	(pc) =	sbr.ind lr, $3  }
0x3a: {  	_ = 	snop  }
0x3b: {  	_ = 	snop  }
0x3c: {  	p2 =	seq.s32 s10, $0x1;
	s10 =	sld [smem:$0x3F98]  }
0x3d: {  	_ =	shalt  }
0x3e: {  	_ =	shalt  }
0x3f: {  	_ =	shalt  }
0x40: {  	_ =	shalt  }
0x41: {  	_ =	shalt  }
0x42: {  	_ =	shalt  }
0x43: {  	_ =	shalt  }
0x44: {  	_ =	shalt  }
0x45: {  	_ =	shalt  }
0x46: {  	_ =	shalt  }
0x47: {  	_ =	shalt  }
0x48: {  	_ =	shalt  }
0x49: {  	_ =	shalt  }
0x4a: {  	_ =	shalt  }
0x4b: {  	_ =	shalt  }
0x4c: {  	_ =	shalt  }
0x4d: {  	_ =	shalt  }
0x4e: {  	_ =	shalt  }
0x4f: {  	_ =	shalt  }
0x50: {  	_ =	shalt  }
0x51: {  	_ =	shalt  }
0x52: {  	_ =	shalt  }
0x53: {  	_ =	shalt  }
0x54: {  	_ =	shalt  }
0x55: {  	_ =	shalt  }
0x56: {  	_ =	shalt  }
0x57: {  	_ =	shalt  }
0x58: {  	_ =	shalt  }
0x59: {  	_ =	shalt  }
0x5a: {  	_ =	shalt  }
0x5b: {  	_ =	shalt  }
0x5c: {  	_ =	shalt  }
0x5d: {  	_ =	shalt  }
0x5e: {  	_ =	shalt  }
0x5f: {  	_ =	shalt  }
0x60: {  	_ =	shalt  }
0x61: {  	_ =	shalt  }
0x62: {  	_ =	shalt  }
0x63: {  	_ =	shalt  }
0x64: {  	_ =	shalt  }
0x65: {  	_ =	shalt  }
0x66: {  	_ =	shalt  }
0x67: {  	_ =	shalt  }
0x68: {  	_ =	shalt  }
0x69: {  	_ =	shalt  }
0x6a: {  	_ =	shalt  }
0x6b: {  	_ =	shalt  }
0x6c: {  	_ =	shalt  }
0x6d: {  	_ =	shalt  }
0x6e: {  	_ =	shalt  }
0x6f: {  	_ =	shalt  }
0x70: {  	_ =	shalt  }
0x71: {  	_ =	shalt  }
0x72: {  	_ =	shalt  }
0x73: {  	_ =	shalt  }
0x74: {  	_ =	shalt  }
0x75: {  	_ =	shalt  }
0x76: {  	_ =	shalt  }
0x77: {  	_ =	shalt  }
0x78: {  	_ =	shalt  }
0x79: {  	_ =	shalt  }
0x7a: {  	_ =	shalt  }
0x7b: {  	_ =	shalt  }
0x7c: {  	_ =	shalt  }
0x7d: {  	_ =	shalt  }
0x7e: {  	_ =	shalt  }
0x7f: {  	_ =	shalt  }
0x80: {  	_ =	shalt  }
0x81: {  	_ =	shalt  }
0x82: {  	_ =	shalt  }
0x83: {  	_ =	shalt  }
0x84: {  	_ =	shalt  }
0x85: {  	_ =	shalt  }
0x86: {  	_ =	shalt  }
0x87: {  	_ =	shalt  }
.Lfunc_end0:
.L_simem_size_0:
called_computation_lowered:
.L_overlay_start_0:
0x88: {  	s2 =	sld [smem:$0x3FD9]  }
0x89: {  	s3 =	sld [smem:$0x3FFE];
	_ =	sdelay $0x1  }
0x8a: {  	s1 =	srdreg.scid  }
0x8b: {  	s0 =	sand.u32 $0x1, s1  }
0x8c: {  	s16 =	sshll.u32 s0, $0xA;
	s2 =	sadd.s32 s3, s2  }
0x8d: {  	s2 =	sadd.s32 s2, s16  }
0x8e: {  	[smem:$0x3FA4] =	sst s2  }
0x8f: {  	_ = 	snop  }
0x90: {  	(tm) =	ssettm $0x1  }
0x91: {  	s17 =	sld [smem:$0x3FFB];
	_ =	sdelay $0x3  }
0x92: {  	_ =	strace s17  }
0x93: {  	s2 =	sld [smem:$0x3FFC];
	_ =	sdelay $0x3  }
0x94: {  	_ =	strace s2  }
0x95: {  	s2 =	sld [smem:$0x3FFD];
	_ =	sdelay $0x3  }
0x96: {  	_ =	strace s2  }
0x97: {  	_ =	strace $0x8FFFFFFF  }
0x98: {  	s18 =	sld [smem:$0x3FDB];
	_ =	sdelay $0x1  }
0x99: {  	s19 =	simm.s32 $_scs_section_size  }
0x9a: {  	s4 =	simm.s32 $_size__tile_overlayer_lowered;
	s5 =	simm.s32 $_tile_overlayer_lowered  }
0x9b: {  	s22 =	simm.s32 $0x1BFF;
	s21 =	sshll.u32 s5, $0x1;
	s2 =	sadd.s32 s19, s18  }
0x9c: {  	s6 =	simm.s32 $0x0;
	s20 =	sshll.u32 s4, $0x1;
	s4 =	sadd.s32 s21, s2  }
0x9d: {  	[timem:s6], [sflag:s22] =	dma.local [hbm:s4], s20  }
0x9e: {  	_ =	swait.ge [sflag:s22], s20  }
0x9f: {  	s3 =	ssub.s32 $0x0, s20;
	[sflag:s22] =	ssyncset.done $0x0  }
0xa0: {  	[sflag:s22] =	ssyncadd.s32 s3;
	_ =	sdelay $0x1  }
0xa1: {  	s23 =	simm.s32 $0x1B8B  }
0xa2: {  	_ =	swait.ge [sflag:s23], $0x1  }
0xa3: {  	[sflag:s23] =	ssyncset.done $0x0  }
0xa4: {  	s25 =	simm.s32 $0x1B8E;
	s24 =	sld [smem:$0x3FFE];
	[sflag:s23] =	ssyncadd.s32 $0xFFFFFFFF  }
0xa5: {  	s26 =	simm.s32 $execute0_lowered;
	[smem:$0x3FD2] =	sst s25  }
0xa6: {  	s4 =	sshll.u32 s26, $0x1;
	_ =	strace $0x80000046;
	[dreg:$0x1] =	wrdreg $0xFFFFFFFF  }
0xa7: {  	s28 =	simm.s32 $_size_execute0_lowered;
	s2 =	sadd.s32 s2, s4;
	[dreg:$0x0] =	wrdreg $0x0  }
0xa8: {  	s4 =	sshll.u32 s28, $0x1;
	[dreg:$0x2] =	wrdreg s2  }
0xa9: {  	[dreg:$0x3] =	wrdreg s4  }
0xaa: {  	[dreg:$0x4] =	wrdreg $0xC0  }
0xab: {  	_ =	task [dreg:s6], $0x5FFFF  }
0xac: {  	[dreg:$0x1] =	wrdreg $0xFFFFFFFF  }
0xad: {  	[dreg:$0x0] =	wrdreg $0x60  }
0xae: {  	[dreg:$0x2] =	wrdreg s24  }
0xaf: {  	[dreg:$0x3] =	wrdreg $0xD0000  }
0xb0: {  	[dreg:$0x4] =	wrdreg $0x9  }
0xb1: {  	_ =	task.clear_ibuf [dreg:s6], $0x5FFFF;
	_ =	strace $0x90000046  }
0xb2: {  	s29 =	simm.s32 $0x9;
	_ =	strace $0x80000048  }
0xb3: {  	_ =	swait.ge [sflag:s29], $0x1  }
0xb4: {  	[sflag:s29] =	ssyncadd.s32 $0xFFFFFFFF  }
0xb5: {  	_ =	strace $0x90000048  }
0xb6: {  	_ =	sfence  }
0xb7: {  	s30 =	sld [smem:$0x0];
	_ =	sdelay $0x2  }
0xb8: {  	s31 =	sshll.u32 s1, $0xD;
	s1 =	sshrl.u32 s1, $0x2  }
0xb9: {  	s3 =	sand.u32 $0x4000, s31;
	s1 =	sadd.s32 s1, s30  }
0xba: {  	s0 =	sor.u32 s3, s0;
	s1 =	sshll.u32 s1, $0x11  }
0xbb: {  	s0 =	sor.u32 s1, s0  }
0xbc: {  	s0 =	sadd.s32 $0x8F2B, s0  }
0xbd: {  	[sflag:s0] =	ssyncadd.remote.s32 $0x1  }
0xbe: {  	_ =	sfence.sel $0xFFFF  }
0xbf: {  	[dreg:$0x0] =	wrdreg $0xFFFFFFFF;
	(pc) =	sbr.abs _section_cstart, $3  }
0xc0: {  	[dreg:$0x1] =	wrdreg $0xFFFFFFFF  }
0xc1: {  	_ =	task.clear_ibuf [dreg:s6], $0x2FFFF;
	_ =	strace $0x9FFFFFFF  }
0xc2: {  	(tm) =	ssettm $0x7FFFFFFF  }
0xc3: {  	_ =	shalt  }
tec
execute0_lowered:
.L_overlay_start_1:
0x0: {  	(tag) =	ssettag $0x1  }
0x1: {  	s0 =	rddreg [dreg:$0x0]  }
0x2: {  	s1 =	rddreg [dreg:$0x1];
	s2 =	simm.s32 $0x0  }
0x3: {  	s6 =	srdreg.scid;
	s18 =	stileid.u32;
	s23 =	simm.s32 $0x2  }
0x4: {  	s24 =	simm.s32 $0x4000;
	s25 =	simm.s32 $0xC000;
	s26 =	simm.s32 $0x8000  }
0x5: {  	s28 =	simm.s32 $0x80;
	s29 =	simm.s32 $0x0;
	[smem:$0x7FF] =	sst s2  }
0x6: {  	s3 =	sadd.s32 $0x4400, s0;
	s4 =	sadd.s32 $0x24400, s0;
	s5 =	sadd.s32 $0x26400, s0  }
0x7: {  	s13 =	sand.u32 $0x1, s6;
	s6 =	sadd.s32 $0x26C00, s0;
	s7 =	sshll.u32 s18, $0x9  }
0x8: {  	s8 =	sshll.u32 s18, $0xF;
	s11 =	sshll.u32 s18, $0x6;
	s15 =	sshll.u32 s18, $0x2  }
0x9: {  	s14 =	sshll.u32 s18, $0xD;
	s20 =	sshllo.u32 s18, $0x2;
	_ =	strace $0x80000047  }
0xa: {  	s9 =	ssub.s32 $0x2, s13;
	s0 =	sadd.s32 s7, s0;
	s30 =	sadd.s32 s8, s1  }
0xb: {  	s11 =	sor.u32 $0x1C02, s11;
	s13 =	sshll.u32 s13, $0x1;
	s14 =	sadd.s32 s3, s14  }
0xc: {  	s17 =	sor.u32 $0x1, s15;
	s19 =	sor.u32 $0x2, s15;
	s18 =	sshll.u32 s20, $0xB  }
0xd: {  	s20 =	sshll.u32 s20, $0x7;
	s10 =	sshrl.u32 s9, $0x1;
	[dreg:$0x3] =	wrdreg s30  }
0xe: {  	s31 =	sshll.u32 s17, $0xB;
	s16 =	sshll.u32 s19, $0xB;
	s17 =	sshll.u32 s17, $0x7  }
0xf: {  	s18 =	sadd.s32 s3, s18;
	s19 =	sshll.u32 s19, $0x7;
	s21 =	sadd.s32 $0x66C00, s0  }
0x10: {  	s22 =	ssub.s32 s9, s10;
	s9 =	sor.u32 $0x4000, s8;
	s15 =	sadd.s32 s3, s31  }
0x11: {  	v0 =	vimm.f32 $1.000000000e+00;
	s16 =	sadd.s32 s3, s16;
	s12 =	sadd.s32 s9, s1;
	s22 =	smax.u32 s22, $0x1  }
.LBB2_1:
0x12: {  	s0 =	rddreg [dreg:$0x3]  }
0x13: {  	s30 =	sshrl.u32 s0, $0x3  }
0x14: {  	[spmem:s30], [sflag:s11] =	dma.local [hbm:s5], $0x800  }
0x15: {  	_ =	swait.ge [sflag:s23], $0x800  }
0x16: {  	[sflag:s23] =	ssyncset.done $0x0  }
0x17: {  	s31 =	sshrl.u32 s12, $0x3;
	[sflag:s23] =	ssyncadd.s32 $0xFFFFF800  }
0x18: {  	[spmem:s31], [sflag:s11] =	dma.local [hbm:s5], $0x800  }
0x19: {  	_ =	swait.ge [sflag:s23], $0x800  }
0x1a: {  	[sflag:s23] =	ssyncset.done $0x0  }
0x1b: {  	[sflag:s23] =	ssyncadd.s32 $0xFFFFF800  }
0x1c: {  	p0 =	por $0x1, $0x1;
	s0 =	simm.s32 $0x0;
	[bflag:$0x0] =	sbarrier.arrive $0xFFFF  }
.LBB2_2:
0x1d: {  	s3 =	sor.u32 s13, s0  }
0x1e: {  	[tilespmem:s24], [sflag:$0x1] =	stream.linear.gather [hbm4b:s14+s2], $0x4000, $0x38;
	[tilespmem:$0x15000] =	vst v63  }
0x1f: {  	s0 =	sshll.u32 s3, $0xB  }
0x20: {  	s0 =	sadd.s32 s4, s0  }
0x21: {  	[tilespmem:s2], [sflag:$0x2] =	stream.linear.gather [hbm4b:s0+s2], $0x4000, $0x38;
	[tilespmem:$0x15000] =	vst v63  }
0x22: {  	_ =	swait.ge [sflag:s23], $0x4000  }
0x23: {  	[sflag:s23] =	ssyncset.done $0x0  }
0x24: {  	[sflag:s23] =	ssyncadd.s32 $0xFFFFC000  }
0x25: {  	[tilespmem:s25], [sflag:$0x2] =	stream.linear.gather [hbm4b:s5+s2], $0x1000, $0x38;
	[tilespmem:$0x15000] =	vst v63  }
0x26: {  	_ =	swait.ge [sflag:s23], $0x1000  }
0x27: {  	[sflag:s23] =	ssyncset.done $0x0  }
0x28: {  	s0 =	simm.s32 $0x1;
	[sflag:s23] =	ssyncadd.s32 $0xFFFFF000  }
0x29: {  	_ =	swait.ge [sflag:s0], $0x4000  }
0x2a: {  	[sflag:s0] =	ssyncset.done $0x0  }
0x2b: {  	[sflag:s0] =	ssyncadd.s32 $0xFFFFC000  }
0x2c: {  	[tilespmem:s26], [sflag:$0x1] =	stream.linear.gather [hbm4b:s15+s2], $0x4000, $0x38;
	[tilespmem:$0x15000] =	vst v63  }
0x2d: {  	_ = 	snop  }
0x2e: {  	[spmem:s1] =	stream.indirect.scatter.add.f32 [tilespmem:s24], [sflag:$0x2], $0x80, s7, s28, $0xb8;
	[tilespmem:$0x15000] =	vst v63  }
0x2f: {  	_ =	swait.ge [sflag:s23], $0x4000  }
0x30: {  	[sflag:s23] =	ssyncset.done $0x0  }
0x31: {  	[sflag:s23] =	ssyncadd.s32 $0xFFFFC000  }
0x32: {  	v1 =	vld [tilespmem:s7+$0x0];
	_ =	sdelay $0x7  }
0x33: {  	[tilespmem:v1+s25+$0x0] =	vst.idx.add.f32.msk $0xffff, v0  }
0x34: {  	v1 =	vld [tilespmem:s7+$0x10];
	_ =	sdelay $0x7  }
0x35: {  	[tilespmem:v1+s25+$0x0] =	vst.idx.add.f32.msk $0xffff, v0  }
0x36: {  	v1 =	vld [tilespmem:s7+$0x20];
	_ =	sdelay $0x7  }
0x37: {  	[tilespmem:v1+s25+$0x0] =	vst.idx.add.f32.msk $0xffff, v0  }
0x38: {  	v1 =	vld [tilespmem:s7+$0x30];
	_ =	sdelay $0x7  }
0x39: {  	[tilespmem:v1+s25+$0x0] =	vst.idx.add.f32.msk $0xffff, v0  }
0x3a: {  	v1 =	vld [tilespmem:s7+$0x40];
	_ =	sdelay $0x7  }
0x3b: {  	[tilespmem:v1+s25+$0x0] =	vst.idx.add.f32.msk $0xffff, v0  }
0x3c: {  	v1 =	vld [tilespmem:s7+$0x50];
	_ =	sdelay $0x7  }
0x3d: {  	[tilespmem:v1+s25+$0x0] =	vst.idx.add.f32.msk $0xffff, v0  }
0x3e: {  	v1 =	vld [tilespmem:s7+$0x60];
	_ =	sdelay $0x7  }
0x3f: {  	[tilespmem:v1+s25+$0x0] =	vst.idx.add.f32.msk $0xffff, v0  }
0x40: {  	v1 =	vld [tilespmem:s7+$0x70];
	_ =	sdelay $0x7  }
0x41: {  	[tilespmem:v1+s25+$0x0] =	vst.idx.add.f32.msk $0xffff, v0  }
0x42: {  	_ =	swait.ge [sflag:s0], $0x4000  }
0x43: {  	[sflag:s0] =	ssyncset.done $0x0  }
0x44: {  	[sflag:s0] =	ssyncadd.s32 $0xFFFFC000  }
0x45: {  	[tilespmem:s24], [sflag:$0x1] =	stream.linear.gather [hbm4b:s16+s2], $0x4000, $0x38;
	[tilespmem:$0x15000] =	vst v63  }
0x46: {  	_ = 	snop  }
0x47: {  	[spmem:s1] =	stream.indirect.scatter.add.f32 [tilespmem:s26], [sflag:$0x2], $0x80, s17, s28, $0xb8;
	[tilespmem:$0x15000] =	vst v63  }
0x48: {  	_ =	swait.ge [sflag:s23], $0x4000  }
0x49: {  	[sflag:s23] =	ssyncset.done $0x0  }
0x4a: {  	[sflag:s23] =	ssyncadd.s32 $0xFFFFC000  }
0x4b: {  	v1 =	vld [tilespmem:s17+$0x0];
	_ =	sdelay $0x7  }
0x4c: {  	[tilespmem:v1+s25+$0x0] =	vst.idx.add.f32.msk $0xffff, v0  }
0x4d: {  	v1 =	vld [tilespmem:s17+$0x10];
	_ =	sdelay $0x7  }
0x4e: {  	[tilespmem:v1+s25+$0x0] =	vst.idx.add.f32.msk $0xffff, v0  }
0x4f: {  	v1 =	vld [tilespmem:s17+$0x20];
	_ =	sdelay $0x7  }
0x50: {  	[tilespmem:v1+s25+$0x0] =	vst.idx.add.f32.msk $0xffff, v0  }
0x51: {  	v1 =	vld [tilespmem:s17+$0x30];
	_ =	sdelay $0x7  }
0x52: {  	[tilespmem:v1+s25+$0x0] =	vst.idx.add.f32.msk $0xffff, v0  }
0x53: {  	v1 =	vld [tilespmem:s17+$0x40];
	_ =	sdelay $0x7  }
0x54: {  	[tilespmem:v1+s25+$0x0] =	vst.idx.add.f32.msk $0xffff, v0  }
0x55: {  	v1 =	vld [tilespmem:s17+$0x50];
	_ =	sdelay $0x7  }
0x56: {  	[tilespmem:v1+s25+$0x0] =	vst.idx.add.f32.msk $0xffff, v0  }
0x57: {  	v1 =	vld [tilespmem:s17+$0x60];
	_ =	sdelay $0x7  }
0x58: {  	[tilespmem:v1+s25+$0x0] =	vst.idx.add.f32.msk $0xffff, v0  }
0x59: {  	v1 =	vld [tilespmem:s17+$0x70];
	_ =	sdelay $0x7  }
0x5a: {  	[tilespmem:v1+s25+$0x0] =	vst.idx.add.f32.msk $0xffff, v0  }
0x5b: {  	_ =	swait.ge [sflag:s0], $0x4000  }
0x5c: {  	[sflag:s0] =	ssyncset.done $0x0  }
0x5d: {  	[sflag:s0] =	ssyncadd.s32 $0xFFFFC000  }
0x5e: {  	[tilespmem:s26], [sflag:$0x1] =	stream.linear.gather [hbm4b:s18+s2], $0x4000, $0x38;
	[tilespmem:$0x15000] =	vst v63  }
0x5f: {  	_ = 	snop  }
0x60: {  	[spmem:s1] =	stream.indirect.scatter.add.f32 [tilespmem:s24], [sflag:$0x2], $0x80, s19, s28, $0xb8;
	[tilespmem:$0x15000] =	vst v63  }
0x61: {  	_ =	swait.ge [sflag:s23], $0x4000  }
0x62: {  	[sflag:s23] =	ssyncset.done $0x0  }
0x63: {  	[sflag:s23] =	ssyncadd.s32 $0xFFFFC000  }
0x64: {  	v1 =	vld [tilespmem:s19+$0x0];
	_ =	sdelay $0x7  }
0x65: {  	[tilespmem:v1+s25+$0x0] =	vst.idx.add.f32.msk $0xffff, v0  }
0x66: {  	v1 =	vld [tilespmem:s19+$0x10];
	_ =	sdelay $0x7  }
0x67: {  	[tilespmem:v1+s25+$0x0] =	vst.idx.add.f32.msk $0xffff, v0  }
0x68: {  	v1 =	vld [tilespmem:s19+$0x20];
	_ =	sdelay $0x7  }
0x69: {  	[tilespmem:v1+s25+$0x0] =	vst.idx.add.f32.msk $0xffff, v0  }
0x6a: {  	v1 =	vld [tilespmem:s19+$0x30];
	_ =	sdelay $0x7  }
0x6b: {  	[tilespmem:v1+s25+$0x0] =	vst.idx.add.f32.msk $0xffff, v0  }
0x6c: {  	v1 =	vld [tilespmem:s19+$0x40];
	_ =	sdelay $0x7  }
0x6d: {  	[tilespmem:v1+s25+$0x0] =	vst.idx.add.f32.msk $0xffff, v0  }
0x6e: {  	v1 =	vld [tilespmem:s19+$0x50];
	_ =	sdelay $0x7  }
0x6f: {  	[tilespmem:v1+s25+$0x0] =	vst.idx.add.f32.msk $0xffff, v0  }
0x70: {  	v1 =	vld [tilespmem:s19+$0x60];
	_ =	sdelay $0x7  }
0x71: {  	[tilespmem:v1+s25+$0x0] =	vst.idx.add.f32.msk $0xffff, v0  }
0x72: {  	v1 =	vld [tilespmem:s19+$0x70];
	_ =	sdelay $0x7  }
0x73: {  	[tilespmem:v1+s25+$0x0] =	vst.idx.add.f32.msk $0xffff, v0  }
0x74: {  	_ =	swait.ge [sflag:s0], $0x4000  }
0x75: {  	[sflag:s0] =	ssyncset.done $0x0  }
0x76: {  	[sflag:s0] =	ssyncadd.s32 $0xFFFFC000  }
0x77: {  	[spmem:s1] =	stream.indirect.scatter.add.f32 [tilespmem:s26], [sflag:$0x2], $0x80, s20, s28, $0xb8;
	[tilespmem:$0x15000] =	vst v63  }
0x78: {  	_ =	swait.ge [sflag:s23], $0x4000  }
0x79: {  	[sflag:s23] =	ssyncset.done $0x0  }
0x7a: {  	[sflag:s23] =	ssyncadd.s32 $0xFFFFC000  }
0x7b: {  	v1 =	vld [tilespmem:s20+$0x0];
	_ =	sdelay $0x7  }
0x7c: {  	[tilespmem:v1+s25+$0x0] =	vst.idx.add.f32.msk $0xffff, v0  }
0x7d: {  	v1 =	vld [tilespmem:s20+$0x10];
	_ =	sdelay $0x7  }
0x7e: {  	[tilespmem:v1+s25+$0x0] =	vst.idx.add.f32.msk $0xffff, v0  }
0x7f: {  	v1 =	vld [tilespmem:s20+$0x20];
	_ =	sdelay $0x7  }
0x80: {  	[tilespmem:v1+s25+$0x0] =	vst.idx.add.f32.msk $0xffff, v0  }
0x81: {  	v1 =	vld [tilespmem:s20+$0x30];
	_ =	sdelay $0x7  }
0x82: {  	[tilespmem:v1+s25+$0x0] =	vst.idx.add.f32.msk $0xffff, v0  }
0x83: {  	v1 =	vld [tilespmem:s20+$0x40];
	_ =	sdelay $0x7  }
0x84: {  	[tilespmem:v1+s25+$0x0] =	vst.idx.add.f32.msk $0xffff, v0  }
0x85: {  	v1 =	vld [tilespmem:s20+$0x50];
	_ =	sdelay $0x7  }
0x86: {  	[tilespmem:v1+s25+$0x0] =	vst.idx.add.f32.msk $0xffff, v0  }
0x87: {  	v1 =	vld [tilespmem:s20+$0x60];
	_ =	sdelay $0x7  }
0x88: {  	[tilespmem:v1+s25+$0x0] =	vst.idx.add.f32.msk $0xffff, v0  }
0x89: {  	v1 =	vld [tilespmem:s20+$0x70];
	_ =	sdelay $0x6  }
0x8a: {  	s10 =	sshll.u32 s3, $0xD  }
0x8b: {  	s10 =	sadd.s32 s10, s21;
	[tilespmem:v1+s25+$0x0] =	vst.idx.add.f32.msk $0xffff, v0  }
0x8c: {  	[hbm4b:s10+s2] =	stream.linear.scatter [tilespmem:s25], [sflag:$0x2], $0x1000, $0x38;
	[tilespmem:$0x15000] =	vst v63  }
0x8d: {  	s3 =	sshll.u32 s3, $0x13;
	_ =	swait.ge [sflag:s23], $0x1000  }
0x8e: {  	s10 =	sor.u32 s8, s3;
	[sflag:s23] =	ssyncset.done $0x0  }
0x8f: {  	s10 =	sshrl.u32 s10, $0x3;
	[sflag:s23] =	ssyncadd.s32 $0xFFFFF000  }
0x90: {  	s10 =	sadd.s32 s6, s10;
	[bflag:$0x0] =	sbarrier.arrive $0xFFFF  }
0x91: {  	[hbm:s10], [sflag:s11] =	dma.local [spmem:s30], $0x800  }
0x92: {  	_ =	swait.ge [sflag:s23], $0x800  }
0x93: {  	[sflag:s23] =	ssyncset.done $0x0  }
0x94: {  	[sflag:s23] =	ssyncadd.s32 $0xFFFFF800  }
0x95: {  	[spmem:s30], [sflag:s11] =	dma.local [hbm:s5], $0x800  }
0x96: {  	s3 =	sor.u32 s9, s3;
	_ =	swait.ge [sflag:s23], $0x800  }
0x97: {  	s3 =	sshrl.u32 s3, $0x3;
	[sflag:s23] =	ssyncset.done $0x0  }
0x98: {  	s3 =	sadd.s32 s6, s3;
	[sflag:s23] =	ssyncadd.s32 $0xFFFFF800  }
0x99: {  	[hbm:s3], [sflag:s11] =	dma.local [spmem:s31], $0x800  }
0x9a: {  	_ =	swait.ge [sflag:s23], $0x800  }
0x9b: {  	[sflag:s23] =	ssyncset.done $0x0  }
0x9c: {  	p1 =	por p0, p0;
	[sflag:s23] =	ssyncadd.s32 $0xFFFFF800  }
0x9d: {  	[spmem:s31], [sflag:s11] =	dma.local [hbm:s5], $0x800  }
.Ltmp0:
0x9e: {  	_ =	swait.ge [sflag:s23], $0x800;
	(pc) =	sbr.rel @p1 .LBB2_2-.Ltmp0, $4  }
0x9f: {  	[sflag:s23] =	ssyncset.done $0x0  }
0xa0: {  	[sflag:s23] =	ssyncadd.s32 $0xFFFFF800  }
0xa1: {  	[bflag:$0x0] =	sbarrier.arrive $0xFFFF  }
0xa2: {  	p0 =	por $0x0, $0x0  }
0xa3: {  	s29 =	sadd.s32 $0x1, s29  }
0xa4: {  	p0 =	sne.s32 s29, s22  }
.Ltmp1:
0xa5: {  	_ = 	snop;
	(pc) =	sbr.rel @p0 .LBB2_1-.Ltmp1, $1  }
0xa6: {  	_ =	sdelay $0x3  }
0xa7: {  	_ =	sfence.sel $0x180000  }
0xa8: {  	[bflag:$0x0] =	sbarrier.arrive $0xFFFF  }
0xa9: {  	_ =	strace $0x90000047  }
0xaa: {  	s0 =	stileid.u32;
	[bflag:$0x2] =	sbarrier.arrive $0xFFFF  }
0xab: {  	p0 =	sne.s32 s0, $0x0;
	s0 =	rddreg [dreg:$0x2]  }
0xac: {  	s0 =	sadd.s32 @!p0 $0x100000, s0  }
0xad: {  	[sflag:s0] =	ssyncadd.tile.s32 @!p0 $0x1;
	_ =	shalt  }
.Lfunc_end2:
_tile_overlayer_lowered:
.L_overlay_start_2:
0xae: {  	(tag) =	ssettag $0x2  }
0xaf: {  	s0 =	rddreg [dreg:$0x0];
	s2 =	stileid.u32  }
0xb0: {  	s1 =	rddreg [dreg:$0x1];
	p0 =	sne.s32 s2, $0x0  }
0xb1: {  	s3 =	rddreg [dreg:$0x2];
	[bflag:$0x3] =	sbarrier.arrive $0xFFFF;
	s2 =	simm.s32 @!p0 $0x1C02  }
0xb2: {  	[timem:s3], [sflag:s2] =	dma.local @!p0 [hbm:s0], s1  }
0xb3: {  	s0 =	simm.s32 @!p0 $0x2  }
0xb4: {  	_ =	swait.ge @!p0 [sflag:s0], s1  }
0xb5: {  	s1 =	ssub.s32 @!p0 $0x0, s1;
	[sflag:s0] =	ssyncset.done @!p0 $0x0  }
0xb6: {  	[sflag:s0] =	ssyncadd.s32 @!p0 s1  }
0xb7: {  	[bflag:$0x3] =	sbarrier.arrive $0xFFFF  }
0xb8: {  	_ =	shalt  }

// kernel: kernel.17.cloned.1.call-start
scs
__scs_entry_jumppad:
0x0: {  	(pc) =	sbr.rel $0x88, $3  }
0x1: {  	(tag) =	ssettag $0x0;
	lr =	simm.s32 $0x1  }
0x2: {  	[smem:$0x3F7D] =	sst lr;
	_ =	strace $0xD0000000  }
0x3: {  	_ = 	snop  }
0x4: {  	_ = 	snop  }
0x5: {  	_ = 	snop  }
0x6: {  	_ = 	snop  }
0x7: {  	_ = 	snop  }
__scs_overlays_trampoline_lowered:
0x8: {  	[smem:$0x3F8C] =	sst s0  }
0x9: {  	[smem:$0x3F8D] =	sst s1  }
0xa: {  	[smem:$0x3F8E] =	sst s2  }
0xb: {  	[smem:$0x3F8F] =	sst s3  }
0xc: {  	[smem:$0x3F90] =	sst s4  }
0xd: {  	[smem:$0x3F91] =	sst s5  }
0xe: {  	[smem:$0x3F92] =	sst s6  }
0xf: {  	[smem:$0x3F93] =	sst s7  }
0x10: {  	[smem:$0x3F94] =	sst s8  }
0x11: {  	[smem:$0x3F95] =	sst s9;
	s0 =	simm.s32 @!p0 $0x0  }
0x12: {  	s1 =	sld [smem:$0x3F7B];
	s0 =	simm.s32 @p0 $0x1  }
0x13: {  	[smem:$0x3F96] =	sst s0;
	s0 =	simm.s32 @!p1 $0x0  }
0x14: {  	s2 =	sld [smem:$0x3F7A];
	s0 =	simm.s32 @p1 $0x1  }
0x15: {  	[smem:$0x3F97] =	sst s0;
	s0 =	simm.s32 @!p2 $0x0  }
0x16: {  	s3 =	sld [smem:$0x3FDB];
	s0 =	simm.s32 @p2 $0x1  }
0x17: {  	s4 =	simm.s32 $0x1BF5;
	[smem:$0x3F99] =	sst s0  }
0x18: {  	s0 =	sld [smem:$0x3F7C];
	_ =	swait.ge [sflag:s4], $0x0  }
0x19: {  	s7 =	sld [smem:$0x3F7D]  }
0x1a: {  	s8 =	sadd.s32 $0xFFFFE003, lr  }
0x1b: {  	s9 =	sadd.s32 $0xFFFFFEF7, lr;
	s5 =	simm.s32 $0xFFFFFFFF;
	p2 =	slt.u32 s8, $0xFFFFF086  }
0x1c: {  	p1 =	slt.u32 s9, $0xF7A;
	s5 =	simm.s32 @!p2 $0x0  }
0x1d: {  	s5 =	simm.s32 @p1 $0x1;
	p0 =	seq.s32 s7, s2  }
0x1e: {  	s7 =	smul.u32 @!p0 $0xF7A, s2;
	p2 =	seq.s32 @!p0 s5, $0x0  }
0x1f: {  	s9 =	smul.u32 $0xF7A, s1;
	s8 =	simm.s32 @!p0 $0x1BF5;
	p2 =	por !p2, p0  }
0x20: {  	[sflag:s8] =	ssyncset.s32 @!p0 $0xFFFFF086;
	s6 =	sadd.s32 @!p0 s3, s7;
	s7 =	simm.s32 @!p0 $0x108  }
0x21: {  	s3 =	sadd.s32 s3, s9;
	s6 =	sadd.s32 @!p0 $0x88, s6;
	s7 =	simm.s32 @p2 $0x1082  }
0x22: {  	[simem:s7], [sflag:s8] =	dma.local @!p0 [hbm:s6], $0xF7A  }
0x23: {  	s9 =	sor.u32 $0xD0000000, s2;
	s6 =	simm.s32 $0x108;
	_ =	swait.ge @!p0 [sflag:s8], $0x0  }
0x24: {  	s3 =	sadd.s32 $0x88, s3;
	s6 =	simm.s32 @!p1 $0x1082;
	[sflag:s4] =	ssyncset.s32 $0xFFFFF086  }
0x25: {  	[simem:s6], [sflag:s4] =	dma.local [hbm:s3], $0xF7A  }
0x26: {  	[smem:$0x3F7D] =	sst s1;
	(tag) =	ssettag s2;
	_ =	strace s9  }
0x27: {  	s1 =	sld [smem:$0x3F8D]  }
0x28: {  	s2 =	sld [smem:$0x3F8E]  }
0x29: {  	s4 =	sld [smem:$0x3F90]  }
0x2a: {  	p0 =	seq.s32 s5, $0x0;
	s5 =	sld [smem:$0x3F91]  }
0x2b: {  	s6 =	sld [smem:$0x3F92]  }
0x2c: {  	s7 =	sld [smem:$0x3F93]  }
0x2d: {  	s3 =	simm.s32 $0x108;
	s8 =	sld [smem:$0x3F94]  }
0x2e: {  	s3 =	simm.s32 @!p0 $0x1082;
	s9 =	sld [smem:$0x3F95]  }
0x2f: {  	lr =	sadd.s32 s0, s3;
	s0 =	sld [smem:$0x3F8C]  }
0x30: {  	s3 =	sld [smem:$0x3F8F]  }
0x31: {  	[smem:$0x3F98] =	sst s10  }
0x32: {  	s10 =	sld [smem:$0x3F96];
	_ =	sdelay $0x3  }
0x33: {  	p0 =	seq.s32 s10, $0x1;
	s10 =	sld [smem:$0x3F98];
	_ =	sdelay $0x3  }
0x34: {  	[smem:$0x3F98] =	sst s10  }
0x35: {  	s10 =	sld [smem:$0x3F97];
	_ =	sdelay $0x3  }
0x36: {  	p1 =	seq.s32 s10, $0x1;
	s10 =	sld [smem:$0x3F98];
	_ =	sdelay $0x3  }
0x37: {  	[smem:$0x3F98] =	sst s10  }
0x38: {  	s10 =	sld [smem:$0x3F99]  }
0x39: {  	_ = 	snop;
	(pc) =	sbr.ind lr, $3  }
0x3a: {  	_ = 	snop  }
0x3b: {  	_ = 	snop  }
0x3c: {  	p2 =	seq.s32 s10, $0x1;
	s10 =	sld [smem:$0x3F98]  }
0x3d: {  	_ =	shalt  }
0x3e: {  	_ =	shalt  }
0x3f: {  	_ =	shalt  }
0x40: {  	_ =	shalt  }
0x41: {  	_ =	shalt  }
0x42: {  	_ =	shalt  }
0x43: {  	_ =	shalt  }
0x44: {  	_ =	shalt  }
0x45: {  	_ =	shalt  }
0x46: {  	_ =	shalt  }
0x47: {  	_ =	shalt  }
0x48: {  	_ =	shalt  }
0x49: {  	_ =	shalt  }
0x4a: {  	_ =	shalt  }
0x4b: {  	_ =	shalt  }
0x4c: {  	_ =	shalt  }
0x4d: {  	_ =	shalt  }
0x4e: {  	_ =	shalt  }
0x4f: {  	_ =	shalt  }
0x50: {  	_ =	shalt  }
0x51: {  	_ =	shalt  }
0x52: {  	_ =	shalt  }
0x53: {  	_ =	shalt  }
0x54: {  	_ =	shalt  }
0x55: {  	_ =	shalt  }
0x56: {  	_ =	shalt  }
0x57: {  	_ =	shalt  }
0x58: {  	_ =	shalt  }
0x59: {  	_ =	shalt  }
0x5a: {  	_ =	shalt  }
0x5b: {  	_ =	shalt  }
0x5c: {  	_ =	shalt  }
0x5d: {  	_ =	shalt  }
0x5e: {  	_ =	shalt  }
0x5f: {  	_ =	shalt  }
0x60: {  	_ =	shalt  }
0x61: {  	_ =	shalt  }
0x62: {  	_ =	shalt  }
0x63: {  	_ =	shalt  }
0x64: {  	_ =	shalt  }
0x65: {  	_ =	shalt  }
0x66: {  	_ =	shalt  }
0x67: {  	_ =	shalt  }
0x68: {  	_ =	shalt  }
0x69: {  	_ =	shalt  }
0x6a: {  	_ =	shalt  }
0x6b: {  	_ =	shalt  }
0x6c: {  	_ =	shalt  }
0x6d: {  	_ =	shalt  }
0x6e: {  	_ =	shalt  }
0x6f: {  	_ =	shalt  }
0x70: {  	_ =	shalt  }
0x71: {  	_ =	shalt  }
0x72: {  	_ =	shalt  }
0x73: {  	_ =	shalt  }
0x74: {  	_ =	shalt  }
0x75: {  	_ =	shalt  }
0x76: {  	_ =	shalt  }
0x77: {  	_ =	shalt  }
0x78: {  	_ =	shalt  }
0x79: {  	_ =	shalt  }
0x7a: {  	_ =	shalt  }
0x7b: {  	_ =	shalt  }
0x7c: {  	_ =	shalt  }
0x7d: {  	_ =	shalt  }
0x7e: {  	_ =	shalt  }
0x7f: {  	_ =	shalt  }
0x80: {  	_ =	shalt  }
0x81: {  	_ =	shalt  }
0x82: {  	_ =	shalt  }
0x83: {  	_ =	shalt  }
0x84: {  	_ =	shalt  }
0x85: {  	_ =	shalt  }
0x86: {  	_ =	shalt  }
0x87: {  	_ =	shalt  }
.Lfunc_end0:
.L_simem_size_0:
called_computation.1_lowered:
.L_overlay_start_0:
0x88: {  	s2 =	sld [smem:$0x3FD9]  }
0x89: {  	s3 =	sld [smem:$0x3FFE];
	_ =	sdelay $0x1  }
0x8a: {  	s1 =	srdreg.scid  }
0x8b: {  	s0 =	sand.u32 $0x1, s1  }
0x8c: {  	s17 =	sshll.u32 s0, $0xA;
	s2 =	sadd.s32 s3, s2  }
0x8d: {  	s2 =	sadd.s32 s2, s17  }
0x8e: {  	[smem:$0x3FA4] =	sst s2  }
0x8f: {  	_ = 	snop  }
0x90: {  	(tm) =	ssettm $0x1  }
0x91: {  	s18 =	sld [smem:$0x3FFB];
	_ =	sdelay $0x3  }
0x92: {  	_ =	strace s18  }
0x93: {  	s2 =	sld [smem:$0x3FFC];
	_ =	sdelay $0x3  }
0x94: {  	_ =	strace s2  }
0x95: {  	s2 =	sld [smem:$0x3FFD];
	_ =	sdelay $0x3  }
0x96: {  	_ =	strace s2  }
0x97: {  	_ =	strace $0x8FFFFFFF  }
0x98: {  	s19 =	sld [smem:$0x3FDB];
	_ =	sdelay $0x1  }
0x99: {  	s20 =	simm.s32 $_scs_section_size  }
0x9a: {  	s4 =	simm.s32 $_size__tile_overlayer_lowered;
	s5 =	simm.s32 $_tile_overlayer_lowered  }
0x9b: {  	s6 =	simm.s32 $0x1BFF;
	s21 =	sshll.u32 s5, $0x1;
	s3 =	sadd.s32 s20, s19  }
0x9c: {  	s22 =	simm.s32 $0x0;
	s4 =	sshll.u32 s4, $0x1;
	s5 =	sadd.s32 s21, s3  }
0x9d: {  	[timem:s22], [sflag:s6] =	dma.local [hbm:s5], s4  }
0x9e: {  	_ =	swait.ge [sflag:s6], s4  }
0x9f: {  	s4 =	ssub.s32 $0x0, s4;
	[sflag:s6] =	ssyncset.done $0x0  }
0xa0: {  	[sflag:s6] =	ssyncadd.s32 s4;
	_ =	sdelay $0x1  }
0xa1: {  	s23 =	simm.s32 $0x1B8B  }
0xa2: {  	_ =	swait.ge [sflag:s23], $0x1  }
0xa3: {  	[sflag:s23] =	ssyncset.done $0x0  }
0xa4: {  	[sflag:s23] =	ssyncadd.s32 $0xFFFFFFFF  }
0xa5: {  	s4 =	sld [smem:$0x0]  }
0xa6: {  	s5 =	sand.u32 $0xFFFFFFFE, s1  }
0xa7: {  	p0 =	sne.s32 s1, s5  }
0xa8: {  	s5 =	sshll.u32 @p0 s5, $0xE  }
0xa9: {  	s5 =	sadd.s32 @p0 $0x11B8D, s5;
	s6 =	sshll.u32 @p0 s4, $0x11  }
0xaa: {  	s5 =	sor.u32 @p0 s6, s5  }
0xab: {  	[sflag:s5] =	ssyncadd.remote.s32 @p0 $0x1;
	_ =	sdelay $0x1  }
0xac: {  	s5 =	simm.s32 @p0 $0x1B8D  }
0xad: {  	_ =	swait.eq @p0 [sflag:s5], $0x1  }
0xae: {  	[sflag:s5] =	ssyncadd.s32 @p0 $0xFFFFFFFF  }
0xaf: {  	s6 =	sshll.u32 @!p0 s1, $0xE  }
0xb0: {  	s6 =	sor.u32 @!p0 $0x4000, s6;
	s5 =	simm.s32 @!p0 $0x1B8D  }
0xb1: {  	s4 =	sshll.u32 @!p0 s4, $0x11;
	s6 =	sadd.s32 @!p0 $0x11B8D, s6;
	_ =	swait.eq @!p0 [sflag:s5], $0x1  }
0xb2: {  	s4 =	sor.u32 @!p0 s4, s6;
	[sflag:s5] =	ssyncadd.s32 @!p0 $0xFFFFFFFF  }
0xb3: {  	s25 =	simm.s32 $0x1B8E;
	s24 =	sld [smem:$0x3FFE];
	[sflag:s4] =	ssyncadd.remote.s32 @!p0 $0x1  }
0xb4: {  	s26 =	simm.s32 $execute0_lowered;
	[smem:$0x3FD2] =	sst s25  }
0xb5: {  	s5 =	sshll.u32 s26, $0x1;
	_ =	strace $0x80000049;
	[dreg:$0x1] =	wrdreg $0xFFFFFFFF  }
0xb6: {  	s28 =	simm.s32 $_size_execute0_lowered;
	s3 =	sadd.s32 s3, s5;
	[dreg:$0x0] =	wrdreg $0x0  }
0xb7: {  	s5 =	sshll.u32 s28, $0x1;
	[dreg:$0x2] =	wrdreg s3  }
0xb8: {  	[dreg:$0x3] =	wrdreg s5  }
0xb9: {  	[dreg:$0x4] =	wrdreg $0xC0  }
0xba: {  	_ =	task [dreg:s22], $0x5FFFF  }
0xbb: {  	[dreg:$0x1] =	wrdreg $0xFFFFFFFF  }
0xbc: {  	[dreg:$0x0] =	wrdreg $0x60  }
0xbd: {  	[dreg:$0x2] =	wrdreg s24  }
0xbe: {  	[dreg:$0x3] =	wrdreg $0xD0000  }
0xbf: {  	[dreg:$0x4] =	wrdreg $0xA  }
0xc0: {  	_ =	task.clear_ibuf [dreg:s22], $0x5FFFF;
	_ =	strace $0x90000049  }
0xc1: {  	s29 =	simm.s32 $0xA;
	_ =	strace $0x8000004B  }
0xc2: {  	_ =	swait.ge [sflag:s29], $0x1  }
0xc3: {  	[sflag:s29] =	ssyncadd.s32 $0xFFFFFFFF  }
0xc4: {  	_ =	strace $0x9000004B  }
0xc5: {  	_ =	sfence  }
0xc6: {  	s30 =	sld [smem:$0x0];
	_ =	sdelay $0x2  }
0xc7: {  	s31 =	sshll.u32 s1, $0xD;
	s1 =	sshrl.u32 s1, $0x2  }
0xc8: {  	s4 =	sand.u32 $0x4000, s31;
	s1 =	sadd.s32 s1, s30  }
0xc9: {  	s0 =	sor.u32 s4, s0;
	s1 =	sshll.u32 s1, $0x11  }
0xca: {  	s0 =	sor.u32 s1, s0  }
0xcb: {  	s0 =	sadd.s32 $0x8F2B, s0  }
0xcc: {  	[sflag:s0] =	ssyncadd.remote.s32 $0x1  }
0xcd: {  	_ =	sfence.sel $0xFFFF  }
0xce: {  	[dreg:$0x0] =	wrdreg $0xFFFFFFFF;
	(pc) =	sbr.abs _section_cstart, $3  }
0xcf: {  	[dreg:$0x1] =	wrdreg $0xFFFFFFFF  }
0xd0: {  	_ =	task.clear_ibuf [dreg:s22], $0x2FFFF;
	_ =	strace $0x9FFFFFFF  }
0xd1: {  	(tm) =	ssettm $0x7FFFFFFF  }
tec
execute0_lowered:
.L_overlay_start_1:
0x0: {  	(tag) =	ssettag $0x1  }
0x1: {  	s0 =	rddreg [dreg:$0x0]  }
0x2: {  	s1 =	rddreg [dreg:$0x1];
	s2 =	simm.s32 $0x0  }
0x3: {  	s6 =	srdreg.scid;
	s18 =	stileid.u32;
	s23 =	simm.s32 $0x2  }
0x4: {  	s24 =	simm.s32 $0x4000;
	s25 =	simm.s32 $0xC000;
	s26 =	simm.s32 $0x8000  }
0x5: {  	s28 =	simm.s32 $0x80;
	s29 =	simm.s32 $0x0;
	[smem:$0x7FF] =	sst s2  }
0x6: {  	s3 =	sadd.s32 $0x6EC00, s0;
	s4 =	sadd.s32 $0x8EC00, s0;
	s5 =	sadd.s32 $0x26400, s0  }
0x7: {  	s13 =	sand.u32 $0x1, s6;
	s6 =	sadd.s32 $0x90C00, s0;
	s7 =	sshll.u32 s18, $0x9  }
0x8: {  	s8 =	sshll.u32 s18, $0xF;
	s11 =	sshll.u32 s18, $0x6;
	s15 =	sshll.u32 s18, $0x2  }
0x9: {  	s14 =	sshll.u32 s18, $0xD;
	s20 =	sshllo.u32 s18, $0x2;
	_ =	strace $0x8000004A  }
0xa: {  	s9 =	ssub.s32 $0x2, s13;
	s0 =	sadd.s32 s7, s0;
	s30 =	sadd.s32 s8, s1  }
0xb: {  	s11 =	sor.u32 $0x1C02, s11;
	s13 =	sshll.u32 s13, $0x1;
	s14 =	sadd.s32 s3, s14  }
0xc: {  	s17 =	sor.u32 $0x1, s15;
	s19 =	sor.u32 $0x2, s15;
	s18 =	sshll.u32 s20, $0xB  }
0xd: {  	s20 =	sshll.u32 s20, $0x7;
	s10 =	sshrl.u32 s9, $0x1;
	[dreg:$0x3] =	wrdreg s30  }
0xe: {  	s31 =	sshll.u32 s17, $0xB;
	s16 =	sshll.u32 s19, $0xB;
	s17 =	sshll.u32 s17, $0x7  }
0xf: {  	s18 =	sadd.s32 s3, s18;
	s19 =	sshll.u32 s19, $0x7;
	s21 =	sadd.s32 $0xD0C00, s0  }
0x10: {  	s22 =	ssub.s32 s9, s10;
	s9 =	sor.u32 $0x4000, s8;
	s15 =	sadd.s32 s3, s31  }
0x11: {  	v0 =	vimm.f32 $1.000000000e+00;
	s16 =	sadd.s32 s3, s16;
	s12 =	sadd.s32 s9, s1;
	s22 =	smax.u32 s22, $0x1  }
.LBB2_1:
0x12: {  	s0 =	rddreg [dreg:$0x3]  }
0x13: {  	s30 =	sshrl.u32 s0, $0x3  }
0x14: {  	[spmem:s30], [sflag:s11] =	dma.local [hbm:s5], $0x800  }
0x15: {  	_ =	swait.ge [sflag:s23], $0x800  }
0x16: {  	[sflag:s23] =	ssyncset.done $0x0  }
0x17: {  	s31 =	sshrl.u32 s12, $0x3;
	[sflag:s23] =	ssyncadd.s32 $0xFFFFF800  }
0x18: {  	[spmem:s31], [sflag:s11] =	dma.local [hbm:s5], $0x800  }
0x19: {  	_ =	swait.ge [sflag:s23], $0x800  }
0x1a: {  	[sflag:s23] =	ssyncset.done $0x0  }
0x1b: {  	[sflag:s23] =	ssyncadd.s32 $0xFFFFF800  }
0x1c: {  	p0 =	por $0x1, $0x1;
	s0 =	simm.s32 $0x0;
	[bflag:$0x0] =	sbarrier.arrive $0xFFFF  }
.LBB2_2:
0x1d: {  	s3 =	sor.u32 s13, s0  }
0x1e: {  	[tilespmem:s24], [sflag:$0x1] =	stream.linear.gather [hbm4b:s14+s2], $0x4000, $0x38;
	[tilespmem:$0x15000] =	vst v63  }
0x1f: {  	s0 =	sshll.u32 s3, $0xB  }
0x20: {  	s0 =	sadd.s32 s4, s0  }
0x21: {  	[tilespmem:s2], [sflag:$0x2] =	stream.linear.gather [hbm4b:s0+s2], $0x4000, $0x38;
	[tilespmem:$0x15000] =	vst v63  }
0x22: {  	_ =	swait.ge [sflag:s23], $0x4000  }
0x23: {  	[sflag:s23] =	ssyncset.done $0x0  }
0x24: {  	[sflag:s23] =	ssyncadd.s32 $0xFFFFC000  }
0x25: {  	[tilespmem:s25], [sflag:$0x2] =	stream.linear.gather [hbm4b:s5+s2], $0x1000, $0x38;
	[tilespmem:$0x15000] =	vst v63  }
0x26: {  	_ =	swait.ge [sflag:s23], $0x1000  }
0x27: {  	[sflag:s23] =	ssyncset.done $0x0  }
0x28: {  	s0 =	simm.s32 $0x1;
	[sflag:s23] =	ssyncadd.s32 $0xFFFFF000  }
0x29: {  	_ =	swait.ge [sflag:s0], $0x4000  }
0x2a: {  	[sflag:s0] =	ssyncset.done $0x0  }
0x2b: {  	[sflag:s0] =	ssyncadd.s32 $0xFFFFC000  }
0x2c: {  	[tilespmem:s26], [sflag:$0x1] =	stream.linear.gather [hbm4b:s15+s2], $0x4000, $0x38;
	[tilespmem:$0x15000] =	vst v63  }
0x2d: {  	_ = 	snop  }
0x2e: {  	[spmem:s1] =	stream.indirect.scatter.add.f32 [tilespmem:s24], [sflag:$0x2], $0x80, s7, s28, $0xb8;
	[tilespmem:$0x15000] =	vst v63  }
0x2f: {  	_ =	swait.ge [sflag:s23], $0x4000  }
0x30: {  	[sflag:s23] =	ssyncset.done $0x0  }
0x31: {  	[sflag:s23] =	ssyncadd.s32 $0xFFFFC000  }
0x32: {  	v1 =	vld [tilespmem:s7+$0x0];
	_ =	sdelay $0x7  }
0x33: {  	[tilespmem:v1+s25+$0x0] =	vst.idx.add.f32.msk $0xffff, v0  }
0x34: {  	v1 =	vld [tilespmem:s7+$0x10];
	_ =	sdelay $0x7  }
0x35: {  	[tilespmem:v1+s25+$0x0] =	vst.idx.add.f32.msk $0xffff, v0  }
0x36: {  	v1 =	vld [tilespmem:s7+$0x20];
	_ =	sdelay $0x7  }
0x37: {  	[tilespmem:v1+s25+$0x0] =	vst.idx.add.f32.msk $0xffff, v0  }
0x38: {  	v1 =	vld [tilespmem:s7+$0x30];
	_ =	sdelay $0x7  }
0x39: {  	[tilespmem:v1+s25+$0x0] =	vst.idx.add.f32.msk $0xffff, v0  }
0x3a: {  	v1 =	vld [tilespmem:s7+$0x40];
	_ =	sdelay $0x7  }
0x3b: {  	[tilespmem:v1+s25+$0x0] =	vst.idx.add.f32.msk $0xffff, v0  }
0x3c: {  	v1 =	vld [tilespmem:s7+$0x50];
	_ =	sdelay $0x7  }
0x3d: {  	[tilespmem:v1+s25+$0x0] =	vst.idx.add.f32.msk $0xffff, v0  }
0x3e: {  	v1 =	vld [tilespmem:s7+$0x60];
	_ =	sdelay $0x7  }
0x3f: {  	[tilespmem:v1+s25+$0x0] =	vst.idx.add.f32.msk $0xffff, v0  }
0x40: {  	v1 =	vld [tilespmem:s7+$0x70];
	_ =	sdelay $0x7  }
0x41: {  	[tilespmem:v1+s25+$0x0] =	vst.idx.add.f32.msk $0xffff, v0  }
0x42: {  	_ =	swait.ge [sflag:s0], $0x4000  }
0x43: {  	[sflag:s0] =	ssyncset.done $0x0  }
0x44: {  	[sflag:s0] =	ssyncadd.s32 $0xFFFFC000  }
0x45: {  	[tilespmem:s24], [sflag:$0x1] =	stream.linear.gather [hbm4b:s16+s2], $0x4000, $0x38;
	[tilespmem:$0x15000] =	vst v63  }
0x46: {  	_ = 	snop  }
0x47: {  	[spmem:s1] =	stream.indirect.scatter.add.f32 [tilespmem:s26], [sflag:$0x2], $0x80, s17, s28, $0xb8;
	[tilespmem:$0x15000] =	vst v63  }
0x48: {  	_ =	swait.ge [sflag:s23], $0x4000  }
0x49: {  	[sflag:s23] =	ssyncset.done $0x0  }
0x4a: {  	[sflag:s23] =	ssyncadd.s32 $0xFFFFC000  }
0x4b: {  	v1 =	vld [tilespmem:s17+$0x0];
	_ =	sdelay $0x7  }
0x4c: {  	[tilespmem:v1+s25+$0x0] =	vst.idx.add.f32.msk $0xffff, v0  }
0x4d: {  	v1 =	vld [tilespmem:s17+$0x10];
	_ =	sdelay $0x7  }
0x4e: {  	[tilespmem:v1+s25+$0x0] =	vst.idx.add.f32.msk $0xffff, v0  }
0x4f: {  	v1 =	vld [tilespmem:s17+$0x20];
	_ =	sdelay $0x7  }
0x50: {  	[tilespmem:v1+s25+$0x0] =	vst.idx.add.f32.msk $0xffff, v0  }
0x51: {  	v1 =	vld [tilespmem:s17+$0x30];
	_ =	sdelay $0x7  }
0x52: {  	[tilespmem:v1+s25+$0x0] =	vst.idx.add.f32.msk $0xffff, v0  }
0x53: {  	v1 =	vld [tilespmem:s17+$0x40];
	_ =	sdelay $0x7  }
0x54: {  	[tilespmem:v1+s25+$0x0] =	vst.idx.add.f32.msk $0xffff, v0  }
0x55: {  	v1 =	vld [tilespmem:s17+$0x50];
	_ =	sdelay $0x7  }
0x56: {  	[tilespmem:v1+s25+$0x0] =	vst.idx.add.f32.msk $0xffff, v0  }
0x57: {  	v1 =	vld [tilespmem:s17+$0x60];
	_ =	sdelay $0x7  }
0x58: {  	[tilespmem:v1+s25+$0x0] =	vst.idx.add.f32.msk $0xffff, v0  }
0x59: {  	v1 =	vld [tilespmem:s17+$0x70];
	_ =	sdelay $0x7  }
0x5a: {  	[tilespmem:v1+s25+$0x0] =	vst.idx.add.f32.msk $0xffff, v0  }
0x5b: {  	_ =	swait.ge [sflag:s0], $0x4000  }
0x5c: {  	[sflag:s0] =	ssyncset.done $0x0  }
0x5d: {  	[sflag:s0] =	ssyncadd.s32 $0xFFFFC000  }
0x5e: {  	[tilespmem:s26], [sflag:$0x1] =	stream.linear.gather [hbm4b:s18+s2], $0x4000, $0x38;
	[tilespmem:$0x15000] =	vst v63  }
0x5f: {  	_ = 	snop  }
0x60: {  	[spmem:s1] =	stream.indirect.scatter.add.f32 [tilespmem:s24], [sflag:$0x2], $0x80, s19, s28, $0xb8;
	[tilespmem:$0x15000] =	vst v63  }
0x61: {  	_ =	swait.ge [sflag:s23], $0x4000  }
0x62: {  	[sflag:s23] =	ssyncset.done $0x0  }
0x63: {  	[sflag:s23] =	ssyncadd.s32 $0xFFFFC000  }
0x64: {  	v1 =	vld [tilespmem:s19+$0x0];
	_ =	sdelay $0x7  }
0x65: {  	[tilespmem:v1+s25+$0x0] =	vst.idx.add.f32.msk $0xffff, v0  }
0x66: {  	v1 =	vld [tilespmem:s19+$0x10];
	_ =	sdelay $0x7  }
0x67: {  	[tilespmem:v1+s25+$0x0] =	vst.idx.add.f32.msk $0xffff, v0  }
0x68: {  	v1 =	vld [tilespmem:s19+$0x20];
	_ =	sdelay $0x7  }
0x69: {  	[tilespmem:v1+s25+$0x0] =	vst.idx.add.f32.msk $0xffff, v0  }
0x6a: {  	v1 =	vld [tilespmem:s19+$0x30];
	_ =	sdelay $0x7  }
0x6b: {  	[tilespmem:v1+s25+$0x0] =	vst.idx.add.f32.msk $0xffff, v0  }
0x6c: {  	v1 =	vld [tilespmem:s19+$0x40];
	_ =	sdelay $0x7  }
0x6d: {  	[tilespmem:v1+s25+$0x0] =	vst.idx.add.f32.msk $0xffff, v0  }
0x6e: {  	v1 =	vld [tilespmem:s19+$0x50];
	_ =	sdelay $0x7  }
0x6f: {  	[tilespmem:v1+s25+$0x0] =	vst.idx.add.f32.msk $0xffff, v0  }
0x70: {  	v1 =	vld [tilespmem:s19+$0x60];
	_ =	sdelay $0x7  }
0x71: {  	[tilespmem:v1+s25+$0x0] =	vst.idx.add.f32.msk $0xffff, v0  }
0x72: {  	v1 =	vld [tilespmem:s19+$0x70];
	_ =	sdelay $0x7  }
0x73: {  	[tilespmem:v1+s25+$0x0] =	vst.idx.add.f32.msk $0xffff, v0  }
0x74: {  	_ =	swait.ge [sflag:s0], $0x4000  }
0x75: {  	[sflag:s0] =	ssyncset.done $0x0  }
0x76: {  	[sflag:s0] =	ssyncadd.s32 $0xFFFFC000  }
0x77: {  	[spmem:s1] =	stream.indirect.scatter.add.f32 [tilespmem:s26], [sflag:$0x2], $0x80, s20, s28, $0xb8;
	[tilespmem:$0x15000] =	vst v63  }
0x78: {  	_ =	swait.ge [sflag:s23], $0x4000  }
0x79: {  	[sflag:s23] =	ssyncset.done $0x0  }
0x7a: {  	[sflag:s23] =	ssyncadd.s32 $0xFFFFC000  }
0x7b: {  	v1 =	vld [tilespmem:s20+$0x0];
	_ =	sdelay $0x7  }
0x7c: {  	[tilespmem:v1+s25+$0x0] =	vst.idx.add.f32.msk $0xffff, v0  }
0x7d: {  	v1 =	vld [tilespmem:s20+$0x10];
	_ =	sdelay $0x7  }
0x7e: {  	[tilespmem:v1+s25+$0x0] =	vst.idx.add.f32.msk $0xffff, v0  }
0x7f: {  	v1 =	vld [tilespmem:s20+$0x20];
	_ =	sdelay $0x7  }
0x80: {  	[tilespmem:v1+s25+$0x0] =	vst.idx.add.f32.msk $0xffff, v0  }
0x81: {  	v1 =	vld [tilespmem:s20+$0x30];
	_ =	sdelay $0x7  }
0x82: {  	[tilespmem:v1+s25+$0x0] =	vst.idx.add.f32.msk $0xffff, v0  }
0x83: {  	v1 =	vld [tilespmem:s20+$0x40];
	_ =	sdelay $0x7  }
0x84: {  	[tilespmem:v1+s25+$0x0] =	vst.idx.add.f32.msk $0xffff, v0  }
0x85: {  	v1 =	vld [tilespmem:s20+$0x50];
	_ =	sdelay $0x7  }
0x86: {  	[tilespmem:v1+s25+$0x0] =	vst.idx.add.f32.msk $0xffff, v0  }
0x87: {  	v1 =	vld [tilespmem:s20+$0x60];
	_ =	sdelay $0x7  }
0x88: {  	[tilespmem:v1+s25+$0x0] =	vst.idx.add.f32.msk $0xffff, v0  }
0x89: {  	v1 =	vld [tilespmem:s20+$0x70];
	_ =	sdelay $0x6  }
0x8a: {  	s10 =	sshll.u32 s3, $0xD  }
0x8b: {  	s10 =	sadd.s32 s10, s21;
	[tilespmem:v1+s25+$0x0] =	vst.idx.add.f32.msk $0xffff, v0  }
0x8c: {  	[hbm4b:s10+s2] =	stream.linear.scatter [tilespmem:s25], [sflag:$0x2], $0x1000, $0x38;
	[tilespmem:$0x15000] =	vst v63  }
0x8d: {  	s3 =	sshll.u32 s3, $0x13;
	_ =	swait.ge [sflag:s23], $0x1000  }
0x8e: {  	s10 =	sor.u32 s8, s3;
	[sflag:s23] =	ssyncset.done $0x0  }
0x8f: {  	s10 =	sshrl.u32 s10, $0x3;
	[sflag:s23] =	ssyncadd.s32 $0xFFFFF000  }
0x90: {  	s10 =	sadd.s32 s6, s10;
	[bflag:$0x0] =	sbarrier.arrive $0xFFFF  }
0x91: {  	[hbm:s10], [sflag:s11] =	dma.local [spmem:s30], $0x800  }
0x92: {  	_ =	swait.ge [sflag:s23], $0x800  }
0x93: {  	[sflag:s23] =	ssyncset.done $0x0  }
0x94: {  	[sflag:s23] =	ssyncadd.s32 $0xFFFFF800  }
0x95: {  	[spmem:s30], [sflag:s11] =	dma.local [hbm:s5], $0x800  }
0x96: {  	s3 =	sor.u32 s9, s3;
	_ =	swait.ge [sflag:s23], $0x800  }
0x97: {  	s3 =	sshrl.u32 s3, $0x3;
	[sflag:s23] =	ssyncset.done $0x0  }
0x98: {  	s3 =	sadd.s32 s6, s3;
	[sflag:s23] =	ssyncadd.s32 $0xFFFFF800  }
0x99: {  	[hbm:s3], [sflag:s11] =	dma.local [spmem:s31], $0x800  }
0x9a: {  	_ =	swait.ge [sflag:s23], $0x800  }
0x9b: {  	[sflag:s23] =	ssyncset.done $0x0  }
0x9c: {  	p1 =	por p0, p0;
	[sflag:s23] =	ssyncadd.s32 $0xFFFFF800  }
0x9d: {  	[spmem:s31], [sflag:s11] =	dma.local [hbm:s5], $0x800  }
.Ltmp0:
0x9e: {  	_ =	swait.ge [sflag:s23], $0x800;
	(pc) =	sbr.rel @p1 .LBB2_2-.Ltmp0, $4  }
0x9f: {  	[sflag:s23] =	ssyncset.done $0x0  }
0xa0: {  	[sflag:s23] =	ssyncadd.s32 $0xFFFFF800  }
0xa1: {  	[bflag:$0x0] =	sbarrier.arrive $0xFFFF  }
0xa2: {  	p0 =	por $0x0, $0x0  }
0xa3: {  	s29 =	sadd.s32 $0x1, s29  }
0xa4: {  	p0 =	sne.s32 s29, s22  }
.Ltmp1:
0xa5: {  	_ = 	snop;
	(pc) =	sbr.rel @p0 .LBB2_1-.Ltmp1, $1  }
0xa6: {  	_ =	sdelay $0x3  }
0xa7: {  	_ =	sfence.sel $0x180000  }
0xa8: {  	[bflag:$0x0] =	sbarrier.arrive $0xFFFF  }
0xa9: {  	_ =	strace $0x9000004A  }
0xaa: {  	s0 =	stileid.u32;
	[bflag:$0x2] =	sbarrier.arrive $0xFFFF  }
0xab: {  	p0 =	sne.s32 s0, $0x0;
	s0 =	rddreg [dreg:$0x2]  }
0xac: {  	s0 =	sadd.s32 @!p0 $0x100000, s0  }
0xad: {  	[sflag:s0] =	ssyncadd.tile.s32 @!p0 $0x1;
	_ =	shalt  }
.Lfunc_end2:
_tile_overlayer_lowered:
.L_overlay_start_2:
0xae: {  	(tag) =	ssettag $0x2  }
0xaf: {  	s0 =	rddreg [dreg:$0x0];
	s2 =	stileid.u32  }
0xb0: {  	s1 =	rddreg [dreg:$0x1];
	p0 =	sne.s32 s2, $0x0  }
0xb1: {  	s3 =	rddreg [dreg:$0x2];
	[bflag:$0x3] =	sbarrier.arrive $0xFFFF;
	s2 =	simm.s32 @!p0 $0x1C02  }
0xb2: {  	[timem:s3], [sflag:s2] =	dma.local @!p0 [hbm:s0], s1  }
0xb3: {  	s0 =	simm.s32 @!p0 $0x2  }
0xb4: {  	_ =	swait.ge @!p0 [sflag:s0], s1  }
0xb5: {  	s1 =	ssub.s32 @!p0 $0x0, s1;
	[sflag:s0] =	ssyncset.done @!p0 $0x0  }
0xb6: {  	[sflag:s0] =	ssyncadd.s32 @!p0 s1  }
0xb7: {  	[bflag:$0x3] =	sbarrier.arrive $0xFFFF  }
0xb8: {  	_ =	shalt  }

// kernel: kernel.20.cloned.1.call-start
scs
__scs_entry_jumppad:
0x0: {  	(pc) =	sbr.rel $0x88, $3  }
0x1: {  	(tag) =	ssettag $0x0;
	lr =	simm.s32 $0x1  }
0x2: {  	[smem:$0x3F7D] =	sst lr;
	_ =	strace $0xD0000000  }
0x3: {  	_ = 	snop  }
0x4: {  	_ = 	snop  }
0x5: {  	_ = 	snop  }
0x6: {  	_ = 	snop  }
0x7: {  	_ = 	snop  }
__scs_overlays_trampoline_lowered:
0x8: {  	[smem:$0x3F8C] =	sst s0  }
0x9: {  	[smem:$0x3F8D] =	sst s1  }
0xa: {  	[smem:$0x3F8E] =	sst s2  }
0xb: {  	[smem:$0x3F8F] =	sst s3  }
0xc: {  	[smem:$0x3F90] =	sst s4  }
0xd: {  	[smem:$0x3F91] =	sst s5  }
0xe: {  	[smem:$0x3F92] =	sst s6  }
0xf: {  	[smem:$0x3F93] =	sst s7  }
0x10: {  	[smem:$0x3F94] =	sst s8  }
0x11: {  	[smem:$0x3F95] =	sst s9;
	s0 =	simm.s32 @!p0 $0x0  }
0x12: {  	s1 =	sld [smem:$0x3F7B];
	s0 =	simm.s32 @p0 $0x1  }
0x13: {  	[smem:$0x3F96] =	sst s0;
	s0 =	simm.s32 @!p1 $0x0  }
0x14: {  	s2 =	sld [smem:$0x3F7A];
	s0 =	simm.s32 @p1 $0x1  }
0x15: {  	[smem:$0x3F97] =	sst s0;
	s0 =	simm.s32 @!p2 $0x0  }
0x16: {  	s3 =	sld [smem:$0x3FDB];
	s0 =	simm.s32 @p2 $0x1  }
0x17: {  	s4 =	simm.s32 $0x1BF5;
	[smem:$0x3F99] =	sst s0  }
0x18: {  	s0 =	sld [smem:$0x3F7C];
	_ =	swait.ge [sflag:s4], $0x0  }
0x19: {  	s7 =	sld [smem:$0x3F7D]  }
0x1a: {  	s8 =	sadd.s32 $0xFFFFE003, lr  }
0x1b: {  	s9 =	sadd.s32 $0xFFFFFEF7, lr;
	s5 =	simm.s32 $0xFFFFFFFF;
	p2 =	slt.u32 s8, $0xFFFFF086  }
0x1c: {  	p1 =	slt.u32 s9, $0xF7A;
	s5 =	simm.s32 @!p2 $0x0  }
0x1d: {  	s5 =	simm.s32 @p1 $0x1;
	p0 =	seq.s32 s7, s2  }
0x1e: {  	s7 =	smul.u32 @!p0 $0xF7A, s2;
	p2 =	seq.s32 @!p0 s5, $0x0  }
0x1f: {  	s9 =	smul.u32 $0xF7A, s1;
	s8 =	simm.s32 @!p0 $0x1BF5;
	p2 =	por !p2, p0  }
0x20: {  	[sflag:s8] =	ssyncset.s32 @!p0 $0xFFFFF086;
	s6 =	sadd.s32 @!p0 s3, s7;
	s7 =	simm.s32 @!p0 $0x108  }
0x21: {  	s3 =	sadd.s32 s3, s9;
	s6 =	sadd.s32 @!p0 $0x88, s6;
	s7 =	simm.s32 @p2 $0x1082  }
0x22: {  	[simem:s7], [sflag:s8] =	dma.local @!p0 [hbm:s6], $0xF7A  }
0x23: {  	s9 =	sor.u32 $0xD0000000, s2;
	s6 =	simm.s32 $0x108;
	_ =	swait.ge @!p0 [sflag:s8], $0x0  }
0x24: {  	s3 =	sadd.s32 $0x88, s3;
	s6 =	simm.s32 @!p1 $0x1082;
	[sflag:s4] =	ssyncset.s32 $0xFFFFF086  }
0x25: {  	[simem:s6], [sflag:s4] =	dma.local [hbm:s3], $0xF7A  }
0x26: {  	[smem:$0x3F7D] =	sst s1;
	(tag) =	ssettag s2;
	_ =	strace s9  }
0x27: {  	s1 =	sld [smem:$0x3F8D]  }
0x28: {  	s2 =	sld [smem:$0x3F8E]  }
0x29: {  	s4 =	sld [smem:$0x3F90]  }
0x2a: {  	p0 =	seq.s32 s5, $0x0;
	s5 =	sld [smem:$0x3F91]  }
0x2b: {  	s6 =	sld [smem:$0x3F92]  }
0x2c: {  	s7 =	sld [smem:$0x3F93]  }
0x2d: {  	s3 =	simm.s32 $0x108;
	s8 =	sld [smem:$0x3F94]  }
0x2e: {  	s3 =	simm.s32 @!p0 $0x1082;
	s9 =	sld [smem:$0x3F95]  }
0x2f: {  	lr =	sadd.s32 s0, s3;
	s0 =	sld [smem:$0x3F8C]  }
0x30: {  	s3 =	sld [smem:$0x3F8F]  }
0x31: {  	[smem:$0x3F98] =	sst s10  }
0x32: {  	s10 =	sld [smem:$0x3F96];
	_ =	sdelay $0x3  }
0x33: {  	p0 =	seq.s32 s10, $0x1;
	s10 =	sld [smem:$0x3F98];
	_ =	sdelay $0x3  }
0x34: {  	[smem:$0x3F98] =	sst s10  }
0x35: {  	s10 =	sld [smem:$0x3F97];
	_ =	sdelay $0x3  }
0x36: {  	p1 =	seq.s32 s10, $0x1;
	s10 =	sld [smem:$0x3F98];
	_ =	sdelay $0x3  }
0x37: {  	[smem:$0x3F98] =	sst s10  }
0x38: {  	s10 =	sld [smem:$0x3F99]  }
0x39: {  	_ = 	snop;
	(pc) =	sbr.ind lr, $3  }
0x3a: {  	_ = 	snop  }
0x3b: {  	_ = 	snop  }
0x3c: {  	p2 =	seq.s32 s10, $0x1;
	s10 =	sld [smem:$0x3F98]  }
0x3d: {  	_ =	shalt  }
0x3e: {  	_ =	shalt  }
0x3f: {  	_ =	shalt  }
0x40: {  	_ =	shalt  }
0x41: {  	_ =	shalt  }
0x42: {  	_ =	shalt  }
0x43: {  	_ =	shalt  }
0x44: {  	_ =	shalt  }
0x45: {  	_ =	shalt  }
0x46: {  	_ =	shalt  }
0x47: {  	_ =	shalt  }
0x48: {  	_ =	shalt  }
0x49: {  	_ =	shalt  }
0x4a: {  	_ =	shalt  }
0x4b: {  	_ =	shalt  }
0x4c: {  	_ =	shalt  }
0x4d: {  	_ =	shalt  }
0x4e: {  	_ =	shalt  }
0x4f: {  	_ =	shalt  }
0x50: {  	_ =	shalt  }
0x51: {  	_ =	shalt  }
0x52: {  	_ =	shalt  }
0x53: {  	_ =	shalt  }
0x54: {  	_ =	shalt  }
0x55: {  	_ =	shalt  }
0x56: {  	_ =	shalt  }
0x57: {  	_ =	shalt  }
0x58: {  	_ =	shalt  }
0x59: {  	_ =	shalt  }
0x5a: {  	_ =	shalt  }
0x5b: {  	_ =	shalt  }
0x5c: {  	_ =	shalt  }
0x5d: {  	_ =	shalt  }
0x5e: {  	_ =	shalt  }
0x5f: {  	_ =	shalt  }
0x60: {  	_ =	shalt  }
0x61: {  	_ =	shalt  }
0x62: {  	_ =	shalt  }
0x63: {  	_ =	shalt  }
0x64: {  	_ =	shalt  }
0x65: {  	_ =	shalt  }
0x66: {  	_ =	shalt  }
0x67: {  	_ =	shalt  }
0x68: {  	_ =	shalt  }
0x69: {  	_ =	shalt  }
0x6a: {  	_ =	shalt  }
0x6b: {  	_ =	shalt  }
0x6c: {  	_ =	shalt  }
0x6d: {  	_ =	shalt  }
0x6e: {  	_ =	shalt  }
0x6f: {  	_ =	shalt  }
0x70: {  	_ =	shalt  }
0x71: {  	_ =	shalt  }
0x72: {  	_ =	shalt  }
0x73: {  	_ =	shalt  }
0x74: {  	_ =	shalt  }
0x75: {  	_ =	shalt  }
0x76: {  	_ =	shalt  }
0x77: {  	_ =	shalt  }
0x78: {  	_ =	shalt  }
0x79: {  	_ =	shalt  }
0x7a: {  	_ =	shalt  }
0x7b: {  	_ =	shalt  }
0x7c: {  	_ =	shalt  }
0x7d: {  	_ =	shalt  }
0x7e: {  	_ =	shalt  }
0x7f: {  	_ =	shalt  }
0x80: {  	_ =	shalt  }
0x81: {  	_ =	shalt  }
0x82: {  	_ =	shalt  }
0x83: {  	_ =	shalt  }
0x84: {  	_ =	shalt  }
0x85: {  	_ =	shalt  }
0x86: {  	_ =	shalt  }
0x87: {  	_ =	shalt  }
.Lfunc_end0:
.L_simem_size_0:
called_computation.2_lowered:
.L_overlay_start_0:
0x88: {  	s2 =	sld [smem:$0x3FD9]  }
0x89: {  	s3 =	sld [smem:$0x3FFE];
	_ =	sdelay $0x1  }
0x8a: {  	s1 =	srdreg.scid  }
0x8b: {  	s0 =	sand.u32 $0x1, s1  }
0x8c: {  	s17 =	sshll.u32 s0, $0xA;
	s2 =	sadd.s32 s3, s2  }
0x8d: {  	s2 =	sadd.s32 s2, s17  }
0x8e: {  	[smem:$0x3FA4] =	sst s2  }
0x8f: {  	_ = 	snop  }
0x90: {  	(tm) =	ssettm $0x1  }
0x91: {  	s18 =	sld [smem:$0x3FFB];
	_ =	sdelay $0x3  }
0x92: {  	_ =	strace s18  }
0x93: {  	s2 =	sld [smem:$0x3FFC];
	_ =	sdelay $0x3  }
0x94: {  	_ =	strace s2  }
0x95: {  	s2 =	sld [smem:$0x3FFD];
	_ =	sdelay $0x3  }
0x96: {  	_ =	strace s2  }
0x97: {  	_ =	strace $0x8FFFFFFF  }
0x98: {  	s19 =	sld [smem:$0x3FDB];
	_ =	sdelay $0x1  }
0x99: {  	s20 =	simm.s32 $_scs_section_size  }
0x9a: {  	s4 =	simm.s32 $_size__tile_overlayer_lowered;
	s5 =	simm.s32 $_tile_overlayer_lowered  }
0x9b: {  	s6 =	simm.s32 $0x1BFF;
	s21 =	sshll.u32 s5, $0x1;
	s3 =	sadd.s32 s20, s19  }
0x9c: {  	s22 =	simm.s32 $0x0;
	s4 =	sshll.u32 s4, $0x1;
	s5 =	sadd.s32 s21, s3  }
0x9d: {  	[timem:s22], [sflag:s6] =	dma.local [hbm:s5], s4  }
0x9e: {  	_ =	swait.ge [sflag:s6], s4  }
0x9f: {  	s4 =	ssub.s32 $0x0, s4;
	[sflag:s6] =	ssyncset.done $0x0  }
0xa0: {  	[sflag:s6] =	ssyncadd.s32 s4;
	_ =	sdelay $0x1  }
0xa1: {  	s23 =	simm.s32 $0x1B8B  }
0xa2: {  	_ =	swait.ge [sflag:s23], $0x1  }
0xa3: {  	[sflag:s23] =	ssyncset.done $0x0  }
0xa4: {  	[sflag:s23] =	ssyncadd.s32 $0xFFFFFFFF  }
0xa5: {  	s4 =	sld [smem:$0x0]  }
0xa6: {  	s5 =	sand.u32 $0xFFFFFFFE, s1  }
0xa7: {  	p0 =	sne.s32 s1, s5  }
0xa8: {  	s5 =	sshll.u32 @p0 s5, $0xE  }
0xa9: {  	s5 =	sadd.s32 @p0 $0x11B8D, s5;
	s6 =	sshll.u32 @p0 s4, $0x11  }
0xaa: {  	s5 =	sor.u32 @p0 s6, s5  }
0xab: {  	[sflag:s5] =	ssyncadd.remote.s32 @p0 $0x1;
	_ =	sdelay $0x1  }
0xac: {  	s5 =	simm.s32 @p0 $0x1B8D  }
0xad: {  	_ =	swait.eq @p0 [sflag:s5], $0x1  }
0xae: {  	[sflag:s5] =	ssyncadd.s32 @p0 $0xFFFFFFFF  }
0xaf: {  	s6 =	sshll.u32 @!p0 s1, $0xE  }
0xb0: {  	s6 =	sor.u32 @!p0 $0x4000, s6;
	s5 =	simm.s32 @!p0 $0x1B8D  }
0xb1: {  	s4 =	sshll.u32 @!p0 s4, $0x11;
	s6 =	sadd.s32 @!p0 $0x11B8D, s6;
	_ =	swait.eq @!p0 [sflag:s5], $0x1  }
0xb2: {  	s4 =	sor.u32 @!p0 s4, s6;
	[sflag:s5] =	ssyncadd.s32 @!p0 $0xFFFFFFFF  }
0xb3: {  	s25 =	simm.s32 $0x1B8E;
	s24 =	sld [smem:$0x3FFE];
	[sflag:s4] =	ssyncadd.remote.s32 @!p0 $0x1  }
0xb4: {  	s26 =	simm.s32 $execute0_lowered;
	[smem:$0x3FD2] =	sst s25  }
0xb5: {  	s5 =	sshll.u32 s26, $0x1;
	_ =	strace $0x8000004C;
	[dreg:$0x1] =	wrdreg $0xFFFFFFFF  }
0xb6: {  	s28 =	simm.s32 $_size_execute0_lowered;
	s3 =	sadd.s32 s3, s5;
	[dreg:$0x0] =	wrdreg $0x0  }
0xb7: {  	s5 =	sshll.u32 s28, $0x1;
	[dreg:$0x2] =	wrdreg s3  }
0xb8: {  	[dreg:$0x3] =	wrdreg s5  }
0xb9: {  	[dreg:$0x4] =	wrdreg $0xC0  }
0xba: {  	_ =	task [dreg:s22], $0x5FFFF  }
0xbb: {  	[dreg:$0x1] =	wrdreg $0xFFFFFFFF  }
0xbc: {  	[dreg:$0x0] =	wrdreg $0x60  }
0xbd: {  	[dreg:$0x2] =	wrdreg s24  }
0xbe: {  	[dreg:$0x3] =	wrdreg $0xD0000  }
0xbf: {  	[dreg:$0x4] =	wrdreg $0xB  }
0xc0: {  	_ =	task.clear_ibuf [dreg:s22], $0x5FFFF;
	_ =	strace $0x9000004C  }
0xc1: {  	s29 =	simm.s32 $0xB;
	_ =	strace $0x8000004E  }
0xc2: {  	_ =	swait.ge [sflag:s29], $0x1  }
0xc3: {  	[sflag:s29] =	ssyncadd.s32 $0xFFFFFFFF  }
0xc4: {  	_ =	strace $0x9000004E  }
0xc5: {  	_ =	sfence  }
0xc6: {  	s30 =	sld [smem:$0x0];
	_ =	sdelay $0x2  }
0xc7: {  	s31 =	sshll.u32 s1, $0xD;
	s1 =	sshrl.u32 s1, $0x2  }
0xc8: {  	s4 =	sand.u32 $0x4000, s31;
	s1 =	sadd.s32 s1, s30  }
0xc9: {  	s0 =	sor.u32 s4, s0;
	s1 =	sshll.u32 s1, $0x11  }
0xca: {  	s0 =	sor.u32 s1, s0  }
0xcb: {  	s0 =	sadd.s32 $0x8F2B, s0  }
0xcc: {  	[sflag:s0] =	ssyncadd.remote.s32 $0x1  }
0xcd: {  	_ =	sfence.sel $0xFFFF  }
0xce: {  	[dreg:$0x0] =	wrdreg $0xFFFFFFFF;
	(pc) =	sbr.abs _section_cstart, $3  }
0xcf: {  	[dreg:$0x1] =	wrdreg $0xFFFFFFFF  }
0xd0: {  	_ =	task.clear_ibuf [dreg:s22], $0x2FFFF;
	_ =	strace $0x9FFFFFFF  }
0xd1: {  	(tm) =	ssettm $0x7FFFFFFF  }
tec
execute0_lowered:
.L_overlay_start_1:
0x0: {  	(tag) =	ssettag $0x1  }
0x1: {  	s0 =	rddreg [dreg:$0x0]  }
0x2: {  	s1 =	rddreg [dreg:$0x1];
	s2 =	simm.s32 $0x0  }
0x3: {  	s6 =	srdreg.scid;
	s18 =	stileid.u32;
	s23 =	simm.s32 $0x2  }
0x4: {  	s24 =	simm.s32 $0x4000;
	s25 =	simm.s32 $0xC000;
	s26 =	simm.s32 $0x8000  }
0x5: {  	s28 =	simm.s32 $0x80;
	s29 =	simm.s32 $0x0;
	[smem:$0x7FF] =	sst s2  }
0x6: {  	s3 =	sadd.s32 $0xD8C00, s0;
	s4 =	sadd.s32 $0xF8C00, s0;
	s5 =	sadd.s32 $0x26400, s0  }
0x7: {  	s13 =	sand.u32 $0x1, s6;
	s6 =	sadd.s32 $0xFAC00, s0;
	s7 =	sshll.u32 s18, $0x9  }
0x8: {  	s8 =	sshll.u32 s18, $0xF;
	s11 =	sshll.u32 s18, $0x6;
	s15 =	sshll.u32 s18, $0x2  }
0x9: {  	s14 =	sshll.u32 s18, $0xD;
	s20 =	sshllo.u32 s18, $0x2;
	_ =	strace $0x8000004D  }
0xa: {  	s9 =	ssub.s32 $0x2, s13;
	s0 =	sadd.s32 s7, s0;
	s30 =	sadd.s32 s8, s1  }
0xb: {  	s11 =	sor.u32 $0x1C02, s11;
	s13 =	sshll.u32 s13, $0x1;
	s14 =	sadd.s32 s3, s14  }
0xc: {  	s17 =	sor.u32 $0x1, s15;
	s19 =	sor.u32 $0x2, s15;
	s18 =	sshll.u32 s20, $0xB  }
0xd: {  	s20 =	sshll.u32 s20, $0x7;
	s10 =	sshrl.u32 s9, $0x1;
	[dreg:$0x3] =	wrdreg s30  }
0xe: {  	s31 =	sshll.u32 s17, $0xB;
	s16 =	sshll.u32 s19, $0xB;
	s17 =	sshll.u32 s17, $0x7  }
0xf: {  	s18 =	sadd.s32 s3, s18;
	s19 =	sshll.u32 s19, $0x7;
	s21 =	sadd.s32 $0x13AC00, s0  }
0x10: {  	s22 =	ssub.s32 s9, s10;
	s9 =	sor.u32 $0x4000, s8;
	s15 =	sadd.s32 s3, s31  }
0x11: {  	v0 =	vimm.f32 $1.000000000e+00;
	s16 =	sadd.s32 s3, s16;
	s12 =	sadd.s32 s9, s1;
	s22 =	smax.u32 s22, $0x1  }
.LBB2_1:
0x12: {  	s0 =	rddreg [dreg:$0x3]  }
0x13: {  	s30 =	sshrl.u32 s0, $0x3  }
0x14: {  	[spmem:s30], [sflag:s11] =	dma.local [hbm:s5], $0x800  }
0x15: {  	_ =	swait.ge [sflag:s23], $0x800  }
0x16: {  	[sflag:s23] =	ssyncset.done $0x0  }
0x17: {  	s31 =	sshrl.u32 s12, $0x3;
	[sflag:s23] =	ssyncadd.s32 $0xFFFFF800  }
0x18: {  	[spmem:s31], [sflag:s11] =	dma.local [hbm:s5], $0x800  }
0x19: {  	_ =	swait.ge [sflag:s23], $0x800  }
0x1a: {  	[sflag:s23] =	ssyncset.done $0x0  }
0x1b: {  	[sflag:s23] =	ssyncadd.s32 $0xFFFFF800  }
0x1c: {  	p0 =	por $0x1, $0x1;
	s0 =	simm.s32 $0x0;
	[bflag:$0x0] =	sbarrier.arrive $0xFFFF  }
.LBB2_2:
0x1d: {  	s3 =	sor.u32 s13, s0  }
0x1e: {  	[tilespmem:s24], [sflag:$0x1] =	stream.linear.gather [hbm4b:s14+s2], $0x4000, $0x38;
	[tilespmem:$0x15000] =	vst v63  }
0x1f: {  	s0 =	sshll.u32 s3, $0xB  }
0x20: {  	s0 =	sadd.s32 s4, s0  }
0x21: {  	[tilespmem:s2], [sflag:$0x2] =	stream.linear.gather [hbm4b:s0+s2], $0x4000, $0x38;
	[tilespmem:$0x15000] =	vst v63  }
0x22: {  	_ =	swait.ge [sflag:s23], $0x4000  }
0x23: {  	[sflag:s23] =	ssyncset.done $0x0  }
0x24: {  	[sflag:s23] =	ssyncadd.s32 $0xFFFFC000  }
0x25: {  	[tilespmem:s25], [sflag:$0x2] =	stream.linear.gather [hbm4b:s5+s2], $0x1000, $0x38;
	[tilespmem:$0x15000] =	vst v63  }
0x26: {  	_ =	swait.ge [sflag:s23], $0x1000  }
0x27: {  	[sflag:s23] =	ssyncset.done $0x0  }
0x28: {  	s0 =	simm.s32 $0x1;
	[sflag:s23] =	ssyncadd.s32 $0xFFFFF000  }
0x29: {  	_ =	swait.ge [sflag:s0], $0x4000  }
0x2a: {  	[sflag:s0] =	ssyncset.done $0x0  }
0x2b: {  	[sflag:s0] =	ssyncadd.s32 $0xFFFFC000  }
0x2c: {  	[tilespmem:s26], [sflag:$0x1] =	stream.linear.gather [hbm4b:s15+s2], $0x4000, $0x38;
	[tilespmem:$0x15000] =	vst v63  }
0x2d: {  	_ = 	snop  }
0x2e: {  	[spmem:s1] =	stream.indirect.scatter.add.f32 [tilespmem:s24], [sflag:$0x2], $0x80, s7, s28, $0xb8;
	[tilespmem:$0x15000] =	vst v63  }
0x2f: {  	_ =	swait.ge [sflag:s23], $0x4000  }
0x30: {  	[sflag:s23] =	ssyncset.done $0x0  }
0x31: {  	[sflag:s23] =	ssyncadd.s32 $0xFFFFC000  }
0x32: {  	v1 =	vld [tilespmem:s7+$0x0];
	_ =	sdelay $0x7  }
0x33: {  	[tilespmem:v1+s25+$0x0] =	vst.idx.add.f32.msk $0xffff, v0  }
0x34: {  	v1 =	vld [tilespmem:s7+$0x10];
	_ =	sdelay $0x7  }
0x35: {  	[tilespmem:v1+s25+$0x0] =	vst.idx.add.f32.msk $0xffff, v0  }
0x36: {  	v1 =	vld [tilespmem:s7+$0x20];
	_ =	sdelay $0x7  }
0x37: {  	[tilespmem:v1+s25+$0x0] =	vst.idx.add.f32.msk $0xffff, v0  }
0x38: {  	v1 =	vld [tilespmem:s7+$0x30];
	_ =	sdelay $0x7  }
0x39: {  	[tilespmem:v1+s25+$0x0] =	vst.idx.add.f32.msk $0xffff, v0  }
0x3a: {  	v1 =	vld [tilespmem:s7+$0x40];
	_ =	sdelay $0x7  }
0x3b: {  	[tilespmem:v1+s25+$0x0] =	vst.idx.add.f32.msk $0xffff, v0  }
0x3c: {  	v1 =	vld [tilespmem:s7+$0x50];
	_ =	sdelay $0x7  }
0x3d: {  	[tilespmem:v1+s25+$0x0] =	vst.idx.add.f32.msk $0xffff, v0  }
0x3e: {  	v1 =	vld [tilespmem:s7+$0x60];
	_ =	sdelay $0x7  }
0x3f: {  	[tilespmem:v1+s25+$0x0] =	vst.idx.add.f32.msk $0xffff, v0  }
0x40: {  	v1 =	vld [tilespmem:s7+$0x70];
	_ =	sdelay $0x7  }
0x41: {  	[tilespmem:v1+s25+$0x0] =	vst.idx.add.f32.msk $0xffff, v0  }
0x42: {  	_ =	swait.ge [sflag:s0], $0x4000  }
0x43: {  	[sflag:s0] =	ssyncset.done $0x0  }
0x44: {  	[sflag:s0] =	ssyncadd.s32 $0xFFFFC000  }
0x45: {  	[tilespmem:s24], [sflag:$0x1] =	stream.linear.gather [hbm4b:s16+s2], $0x4000, $0x38;
	[tilespmem:$0x15000] =	vst v63  }
0x46: {  	_ = 	snop  }
0x47: {  	[spmem:s1] =	stream.indirect.scatter.add.f32 [tilespmem:s26], [sflag:$0x2], $0x80, s17, s28, $0xb8;
	[tilespmem:$0x15000] =	vst v63  }
0x48: {  	_ =	swait.ge [sflag:s23], $0x4000  }
0x49: {  	[sflag:s23] =	ssyncset.done $0x0  }
0x4a: {  	[sflag:s23] =	ssyncadd.s32 $0xFFFFC000  }
0x4b: {  	v1 =	vld [tilespmem:s17+$0x0];
	_ =	sdelay $0x7  }
0x4c: {  	[tilespmem:v1+s25+$0x0] =	vst.idx.add.f32.msk $0xffff, v0  }
0x4d: {  	v1 =	vld [tilespmem:s17+$0x10];
	_ =	sdelay $0x7  }
0x4e: {  	[tilespmem:v1+s25+$0x0] =	vst.idx.add.f32.msk $0xffff, v0  }
0x4f: {  	v1 =	vld [tilespmem:s17+$0x20];
	_ =	sdelay $0x7  }
0x50: {  	[tilespmem:v1+s25+$0x0] =	vst.idx.add.f32.msk $0xffff, v0  }
0x51: {  	v1 =	vld [tilespmem:s17+$0x30];
	_ =	sdelay $0x7  }
0x52: {  	[tilespmem:v1+s25+$0x0] =	vst.idx.add.f32.msk $0xffff, v0  }
0x53: {  	v1 =	vld [tilespmem:s17+$0x40];
	_ =	sdelay $0x7  }
0x54: {  	[tilespmem:v1+s25+$0x0] =	vst.idx.add.f32.msk $0xffff, v0  }
0x55: {  	v1 =	vld [tilespmem:s17+$0x50];
	_ =	sdelay $0x7  }
0x56: {  	[tilespmem:v1+s25+$0x0] =	vst.idx.add.f32.msk $0xffff, v0  }
0x57: {  	v1 =	vld [tilespmem:s17+$0x60];
	_ =	sdelay $0x7  }
0x58: {  	[tilespmem:v1+s25+$0x0] =	vst.idx.add.f32.msk $0xffff, v0  }
0x59: {  	v1 =	vld [tilespmem:s17+$0x70];
	_ =	sdelay $0x7  }
0x5a: {  	[tilespmem:v1+s25+$0x0] =	vst.idx.add.f32.msk $0xffff, v0  }
0x5b: {  	_ =	swait.ge [sflag:s0], $0x4000  }
0x5c: {  	[sflag:s0] =	ssyncset.done $0x0  }
0x5d: {  	[sflag:s0] =	ssyncadd.s32 $0xFFFFC000  }
0x5e: {  	[tilespmem:s26], [sflag:$0x1] =	stream.linear.gather [hbm4b:s18+s2], $0x4000, $0x38;
	[tilespmem:$0x15000] =	vst v63  }
0x5f: {  	_ = 	snop  }
0x60: {  	[spmem:s1] =	stream.indirect.scatter.add.f32 [tilespmem:s24], [sflag:$0x2], $0x80, s19, s28, $0xb8;
	[tilespmem:$0x15000] =	vst v63  }
0x61: {  	_ =	swait.ge [sflag:s23], $0x4000  }
0x62: {  	[sflag:s23] =	ssyncset.done $0x0  }
0x63: {  	[sflag:s23] =	ssyncadd.s32 $0xFFFFC000  }
0x64: {  	v1 =	vld [tilespmem:s19+$0x0];
	_ =	sdelay $0x7  }
0x65: {  	[tilespmem:v1+s25+$0x0] =	vst.idx.add.f32.msk $0xffff, v0  }
0x66: {  	v1 =	vld [tilespmem:s19+$0x10];
	_ =	sdelay $0x7  }
0x67: {  	[tilespmem:v1+s25+$0x0] =	vst.idx.add.f32.msk $0xffff, v0  }
0x68: {  	v1 =	vld [tilespmem:s19+$0x20];
	_ =	sdelay $0x7  }
0x69: {  	[tilespmem:v1+s25+$0x0] =	vst.idx.add.f32.msk $0xffff, v0  }
0x6a: {  	v1 =	vld [tilespmem:s19+$0x30];
	_ =	sdelay $0x7  }
0x6b: {  	[tilespmem:v1+s25+$0x0] =	vst.idx.add.f32.msk $0xffff, v0  }
0x6c: {  	v1 =	vld [tilespmem:s19+$0x40];
	_ =	sdelay $0x7  }
0x6d: {  	[tilespmem:v1+s25+$0x0] =	vst.idx.add.f32.msk $0xffff, v0  }
0x6e: {  	v1 =	vld [tilespmem:s19+$0x50];
	_ =	sdelay $0x7  }
0x6f: {  	[tilespmem:v1+s25+$0x0] =	vst.idx.add.f32.msk $0xffff, v0  }
0x70: {  	v1 =	vld [tilespmem:s19+$0x60];
	_ =	sdelay $0x7  }
0x71: {  	[tilespmem:v1+s25+$0x0] =	vst.idx.add.f32.msk $0xffff, v0  }
0x72: {  	v1 =	vld [tilespmem:s19+$0x70];
	_ =	sdelay $0x7  }
0x73: {  	[tilespmem:v1+s25+$0x0] =	vst.idx.add.f32.msk $0xffff, v0  }
0x74: {  	_ =	swait.ge [sflag:s0], $0x4000  }
0x75: {  	[sflag:s0] =	ssyncset.done $0x0  }
0x76: {  	[sflag:s0] =	ssyncadd.s32 $0xFFFFC000  }
0x77: {  	[spmem:s1] =	stream.indirect.scatter.add.f32 [tilespmem:s26], [sflag:$0x2], $0x80, s20, s28, $0xb8;
	[tilespmem:$0x15000] =	vst v63  }
0x78: {  	_ =	swait.ge [sflag:s23], $0x4000  }
0x79: {  	[sflag:s23] =	ssyncset.done $0x0  }
0x7a: {  	[sflag:s23] =	ssyncadd.s32 $0xFFFFC000  }
0x7b: {  	v1 =	vld [tilespmem:s20+$0x0];
	_ =	sdelay $0x7  }
0x7c: {  	[tilespmem:v1+s25+$0x0] =	vst.idx.add.f32.msk $0xffff, v0  }
0x7d: {  	v1 =	vld [tilespmem:s20+$0x10];
	_ =	sdelay $0x7  }
0x7e: {  	[tilespmem:v1+s25+$0x0] =	vst.idx.add.f32.msk $0xffff, v0  }
0x7f: {  	v1 =	vld [tilespmem:s20+$0x20];
	_ =	sdelay $0x7  }
0x80: {  	[tilespmem:v1+s25+$0x0] =	vst.idx.add.f32.msk $0xffff, v0  }
0x81: {  	v1 =	vld [tilespmem:s20+$0x30];
	_ =	sdelay $0x7  }
0x82: {  	[tilespmem:v1+s25+$0x0] =	vst.idx.add.f32.msk $0xffff, v0  }
0x83: {  	v1 =	vld [tilespmem:s20+$0x40];
	_ =	sdelay $0x7  }
0x84: {  	[tilespmem:v1+s25+$0x0] =	vst.idx.add.f32.msk $0xffff, v0  }
0x85: {  	v1 =	vld [tilespmem:s20+$0x50];
	_ =	sdelay $0x7  }
0x86: {  	[tilespmem:v1+s25+$0x0] =	vst.idx.add.f32.msk $0xffff, v0  }
0x87: {  	v1 =	vld [tilespmem:s20+$0x60];
	_ =	sdelay $0x7  }
0x88: {  	[tilespmem:v1+s25+$0x0] =	vst.idx.add.f32.msk $0xffff, v0  }
0x89: {  	v1 =	vld [tilespmem:s20+$0x70];
	_ =	sdelay $0x6  }
0x8a: {  	s10 =	sshll.u32 s3, $0xD  }
0x8b: {  	s10 =	sadd.s32 s10, s21;
	[tilespmem:v1+s25+$0x0] =	vst.idx.add.f32.msk $0xffff, v0  }
0x8c: {  	[hbm4b:s10+s2] =	stream.linear.scatter [tilespmem:s25], [sflag:$0x2], $0x1000, $0x38;
	[tilespmem:$0x15000] =	vst v63  }
0x8d: {  	s3 =	sshll.u32 s3, $0x13;
	_ =	swait.ge [sflag:s23], $0x1000  }
0x8e: {  	s10 =	sor.u32 s8, s3;
	[sflag:s23] =	ssyncset.done $0x0  }
0x8f: {  	s10 =	sshrl.u32 s10, $0x3;
	[sflag:s23] =	ssyncadd.s32 $0xFFFFF000  }
0x90: {  	s10 =	sadd.s32 s6, s10;
	[bflag:$0x0] =	sbarrier.arrive $0xFFFF  }
0x91: {  	[hbm:s10], [sflag:s11] =	dma.local [spmem:s30], $0x800  }
0x92: {  	_ =	swait.ge [sflag:s23], $0x800  }
0x93: {  	[sflag:s23] =	ssyncset.done $0x0  }
0x94: {  	[sflag:s23] =	ssyncadd.s32 $0xFFFFF800  }
0x95: {  	[spmem:s30], [sflag:s11] =	dma.local [hbm:s5], $0x800  }
0x96: {  	s3 =	sor.u32 s9, s3;
	_ =	swait.ge [sflag:s23], $0x800  }
0x97: {  	s3 =	sshrl.u32 s3, $0x3;
	[sflag:s23] =	ssyncset.done $0x0  }
0x98: {  	s3 =	sadd.s32 s6, s3;
	[sflag:s23] =	ssyncadd.s32 $0xFFFFF800  }
0x99: {  	[hbm:s3], [sflag:s11] =	dma.local [spmem:s31], $0x800  }
0x9a: {  	_ =	swait.ge [sflag:s23], $0x800  }
0x9b: {  	[sflag:s23] =	ssyncset.done $0x0  }
0x9c: {  	p1 =	por p0, p0;
	[sflag:s23] =	ssyncadd.s32 $0xFFFFF800  }
0x9d: {  	[spmem:s31], [sflag:s11] =	dma.local [hbm:s5], $0x800  }
.Ltmp0:
0x9e: {  	_ =	swait.ge [sflag:s23], $0x800;
	(pc) =	sbr.rel @p1 .LBB2_2-.Ltmp0, $4  }
0x9f: {  	[sflag:s23] =	ssyncset.done $0x0  }
0xa0: {  	[sflag:s23] =	ssyncadd.s32 $0xFFFFF800  }
0xa1: {  	[bflag:$0x0] =	sbarrier.arrive $0xFFFF  }
0xa2: {  	p0 =	por $0x0, $0x0  }
0xa3: {  	s29 =	sadd.s32 $0x1, s29  }
0xa4: {  	p0 =	sne.s32 s29, s22  }
.Ltmp1:
0xa5: {  	_ = 	snop;
	(pc) =	sbr.rel @p0 .LBB2_1-.Ltmp1, $1  }
0xa6: {  	_ =	sdelay $0x3  }
0xa7: {  	_ =	sfence.sel $0x180000  }
0xa8: {  	[bflag:$0x0] =	sbarrier.arrive $0xFFFF  }
0xa9: {  	_ =	strace $0x9000004D  }
0xaa: {  	s0 =	stileid.u32;
	[bflag:$0x2] =	sbarrier.arrive $0xFFFF  }
0xab: {  	p0 =	sne.s32 s0, $0x0;
	s0 =	rddreg [dreg:$0x2]  }
0xac: {  	s0 =	sadd.s32 @!p0 $0x100000, s0  }
0xad: {  	[sflag:s0] =	ssyncadd.tile.s32 @!p0 $0x1;
	_ =	shalt  }
.Lfunc_end2:
_tile_overlayer_lowered:
.L_overlay_start_2:
0xae: {  	(tag) =	ssettag $0x2  }
0xaf: {  	s0 =	rddreg [dreg:$0x0];
	s2 =	stileid.u32  }
0xb0: {  	s1 =	rddreg [dreg:$0x1];
	p0 =	sne.s32 s2, $0x0  }
0xb1: {  	s3 =	rddreg [dreg:$0x2];
	[bflag:$0x3] =	sbarrier.arrive $0xFFFF;
	s2 =	simm.s32 @!p0 $0x1C02  }
0xb2: {  	[timem:s3], [sflag:s2] =	dma.local @!p0 [hbm:s0], s1  }
0xb3: {  	s0 =	simm.s32 @!p0 $0x2  }
0xb4: {  	_ =	swait.ge @!p0 [sflag:s0], s1  }
0xb5: {  	s1 =	ssub.s32 @!p0 $0x0, s1;
	[sflag:s0] =	ssyncset.done @!p0 $0x0  }
0xb6: {  	[sflag:s0] =	ssyncadd.s32 @!p0 s1  }
0xb7: {  	[bflag:$0x3] =	sbarrier.arrive $0xFFFF  }
0xb8: {  	_ =	shalt  }

// kernel: kernel.23.cloned.1.call-start
scs
__scs_entry_jumppad:
0x0: {  	(pc) =	sbr.rel $0x88, $3  }
0x1: {  	(tag) =	ssettag $0x0;
	lr =	simm.s32 $0x1  }
0x2: {  	[smem:$0x3F7D] =	sst lr;
	_ =	strace $0xD0000000  }
0x3: {  	_ = 	snop  }
0x4: {  	_ = 	snop  }
0x5: {  	_ = 	snop  }
0x6: {  	_ = 	snop  }
0x7: {  	_ = 	snop  }
__scs_overlays_trampoline_lowered:
0x8: {  	[smem:$0x3F8C] =	sst s0  }
0x9: {  	[smem:$0x3F8D] =	sst s1  }
0xa: {  	[smem:$0x3F8E] =	sst s2  }
0xb: {  	[smem:$0x3F8F] =	sst s3  }
0xc: {  	[smem:$0x3F90] =	sst s4  }
0xd: {  	[smem:$0x3F91] =	sst s5  }
0xe: {  	[smem:$0x3F92] =	sst s6  }
0xf: {  	[smem:$0x3F93] =	sst s7  }
0x10: {  	[smem:$0x3F94] =	sst s8  }
0x11: {  	[smem:$0x3F95] =	sst s9;
	s0 =	simm.s32 @!p0 $0x0  }
0x12: {  	s1 =	sld [smem:$0x3F7B];
	s0 =	simm.s32 @p0 $0x1  }
0x13: {  	[smem:$0x3F96] =	sst s0;
	s0 =	simm.s32 @!p1 $0x0  }
0x14: {  	s2 =	sld [smem:$0x3F7A];
	s0 =	simm.s32 @p1 $0x1  }
0x15: {  	[smem:$0x3F97] =	sst s0;
	s0 =	simm.s32 @!p2 $0x0  }
0x16: {  	s3 =	sld [smem:$0x3FDB];
	s0 =	simm.s32 @p2 $0x1  }
0x17: {  	s4 =	simm.s32 $0x1BF5;
	[smem:$0x3F99] =	sst s0  }
0x18: {  	s0 =	sld [smem:$0x3F7C];
	_ =	swait.ge [sflag:s4], $0x0  }
0x19: {  	s7 =	sld [smem:$0x3F7D]  }
0x1a: {  	s8 =	sadd.s32 $0xFFFFE003, lr  }
0x1b: {  	s9 =	sadd.s32 $0xFFFFFEF7, lr;
	s5 =	simm.s32 $0xFFFFFFFF;
	p2 =	slt.u32 s8, $0xFFFFF086  }
0x1c: {  	p1 =	slt.u32 s9, $0xF7A;
	s5 =	simm.s32 @!p2 $0x0  }
0x1d: {  	s5 =	simm.s32 @p1 $0x1;
	p0 =	seq.s32 s7, s2  }
0x1e: {  	s7 =	smul.u32 @!p0 $0xF7A, s2;
	p2 =	seq.s32 @!p0 s5, $0x0  }
0x1f: {  	s9 =	smul.u32 $0xF7A, s1;
	s8 =	simm.s32 @!p0 $0x1BF5;
	p2 =	por !p2, p0  }
0x20: {  	[sflag:s8] =	ssyncset.s32 @!p0 $0xFFFFF086;
	s6 =	sadd.s32 @!p0 s3, s7;
	s7 =	simm.s32 @!p0 $0x108  }
0x21: {  	s3 =	sadd.s32 s3, s9;
	s6 =	sadd.s32 @!p0 $0x88, s6;
	s7 =	simm.s32 @p2 $0x1082  }
0x22: {  	[simem:s7], [sflag:s8] =	dma.local @!p0 [hbm:s6], $0xF7A  }
0x23: {  	s9 =	sor.u32 $0xD0000000, s2;
	s6 =	simm.s32 $0x108;
	_ =	swait.ge @!p0 [sflag:s8], $0x0  }
0x24: {  	s3 =	sadd.s32 $0x88, s3;
	s6 =	simm.s32 @!p1 $0x1082;
	[sflag:s4] =	ssyncset.s32 $0xFFFFF086  }
0x25: {  	[simem:s6], [sflag:s4] =	dma.local [hbm:s3], $0xF7A  }
0x26: {  	[smem:$0x3F7D] =	sst s1;
	(tag) =	ssettag s2;
	_ =	strace s9  }
0x27: {  	s1 =	sld [smem:$0x3F8D]  }
0x28: {  	s2 =	sld [smem:$0x3F8E]  }
0x29: {  	s4 =	sld [smem:$0x3F90]  }
0x2a: {  	p0 =	seq.s32 s5, $0x0;
	s5 =	sld [smem:$0x3F91]  }
0x2b: {  	s6 =	sld [smem:$0x3F92]  }
0x2c: {  	s7 =	sld [smem:$0x3F93]  }
0x2d: {  	s3 =	simm.s32 $0x108;
	s8 =	sld [smem:$0x3F94]  }
0x2e: {  	s3 =	simm.s32 @!p0 $0x1082;
	s9 =	sld [smem:$0x3F95]  }
0x2f: {  	lr =	sadd.s32 s0, s3;
	s0 =	sld [smem:$0x3F8C]  }
0x30: {  	s3 =	sld [smem:$0x3F8F]  }
0x31: {  	[smem:$0x3F98] =	sst s10  }
0x32: {  	s10 =	sld [smem:$0x3F96];
	_ =	sdelay $0x3  }
0x33: {  	p0 =	seq.s32 s10, $0x1;
	s10 =	sld [smem:$0x3F98];
	_ =	sdelay $0x3  }
0x34: {  	[smem:$0x3F98] =	sst s10  }
0x35: {  	s10 =	sld [smem:$0x3F97];
	_ =	sdelay $0x3  }
0x36: {  	p1 =	seq.s32 s10, $0x1;
	s10 =	sld [smem:$0x3F98];
	_ =	sdelay $0x3  }
0x37: {  	[smem:$0x3F98] =	sst s10  }
0x38: {  	s10 =	sld [smem:$0x3F99]  }
0x39: {  	_ = 	snop;
	(pc) =	sbr.ind lr, $3  }
0x3a: {  	_ = 	snop  }
0x3b: {  	_ = 	snop  }
0x3c: {  	p2 =	seq.s32 s10, $0x1;
	s10 =	sld [smem:$0x3F98]  }
0x3d: {  	_ =	shalt  }
0x3e: {  	_ =	shalt  }
0x3f: {  	_ =	shalt  }
0x40: {  	_ =	shalt  }
0x41: {  	_ =	shalt  }
0x42: {  	_ =	shalt  }
0x43: {  	_ =	shalt  }
0x44: {  	_ =	shalt  }
0x45: {  	_ =	shalt  }
0x46: {  	_ =	shalt  }
0x47: {  	_ =	shalt  }
0x48: {  	_ =	shalt  }
0x49: {  	_ =	shalt  }
0x4a: {  	_ =	shalt  }
0x4b: {  	_ =	shalt  }
0x4c: {  	_ =	shalt  }
0x4d: {  	_ =	shalt  }
0x4e: {  	_ =	shalt  }
0x4f: {  	_ =	shalt  }
0x50: {  	_ =	shalt  }
0x51: {  	_ =	shalt  }
0x52: {  	_ =	shalt  }
0x53: {  	_ =	shalt  }
0x54: {  	_ =	shalt  }
0x55: {  	_ =	shalt  }
0x56: {  	_ =	shalt  }
0x57: {  	_ =	shalt  }
0x58: {  	_ =	shalt  }
0x59: {  	_ =	shalt  }
0x5a: {  	_ =	shalt  }
0x5b: {  	_ =	shalt  }
0x5c: {  	_ =	shalt  }
0x5d: {  	_ =	shalt  }
0x5e: {  	_ =	shalt  }
0x5f: {  	_ =	shalt  }
0x60: {  	_ =	shalt  }
0x61: {  	_ =	shalt  }
0x62: {  	_ =	shalt  }
0x63: {  	_ =	shalt  }
0x64: {  	_ =	shalt  }
0x65: {  	_ =	shalt  }
0x66: {  	_ =	shalt  }
0x67: {  	_ =	shalt  }
0x68: {  	_ =	shalt  }
0x69: {  	_ =	shalt  }
0x6a: {  	_ =	shalt  }
0x6b: {  	_ =	shalt  }
0x6c: {  	_ =	shalt  }
0x6d: {  	_ =	shalt  }
0x6e: {  	_ =	shalt  }
0x6f: {  	_ =	shalt  }
0x70: {  	_ =	shalt  }
0x71: {  	_ =	shalt  }
0x72: {  	_ =	shalt  }
0x73: {  	_ =	shalt  }
0x74: {  	_ =	shalt  }
0x75: {  	_ =	shalt  }
0x76: {  	_ =	shalt  }
0x77: {  	_ =	shalt  }
0x78: {  	_ =	shalt  }
0x79: {  	_ =	shalt  }
0x7a: {  	_ =	shalt  }
0x7b: {  	_ =	shalt  }
0x7c: {  	_ =	shalt  }
0x7d: {  	_ =	shalt  }
0x7e: {  	_ =	shalt  }
0x7f: {  	_ =	shalt  }
0x80: {  	_ =	shalt  }
0x81: {  	_ =	shalt  }
0x82: {  	_ =	shalt  }
0x83: {  	_ =	shalt  }
0x84: {  	_ =	shalt  }
0x85: {  	_ =	shalt  }
0x86: {  	_ =	shalt  }
0x87: {  	_ =	shalt  }
.Lfunc_end0:
.L_simem_size_0:
called_computation.3_lowered:
.L_overlay_start_0:
0x88: {  	s2 =	sld [smem:$0x3FD9]  }
0x89: {  	s3 =	sld [smem:$0x3FFE];
	_ =	sdelay $0x1  }
0x8a: {  	s1 =	srdreg.scid  }
0x8b: {  	s0 =	sand.u32 $0x1, s1  }
0x8c: {  	s15 =	sshll.u32 s0, $0xA;
	s2 =	sadd.s32 s3, s2  }
0x8d: {  	s2 =	sadd.s32 s2, s15  }
0x8e: {  	[smem:$0x3FA4] =	sst s2  }
0x8f: {  	_ = 	snop  }
0x90: {  	s2 =	sld [smem:$0x3FD0];
	_ =	sdelay $0x2  }
0x91: {  	s16 =	simm.s32 $0xD;
	s4 =	simm.s32 $0x10  }
0x92: {  	[smem:s4], [sflag:s16] =	dma.local [hbm:s2], $0x1  }
0x93: {  	_ =	swait.eq [sflag:s16], $0x1  }
0x94: {  	[sflag:s16] =	ssyncset.done $0x0  }
0x95: {  	[sflag:s16] =	ssyncadd.s32 $0xFFFFFFFF  }
0x96: {  	s17 =	sld [smem:$0x10];
	(tm) =	ssettm $0x1  }
0x97: {  	s18 =	sld [smem:$0x3FFB];
	_ =	sdelay $0x3  }
0x98: {  	_ =	strace s18  }
0x99: {  	s2 =	sld [smem:$0x3FFC];
	_ =	sdelay $0x3  }
0x9a: {  	_ =	strace s2  }
0x9b: {  	s2 =	sld [smem:$0x3FFD];
	_ =	sdelay $0x3  }
0x9c: {  	_ =	strace s2  }
0x9d: {  	_ =	strace $0x8FFFFFFF  }
0x9e: {  	s19 =	sld [smem:$0x3FDB];
	_ =	sdelay $0x1  }
0x9f: {  	s20 =	simm.s32 $_scs_section_size  }
0xa0: {  	s5 =	simm.s32 $_size__tile_overlayer_lowered;
	s6 =	simm.s32 $_tile_overlayer_lowered  }
0xa1: {  	s7 =	simm.s32 $0x1BFF;
	s21 =	sshll.u32 s6, $0x1;
	s4 =	sadd.s32 s20, s19  }
0xa2: {  	s22 =	simm.s32 $0x0;
	s5 =	sshll.u32 s5, $0x1;
	s6 =	sadd.s32 s21, s4  }
0xa3: {  	[timem:s22], [sflag:s7] =	dma.local [hbm:s6], s5  }
0xa4: {  	_ =	swait.ge [sflag:s7], s5  }
0xa5: {  	s5 =	ssub.s32 $0x0, s5;
	[sflag:s7] =	ssyncset.done $0x0  }
0xa6: {  	[sflag:s7] =	ssyncadd.s32 s5;
	_ =	sdelay $0x1  }
0xa7: {  	s23 =	simm.s32 $0x1B8B  }
0xa8: {  	_ =	swait.ge [sflag:s23], $0x1  }
0xa9: {  	[sflag:s23] =	ssyncset.done $0x0  }
0xaa: {  	[sflag:s23] =	ssyncadd.s32 $0xFFFFFFFF  }
0xab: {  	s5 =	sld [smem:$0x0]  }
0xac: {  	s6 =	sand.u32 $0xFFFFFFFE, s1  }
0xad: {  	p0 =	sne.s32 s1, s6  }
0xae: {  	s6 =	sshll.u32 @p0 s6, $0xE  }
0xaf: {  	s6 =	sadd.s32 @p0 $0x11B8D, s6;
	s7 =	sshll.u32 @p0 s5, $0x11  }
0xb0: {  	s6 =	sor.u32 @p0 s7, s6  }
0xb1: {  	[sflag:s6] =	ssyncadd.remote.s32 @p0 $0x1;
	_ =	sdelay $0x1  }
0xb2: {  	s6 =	simm.s32 @p0 $0x1B8D  }
0xb3: {  	_ =	swait.eq @p0 [sflag:s6], $0x1  }
0xb4: {  	[sflag:s6] =	ssyncadd.s32 @p0 $0xFFFFFFFF  }
0xb5: {  	s7 =	sshll.u32 @!p0 s1, $0xE  }
0xb6: {  	s7 =	sor.u32 @!p0 $0x4000, s7;
	s6 =	simm.s32 @!p0 $0x1B8D  }
0xb7: {  	s5 =	sshll.u32 @!p0 s5, $0x11;
	s7 =	sadd.s32 @!p0 $0x11B8D, s7;
	_ =	swait.eq @!p0 [sflag:s6], $0x1  }
0xb8: {  	s5 =	sor.u32 @!p0 s5, s7;
	[sflag:s6] =	ssyncadd.s32 @!p0 $0xFFFFFFFF  }
0xb9: {  	s25 =	simm.s32 $0x1B8E;
	s24 =	sld [smem:$0x3FFE];
	[sflag:s5] =	ssyncadd.remote.s32 @!p0 $0x1  }
0xba: {  	s26 =	simm.s32 $execute0_lowered;
	[smem:$0x3FD2] =	sst s25  }
0xbb: {  	s6 =	sshll.u32 s26, $0x1;
	_ =	strace $0x8000004F;
	[dreg:$0x1] =	wrdreg $0xFFFFFFFF  }
0xbc: {  	s28 =	simm.s32 $_size_execute0_lowered;
	s4 =	sadd.s32 s4, s6;
	[dreg:$0x0] =	wrdreg $0x0  }
0xbd: {  	s6 =	sshll.u32 s28, $0x1;
	[dreg:$0x2] =	wrdreg s4  }
0xbe: {  	[dreg:$0x3] =	wrdreg s6  }
0xbf: {  	[dreg:$0x4] =	wrdreg $0xC0  }
0xc0: {  	_ =	task [dreg:s22], $0x5FFFF  }
0xc1: {  	[dreg:$0x1] =	wrdreg $0xFFFFFFFF  }
0xc2: {  	[dreg:$0x0] =	wrdreg $0x60  }
0xc3: {  	[dreg:$0x2] =	wrdreg s24  }
0xc4: {  	[dreg:$0x3] =	wrdreg s17  }
0xc5: {  	[dreg:$0x4] =	wrdreg $0xD0000  }
0xc6: {  	[dreg:$0x5] =	wrdreg $0xC  }
0xc7: {  	_ =	task.clear_ibuf [dreg:s22], $0x6FFFF;
	_ =	strace $0x9000004F  }
0xc8: {  	s29 =	simm.s32 $0xC;
	_ =	strace $0x80000051  }
0xc9: {  	_ =	swait.ge [sflag:s29], $0x1  }
0xca: {  	[sflag:s29] =	ssyncadd.s32 $0xFFFFFFFF  }
0xcb: {  	_ =	strace $0x90000051  }
0xcc: {  	_ =	sfence  }
0xcd: {  	s30 =	sld [smem:$0x0];
	_ =	sdelay $0x2  }
0xce: {  	s31 =	sshll.u32 s1, $0xD;
	s1 =	sshrl.u32 s1, $0x2  }
0xcf: {  	s4 =	sand.u32 $0x4000, s31;
	s1 =	sadd.s32 s1, s30  }
0xd0: {  	s0 =	sor.u32 s4, s0;
	s1 =	sshll.u32 s1, $0x11  }
0xd1: {  	s0 =	sor.u32 s1, s0  }
0xd2: {  	s0 =	sadd.s32 $0x8F2B, s0  }
0xd3: {  	[sflag:s0] =	ssyncadd.remote.s32 $0x1  }
0xd4: {  	_ =	sfence.sel $0xFFFF  }
0xd5: {  	[dreg:$0x0] =	wrdreg $0xFFFFFFFF;
	(pc) =	sbr.abs _section_cstart, $3  }
0xd6: {  	[dreg:$0x1] =	wrdreg $0xFFFFFFFF  }
0xd7: {  	_ =	task.clear_ibuf [dreg:s22], $0x2FFFF;
	_ =	strace $0x9FFFFFFF  }
0xd8: {  	(tm) =	ssettm $0x7FFFFFFF  }
0xd9: {  	_ =	shalt  }
tec
execute0_lowered:
.L_overlay_start_1:
0x0: {  	(tag) =	ssettag $0x1  }
0x1: {  	s0 =	rddreg [dreg:$0x0]  }
0x2: {  	s1 =	rddreg [dreg:$0x1]  }
0x3: {  	s2 =	rddreg [dreg:$0x2]  }
0x4: {  	s3 =	simm.s32 $0x0;
	s6 =	srdreg.scid;
	s18 =	stileid.u32  }
0x5: {  	s23 =	simm.s32 $0x2;
	s24 =	simm.s32 $0x4000;
	s25 =	simm.s32 $0xC000  }
0x6: {  	s26 =	simm.s32 $0x8000;
	s28 =	simm.s32 $0x80;
	[smem:$0x7FF] =	sst s3  }
0x7: {  	s29 =	simm.s32 $0x0;
	s4 =	sadd.s32 $0x142C00, s0;
	s5 =	sadd.s32 $0x162C00, s0  }
0x8: {  	s13 =	sand.u32 $0x1, s6;
	s6 =	sadd.s32 $0x26400, s0;
	s7 =	sshll.u32 s18, $0x9  }
0x9: {  	s8 =	sshll.u32 s18, $0xF;
	s11 =	sshll.u32 s18, $0x6;
	s15 =	sshll.u32 s18, $0x2  }
0xa: {  	s14 =	sshll.u32 s18, $0xD;
	s20 =	sshllo.u32 s18, $0x2;
	_ =	strace $0x80000050  }
0xb: {  	s9 =	ssub.s32 $0x2, s13;
	s0 =	sadd.s32 s7, s0;
	s30 =	sadd.s32 s8, s2  }
0xc: {  	s11 =	sor.u32 $0x1C02, s11;
	s13 =	sshll.u32 s13, $0x1;
	s14 =	sadd.s32 s4, s14  }
0xd: {  	s17 =	sor.u32 $0x1, s15;
	s19 =	sor.u32 $0x2, s15;
	s18 =	sshll.u32 s20, $0xB  }
0xe: {  	s20 =	sshll.u32 s20, $0x7;
	s10 =	sshrl.u32 s9, $0x1;
	[dreg:$0x4] =	wrdreg s30  }
0xf: {  	s31 =	sshll.u32 s17, $0xB;
	s16 =	sshll.u32 s19, $0xB;
	s17 =	sshll.u32 s17, $0x7  }
0x10: {  	s18 =	sadd.s32 s4, s18;
	s19 =	sshll.u32 s19, $0x7;
	s21 =	sadd.s32 $0x164C00, s0  }
0x11: {  	s22 =	ssub.s32 s9, s10;
	s9 =	sor.u32 $0x4000, s8;
	s15 =	sadd.s32 s4, s31  }
0x12: {  	v0 =	vimm.f32 $1.000000000e+00;
	s16 =	sadd.s32 s4, s16;
	s12 =	sadd.s32 s9, s2;
	s22 =	smax.u32 s22, $0x1  }
.LBB2_1:
0x13: {  	s0 =	rddreg [dreg:$0x4]  }
0x14: {  	s30 =	sshrl.u32 s0, $0x3  }
0x15: {  	[spmem:s30], [sflag:s11] =	dma.local [hbm:s6], $0x800  }
0x16: {  	_ =	swait.ge [sflag:s23], $0x800  }
0x17: {  	[sflag:s23] =	ssyncset.done $0x0  }
0x18: {  	s31 =	sshrl.u32 s12, $0x3;
	[sflag:s23] =	ssyncadd.s32 $0xFFFFF800  }
0x19: {  	[spmem:s31], [sflag:s11] =	dma.local [hbm:s6], $0x800  }
0x1a: {  	_ =	swait.ge [sflag:s23], $0x800  }
0x1b: {  	[sflag:s23] =	ssyncset.done $0x0  }
0x1c: {  	[sflag:s23] =	ssyncadd.s32 $0xFFFFF800  }
0x1d: {  	p0 =	por $0x1, $0x1;
	s0 =	simm.s32 $0x0;
	[bflag:$0x0] =	sbarrier.arrive $0xFFFF  }
.LBB2_2:
0x1e: {  	s4 =	sor.u32 s13, s0  }
0x1f: {  	[tilespmem:s24], [sflag:$0x1] =	stream.linear.gather [hbm4b:s14+s3], $0x4000, $0x38;
	[tilespmem:$0x15000] =	vst v63  }
0x20: {  	s0 =	sshll.u32 s4, $0xB  }
0x21: {  	s0 =	sadd.s32 s5, s0  }
0x22: {  	[tilespmem:s3], [sflag:$0x2] =	stream.linear.gather [hbm4b:s0+s3], $0x4000, $0x38;
	[tilespmem:$0x15000] =	vst v63  }
0x23: {  	_ =	swait.ge [sflag:s23], $0x4000  }
0x24: {  	[sflag:s23] =	ssyncset.done $0x0  }
0x25: {  	[sflag:s23] =	ssyncadd.s32 $0xFFFFC000  }
0x26: {  	[tilespmem:s25], [sflag:$0x2] =	stream.linear.gather [hbm4b:s6+s3], $0x1000, $0x38;
	[tilespmem:$0x15000] =	vst v63  }
0x27: {  	_ =	swait.ge [sflag:s23], $0x1000  }
0x28: {  	[sflag:s23] =	ssyncset.done $0x0  }
0x29: {  	s0 =	simm.s32 $0x1;
	[sflag:s23] =	ssyncadd.s32 $0xFFFFF000  }
0x2a: {  	_ =	swait.ge [sflag:s0], $0x4000  }
0x2b: {  	[sflag:s0] =	ssyncset.done $0x0  }
0x2c: {  	[sflag:s0] =	ssyncadd.s32 $0xFFFFC000  }
0x2d: {  	[tilespmem:s26], [sflag:$0x1] =	stream.linear.gather [hbm4b:s15+s3], $0x4000, $0x38;
	[tilespmem:$0x15000] =	vst v63  }
0x2e: {  	_ = 	snop  }
0x2f: {  	[spmem:s2] =	stream.indirect.scatter.add.f32 [tilespmem:s24], [sflag:$0x2], $0x80, s7, s28, $0xb8;
	[tilespmem:$0x15000] =	vst v63  }
0x30: {  	_ =	swait.ge [sflag:s23], $0x4000  }
0x31: {  	[sflag:s23] =	ssyncset.done $0x0  }
0x32: {  	[sflag:s23] =	ssyncadd.s32 $0xFFFFC000  }
0x33: {  	v1 =	vld [tilespmem:s7+$0x0];
	_ =	sdelay $0x7  }
0x34: {  	[tilespmem:v1+s25+$0x0] =	vst.idx.add.f32.msk $0xffff, v0  }
0x35: {  	v1 =	vld [tilespmem:s7+$0x10];
	_ =	sdelay $0x7  }
0x36: {  	[tilespmem:v1+s25+$0x0] =	vst.idx.add.f32.msk $0xffff, v0  }
0x37: {  	v1 =	vld [tilespmem:s7+$0x20];
	_ =	sdelay $0x7  }
0x38: {  	[tilespmem:v1+s25+$0x0] =	vst.idx.add.f32.msk $0xffff, v0  }
0x39: {  	v1 =	vld [tilespmem:s7+$0x30];
	_ =	sdelay $0x7  }
0x3a: {  	[tilespmem:v1+s25+$0x0] =	vst.idx.add.f32.msk $0xffff, v0  }
0x3b: {  	v1 =	vld [tilespmem:s7+$0x40];
	_ =	sdelay $0x7  }
0x3c: {  	[tilespmem:v1+s25+$0x0] =	vst.idx.add.f32.msk $0xffff, v0  }
0x3d: {  	v1 =	vld [tilespmem:s7+$0x50];
	_ =	sdelay $0x7  }
0x3e: {  	[tilespmem:v1+s25+$0x0] =	vst.idx.add.f32.msk $0xffff, v0  }
0x3f: {  	v1 =	vld [tilespmem:s7+$0x60];
	_ =	sdelay $0x7  }
0x40: {  	[tilespmem:v1+s25+$0x0] =	vst.idx.add.f32.msk $0xffff, v0  }
0x41: {  	v1 =	vld [tilespmem:s7+$0x70];
	_ =	sdelay $0x7  }
0x42: {  	[tilespmem:v1+s25+$0x0] =	vst.idx.add.f32.msk $0xffff, v0  }
0x43: {  	_ =	swait.ge [sflag:s0], $0x4000  }
0x44: {  	[sflag:s0] =	ssyncset.done $0x0  }
0x45: {  	[sflag:s0] =	ssyncadd.s32 $0xFFFFC000  }
0x46: {  	[tilespmem:s24], [sflag:$0x1] =	stream.linear.gather [hbm4b:s16+s3], $0x4000, $0x38;
	[tilespmem:$0x15000] =	vst v63  }
0x47: {  	_ = 	snop  }
0x48: {  	[spmem:s2] =	stream.indirect.scatter.add.f32 [tilespmem:s26], [sflag:$0x2], $0x80, s17, s28, $0xb8;
	[tilespmem:$0x15000] =	vst v63  }
0x49: {  	_ =	swait.ge [sflag:s23], $0x4000  }
0x4a: {  	[sflag:s23] =	ssyncset.done $0x0  }
0x4b: {  	[sflag:s23] =	ssyncadd.s32 $0xFFFFC000  }
0x4c: {  	v1 =	vld [tilespmem:s17+$0x0];
	_ =	sdelay $0x7  }
0x4d: {  	[tilespmem:v1+s25+$0x0] =	vst.idx.add.f32.msk $0xffff, v0  }
0x4e: {  	v1 =	vld [tilespmem:s17+$0x10];
	_ =	sdelay $0x7  }
0x4f: {  	[tilespmem:v1+s25+$0x0] =	vst.idx.add.f32.msk $0xffff, v0  }
0x50: {  	v1 =	vld [tilespmem:s17+$0x20];
	_ =	sdelay $0x7  }
0x51: {  	[tilespmem:v1+s25+$0x0] =	vst.idx.add.f32.msk $0xffff, v0  }
0x52: {  	v1 =	vld [tilespmem:s17+$0x30];
	_ =	sdelay $0x7  }
0x53: {  	[tilespmem:v1+s25+$0x0] =	vst.idx.add.f32.msk $0xffff, v0  }
0x54: {  	v1 =	vld [tilespmem:s17+$0x40];
	_ =	sdelay $0x7  }
0x55: {  	[tilespmem:v1+s25+$0x0] =	vst.idx.add.f32.msk $0xffff, v0  }
0x56: {  	v1 =	vld [tilespmem:s17+$0x50];
	_ =	sdelay $0x7  }
0x57: {  	[tilespmem:v1+s25+$0x0] =	vst.idx.add.f32.msk $0xffff, v0  }
0x58: {  	v1 =	vld [tilespmem:s17+$0x60];
	_ =	sdelay $0x7  }
0x59: {  	[tilespmem:v1+s25+$0x0] =	vst.idx.add.f32.msk $0xffff, v0  }
0x5a: {  	v1 =	vld [tilespmem:s17+$0x70];
	_ =	sdelay $0x7  }
0x5b: {  	[tilespmem:v1+s25+$0x0] =	vst.idx.add.f32.msk $0xffff, v0  }
0x5c: {  	_ =	swait.ge [sflag:s0], $0x4000  }
0x5d: {  	[sflag:s0] =	ssyncset.done $0x0  }
0x5e: {  	[sflag:s0] =	ssyncadd.s32 $0xFFFFC000  }
0x5f: {  	[tilespmem:s26], [sflag:$0x1] =	stream.linear.gather [hbm4b:s18+s3], $0x4000, $0x38;
	[tilespmem:$0x15000] =	vst v63  }
0x60: {  	_ = 	snop  }
0x61: {  	[spmem:s2] =	stream.indirect.scatter.add.f32 [tilespmem:s24], [sflag:$0x2], $0x80, s19, s28, $0xb8;
	[tilespmem:$0x15000] =	vst v63  }
0x62: {  	_ =	swait.ge [sflag:s23], $0x4000  }
0x63: {  	[sflag:s23] =	ssyncset.done $0x0  }
0x64: {  	[sflag:s23] =	ssyncadd.s32 $0xFFFFC000  }
0x65: {  	v1 =	vld [tilespmem:s19+$0x0];
	_ =	sdelay $0x7  }
0x66: {  	[tilespmem:v1+s25+$0x0] =	vst.idx.add.f32.msk $0xffff, v0  }
0x67: {  	v1 =	vld [tilespmem:s19+$0x10];
	_ =	sdelay $0x7  }
0x68: {  	[tilespmem:v1+s25+$0x0] =	vst.idx.add.f32.msk $0xffff, v0  }
0x69: {  	v1 =	vld [tilespmem:s19+$0x20];
	_ =	sdelay $0x7  }
0x6a: {  	[tilespmem:v1+s25+$0x0] =	vst.idx.add.f32.msk $0xffff, v0  }
0x6b: {  	v1 =	vld [tilespmem:s19+$0x30];
	_ =	sdelay $0x7  }
0x6c: {  	[tilespmem:v1+s25+$0x0] =	vst.idx.add.f32.msk $0xffff, v0  }
0x6d: {  	v1 =	vld [tilespmem:s19+$0x40];
	_ =	sdelay $0x7  }
0x6e: {  	[tilespmem:v1+s25+$0x0] =	vst.idx.add.f32.msk $0xffff, v0  }
0x6f: {  	v1 =	vld [tilespmem:s19+$0x50];
	_ =	sdelay $0x7  }
0x70: {  	[tilespmem:v1+s25+$0x0] =	vst.idx.add.f32.msk $0xffff, v0  }
0x71: {  	v1 =	vld [tilespmem:s19+$0x60];
	_ =	sdelay $0x7  }
0x72: {  	[tilespmem:v1+s25+$0x0] =	vst.idx.add.f32.msk $0xffff, v0  }
0x73: {  	v1 =	vld [tilespmem:s19+$0x70];
	_ =	sdelay $0x7  }
0x74: {  	[tilespmem:v1+s25+$0x0] =	vst.idx.add.f32.msk $0xffff, v0  }
0x75: {  	_ =	swait.ge [sflag:s0], $0x4000  }
0x76: {  	[sflag:s0] =	ssyncset.done $0x0  }
0x77: {  	[sflag:s0] =	ssyncadd.s32 $0xFFFFC000  }
0x78: {  	[spmem:s2] =	stream.indirect.scatter.add.f32 [tilespmem:s26], [sflag:$0x2], $0x80, s20, s28, $0xb8;
	[tilespmem:$0x15000] =	vst v63  }
0x79: {  	_ =	swait.ge [sflag:s23], $0x4000  }
0x7a: {  	[sflag:s23] =	ssyncset.done $0x0  }
0x7b: {  	[sflag:s23] =	ssyncadd.s32 $0xFFFFC000  }
0x7c: {  	v1 =	vld [tilespmem:s20+$0x0];
	_ =	sdelay $0x7  }
0x7d: {  	[tilespmem:v1+s25+$0x0] =	vst.idx.add.f32.msk $0xffff, v0  }
0x7e: {  	v1 =	vld [tilespmem:s20+$0x10];
	_ =	sdelay $0x7  }
0x7f: {  	[tilespmem:v1+s25+$0x0] =	vst.idx.add.f32.msk $0xffff, v0  }
0x80: {  	v1 =	vld [tilespmem:s20+$0x20];
	_ =	sdelay $0x7  }
0x81: {  	[tilespmem:v1+s25+$0x0] =	vst.idx.add.f32.msk $0xffff, v0  }
0x82: {  	v1 =	vld [tilespmem:s20+$0x30];
	_ =	sdelay $0x7  }
0x83: {  	[tilespmem:v1+s25+$0x0] =	vst.idx.add.f32.msk $0xffff, v0  }
0x84: {  	v1 =	vld [tilespmem:s20+$0x40];
	_ =	sdelay $0x7  }
0x85: {  	[tilespmem:v1+s25+$0x0] =	vst.idx.add.f32.msk $0xffff, v0  }
0x86: {  	v1 =	vld [tilespmem:s20+$0x50];
	_ =	sdelay $0x7  }
0x87: {  	[tilespmem:v1+s25+$0x0] =	vst.idx.add.f32.msk $0xffff, v0  }
0x88: {  	v1 =	vld [tilespmem:s20+$0x60];
	_ =	sdelay $0x7  }
0x89: {  	[tilespmem:v1+s25+$0x0] =	vst.idx.add.f32.msk $0xffff, v0  }
0x8a: {  	v1 =	vld [tilespmem:s20+$0x70];
	_ =	sdelay $0x6  }
0x8b: {  	s10 =	sshll.u32 s4, $0xD  }
0x8c: {  	s10 =	sadd.s32 s10, s21;
	[tilespmem:v1+s25+$0x0] =	vst.idx.add.f32.msk $0xffff, v0  }
0x8d: {  	[hbm4b:s10+s3] =	stream.linear.scatter [tilespmem:s25], [sflag:$0x2], $0x1000, $0x38;
	[tilespmem:$0x15000] =	vst v63  }
0x8e: {  	s4 =	sshll.u32 s4, $0x13;
	_ =	swait.ge [sflag:s23], $0x1000  }
0x8f: {  	s10 =	sor.u32 s8, s4;
	[sflag:s23] =	ssyncset.done $0x0  }
0x90: {  	s10 =	sshrl.u32 s10, $0x3;
	[sflag:s23] =	ssyncadd.s32 $0xFFFFF000  }
0x91: {  	s10 =	sadd.s32 s1, s10;
	[bflag:$0x0] =	sbarrier.arrive $0xFFFF  }
0x92: {  	[hbm:s10], [sflag:s11] =	dma.local [spmem:s30], $0x800  }
0x93: {  	_ =	swait.ge [sflag:s23], $0x800  }
0x94: {  	[sflag:s23] =	ssyncset.done $0x0  }
0x95: {  	[sflag:s23] =	ssyncadd.s32 $0xFFFFF800  }
0x96: {  	[spmem:s30], [sflag:s11] =	dma.local [hbm:s6], $0x800  }
0x97: {  	s4 =	sor.u32 s9, s4;
	_ =	swait.ge [sflag:s23], $0x800  }
0x98: {  	s4 =	sshrl.u32 s4, $0x3;
	[sflag:s23] =	ssyncset.done $0x0  }
0x99: {  	s4 =	sadd.s32 s1, s4;
	[sflag:s23] =	ssyncadd.s32 $0xFFFFF800  }
0x9a: {  	[hbm:s4], [sflag:s11] =	dma.local [spmem:s31], $0x800  }
0x9b: {  	_ =	swait.ge [sflag:s23], $0x800  }
0x9c: {  	[sflag:s23] =	ssyncset.done $0x0  }
0x9d: {  	p1 =	por p0, p0;
	[sflag:s23] =	ssyncadd.s32 $0xFFFFF800  }
0x9e: {  	[spmem:s31], [sflag:s11] =	dma.local [hbm:s6], $0x800  }
.Ltmp0:
0x9f: {  	_ =	swait.ge [sflag:s23], $0x800;
	(pc) =	sbr.rel @p1 .LBB2_2-.Ltmp0, $4  }
0xa0: {  	[sflag:s23] =	ssyncset.done $0x0  }
0xa1: {  	[sflag:s23] =	ssyncadd.s32 $0xFFFFF800  }
0xa2: {  	[bflag:$0x0] =	sbarrier.arrive $0xFFFF  }
0xa3: {  	p0 =	por $0x0, $0x0  }
0xa4: {  	s29 =	sadd.s32 $0x1, s29  }
0xa5: {  	p0 =	sne.s32 s29, s22  }
.Ltmp1:
0xa6: {  	_ = 	snop;
	(pc) =	sbr.rel @p0 .LBB2_1-.Ltmp1, $1  }
0xa7: {  	_ =	sdelay $0x3  }
0xa8: {  	_ =	sfence.sel $0x180000  }
0xa9: {  	[bflag:$0x0] =	sbarrier.arrive $0xFFFF  }
0xaa: {  	_ =	strace $0x90000050  }
0xab: {  	s0 =	stileid.u32;
	[bflag:$0x2] =	sbarrier.arrive $0xFFFF  }
0xac: {  	p0 =	sne.s32 s0, $0x0;
	s0 =	rddreg [dreg:$0x3]  }
0xad: {  	s0 =	sadd.s32 @!p0 $0x100000, s0  }
0xae: {  	[sflag:s0] =	ssyncadd.tile.s32 @!p0 $0x1;
	_ =	shalt  }
.Lfunc_end2:
_tile_overlayer_lowered:
.L_overlay_start_2:
0xaf: {  	(tag) =	ssettag $0x2  }
0xb0: {  	s0 =	rddreg [dreg:$0x0];
	s2 =	stileid.u32  }
0xb1: {  	s1 =	rddreg [dreg:$0x1];
	p0 =	sne.s32 s2, $0x0  }
0xb2: {  	s3 =	rddreg [dreg:$0x2];
	[bflag:$0x3] =	sbarrier.arrive $0xFFFF;
	s2 =	simm.s32 @!p0 $0x1C02  }
0xb3: {  	[timem:s3], [sflag:s2] =	dma.local @!p0 [hbm:s0], s1  }
0xb4: {  	s0 =	simm.s32 @!p0 $0x2  }
0xb5: {  	_ =	swait.ge @!p0 [sflag:s0], s1  }
0xb6: {  	s1 =	ssub.s32 @!p0 $0x0, s1;
	[sflag:s0] =	ssyncset.done @!p0 $0x0  }
0xb7: {  	[sflag:s0] =	ssyncadd.s32 @!p0 s1  }
0xb8: {  	[bflag:$0x3] =	sbarrier.arrive $0xFFFF  }
0xb9: {  	_ =	shalt  }

</sc_bundles>
